<compile_context>
chip_gen: v7x
topology: tpu7x:2x2x1
jax: 0.10.2.dev20260603
libtpu: 0.0.44.dev20260713+nightly
codegen_flags: <defaults>
</compile_context>

<pallas_src>
import jax
import jax.numpy as jnp
from jax import lax
from jax.experimental import pallas as pl
from jax.experimental.pallas import tpu as pltpu
from jax.experimental.pallas import tpu_sc as plsc

N = 100000
E = 6400000
K = 3
NCORES = 2
NTILES = 16
NS = 6272
NP = NTILES * NS
C = 2000
EHALF = E // NCORES
ETILE = EHALF // NTILES
NCHUNK = ETILE // C
NSLOT = 4
LANES = 16
MAGIC = 0x5CA1AB00


def _body(prior_ref, src_ref, dst_ref, lgt_ref, final_ref, ep_ref,
          dx_ref, flag_ref,
          P_sh, D_sh, srcv, dstv, lgtv, gatv, pv, qv, dv, dvr, flagv, seenv,
          in_sems, sc_sems, ep_sems, g_sems, fl_sem):
    c = lax.axis_index("c")
    s = lax.axis_index("s")
    nbase = s * NS
    ebase = c * EHALF + s * ETILE

    def in_start(i, b, vref):
        sl = pl.ds(ebase + i * C, C)
        pltpu.async_copy(src_ref.at[sl], srcv[b], in_sems[b])
        pltpu.async_copy(dst_ref.at[sl], dstv[b], in_sems[b])
        pltpu.async_copy(vref.at[sl], lgtv[b], in_sems[b])

    def in_wait(b):
        pltpu.make_async_copy(src_ref.at[pl.ds(0, C)], srcv[b], in_sems[b]).wait()
        pltpu.make_async_copy(dst_ref.at[pl.ds(0, C)], dstv[b], in_sems[b]).wait()
        pltpu.make_async_copy(lgt_ref.at[pl.ds(0, C)], lgtv[b], in_sems[b]).wait()

    def sc_wait(b):
        pltpu.make_async_copy(gatv[b], D_sh.at[dstv[b]], sc_sems[b]).wait()

    def g_start(b):
        pltpu.async_copy(P_sh.at[srcv[b]], gatv[b], g_sems[b])

    def g_wait(b):
        pltpu.make_async_copy(P_sh.at[srcv[b]], gatv[b], g_sems[b]).wait()

    def ep_wait(i, b):
        pltpu.make_async_copy(
            lgtv[b], ep_ref.at[pl.ds(ebase + i * C, C)], ep_sems[b]).wait()

    pltpu.sync_copy(prior_ref.at[pl.ds(nbase, NS)], pv)

    @plsc.parallel_loop(0, NS // LANES, unroll=8)
    def _(j):
        sl = pl.ds(j * LANES, LANES)
        qv[sl] = 1.0 - pv[sl]
        dv[sl] = jnp.zeros((LANES,), jnp.float32)

    pltpu.sync_copy(pv, P_sh.at[pl.ds(nbase, NS)])
    pltpu.sync_copy(dv, D_sh.at[pl.ds(nbase, NS)])

    @pl.when(s == 0)
    def _():
        flagv[pl.ds(0, LANES)] = jnp.zeros((LANES,), jnp.int32)
        for u in range(K):
            pltpu.sync_copy(
                flagv, flag_ref.at[pl.ds((c * K + u) * LANES, LANES)])

    plsc.subcore_barrier()

    for t in range(1, K + 1):
        vref = lgt_ref if t == 1 else ep_ref
        in_start(0, 0, vref)
        in_start(1, 1, vref)
        in_wait(0)
        g_start(0)

        @pl.loop(0, NCHUNK, step=NSLOT)
        def _(i0):
            for b in range(NSLOT):
                i = i0 + b
                b1 = (b + 1) % NSLOT
                b2 = (b + 2) % NSLOT

                @pl.when(i >= 2)
                def _():
                    sc_wait(b2)
                if t == 1:
                    @pl.when(i >= 2)
                    def _():
                        ep_wait(i - 2, b2)

                @pl.when(i + 2 < NCHUNK)
                def _():
                    in_start(i + 2, b2, vref)

                g_wait(b)

                @pl.when(i + 1 < NCHUNK)
                def _():
                    in_wait(b1)
                    g_start(b1)

                if t == 1:
                    @plsc.parallel_loop(0, C // LANES, unroll=8)
                    def _(j):
                        sl = pl.ds(j * LANES, LANES)
                        e = 1.0 / (1.0 + jnp.exp(-lgtv[b][sl]))
                        lgtv[b][sl] = e
                        gatv[b][sl] = e * gatv[b][sl]
                else:
                    @plsc.parallel_loop(0, C // LANES, unroll=8)
                    def _(j):
                        sl = pl.ds(j * LANES, LANES)
                        gatv[b][sl] = lgtv[b][sl] * gatv[b][sl]

                pltpu.async_copy(gatv[b], D_sh.at[dstv[b]], sc_sems[b], add=True)
                if t == 1:
                    pltpu.async_copy(
                        lgtv[b], ep_ref.at[pl.ds(ebase + i * C, C)], ep_sems[b])

        for i in (NCHUNK - 2, NCHUNK - 1):
            sc_wait(i % NSLOT)
            if t == 1:
                ep_wait(i, i % NSLOT)

        plsc.subcore_barrier()

        pltpu.sync_copy(D_sh.at[pl.ds(nbase, NS)], dv)
        pltpu.sync_copy(dv, dx_ref.at[pl.ds(c * NP + nbase, NS)])

        @plsc.parallel_loop(0, NS // LANES, unroll=8)
        def _(j):
            sl = pl.ds(j * LANES, LANES)
            dvr[sl] = jnp.zeros((LANES,), jnp.float32)

        pltpu.sync_copy(dvr, D_sh.at[pl.ds(nbase, NS)])
        plsc.subcore_barrier()

        @pl.when(s == 0)
        def _():
            flagv[pl.ds(0, LANES)] = jnp.full((LANES,), MAGIC + t, jnp.int32)
            pltpu.sync_copy(
                flagv, flag_ref.at[pl.ds((c * K + t - 1) * LANES, LANES)])

        target = MAGIC + t
        seenv[pl.ds(0, LANES)] = jnp.zeros((LANES,), jnp.int32)

        @pl.loop(0, 100)
        def _(j):
            @pl.when(jnp.min(seenv[pl.ds(0, LANES)], axis=0) == 0)
            def _():
                for _u in range(4):
                    pltpu.async_copy(
                        flag_ref.at[pl.ds(((1 - c) * K + t - 1) * LANES, LANES)],
                        flagv, fl_sem).wait()
                x = flagv[pl.ds(0, LANES)]
                seenv[pl.ds(0, LANES)] = jnp.where(
                    x == target, jnp.int32(1), jnp.int32(0))

        pltpu.sync_copy(dx_ref.at[pl.ds((1 - c) * NP + nbase, NS)], dvr)

        @plsc.parallel_loop(0, NS // LANES, unroll=8)
        def _(j):
            sl = pl.ds(j * LANES, LANES)
            d = dv[sl] + dvr[sl]
            d = jnp.minimum(jnp.maximum(d, 0.0), 10.0)
            q = qv[sl]
            pnew = q * (1.0 - jnp.exp(-d))
            pv[sl] = pnew
            qv[sl] = q * (1.0 - pnew)

        if t < K:
            pltpu.sync_copy(pv, P_sh.at[pl.ds(nbase, NS)])
            plsc.subcore_barrier()

    @plsc.parallel_loop(0, NS // LANES, unroll=8)
    def _(j):
        sl = pl.ds(j * LANES, LANES)
        pv[sl] = 1.0 - qv[sl]

    @pl.when(c == 0)
    def _():
        pltpu.sync_copy(pv, final_ref.at[pl.ds(nbase, NS)])


@jax.jit
def kernel(prior_probs, edge_index, raw_edge_logits):
    prior_pad = jnp.pad(prior_probs, (0, NP - N))
    src = edge_index[0]
    dst = edge_index[1]
    mesh = plsc.VectorSubcoreMesh(core_axis_name="c", subcore_axis_name="s")

    def body(prior_r, src_r, dst_r, lgt_r, final_r, ep_r, dx_r, flag_r,
             P_sh, D_sh, *rest):
        srcv = rest[0:NSLOT]
        dstv = rest[NSLOT:2 * NSLOT]
        lgtv = rest[2 * NSLOT:3 * NSLOT]
        gatv = rest[3 * NSLOT:4 * NSLOT]
        k = 4 * NSLOT
        pv, qv, dv, dvr, flagv, seenv = rest[k:k + 6]
        in_sems = rest[k + 6:k + 6 + NSLOT]
        sc_sems = rest[k + 6 + NSLOT:k + 6 + 2 * NSLOT]
        ep_sems = rest[k + 6 + 2 * NSLOT:k + 6 + 3 * NSLOT]
        g_sems = rest[k + 6 + 3 * NSLOT:k + 6 + 4 * NSLOT]
        fl_sem = rest[k + 6 + 4 * NSLOT]
        _body(prior_r, src_r, dst_r, lgt_r, final_r, ep_r, dx_r, flag_r,
              P_sh, D_sh, srcv, dstv, lgtv, gatv, pv, qv, dv, dvr, flagv, seenv,
              in_sems, sc_sems, ep_sems, g_sems, fl_sem)

    final_pad, edge_probs, _, _ = pl.kernel(
        body,
        out_type=[jax.ShapeDtypeStruct((NP,), jnp.float32),
                  jax.ShapeDtypeStruct((E,), jnp.float32),
                  jax.ShapeDtypeStruct((NCORES * NP,), jnp.float32),
                  jax.ShapeDtypeStruct((NCORES * K * LANES,), jnp.int32)],
        mesh=mesh,
        compiler_params=pltpu.CompilerParams(needs_layout_passes=False),
        scratch_types=[
            pltpu.VMEM_SHARED((NP,), jnp.float32),
            pltpu.VMEM_SHARED((NP,), jnp.float32),
            *[pltpu.VMEM((C,), jnp.int32) for _ in range(NSLOT)],
            *[pltpu.VMEM((C,), jnp.int32) for _ in range(NSLOT)],
            *[pltpu.VMEM((C,), jnp.float32) for _ in range(NSLOT)],
            *[pltpu.VMEM((C,), jnp.float32) for _ in range(NSLOT)],
            pltpu.VMEM((NS,), jnp.float32),
            pltpu.VMEM((NS,), jnp.float32),
            pltpu.VMEM((NS,), jnp.float32),
            pltpu.VMEM((NS,), jnp.float32),
            pltpu.VMEM((LANES,), jnp.int32),
            pltpu.VMEM((LANES,), jnp.int32),
            *[pltpu.SemaphoreType.DMA for _ in range(4 * NSLOT + 1)],
        ],
    )(prior_pad, src, dst, raw_edge_logits)
    return final_pad[:N], edge_probs

# --- scband reference (transcript-rebuilt; emitter-appended) ---
"""Pipeline reference for scband-icapprox-learnable-module-1176821039629 (READ-ONLY COPY).

The authoritative reference and input builder live on the scoring server;
editing this copy changes nothing except your own understanding.
"""

import jax, jax.numpy as jnp
import numpy as np

N = 100000
E = 6400000
K = 3


def setup_inputs(seed: int = 0) -> dict:
    key = jax.random.key(seed)
    k1, k2 = jax.random.split(key, 2)
    prior_probs = jax.random.uniform(k1, (N,), dtype=jnp.float32)
    edge_index = jax.random.randint(k2, (2, E), 0, N, dtype=jnp.int32)
    # learned parameter: raw edge logits, initialized to 0.1 as in the torch module default
    raw_edge_logits = jnp.ones((E,), dtype=jnp.float32) * 0.1
    return {"prior_probs": prior_probs, "edge_index": edge_index, "raw_edge_logits": raw_edge_logits}


def reference(prior_probs, edge_index, raw_edge_logits):
    # G is assumed to have nodes labeled 0..N-1, so the node_index remap in the
    # torch code is the identity; edge_index already holds contiguous node ids.
    edge_probs = jax.nn.sigmoid(raw_edge_logits)
    n = prior_probs.shape[0]
    src = edge_index[0]
    dst = edge_index[1]
    p0 = prior_probs.reshape(-1)
    P_list = [p0]
    for t in range(1, K + 1):
        stacked = jnp.stack(P_list, axis=0)
        product_term = jnp.prod(1.0 - stacked, axis=0)
        # sparse A @ P_last : A[dst, src] = edge_probs  (coalesce duplicates == sum)
        msgs = edge_probs * P_list[-1][src]
        delta = jax.ops.segment_sum(msgs, dst, num_segments=n)
        influence_term = jnp.exp(-jnp.clip(delta, 0.0, 10.0))
        P_next = product_term * (1.0 - influence_term)
        P_list.append(P_next.reshape(-1))
    P_tensor = jnp.stack(P_list, axis=0)
    final_probs = 1.0 - jnp.prod(1.0 - P_tensor, axis=0)
    return (final_probs, edge_probs)

if __name__ == "__main__":
    import jax
    _d = setup_inputs()
    print(jax.jit(kernel)(*tuple(_d.values())))

</pallas_src>

<mosaic_0001>
#map = affine_map<(d0, d1) -> (0)>
module attributes {stable_mosaic.version = 14 : i64} {
  func.func @body(%arg0: i32, %arg1: i32, %arg2: memref<100352xf32, #tpu.memory_space<hbm>>, %arg3: memref<6400000xi32, #tpu.memory_space<hbm>>, %arg4: memref<6400000xi32, #tpu.memory_space<hbm>>, %arg5: memref<6400000xf32, #tpu.memory_space<hbm>>, %arg6: memref<100352xf32, #tpu.memory_space<hbm>>, %arg7: memref<6400000xf32, #tpu.memory_space<hbm>>, %arg8: memref<200704xf32, #tpu.memory_space<hbm>>, %arg9: memref<96xi32, #tpu.memory_space<hbm>>, %arg10: memref<100352xf32, #tpu.memory_space<vmem_shared>>, %arg11: memref<100352xf32, #tpu.memory_space<vmem_shared>>, %arg12: memref<2000xi32, #tpu.memory_space<vmem>>, %arg13: memref<2000xi32, #tpu.memory_space<vmem>>, %arg14: memref<2000xi32, #tpu.memory_space<vmem>>, %arg15: memref<2000xi32, #tpu.memory_space<vmem>>, %arg16: memref<2000xi32, #tpu.memory_space<vmem>>, %arg17: memref<2000xi32, #tpu.memory_space<vmem>>, %arg18: memref<2000xi32, #tpu.memory_space<vmem>>, %arg19: memref<2000xi32, #tpu.memory_space<vmem>>, %arg20: memref<2000xf32, #tpu.memory_space<vmem>>, %arg21: memref<2000xf32, #tpu.memory_space<vmem>>, %arg22: memref<2000xf32, #tpu.memory_space<vmem>>, %arg23: memref<2000xf32, #tpu.memory_space<vmem>>, %arg24: memref<2000xf32, #tpu.memory_space<vmem>>, %arg25: memref<2000xf32, #tpu.memory_space<vmem>>, %arg26: memref<2000xf32, #tpu.memory_space<vmem>>, %arg27: memref<2000xf32, #tpu.memory_space<vmem>>, %arg28: memref<6272xf32, #tpu.memory_space<vmem>>, %arg29: memref<6272xf32, #tpu.memory_space<vmem>>, %arg30: memref<6272xf32, #tpu.memory_space<vmem>>, %arg31: memref<6272xf32, #tpu.memory_space<vmem>>, %arg32: memref<16xi32, #tpu.memory_space<vmem>>, %arg33: memref<16xi32, #tpu.memory_space<vmem>>, %arg34: memref<!tpu.dma_semaphore, #tpu.memory_space<semaphore_mem>>, %arg35: memref<!tpu.dma_semaphore, #tpu.memory_space<semaphore_mem>>, %arg36: memref<!tpu.dma_semaphore, #tpu.memory_space<semaphore_mem>>, %arg37: memref<!tpu.dma_semaphore, #tpu.memory_space<semaphore_mem>>, %arg38: memref<!tpu.dma_semaphore, #tpu.memory_space<semaphore_mem>>, %arg39: memref<!tpu.dma_semaphore, #tpu.memory_space<semaphore_mem>>, %arg40: memref<!tpu.dma_semaphore, #tpu.memory_space<semaphore_mem>>, %arg41: memref<!tpu.dma_semaphore, #tpu.memory_space<semaphore_mem>>, %arg42: memref<!tpu.dma_semaphore, #tpu.memory_space<semaphore_mem>>, %arg43: memref<!tpu.dma_semaphore, #tpu.memory_space<semaphore_mem>>, %arg44: memref<!tpu.dma_semaphore, #tpu.memory_space<semaphore_mem>>, %arg45: memref<!tpu.dma_semaphore, #tpu.memory_space<semaphore_mem>>, %arg46: memref<!tpu.dma_semaphore, #tpu.memory_space<semaphore_mem>>, %arg47: memref<!tpu.dma_semaphore, #tpu.memory_space<semaphore_mem>>, %arg48: memref<!tpu.dma_semaphore, #tpu.memory_space<semaphore_mem>>, %arg49: memref<!tpu.dma_semaphore, #tpu.memory_space<semaphore_mem>>, %arg50: memref<!tpu.dma_semaphore, #tpu.memory_space<semaphore_mem>>) attributes {dimension_semantics = [#tpu.dimension_semantics<core_parallel>, #tpu.dimension_semantics<subcore_parallel>], iteration_bounds = array<i64: 2, 16>, scalar_prefetch = 0 : i64, scratch_operands = 41 : i64, tpu.core_type = #tpu.core_type<sc_vector_subcore>, window_params = [{transform_indices = #map}, {transform_indices = #map}, {transform_indices = #map}, {transform_indices = #map}, {transform_indices = #map}, {transform_indices = #map}, {transform_indices = #map}, {transform_indices = #map}]} {
    %mul3A = arith.constant 6272 : i32
    %mul3A_0 = arith.muli %arg1, %mul3A : i32
    %mul3A_1 = arith.constant 3200000 : i32
    %mul3A_2 = arith.muli %arg0, %mul3A_1 : i32
    %mul3A_3 = arith.constant 200000 : i32
    %mul3A_4 = arith.muli %arg1, %mul3A_3 : i32
    %add3A = arith.addi %mul3A_2, %mul3A_4 : i32
    "tpu.region"() ({
      %run_scoped3A = tpu.sem_alloc : memref<!tpu.dma_semaphore, #tpu.memory_space<semaphore_mem>>
      %dma_start3A_228 = tpu.memref_slice %arg2[%mul3A_0] : memref<100352xf32, #tpu.memory_space<hbm>> -> memref<6272xf32, #tpu.memory_space<hbm>>
      %dma_start3A_229 = tpu.memref_slice %arg2[%mul3A_0] : memref<100352xf32, #tpu.memory_space<hbm>> -> memref<6272xf32, #tpu.memory_space<hbm>>
      tpu.enqueue_dma source(%dma_start3A_229 : memref<6272xf32, #tpu.memory_space<hbm>>) target(%arg28 : memref<6272xf32, #tpu.memory_space<vmem>>) target_semaphore(%run_scoped3A : memref<!tpu.dma_semaphore, #tpu.memory_space<semaphore_mem>>)
      %dma_wait3A_230 = tpu.memref_slice %arg2[%mul3A_0] : memref<100352xf32, #tpu.memory_space<hbm>> -> memref<6272xf32, #tpu.memory_space<hbm>>
      %dma_wait3A_231 = tpu.memref_slice %arg2[%mul3A_0] : memref<100352xf32, #tpu.memory_space<hbm>> -> memref<6272xf32, #tpu.memory_space<hbm>>
      tpu.wait_dma2 semaphore(%run_scoped3A : memref<!tpu.dma_semaphore, #tpu.memory_space<semaphore_mem>>) src(%dma_wait3A_231 : memref<6272xf32, #tpu.memory_space<hbm>>) dst(%arg28 : memref<6272xf32, #tpu.memory_space<vmem>>)
      tpu.yield
    }) : () -> ()
    %parallel_loop3A = arith.constant 0 : i32
    %parallel_loop3A_5 = arith.constant 392 : i32
    %parallel_loop3A_6 = arith.constant 1 : i32
    scf.for %parallel_loop3A_228 = %parallel_loop3A to %parallel_loop3A_5 step %parallel_loop3A_6  : i32 {
      %parallel_loop3A_229 = arith.constant 16 : i32
      %parallel_loop3A_230 = arith.muli %parallel_loop3A_228, %parallel_loop3A_229 : i32
      %parallel_loop3A_231 = arith.index_cast %parallel_loop3A_230 : i32 to index
      %parallel_loop3A_232 = tpu.vector_load %arg28[%parallel_loop3A_231] {strides = array<i32>} : memref<6272xf32, #tpu.memory_space<vmem>>, vector<16xf32>,
      %parallel_loop3A_233 = arith.constant 1.000000e+00 : f32
      %parallel_loop3A_234 = vector.broadcast %parallel_loop3A_233 : f32 to vector<16xf32>
      %parallel_loop3A_235 = arith.subf %parallel_loop3A_234, %parallel_loop3A_232 : vector<16xf32>
      %parallel_loop3A_236 = arith.index_cast %parallel_loop3A_230 : i32 to index
      %parallel_loop3A_237 = tpu.vector_load %arg29[%parallel_loop3A_236] {strides = array<i32>} : memref<6272xf32, #tpu.memory_space<vmem>>, vector<16xf32>,
      tpu.vector_store %arg29[%parallel_loop3A_236], %parallel_loop3A_235 {strides = array<i32>} : memref<6272xf32, #tpu.memory_space<vmem>>, vector<16xf32>,
      %parallel_loop3A_238 = arith.constant 0.000000e+00 : f32
      %parallel_loop3A_239 = vector.broadcast %parallel_loop3A_238 : f32 to vector<16xf32>
      %parallel_loop3A_240 = arith.index_cast %parallel_loop3A_230 : i32 to index
      %parallel_loop3A_241 = tpu.vector_load %arg30[%parallel_loop3A_240] {strides = array<i32>} : memref<6272xf32, #tpu.memory_space<vmem>>, vector<16xf32>,
      tpu.vector_store %arg30[%parallel_loop3A_240], %parallel_loop3A_239 {strides = array<i32>} : memref<6272xf32, #tpu.memory_space<vmem>>, vector<16xf32>,
    } {sc.loop_unroll_factor = 8 : i64, sc.parallel_access}
    "tpu.region"() ({
      %run_scoped3A = tpu.sem_alloc : memref<!tpu.dma_semaphore, #tpu.memory_space<semaphore_mem>>
      %dma_start3A_228 = tpu.memref_slice %arg10[%mul3A_0] : memref<100352xf32, #tpu.memory_space<vmem_shared>> -> memref<6272xf32, #tpu.memory_space<vmem_shared>>
      %dma_start3A_229 = tpu.memref_slice %arg10[%mul3A_0] : memref<100352xf32, #tpu.memory_space<vmem_shared>> -> memref<6272xf32, #tpu.memory_space<vmem_shared>>
      tpu.enqueue_dma source(%arg28 : memref<6272xf32, #tpu.memory_space<vmem>>) target(%dma_start3A_229 : memref<6272xf32, #tpu.memory_space<vmem_shared>>) target_semaphore(%run_scoped3A : memref<!tpu.dma_semaphore, #tpu.memory_space<semaphore_mem>>)
      %dma_wait3A_230 = tpu.memref_slice %arg10[%mul3A_0] : memref<100352xf32, #tpu.memory_space<vmem_shared>> -> memref<6272xf32, #tpu.memory_space<vmem_shared>>
      %dma_wait3A_231 = tpu.memref_slice %arg10[%mul3A_0] : memref<100352xf32, #tpu.memory_space<vmem_shared>> -> memref<6272xf32, #tpu.memory_space<vmem_shared>>
      tpu.wait_dma2 semaphore(%run_scoped3A : memref<!tpu.dma_semaphore, #tpu.memory_space<semaphore_mem>>) src(%arg28 : memref<6272xf32, #tpu.memory_space<vmem>>) dst(%dma_wait3A_231 : memref<6272xf32, #tpu.memory_space<vmem_shared>>)
      tpu.yield
    }) : () -> ()
    "tpu.region"() ({
      %run_scoped3A = tpu.sem_alloc : memref<!tpu.dma_semaphore, #tpu.memory_space<semaphore_mem>>
      %dma_start3A_228 = tpu.memref_slice %arg11[%mul3A_0] : memref<100352xf32, #tpu.memory_space<vmem_shared>> -> memref<6272xf32, #tpu.memory_space<vmem_shared>>
      %dma_start3A_229 = tpu.memref_slice %arg11[%mul3A_0] : memref<100352xf32, #tpu.memory_space<vmem_shared>> -> memref<6272xf32, #tpu.memory_space<vmem_shared>>
      tpu.enqueue_dma source(%arg30 : memref<6272xf32, #tpu.memory_space<vmem>>) target(%dma_start3A_229 : memref<6272xf32, #tpu.memory_space<vmem_shared>>) target_semaphore(%run_scoped3A : memref<!tpu.dma_semaphore, #tpu.memory_space<semaphore_mem>>)
      %dma_wait3A_230 = tpu.memref_slice %arg11[%mul3A_0] : memref<100352xf32, #tpu.memory_space<vmem_shared>> -> memref<6272xf32, #tpu.memory_space<vmem_shared>>
      %dma_wait3A_231 = tpu.memref_slice %arg11[%mul3A_0] : memref<100352xf32, #tpu.memory_space<vmem_shared>> -> memref<6272xf32, #tpu.memory_space<vmem_shared>>
      tpu.wait_dma2 semaphore(%run_scoped3A : memref<!tpu.dma_semaphore, #tpu.memory_space<semaphore_mem>>) src(%arg30 : memref<6272xf32, #tpu.memory_space<vmem>>) dst(%dma_wait3A_231 : memref<6272xf32, #tpu.memory_space<vmem_shared>>)
      tpu.yield
    }) : () -> ()
    %eq3A = arith.constant 0 : i32
    %eq3A_7 = arith.cmpi eq, %arg1, %eq3A : i32
    %convert_element_type3A = arith.extui %eq3A_7 : i1 to i32
    %cond3A = arith.constant 0 : i32
    %cond3A_8 = arith.cmpi ne, %convert_element_type3A, %cond3A : i32
    scf.if %cond3A_8 {
      %broadcast_in_dim3A_228 = arith.constant 0 : i32
      %broadcast_in_dim3A_229 = vector.broadcast %broadcast_in_dim3A_228 : i32 to vector<16xi32>
      %swap3A_230 = arith.constant 0 : index
      %swap3A_231 = tpu.vector_load %arg32[%swap3A_230] {strides = array<i32>} : memref<16xi32, #tpu.memory_space<vmem>>, vector<16xi32>,
      tpu.vector_store %arg32[%swap3A_230], %broadcast_in_dim3A_229 {strides = array<i32>} : memref<16xi32, #tpu.memory_space<vmem>>, vector<16xi32>,
      %mul3A_232 = arith.constant 3 : i32
      %mul3A_233 = arith.muli %arg0, %mul3A_232 : i32
      %add3A_234 = arith.constant 0 : i32
      %add3A_235 = arith.addi %mul3A_233, %add3A_234 : i32
      %mul3A_236 = arith.constant 16 : i32
      %mul3A_237 = arith.muli %add3A_235, %mul3A_236 : i32
      "tpu.region"() ({
        %run_scoped3A = tpu.sem_alloc : memref<!tpu.dma_semaphore, #tpu.memory_space<semaphore_mem>>
        %dma_start3A_250 = tpu.memref_slice %arg9[%mul3A_237] : memref<96xi32, #tpu.memory_space<hbm>> -> memref<16xi32, #tpu.memory_space<hbm>>
        %dma_start3A_251 = tpu.memref_slice %arg9[%mul3A_237] : memref<96xi32, #tpu.memory_space<hbm>> -> memref<16xi32, #tpu.memory_space<hbm>>
        tpu.enqueue_dma source(%arg32 : memref<16xi32, #tpu.memory_space<vmem>>) target(%dma_start3A_251 : memref<16xi32, #tpu.memory_space<hbm>>) target_semaphore(%run_scoped3A : memref<!tpu.dma_semaphore, #tpu.memory_space<semaphore_mem>>)
        %dma_wait3A_252 = tpu.memref_slice %arg9[%mul3A_237] : memref<96xi32, #tpu.memory_space<hbm>> -> memref<16xi32, #tpu.memory_space<hbm>>
        %dma_wait3A_253 = tpu.memref_slice %arg9[%mul3A_237] : memref<96xi32, #tpu.memory_space<hbm>> -> memref<16xi32, #tpu.memory_space<hbm>>
        tpu.wait_dma2 semaphore(%run_scoped3A : memref<!tpu.dma_semaphore, #tpu.memory_space<semaphore_mem>>) src(%arg32 : memref<16xi32, #tpu.memory_space<vmem>>) dst(%dma_wait3A_253 : memref<16xi32, #tpu.memory_space<hbm>>)
        tpu.yield
      }) : () -> ()
      %mul3A_238 = arith.constant 3 : i32
      %mul3A_239 = arith.muli %arg0, %mul3A_238 : i32
      %add3A_240 = arith.constant 1 : i32
      %add3A_241 = arith.addi %mul3A_239, %add3A_240 : i32
      %mul3A_242 = arith.constant 16 : i32
      %mul3A_243 = arith.muli %add3A_241, %mul3A_242 : i32
      "tpu.region"() ({
        %run_scoped3A = tpu.sem_alloc : memref<!tpu.dma_semaphore, #tpu.memory_space<semaphore_mem>>
        %dma_start3A_250 = tpu.memref_slice %arg9[%mul3A_243] : memref<96xi32, #tpu.memory_space<hbm>> -> memref<16xi32, #tpu.memory_space<hbm>>
        %dma_start3A_251 = tpu.memref_slice %arg9[%mul3A_243] : memref<96xi32, #tpu.memory_space<hbm>> -> memref<16xi32, #tpu.memory_space<hbm>>
        tpu.enqueue_dma source(%arg32 : memref<16xi32, #tpu.memory_space<vmem>>) target(%dma_start3A_251 : memref<16xi32, #tpu.memory_space<hbm>>) target_semaphore(%run_scoped3A : memref<!tpu.dma_semaphore, #tpu.memory_space<semaphore_mem>>)
        %dma_wait3A_252 = tpu.memref_slice %arg9[%mul3A_243] : memref<96xi32, #tpu.memory_space<hbm>> -> memref<16xi32, #tpu.memory_space<hbm>>
        %dma_wait3A_253 = tpu.memref_slice %arg9[%mul3A_243] : memref<96xi32, #tpu.memory_space<hbm>> -> memref<16xi32, #tpu.memory_space<hbm>>
        tpu.wait_dma2 semaphore(%run_scoped3A : memref<!tpu.dma_semaphore, #tpu.memory_space<semaphore_mem>>) src(%arg32 : memref<16xi32, #tpu.memory_space<vmem>>) dst(%dma_wait3A_253 : memref<16xi32, #tpu.memory_space<hbm>>)
        tpu.yield
      }) : () -> ()
      %mul3A_244 = arith.constant 3 : i32
      %mul3A_245 = arith.muli %arg0, %mul3A_244 : i32
      %add3A_246 = arith.constant 2 : i32
      %add3A_247 = arith.addi %mul3A_245, %add3A_246 : i32
      %mul3A_248 = arith.constant 16 : i32
      %mul3A_249 = arith.muli %add3A_247, %mul3A_248 : i32
      "tpu.region"() ({
        %run_scoped3A = tpu.sem_alloc : memref<!tpu.dma_semaphore, #tpu.memory_space<semaphore_mem>>
        %dma_start3A_250 = tpu.memref_slice %arg9[%mul3A_249] : memref<96xi32, #tpu.memory_space<hbm>> -> memref<16xi32, #tpu.memory_space<hbm>>
        %dma_start3A_251 = tpu.memref_slice %arg9[%mul3A_249] : memref<96xi32, #tpu.memory_space<hbm>> -> memref<16xi32, #tpu.memory_space<hbm>>
        tpu.enqueue_dma source(%arg32 : memref<16xi32, #tpu.memory_space<vmem>>) target(%dma_start3A_251 : memref<16xi32, #tpu.memory_space<hbm>>) target_semaphore(%run_scoped3A : memref<!tpu.dma_semaphore, #tpu.memory_space<semaphore_mem>>)
        %dma_wait3A_252 = tpu.memref_slice %arg9[%mul3A_249] : memref<96xi32, #tpu.memory_space<hbm>> -> memref<16xi32, #tpu.memory_space<hbm>>
        %dma_wait3A_253 = tpu.memref_slice %arg9[%mul3A_249] : memref<96xi32, #tpu.memory_space<hbm>> -> memref<16xi32, #tpu.memory_space<hbm>>
        tpu.wait_dma2 semaphore(%run_scoped3A : memref<!tpu.dma_semaphore, #tpu.memory_space<semaphore_mem>>) src(%arg32 : memref<16xi32, #tpu.memory_space<vmem>>) dst(%dma_wait3A_253 : memref<16xi32, #tpu.memory_space<hbm>>)
        tpu.yield
      }) : () -> ()
    } else {
    }
    %barrier3A = arith.constant 0 : index
    tpu.barrier barrier_id(%barrier3A)
    %add3A_9 = arith.constant 0 : i32
    %add3A_10 = arith.addi %add3A, %add3A_9 : i32
    %dma_start3A = tpu.memref_slice %arg3[%add3A_10] : memref<6400000xi32, #tpu.memory_space<hbm>> -> memref<2000xi32, #tpu.memory_space<hbm>>
    %dma_start3A_11 = tpu.memref_slice %arg3[%add3A_10] : memref<6400000xi32, #tpu.memory_space<hbm>> -> memref<2000xi32, #tpu.memory_space<hbm>>
    tpu.enqueue_dma source(%dma_start3A_11 : memref<2000xi32, #tpu.memory_space<hbm>>) target(%arg12 : memref<2000xi32, #tpu.memory_space<vmem>>) target_semaphore(%arg34 : memref<!tpu.dma_semaphore, #tpu.memory_space<semaphore_mem>>)
    %dma_start3A_12 = tpu.memref_slice %arg4[%add3A_10] : memref<6400000xi32, #tpu.memory_space<hbm>> -> memref<2000xi32, #tpu.memory_space<hbm>>
    %dma_start3A_13 = tpu.memref_slice %arg4[%add3A_10] : memref<6400000xi32, #tpu.memory_space<hbm>> -> memref<2000xi32, #tpu.memory_space<hbm>>
    tpu.enqueue_dma source(%dma_start3A_13 : memref<2000xi32, #tpu.memory_space<hbm>>) target(%arg16 : memref<2000xi32, #tpu.memory_space<vmem>>) target_semaphore(%arg34 : memref<!tpu.dma_semaphore, #tpu.memory_space<semaphore_mem>>)
    %dma_start3A_14 = tpu.memref_slice %arg5[%add3A_10] : memref<6400000xf32, #tpu.memory_space<hbm>> -> memref<2000xf32, #tpu.memory_space<hbm>>
    %dma_start3A_15 = tpu.memref_slice %arg5[%add3A_10] : memref<6400000xf32, #tpu.memory_space<hbm>> -> memref<2000xf32, #tpu.memory_space<hbm>>
    tpu.enqueue_dma source(%dma_start3A_15 : memref<2000xf32, #tpu.memory_space<hbm>>) target(%arg20 : memref<2000xf32, #tpu.memory_space<vmem>>) target_semaphore(%arg34 : memref<!tpu.dma_semaphore, #tpu.memory_space<semaphore_mem>>)
    %add3A_16 = arith.constant 2000 : i32
    %add3A_17 = arith.addi %add3A, %add3A_16 : i32
    %dma_start3A_18 = tpu.memref_slice %arg3[%add3A_17] : memref<6400000xi32, #tpu.memory_space<hbm>> -> memref<2000xi32, #tpu.memory_space<hbm>>
    %dma_start3A_19 = tpu.memref_slice %arg3[%add3A_17] : memref<6400000xi32, #tpu.memory_space<hbm>> -> memref<2000xi32, #tpu.memory_space<hbm>>
    tpu.enqueue_dma source(%dma_start3A_19 : memref<2000xi32, #tpu.memory_space<hbm>>) target(%arg13 : memref<2000xi32, #tpu.memory_space<vmem>>) target_semaphore(%arg35 : memref<!tpu.dma_semaphore, #tpu.memory_space<semaphore_mem>>)
    %dma_start3A_20 = tpu.memref_slice %arg4[%add3A_17] : memref<6400000xi32, #tpu.memory_space<hbm>> -> memref<2000xi32, #tpu.memory_space<hbm>>
    %dma_start3A_21 = tpu.memref_slice %arg4[%add3A_17] : memref<6400000xi32, #tpu.memory_space<hbm>> -> memref<2000xi32, #tpu.memory_space<hbm>>
    tpu.enqueue_dma source(%dma_start3A_21 : memref<2000xi32, #tpu.memory_space<hbm>>) target(%arg17 : memref<2000xi32, #tpu.memory_space<vmem>>) target_semaphore(%arg35 : memref<!tpu.dma_semaphore, #tpu.memory_space<semaphore_mem>>)
    %dma_start3A_22 = tpu.memref_slice %arg5[%add3A_17] : memref<6400000xf32, #tpu.memory_space<hbm>> -> memref<2000xf32, #tpu.memory_space<hbm>>
    %dma_start3A_23 = tpu.memref_slice %arg5[%add3A_17] : memref<6400000xf32, #tpu.memory_space<hbm>> -> memref<2000xf32, #tpu.memory_space<hbm>>
    tpu.enqueue_dma source(%dma_start3A_23 : memref<2000xf32, #tpu.memory_space<hbm>>) target(%arg21 : memref<2000xf32, #tpu.memory_space<vmem>>) target_semaphore(%arg35 : memref<!tpu.dma_semaphore, #tpu.memory_space<semaphore_mem>>)
    %dma_wait3A = arith.constant 0 : i32
    %dma_wait3A_24 = tpu.memref_slice %arg3[%dma_wait3A] : memref<6400000xi32, #tpu.memory_space<hbm>> -> memref<2000xi32, #tpu.memory_space<hbm>>
    %dma_wait3A_25 = arith.constant 0 : i32
    %dma_wait3A_26 = tpu.memref_slice %arg3[%dma_wait3A_25] : memref<6400000xi32, #tpu.memory_space<hbm>> -> memref<2000xi32, #tpu.memory_space<hbm>>
    tpu.wait_dma2 semaphore(%arg34 : memref<!tpu.dma_semaphore, #tpu.memory_space<semaphore_mem>>) src(%dma_wait3A_26 : memref<2000xi32, #tpu.memory_space<hbm>>) dst(%arg12 : memref<2000xi32, #tpu.memory_space<vmem>>)
    %dma_wait3A_27 = arith.constant 0 : i32
    %dma_wait3A_28 = tpu.memref_slice %arg4[%dma_wait3A_27] : memref<6400000xi32, #tpu.memory_space<hbm>> -> memref<2000xi32, #tpu.memory_space<hbm>>
    %dma_wait3A_29 = arith.constant 0 : i32
    %dma_wait3A_30 = tpu.memref_slice %arg4[%dma_wait3A_29] : memref<6400000xi32, #tpu.memory_space<hbm>> -> memref<2000xi32, #tpu.memory_space<hbm>>
    tpu.wait_dma2 semaphore(%arg34 : memref<!tpu.dma_semaphore, #tpu.memory_space<semaphore_mem>>) src(%dma_wait3A_30 : memref<2000xi32, #tpu.memory_space<hbm>>) dst(%arg16 : memref<2000xi32, #tpu.memory_space<vmem>>)
    %dma_wait3A_31 = arith.constant 0 : i32
    %dma_wait3A_32 = tpu.memref_slice %arg5[%dma_wait3A_31] : memref<6400000xf32, #tpu.memory_space<hbm>> -> memref<2000xf32, #tpu.memory_space<hbm>>
    %dma_wait3A_33 = arith.constant 0 : i32
    %dma_wait3A_34 = tpu.memref_slice %arg5[%dma_wait3A_33] : memref<6400000xf32, #tpu.memory_space<hbm>> -> memref<2000xf32, #tpu.memory_space<hbm>>
    tpu.wait_dma2 semaphore(%arg34 : memref<!tpu.dma_semaphore, #tpu.memory_space<semaphore_mem>>) src(%dma_wait3A_34 : memref<2000xf32, #tpu.memory_space<hbm>>) dst(%arg20 : memref<2000xf32, #tpu.memory_space<vmem>>)
    %dma_start3A_35 = arith.constant 0 : i32
    %dma_start3A_36 = tpu.memref_slice %arg10[%dma_start3A_35] : memref<100352xf32, #tpu.memory_space<vmem_shared>> -> memref<100352xf32, #tpu.memory_space<vmem_shared>>
    tpu.enqueue_indirect_dma source(%dma_start3A_36 : memref<100352xf32, #tpu.memory_space<vmem_shared>>) target(%arg24 : memref<2000xf32, #tpu.memory_space<vmem>>) offsets(%arg12 : memref<2000xi32, #tpu.memory_space<vmem>>) semaphore(%arg46 : memref<!tpu.dma_semaphore, #tpu.memory_space<semaphore_mem>>)
    %scan3A = arith.constant 0 : i32
    %scan3A_37 = arith.constant 25 : i32
    %scan3A_38 = arith.addi %scan3A, %scan3A_37 : i32
    %scan3A_39 = arith.constant 1 : i32
    scf.for %scan3A_228 = %scan3A to %scan3A_38 step %scan3A_39  : i32 {
      %mul3A_229 = arith.constant 4 : i32
      %mul3A_230 = arith.muli %scan3A_228, %mul3A_229 : i32
      %add3A_231 = arith.constant 0 : i32
      %add3A_232 = arith.addi %add3A_231, %mul3A_230 : i32
      %add3A_233 = arith.constant 0 : i32
      %add3A_234 = arith.addi %add3A_232, %add3A_233 : i32
      %ge3A = arith.constant 2 : i32
      %ge3A_235 = arith.cmpi sge, %add3A_234, %ge3A : i32
      %convert_element_type3A_236 = arith.extui %ge3A_235 : i1 to i32
      %cond3A_237 = arith.constant 0 : i32
      %cond3A_238 = arith.cmpi ne, %convert_element_type3A_236, %cond3A_237 : i32
      scf.if %cond3A_238 {
        %dma_wait3A_383 = arith.constant 0 : i32
        %dma_wait3A_384 = tpu.memref_slice %arg11[%dma_wait3A_383] : memref<100352xf32, #tpu.memory_space<vmem_shared>> -> memref<100352xf32, #tpu.memory_space<vmem_shared>>
        tpu.wait_indirect_dma semaphore(%arg40 : memref<!tpu.dma_semaphore, #tpu.memory_space<semaphore_mem>>) src(%arg26 : memref<2000xf32, #tpu.memory_space<vmem>>) dst(%dma_wait3A_384 : memref<100352xf32, #tpu.memory_space<vmem_shared>>)
      } else {
      }
      %ge3A_239 = arith.constant 2 : i32
      %ge3A_240 = arith.cmpi sge, %add3A_234, %ge3A_239 : i32
      %convert_element_type3A_241 = arith.extui %ge3A_240 : i1 to i32
      %cond3A_242 = arith.constant 0 : i32
      %cond3A_243 = arith.cmpi ne, %convert_element_type3A_241, %cond3A_242 : i32
      scf.if %cond3A_243 {
        %sub3A_383 = arith.constant 2 : i32
        %sub3A_384 = arith.subi %add3A_234, %sub3A_383 : i32
        %mul3A_385 = arith.constant 2000 : i32
        %mul3A_386 = arith.muli %sub3A_384, %mul3A_385 : i32
        %add3A_387 = arith.addi %add3A, %mul3A_386 : i32
        %dma_wait3A_388 = tpu.memref_slice %arg7[%add3A_387] : memref<6400000xf32, #tpu.memory_space<hbm>> -> memref<2000xf32, #tpu.memory_space<hbm>>
        %dma_wait3A_389 = tpu.memref_slice %arg7[%add3A_387] : memref<6400000xf32, #tpu.memory_space<hbm>> -> memref<2000xf32, #tpu.memory_space<hbm>>
        tpu.wait_dma2 semaphore(%arg44 : memref<!tpu.dma_semaphore, #tpu.memory_space<semaphore_mem>>) src(%arg22 : memref<2000xf32, #tpu.memory_space<vmem>>) dst(%dma_wait3A_389 : memref<2000xf32, #tpu.memory_space<hbm>>)
      } else {
      }
      %add3A_244 = arith.constant 2 : i32
      %add3A_245 = arith.addi %add3A_234, %add3A_244 : i32
      %lt3A = arith.constant 100 : i32
      %lt3A_246 = arith.cmpi slt, %add3A_245, %lt3A : i32
      %convert_element_type3A_247 = arith.extui %lt3A_246 : i1 to i32
      %cond3A_248 = arith.constant 0 : i32
      %cond3A_249 = arith.cmpi ne, %convert_element_type3A_247, %cond3A_248 : i32
      scf.if %cond3A_249 {
        %add3A_383 = arith.constant 2 : i32
        %add3A_384 = arith.addi %add3A_234, %add3A_383 : i32
        %mul3A_385 = arith.constant 2000 : i32
        %mul3A_386 = arith.muli %add3A_384, %mul3A_385 : i32
        %add3A_387 = arith.addi %add3A, %mul3A_386 : i32
        %dma_start3A_388 = tpu.memref_slice %arg3[%add3A_387] : memref<6400000xi32, #tpu.memory_space<hbm>> -> memref<2000xi32, #tpu.memory_space<hbm>>
        %dma_start3A_389 = tpu.memref_slice %arg3[%add3A_387] : memref<6400000xi32, #tpu.memory_space<hbm>> -> memref<2000xi32, #tpu.memory_space<hbm>>
        tpu.enqueue_dma source(%dma_start3A_389 : memref<2000xi32, #tpu.memory_space<hbm>>) target(%arg14 : memref<2000xi32, #tpu.memory_space<vmem>>) target_semaphore(%arg36 : memref<!tpu.dma_semaphore, #tpu.memory_space<semaphore_mem>>)
        %dma_start3A_390 = tpu.memref_slice %arg4[%add3A_387] : memref<6400000xi32, #tpu.memory_space<hbm>> -> memref<2000xi32, #tpu.memory_space<hbm>>
        %dma_start3A_391 = tpu.memref_slice %arg4[%add3A_387] : memref<6400000xi32, #tpu.memory_space<hbm>> -> memref<2000xi32, #tpu.memory_space<hbm>>
        tpu.enqueue_dma source(%dma_start3A_391 : memref<2000xi32, #tpu.memory_space<hbm>>) target(%arg18 : memref<2000xi32, #tpu.memory_space<vmem>>) target_semaphore(%arg36 : memref<!tpu.dma_semaphore, #tpu.memory_space<semaphore_mem>>)
        %dma_start3A_392 = tpu.memref_slice %arg5[%add3A_387] : memref<6400000xf32, #tpu.memory_space<hbm>> -> memref<2000xf32, #tpu.memory_space<hbm>>
        %dma_start3A_393 = tpu.memref_slice %arg5[%add3A_387] : memref<6400000xf32, #tpu.memory_space<hbm>> -> memref<2000xf32, #tpu.memory_space<hbm>>
        tpu.enqueue_dma source(%dma_start3A_393 : memref<2000xf32, #tpu.memory_space<hbm>>) target(%arg22 : memref<2000xf32, #tpu.memory_space<vmem>>) target_semaphore(%arg36 : memref<!tpu.dma_semaphore, #tpu.memory_space<semaphore_mem>>)
      } else {
      }
      %dma_wait3A_250 = arith.constant 0 : i32
      %dma_wait3A_251 = tpu.memref_slice %arg10[%dma_wait3A_250] : memref<100352xf32, #tpu.memory_space<vmem_shared>> -> memref<100352xf32, #tpu.memory_space<vmem_shared>>
      tpu.wait_indirect_dma semaphore(%arg46 : memref<!tpu.dma_semaphore, #tpu.memory_space<semaphore_mem>>) src(%dma_wait3A_251 : memref<100352xf32, #tpu.memory_space<vmem_shared>>) dst(%arg24 : memref<2000xf32, #tpu.memory_space<vmem>>)
      %add3A_252 = arith.constant 1 : i32
      %add3A_253 = arith.addi %add3A_234, %add3A_252 : i32
      %lt3A_254 = arith.constant 100 : i32
      %lt3A_255 = arith.cmpi slt, %add3A_253, %lt3A_254 : i32
      %convert_element_type3A_256 = arith.extui %lt3A_255 : i1 to i32
      %cond3A_257 = arith.constant 0 : i32
      %cond3A_258 = arith.cmpi ne, %convert_element_type3A_256, %cond3A_257 : i32
      scf.if %cond3A_258 {
        %dma_wait3A_383 = arith.constant 0 : i32
        %dma_wait3A_384 = tpu.memref_slice %arg3[%dma_wait3A_383] : memref<6400000xi32, #tpu.memory_space<hbm>> -> memref<2000xi32, #tpu.memory_space<hbm>>
        %dma_wait3A_385 = arith.constant 0 : i32
        %dma_wait3A_386 = tpu.memref_slice %arg3[%dma_wait3A_385] : memref<6400000xi32, #tpu.memory_space<hbm>> -> memref<2000xi32, #tpu.memory_space<hbm>>
        tpu.wait_dma2 semaphore(%arg35 : memref<!tpu.dma_semaphore, #tpu.memory_space<semaphore_mem>>) src(%dma_wait3A_386 : memref<2000xi32, #tpu.memory_space<hbm>>) dst(%arg13 : memref<2000xi32, #tpu.memory_space<vmem>>)
        %dma_wait3A_387 = arith.constant 0 : i32
        %dma_wait3A_388 = tpu.memref_slice %arg4[%dma_wait3A_387] : memref<6400000xi32, #tpu.memory_space<hbm>> -> memref<2000xi32, #tpu.memory_space<hbm>>
        %dma_wait3A_389 = arith.constant 0 : i32
        %dma_wait3A_390 = tpu.memref_slice %arg4[%dma_wait3A_389] : memref<6400000xi32, #tpu.memory_space<hbm>> -> memref<2000xi32, #tpu.memory_space<hbm>>
        tpu.wait_dma2 semaphore(%arg35 : memref<!tpu.dma_semaphore, #tpu.memory_space<semaphore_mem>>) src(%dma_wait3A_390 : memref<2000xi32, #tpu.memory_space<hbm>>) dst(%arg17 : memref<2000xi32, #tpu.memory_space<vmem>>)
        %dma_wait3A_391 = arith.constant 0 : i32
        %dma_wait3A_392 = tpu.memref_slice %arg5[%dma_wait3A_391] : memref<6400000xf32, #tpu.memory_space<hbm>> -> memref<2000xf32, #tpu.memory_space<hbm>>
        %dma_wait3A_393 = arith.constant 0 : i32
        %dma_wait3A_394 = tpu.memref_slice %arg5[%dma_wait3A_393] : memref<6400000xf32, #tpu.memory_space<hbm>> -> memref<2000xf32, #tpu.memory_space<hbm>>
        tpu.wait_dma2 semaphore(%arg35 : memref<!tpu.dma_semaphore, #tpu.memory_space<semaphore_mem>>) src(%dma_wait3A_394 : memref<2000xf32, #tpu.memory_space<hbm>>) dst(%arg21 : memref<2000xf32, #tpu.memory_space<vmem>>)
        %dma_start3A_395 = arith.constant 0 : i32
        %dma_start3A_396 = tpu.memref_slice %arg10[%dma_start3A_395] : memref<100352xf32, #tpu.memory_space<vmem_shared>> -> memref<100352xf32, #tpu.memory_space<vmem_shared>>
        tpu.enqueue_indirect_dma source(%dma_start3A_396 : memref<100352xf32, #tpu.memory_space<vmem_shared>>) target(%arg25 : memref<2000xf32, #tpu.memory_space<vmem>>) offsets(%arg13 : memref<2000xi32, #tpu.memory_space<vmem>>) semaphore(%arg47 : memref<!tpu.dma_semaphore, #tpu.memory_space<semaphore_mem>>)
      } else {
      }
      %parallel_loop3A_259 = arith.constant 0 : i32
      %parallel_loop3A_260 = arith.constant 125 : i32
      %parallel_loop3A_261 = arith.constant 1 : i32
      scf.for %parallel_loop3A_383 = %parallel_loop3A_259 to %parallel_loop3A_260 step %parallel_loop3A_261  : i32 {
        %parallel_loop3A_384 = arith.constant 16 : i32
        %parallel_loop3A_385 = arith.muli %parallel_loop3A_383, %parallel_loop3A_384 : i32
        %parallel_loop3A_386 = arith.index_cast %parallel_loop3A_385 : i32 to index
        %parallel_loop3A_387 = tpu.vector_load %arg20[%parallel_loop3A_386] {strides = array<i32>} : memref<2000xf32, #tpu.memory_space<vmem>>, vector<16xf32>,
        %parallel_loop3A_388 = arith.constant 0.000000e+00 : f32
        %parallel_loop3A_389 = vector.broadcast %parallel_loop3A_388 : f32 to vector<16xf32>
        %parallel_loop3A_390 = arith.subf %parallel_loop3A_389, %parallel_loop3A_387 : vector<16xf32>
        %parallel_loop3A_391 = math.exp %parallel_loop3A_390 : vector<16xf32>
        %parallel_loop3A_392 = arith.constant 1.000000e+00 : f32
        %parallel_loop3A_393 = vector.broadcast %parallel_loop3A_392 : f32 to vector<16xf32>
        %parallel_loop3A_394 = arith.addf %parallel_loop3A_393, %parallel_loop3A_391 : vector<16xf32>
        %parallel_loop3A_395 = arith.constant 1.000000e+00 : f32
        %parallel_loop3A_396 = vector.broadcast %parallel_loop3A_395 : f32 to vector<16xf32>
        %parallel_loop3A_397 = arith.divf %parallel_loop3A_396, %parallel_loop3A_394 : vector<16xf32>
        %parallel_loop3A_398 = arith.index_cast %parallel_loop3A_385 : i32 to index
        %parallel_loop3A_399 = tpu.vector_load %arg20[%parallel_loop3A_398] {strides = array<i32>} : memref<2000xf32, #tpu.memory_space<vmem>>, vector<16xf32>,
        tpu.vector_store %arg20[%parallel_loop3A_398], %parallel_loop3A_397 {strides = array<i32>} : memref<2000xf32, #tpu.memory_space<vmem>>, vector<16xf32>,
        %parallel_loop3A_400 = arith.index_cast %parallel_loop3A_385 : i32 to index
        %parallel_loop3A_401 = tpu.vector_load %arg24[%parallel_loop3A_400] {strides = array<i32>} : memref<2000xf32, #tpu.memory_space<vmem>>, vector<16xf32>,
        %parallel_loop3A_402 = arith.mulf %parallel_loop3A_397, %parallel_loop3A_401 : vector<16xf32>
        %parallel_loop3A_403 = arith.index_cast %parallel_loop3A_385 : i32 to index
        %parallel_loop3A_404 = tpu.vector_load %arg24[%parallel_loop3A_403] {strides = array<i32>} : memref<2000xf32, #tpu.memory_space<vmem>>, vector<16xf32>,
        tpu.vector_store %arg24[%parallel_loop3A_403], %parallel_loop3A_402 {strides = array<i32>} : memref<2000xf32, #tpu.memory_space<vmem>>, vector<16xf32>,
      } {sc.loop_unroll_factor = 8 : i64, sc.parallel_access}
      %dma_start3A_262 = arith.constant 0 : i32
      %dma_start3A_263 = tpu.memref_slice %arg11[%dma_start3A_262] : memref<100352xf32, #tpu.memory_space<vmem_shared>> -> memref<100352xf32, #tpu.memory_space<vmem_shared>>
      tpu.enqueue_indirect_dma source(%arg24 : memref<2000xf32, #tpu.memory_space<vmem>>) target(%dma_start3A_263 : memref<100352xf32, #tpu.memory_space<vmem_shared>>) offsets(%arg16 : memref<2000xi32, #tpu.memory_space<vmem>>) semaphore(%arg38 : memref<!tpu.dma_semaphore, #tpu.memory_space<semaphore_mem>>) {add = true}
      %mul3A_264 = arith.constant 2000 : i32
      %mul3A_265 = arith.muli %add3A_234, %mul3A_264 : i32
      %add3A_266 = arith.addi %add3A, %mul3A_265 : i32
      %dma_start3A_267 = tpu.memref_slice %arg7[%add3A_266] : memref<6400000xf32, #tpu.memory_space<hbm>> -> memref<2000xf32, #tpu.memory_space<hbm>>
      %dma_start3A_268 = tpu.memref_slice %arg7[%add3A_266] : memref<6400000xf32, #tpu.memory_space<hbm>> -> memref<2000xf32, #tpu.memory_space<hbm>>
      tpu.enqueue_dma source(%arg20 : memref<2000xf32, #tpu.memory_space<vmem>>) target(%dma_start3A_268 : memref<2000xf32, #tpu.memory_space<hbm>>) target_semaphore(%arg42 : memref<!tpu.dma_semaphore, #tpu.memory_space<semaphore_mem>>)
      %add3A_269 = arith.constant 1 : i32
      %add3A_270 = arith.addi %add3A_232, %add3A_269 : i32
      %ge3A_271 = arith.constant 2 : i32
      %ge3A_272 = arith.cmpi sge, %add3A_270, %ge3A_271 : i32
      %convert_element_type3A_273 = arith.extui %ge3A_272 : i1 to i32
      %cond3A_274 = arith.constant 0 : i32
      %cond3A_275 = arith.cmpi ne, %convert_element_type3A_273, %cond3A_274 : i32
      scf.if %cond3A_275 {
        %dma_wait3A_383 = arith.constant 0 : i32
        %dma_wait3A_384 = tpu.memref_slice %arg11[%dma_wait3A_383] : memref<100352xf32, #tpu.memory_space<vmem_shared>> -> memref<100352xf32, #tpu.memory_space<vmem_shared>>
        tpu.wait_indirect_dma semaphore(%arg41 : memref<!tpu.dma_semaphore, #tpu.memory_space<semaphore_mem>>) src(%arg27 : memref<2000xf32, #tpu.memory_space<vmem>>) dst(%dma_wait3A_384 : memref<100352xf32, #tpu.memory_space<vmem_shared>>)
      } else {
      }
      %ge3A_276 = arith.constant 2 : i32
      %ge3A_277 = arith.cmpi sge, %add3A_270, %ge3A_276 : i32
      %convert_element_type3A_278 = arith.extui %ge3A_277 : i1 to i32
      %cond3A_279 = arith.constant 0 : i32
      %cond3A_280 = arith.cmpi ne, %convert_element_type3A_278, %cond3A_279 : i32
      scf.if %cond3A_280 {
        %sub3A_383 = arith.constant 2 : i32
        %sub3A_384 = arith.subi %add3A_270, %sub3A_383 : i32
        %mul3A_385 = arith.constant 2000 : i32
        %mul3A_386 = arith.muli %sub3A_384, %mul3A_385 : i32
        %add3A_387 = arith.addi %add3A, %mul3A_386 : i32
        %dma_wait3A_388 = tpu.memref_slice %arg7[%add3A_387] : memref<6400000xf32, #tpu.memory_space<hbm>> -> memref<2000xf32, #tpu.memory_space<hbm>>
        %dma_wait3A_389 = tpu.memref_slice %arg7[%add3A_387] : memref<6400000xf32, #tpu.memory_space<hbm>> -> memref<2000xf32, #tpu.memory_space<hbm>>
        tpu.wait_dma2 semaphore(%arg45 : memref<!tpu.dma_semaphore, #tpu.memory_space<semaphore_mem>>) src(%arg23 : memref<2000xf32, #tpu.memory_space<vmem>>) dst(%dma_wait3A_389 : memref<2000xf32, #tpu.memory_space<hbm>>)
      } else {
      }
      %add3A_281 = arith.constant 2 : i32
      %add3A_282 = arith.addi %add3A_270, %add3A_281 : i32
      %lt3A_283 = arith.constant 100 : i32
      %lt3A_284 = arith.cmpi slt, %add3A_282, %lt3A_283 : i32
      %convert_element_type3A_285 = arith.extui %lt3A_284 : i1 to i32
      %cond3A_286 = arith.constant 0 : i32
      %cond3A_287 = arith.cmpi ne, %convert_element_type3A_285, %cond3A_286 : i32
      scf.if %cond3A_287 {
        %add3A_383 = arith.constant 2 : i32
        %add3A_384 = arith.addi %add3A_270, %add3A_383 : i32
        %mul3A_385 = arith.constant 2000 : i32
        %mul3A_386 = arith.muli %add3A_384, %mul3A_385 : i32
        %add3A_387 = arith.addi %add3A, %mul3A_386 : i32
        %dma_start3A_388 = tpu.memref_slice %arg3[%add3A_387] : memref<6400000xi32, #tpu.memory_space<hbm>> -> memref<2000xi32, #tpu.memory_space<hbm>>
        %dma_start3A_389 = tpu.memref_slice %arg3[%add3A_387] : memref<6400000xi32, #tpu.memory_space<hbm>> -> memref<2000xi32, #tpu.memory_space<hbm>>
        tpu.enqueue_dma source(%dma_start3A_389 : memref<2000xi32, #tpu.memory_space<hbm>>) target(%arg15 : memref<2000xi32, #tpu.memory_space<vmem>>) target_semaphore(%arg37 : memref<!tpu.dma_semaphore, #tpu.memory_space<semaphore_mem>>)
        %dma_start3A_390 = tpu.memref_slice %arg4[%add3A_387] : memref<6400000xi32, #tpu.memory_space<hbm>> -> memref<2000xi32, #tpu.memory_space<hbm>>
        %dma_start3A_391 = tpu.memref_slice %arg4[%add3A_387] : memref<6400000xi32, #tpu.memory_space<hbm>> -> memref<2000xi32, #tpu.memory_space<hbm>>
        tpu.enqueue_dma source(%dma_start3A_391 : memref<2000xi32, #tpu.memory_space<hbm>>) target(%arg19 : memref<2000xi32, #tpu.memory_space<vmem>>) target_semaphore(%arg37 : memref<!tpu.dma_semaphore, #tpu.memory_space<semaphore_mem>>)
        %dma_start3A_392 = tpu.memref_slice %arg5[%add3A_387] : memref<6400000xf32, #tpu.memory_space<hbm>> -> memref<2000xf32, #tpu.memory_space<hbm>>
        %dma_start3A_393 = tpu.memref_slice %arg5[%add3A_387] : memref<6400000xf32, #tpu.memory_space<hbm>> -> memref<2000xf32, #tpu.memory_space<hbm>>
        tpu.enqueue_dma source(%dma_start3A_393 : memref<2000xf32, #tpu.memory_space<hbm>>) target(%arg23 : memref<2000xf32, #tpu.memory_space<vmem>>) target_semaphore(%arg37 : memref<!tpu.dma_semaphore, #tpu.memory_space<semaphore_mem>>)
      } else {
      }
      %dma_wait3A_288 = arith.constant 0 : i32
      %dma_wait3A_289 = tpu.memref_slice %arg10[%dma_wait3A_288] : memref<100352xf32, #tpu.memory_space<vmem_shared>> -> memref<100352xf32, #tpu.memory_space<vmem_shared>>
      tpu.wait_indirect_dma semaphore(%arg47 : memref<!tpu.dma_semaphore, #tpu.memory_space<semaphore_mem>>) src(%dma_wait3A_289 : memref<100352xf32, #tpu.memory_space<vmem_shared>>) dst(%arg25 : memref<2000xf32, #tpu.memory_space<vmem>>)
      %add3A_290 = arith.constant 1 : i32
      %add3A_291 = arith.addi %add3A_270, %add3A_290 : i32
      %lt3A_292 = arith.constant 100 : i32
      %lt3A_293 = arith.cmpi slt, %add3A_291, %lt3A_292 : i32
      %convert_element_type3A_294 = arith.extui %lt3A_293 : i1 to i32
      %cond3A_295 = arith.constant 0 : i32
      %cond3A_296 = arith.cmpi ne, %convert_element_type3A_294, %cond3A_295 : i32
      scf.if %cond3A_296 {
        %dma_wait3A_383 = arith.constant 0 : i32
        %dma_wait3A_384 = tpu.memref_slice %arg3[%dma_wait3A_383] : memref<6400000xi32, #tpu.memory_space<hbm>> -> memref<2000xi32, #tpu.memory_space<hbm>>
        %dma_wait3A_385 = arith.constant 0 : i32
        %dma_wait3A_386 = tpu.memref_slice %arg3[%dma_wait3A_385] : memref<6400000xi32, #tpu.memory_space<hbm>> -> memref<2000xi32, #tpu.memory_space<hbm>>
        tpu.wait_dma2 semaphore(%arg36 : memref<!tpu.dma_semaphore, #tpu.memory_space<semaphore_mem>>) src(%dma_wait3A_386 : memref<2000xi32, #tpu.memory_space<hbm>>) dst(%arg14 : memref<2000xi32, #tpu.memory_space<vmem>>)
        %dma_wait3A_387 = arith.constant 0 : i32
        %dma_wait3A_388 = tpu.memref_slice %arg4[%dma_wait3A_387] : memref<6400000xi32, #tpu.memory_space<hbm>> -> memref<2000xi32, #tpu.memory_space<hbm>>
        %dma_wait3A_389 = arith.constant 0 : i32
        %dma_wait3A_390 = tpu.memref_slice %arg4[%dma_wait3A_389] : memref<6400000xi32, #tpu.memory_space<hbm>> -> memref<2000xi32, #tpu.memory_space<hbm>>
        tpu.wait_dma2 semaphore(%arg36 : memref<!tpu.dma_semaphore, #tpu.memory_space<semaphore_mem>>) src(%dma_wait3A_390 : memref<2000xi32, #tpu.memory_space<hbm>>) dst(%arg18 : memref<2000xi32, #tpu.memory_space<vmem>>)
        %dma_wait3A_391 = arith.constant 0 : i32
        %dma_wait3A_392 = tpu.memref_slice %arg5[%dma_wait3A_391] : memref<6400000xf32, #tpu.memory_space<hbm>> -> memref<2000xf32, #tpu.memory_space<hbm>>
        %dma_wait3A_393 = arith.constant 0 : i32
        %dma_wait3A_394 = tpu.memref_slice %arg5[%dma_wait3A_393] : memref<6400000xf32, #tpu.memory_space<hbm>> -> memref<2000xf32, #tpu.memory_space<hbm>>
        tpu.wait_dma2 semaphore(%arg36 : memref<!tpu.dma_semaphore, #tpu.memory_space<semaphore_mem>>) src(%dma_wait3A_394 : memref<2000xf32, #tpu.memory_space<hbm>>) dst(%arg22 : memref<2000xf32, #tpu.memory_space<vmem>>)
        %dma_start3A_395 = arith.constant 0 : i32
        %dma_start3A_396 = tpu.memref_slice %arg10[%dma_start3A_395] : memref<100352xf32, #tpu.memory_space<vmem_shared>> -> memref<100352xf32, #tpu.memory_space<vmem_shared>>
        tpu.enqueue_indirect_dma source(%dma_start3A_396 : memref<100352xf32, #tpu.memory_space<vmem_shared>>) target(%arg26 : memref<2000xf32, #tpu.memory_space<vmem>>) offsets(%arg14 : memref<2000xi32, #tpu.memory_space<vmem>>) semaphore(%arg48 : memref<!tpu.dma_semaphore, #tpu.memory_space<semaphore_mem>>)
      } else {
      }
      %parallel_loop3A_297 = arith.constant 0 : i32
      %parallel_loop3A_298 = arith.constant 125 : i32
      %parallel_loop3A_299 = arith.constant 1 : i32
      scf.for %parallel_loop3A_383 = %parallel_loop3A_297 to %parallel_loop3A_298 step %parallel_loop3A_299  : i32 {
        %parallel_loop3A_384 = arith.constant 16 : i32
        %parallel_loop3A_385 = arith.muli %parallel_loop3A_383, %parallel_loop3A_384 : i32
        %parallel_loop3A_386 = arith.index_cast %parallel_loop3A_385 : i32 to index
        %parallel_loop3A_387 = tpu.vector_load %arg21[%parallel_loop3A_386] {strides = array<i32>} : memref<2000xf32, #tpu.memory_space<vmem>>, vector<16xf32>,
        %parallel_loop3A_388 = arith.constant 0.000000e+00 : f32
        %parallel_loop3A_389 = vector.broadcast %parallel_loop3A_388 : f32 to vector<16xf32>
        %parallel_loop3A_390 = arith.subf %parallel_loop3A_389, %parallel_loop3A_387 : vector<16xf32>
        %parallel_loop3A_391 = math.exp %parallel_loop3A_390 : vector<16xf32>
        %parallel_loop3A_392 = arith.constant 1.000000e+00 : f32
        %parallel_loop3A_393 = vector.broadcast %parallel_loop3A_392 : f32 to vector<16xf32>
        %parallel_loop3A_394 = arith.addf %parallel_loop3A_393, %parallel_loop3A_391 : vector<16xf32>
        %parallel_loop3A_395 = arith.constant 1.000000e+00 : f32
        %parallel_loop3A_396 = vector.broadcast %parallel_loop3A_395 : f32 to vector<16xf32>
        %parallel_loop3A_397 = arith.divf %parallel_loop3A_396, %parallel_loop3A_394 : vector<16xf32>
        %parallel_loop3A_398 = arith.index_cast %parallel_loop3A_385 : i32 to index
        %parallel_loop3A_399 = tpu.vector_load %arg21[%parallel_loop3A_398] {strides = array<i32>} : memref<2000xf32, #tpu.memory_space<vmem>>, vector<16xf32>,
        tpu.vector_store %arg21[%parallel_loop3A_398], %parallel_loop3A_397 {strides = array<i32>} : memref<2000xf32, #tpu.memory_space<vmem>>, vector<16xf32>,
        %parallel_loop3A_400 = arith.index_cast %parallel_loop3A_385 : i32 to index
        %parallel_loop3A_401 = tpu.vector_load %arg25[%parallel_loop3A_400] {strides = array<i32>} : memref<2000xf32, #tpu.memory_space<vmem>>, vector<16xf32>,
        %parallel_loop3A_402 = arith.mulf %parallel_loop3A_397, %parallel_loop3A_401 : vector<16xf32>
        %parallel_loop3A_403 = arith.index_cast %parallel_loop3A_385 : i32 to index
        %parallel_loop3A_404 = tpu.vector_load %arg25[%parallel_loop3A_403] {strides = array<i32>} : memref<2000xf32, #tpu.memory_space<vmem>>, vector<16xf32>,
        tpu.vector_store %arg25[%parallel_loop3A_403], %parallel_loop3A_402 {strides = array<i32>} : memref<2000xf32, #tpu.memory_space<vmem>>, vector<16xf32>,
      } {sc.loop_unroll_factor = 8 : i64, sc.parallel_access}
      %dma_start3A_300 = arith.constant 0 : i32
      %dma_start3A_301 = tpu.memref_slice %arg11[%dma_start3A_300] : memref<100352xf32, #tpu.memory_space<vmem_shared>> -> memref<100352xf32, #tpu.memory_space<vmem_shared>>
      tpu.enqueue_indirect_dma source(%arg25 : memref<2000xf32, #tpu.memory_space<vmem>>) target(%dma_start3A_301 : memref<100352xf32, #tpu.memory_space<vmem_shared>>) offsets(%arg17 : memref<2000xi32, #tpu.memory_space<vmem>>) semaphore(%arg39 : memref<!tpu.dma_semaphore, #tpu.memory_space<semaphore_mem>>) {add = true}
      %mul3A_302 = arith.constant 2000 : i32
      %mul3A_303 = arith.muli %add3A_270, %mul3A_302 : i32
      %add3A_304 = arith.addi %add3A, %mul3A_303 : i32
      %dma_start3A_305 = tpu.memref_slice %arg7[%add3A_304] : memref<6400000xf32, #tpu.memory_space<hbm>> -> memref<2000xf32, #tpu.memory_space<hbm>>
      %dma_start3A_306 = tpu.memref_slice %arg7[%add3A_304] : memref<6400000xf32, #tpu.memory_space<hbm>> -> memref<2000xf32, #tpu.memory_space<hbm>>
      tpu.enqueue_dma source(%arg21 : memref<2000xf32, #tpu.memory_space<vmem>>) target(%dma_start3A_306 : memref<2000xf32, #tpu.memory_space<hbm>>) target_semaphore(%arg43 : memref<!tpu.dma_semaphore, #tpu.memory_space<semaphore_mem>>)
      %add3A_307 = arith.constant 2 : i32
      %add3A_308 = arith.addi %add3A_232, %add3A_307 : i32
      %ge3A_309 = arith.constant 2 : i32
      %ge3A_310 = arith.cmpi sge, %add3A_308, %ge3A_309 : i32
      %convert_element_type3A_311 = arith.extui %ge3A_310 : i1 to i32
      %cond3A_312 = arith.constant 0 : i32
      %cond3A_313 = arith.cmpi ne, %convert_element_type3A_311, %cond3A_312 : i32
      scf.if %cond3A_313 {
        %dma_wait3A_383 = arith.constant 0 : i32
        %dma_wait3A_384 = tpu.memref_slice %arg11[%dma_wait3A_383] : memref<100352xf32, #tpu.memory_space<vmem_shared>> -> memref<100352xf32, #tpu.memory_space<vmem_shared>>
        tpu.wait_indirect_dma semaphore(%arg38 : memref<!tpu.dma_semaphore, #tpu.memory_space<semaphore_mem>>) src(%arg24 : memref<2000xf32, #tpu.memory_space<vmem>>) dst(%dma_wait3A_384 : memref<100352xf32, #tpu.memory_space<vmem_shared>>)
      } else {
      }
      %ge3A_314 = arith.constant 2 : i32
      %ge3A_315 = arith.cmpi sge, %add3A_308, %ge3A_314 : i32
      %convert_element_type3A_316 = arith.extui %ge3A_315 : i1 to i32
      %cond3A_317 = arith.constant 0 : i32
      %cond3A_318 = arith.cmpi ne, %convert_element_type3A_316, %cond3A_317 : i32
      scf.if %cond3A_318 {
        %sub3A_383 = arith.constant 2 : i32
        %sub3A_384 = arith.subi %add3A_308, %sub3A_383 : i32
        %mul3A_385 = arith.constant 2000 : i32
        %mul3A_386 = arith.muli %sub3A_384, %mul3A_385 : i32
        %add3A_387 = arith.addi %add3A, %mul3A_386 : i32
        %dma_wait3A_388 = tpu.memref_slice %arg7[%add3A_387] : memref<6400000xf32, #tpu.memory_space<hbm>> -> memref<2000xf32, #tpu.memory_space<hbm>>
        %dma_wait3A_389 = tpu.memref_slice %arg7[%add3A_387] : memref<6400000xf32, #tpu.memory_space<hbm>> -> memref<2000xf32, #tpu.memory_space<hbm>>
        tpu.wait_dma2 semaphore(%arg42 : memref<!tpu.dma_semaphore, #tpu.memory_space<semaphore_mem>>) src(%arg20 : memref<2000xf32, #tpu.memory_space<vmem>>) dst(%dma_wait3A_389 : memref<2000xf32, #tpu.memory_space<hbm>>)
      } else {
      }
      %add3A_319 = arith.constant 2 : i32
      %add3A_320 = arith.addi %add3A_308, %add3A_319 : i32
      %lt3A_321 = arith.constant 100 : i32
      %lt3A_322 = arith.cmpi slt, %add3A_320, %lt3A_321 : i32
      %convert_element_type3A_323 = arith.extui %lt3A_322 : i1 to i32
      %cond3A_324 = arith.constant 0 : i32
      %cond3A_325 = arith.cmpi ne, %convert_element_type3A_323, %cond3A_324 : i32
      scf.if %cond3A_325 {
        %add3A_383 = arith.constant 2 : i32
        %add3A_384 = arith.addi %add3A_308, %add3A_383 : i32
        %mul3A_385 = arith.constant 2000 : i32
        %mul3A_386 = arith.muli %add3A_384, %mul3A_385 : i32
        %add3A_387 = arith.addi %add3A, %mul3A_386 : i32
        %dma_start3A_388 = tpu.memref_slice %arg3[%add3A_387] : memref<6400000xi32, #tpu.memory_space<hbm>> -> memref<2000xi32, #tpu.memory_space<hbm>>
        %dma_start3A_389 = tpu.memref_slice %arg3[%add3A_387] : memref<6400000xi32, #tpu.memory_space<hbm>> -> memref<2000xi32, #tpu.memory_space<hbm>>
        tpu.enqueue_dma source(%dma_start3A_389 : memref<2000xi32, #tpu.memory_space<hbm>>) target(%arg12 : memref<2000xi32, #tpu.memory_space<vmem>>) target_semaphore(%arg34 : memref<!tpu.dma_semaphore, #tpu.memory_space<semaphore_mem>>)
        %dma_start3A_390 = tpu.memref_slice %arg4[%add3A_387] : memref<6400000xi32, #tpu.memory_space<hbm>> -> memref<2000xi32, #tpu.memory_space<hbm>>
        %dma_start3A_391 = tpu.memref_slice %arg4[%add3A_387] : memref<6400000xi32, #tpu.memory_space<hbm>> -> memref<2000xi32, #tpu.memory_space<hbm>>
        tpu.enqueue_dma source(%dma_start3A_391 : memref<2000xi32, #tpu.memory_space<hbm>>) target(%arg16 : memref<2000xi32, #tpu.memory_space<vmem>>) target_semaphore(%arg34 : memref<!tpu.dma_semaphore, #tpu.memory_space<semaphore_mem>>)
        %dma_start3A_392 = tpu.memref_slice %arg5[%add3A_387] : memref<6400000xf32, #tpu.memory_space<hbm>> -> memref<2000xf32, #tpu.memory_space<hbm>>
        %dma_start3A_393 = tpu.memref_slice %arg5[%add3A_387] : memref<6400000xf32, #tpu.memory_space<hbm>> -> memref<2000xf32, #tpu.memory_space<hbm>>
        tpu.enqueue_dma source(%dma_start3A_393 : memref<2000xf32, #tpu.memory_space<hbm>>) target(%arg20 : memref<2000xf32, #tpu.memory_space<vmem>>) target_semaphore(%arg34 : memref<!tpu.dma_semaphore, #tpu.memory_space<semaphore_mem>>)
      } else {
      }
      %dma_wait3A_326 = arith.constant 0 : i32
      %dma_wait3A_327 = tpu.memref_slice %arg10[%dma_wait3A_326] : memref<100352xf32, #tpu.memory_space<vmem_shared>> -> memref<100352xf32, #tpu.memory_space<vmem_shared>>
      tpu.wait_indirect_dma semaphore(%arg48 : memref<!tpu.dma_semaphore, #tpu.memory_space<semaphore_mem>>) src(%dma_wait3A_327 : memref<100352xf32, #tpu.memory_space<vmem_shared>>) dst(%arg26 : memref<2000xf32, #tpu.memory_space<vmem>>)
      %add3A_328 = arith.constant 1 : i32
      %add3A_329 = arith.addi %add3A_308, %add3A_328 : i32
      %lt3A_330 = arith.constant 100 : i32
      %lt3A_331 = arith.cmpi slt, %add3A_329, %lt3A_330 : i32
      %convert_element_type3A_332 = arith.extui %lt3A_331 : i1 to i32
      %cond3A_333 = arith.constant 0 : i32
      %cond3A_334 = arith.cmpi ne, %convert_element_type3A_332, %cond3A_333 : i32
      scf.if %cond3A_334 {
        %dma_wait3A_383 = arith.constant 0 : i32
        %dma_wait3A_384 = tpu.memref_slice %arg3[%dma_wait3A_383] : memref<6400000xi32, #tpu.memory_space<hbm>> -> memref<2000xi32, #tpu.memory_space<hbm>>
        %dma_wait3A_385 = arith.constant 0 : i32
        %dma_wait3A_386 = tpu.memref_slice %arg3[%dma_wait3A_385] : memref<6400000xi32, #tpu.memory_space<hbm>> -> memref<2000xi32, #tpu.memory_space<hbm>>
        tpu.wait_dma2 semaphore(%arg37 : memref<!tpu.dma_semaphore, #tpu.memory_space<semaphore_mem>>) src(%dma_wait3A_386 : memref<2000xi32, #tpu.memory_space<hbm>>) dst(%arg15 : memref<2000xi32, #tpu.memory_space<vmem>>)
        %dma_wait3A_387 = arith.constant 0 : i32
        %dma_wait3A_388 = tpu.memref_slice %arg4[%dma_wait3A_387] : memref<6400000xi32, #tpu.memory_space<hbm>> -> memref<2000xi32, #tpu.memory_space<hbm>>
        %dma_wait3A_389 = arith.constant 0 : i32
        %dma_wait3A_390 = tpu.memref_slice %arg4[%dma_wait3A_389] : memref<6400000xi32, #tpu.memory_space<hbm>> -> memref<2000xi32, #tpu.memory_space<hbm>>
        tpu.wait_dma2 semaphore(%arg37 : memref<!tpu.dma_semaphore, #tpu.memory_space<semaphore_mem>>) src(%dma_wait3A_390 : memref<2000xi32, #tpu.memory_space<hbm>>) dst(%arg19 : memref<2000xi32, #tpu.memory_space<vmem>>)
        %dma_wait3A_391 = arith.constant 0 : i32
        %dma_wait3A_392 = tpu.memref_slice %arg5[%dma_wait3A_391] : memref<6400000xf32, #tpu.memory_space<hbm>> -> memref<2000xf32, #tpu.memory_space<hbm>>
        %dma_wait3A_393 = arith.constant 0 : i32
        %dma_wait3A_394 = tpu.memref_slice %arg5[%dma_wait3A_393] : memref<6400000xf32, #tpu.memory_space<hbm>> -> memref<2000xf32, #tpu.memory_space<hbm>>
        tpu.wait_dma2 semaphore(%arg37 : memref<!tpu.dma_semaphore, #tpu.memory_space<semaphore_mem>>) src(%dma_wait3A_394 : memref<2000xf32, #tpu.memory_space<hbm>>) dst(%arg23 : memref<2000xf32, #tpu.memory_space<vmem>>)
        %dma_start3A_395 = arith.constant 0 : i32
        %dma_start3A_396 = tpu.memref_slice %arg10[%dma_start3A_395] : memref<100352xf32, #tpu.memory_space<vmem_shared>> -> memref<100352xf32, #tpu.memory_space<vmem_shared>>
        tpu.enqueue_indirect_dma source(%dma_start3A_396 : memref<100352xf32, #tpu.memory_space<vmem_shared>>) target(%arg27 : memref<2000xf32, #tpu.memory_space<vmem>>) offsets(%arg15 : memref<2000xi32, #tpu.memory_space<vmem>>) semaphore(%arg49 : memref<!tpu.dma_semaphore, #tpu.memory_space<semaphore_mem>>)
      } else {
      }
      %parallel_loop3A_335 = arith.constant 0 : i32
      %parallel_loop3A_336 = arith.constant 125 : i32
      %parallel_loop3A_337 = arith.constant 1 : i32
      scf.for %parallel_loop3A_383 = %parallel_loop3A_335 to %parallel_loop3A_336 step %parallel_loop3A_337  : i32 {
        %parallel_loop3A_384 = arith.constant 16 : i32
        %parallel_loop3A_385 = arith.muli %parallel_loop3A_383, %parallel_loop3A_384 : i32
        %parallel_loop3A_386 = arith.index_cast %parallel_loop3A_385 : i32 to index
        %parallel_loop3A_387 = tpu.vector_load %arg22[%parallel_loop3A_386] {strides = array<i32>} : memref<2000xf32, #tpu.memory_space<vmem>>, vector<16xf32>,
        %parallel_loop3A_388 = arith.constant 0.000000e+00 : f32
        %parallel_loop3A_389 = vector.broadcast %parallel_loop3A_388 : f32 to vector<16xf32>
        %parallel_loop3A_390 = arith.subf %parallel_loop3A_389, %parallel_loop3A_387 : vector<16xf32>
        %parallel_loop3A_391 = math.exp %parallel_loop3A_390 : vector<16xf32>
        %parallel_loop3A_392 = arith.constant 1.000000e+00 : f32
        %parallel_loop3A_393 = vector.broadcast %parallel_loop3A_392 : f32 to vector<16xf32>
        %parallel_loop3A_394 = arith.addf %parallel_loop3A_393, %parallel_loop3A_391 : vector<16xf32>
        %parallel_loop3A_395 = arith.constant 1.000000e+00 : f32
        %parallel_loop3A_396 = vector.broadcast %parallel_loop3A_395 : f32 to vector<16xf32>
        %parallel_loop3A_397 = arith.divf %parallel_loop3A_396, %parallel_loop3A_394 : vector<16xf32>
        %parallel_loop3A_398 = arith.index_cast %parallel_loop3A_385 : i32 to index
        %parallel_loop3A_399 = tpu.vector_load %arg22[%parallel_loop3A_398] {strides = array<i32>} : memref<2000xf32, #tpu.memory_space<vmem>>, vector<16xf32>,
        tpu.vector_store %arg22[%parallel_loop3A_398], %parallel_loop3A_397 {strides = array<i32>} : memref<2000xf32, #tpu.memory_space<vmem>>, vector<16xf32>,
        %parallel_loop3A_400 = arith.index_cast %parallel_loop3A_385 : i32 to index
        %parallel_loop3A_401 = tpu.vector_load %arg26[%parallel_loop3A_400] {strides = array<i32>} : memref<2000xf32, #tpu.memory_space<vmem>>, vector<16xf32>,
        %parallel_loop3A_402 = arith.mulf %parallel_loop3A_397, %parallel_loop3A_401 : vector<16xf32>
        %parallel_loop3A_403 = arith.index_cast %parallel_loop3A_385 : i32 to index
        %parallel_loop3A_404 = tpu.vector_load %arg26[%parallel_loop3A_403] {strides = array<i32>} : memref<2000xf32, #tpu.memory_space<vmem>>, vector<16xf32>,
        tpu.vector_store %arg26[%parallel_loop3A_403], %parallel_loop3A_402 {strides = array<i32>} : memref<2000xf32, #tpu.memory_space<vmem>>, vector<16xf32>,
      } {sc.loop_unroll_factor = 8 : i64, sc.parallel_access}
      %dma_start3A_338 = arith.constant 0 : i32
      %dma_start3A_339 = tpu.memref_slice %arg11[%dma_start3A_338] : memref<100352xf32, #tpu.memory_space<vmem_shared>> -> memref<100352xf32, #tpu.memory_space<vmem_shared>>
      tpu.enqueue_indirect_dma source(%arg26 : memref<2000xf32, #tpu.memory_space<vmem>>) target(%dma_start3A_339 : memref<100352xf32, #tpu.memory_space<vmem_shared>>) offsets(%arg18 : memref<2000xi32, #tpu.memory_space<vmem>>) semaphore(%arg40 : memref<!tpu.dma_semaphore, #tpu.memory_space<semaphore_mem>>) {add = true}
      %mul3A_340 = arith.constant 2000 : i32
      %mul3A_341 = arith.muli %add3A_308, %mul3A_340 : i32
      %add3A_342 = arith.addi %add3A, %mul3A_341 : i32
      %dma_start3A_343 = tpu.memref_slice %arg7[%add3A_342] : memref<6400000xf32, #tpu.memory_space<hbm>> -> memref<2000xf32, #tpu.memory_space<hbm>>
      %dma_start3A_344 = tpu.memref_slice %arg7[%add3A_342] : memref<6400000xf32, #tpu.memory_space<hbm>> -> memref<2000xf32, #tpu.memory_space<hbm>>
      tpu.enqueue_dma source(%arg22 : memref<2000xf32, #tpu.memory_space<vmem>>) target(%dma_start3A_344 : memref<2000xf32, #tpu.memory_space<hbm>>) target_semaphore(%arg44 : memref<!tpu.dma_semaphore, #tpu.memory_space<semaphore_mem>>)
      %add3A_345 = arith.constant 3 : i32
      %add3A_346 = arith.addi %add3A_232, %add3A_345 : i32
      %ge3A_347 = arith.constant 2 : i32
      %ge3A_348 = arith.cmpi sge, %add3A_346, %ge3A_347 : i32
      %convert_element_type3A_349 = arith.extui %ge3A_348 : i1 to i32
      %cond3A_350 = arith.constant 0 : i32
      %cond3A_351 = arith.cmpi ne, %convert_element_type3A_349, %cond3A_350 : i32
      scf.if %cond3A_351 {
        %dma_wait3A_383 = arith.constant 0 : i32
        %dma_wait3A_384 = tpu.memref_slice %arg11[%dma_wait3A_383] : memref<100352xf32, #tpu.memory_space<vmem_shared>> -> memref<100352xf32, #tpu.memory_space<vmem_shared>>
        tpu.wait_indirect_dma semaphore(%arg39 : memref<!tpu.dma_semaphore, #tpu.memory_space<semaphore_mem>>) src(%arg25 : memref<2000xf32, #tpu.memory_space<vmem>>) dst(%dma_wait3A_384 : memref<100352xf32, #tpu.memory_space<vmem_shared>>)
      } else {
      }
      %ge3A_352 = arith.constant 2 : i32
      %ge3A_353 = arith.cmpi sge, %add3A_346, %ge3A_352 : i32
      %convert_element_type3A_354 = arith.extui %ge3A_353 : i1 to i32
      %cond3A_355 = arith.constant 0 : i32
      %cond3A_356 = arith.cmpi ne, %convert_element_type3A_354, %cond3A_355 : i32
      scf.if %cond3A_356 {
        %sub3A_383 = arith.constant 2 : i32
        %sub3A_384 = arith.subi %add3A_346, %sub3A_383 : i32
        %mul3A_385 = arith.constant 2000 : i32
        %mul3A_386 = arith.muli %sub3A_384, %mul3A_385 : i32
        %add3A_387 = arith.addi %add3A, %mul3A_386 : i32
        %dma_wait3A_388 = tpu.memref_slice %arg7[%add3A_387] : memref<6400000xf32, #tpu.memory_space<hbm>> -> memref<2000xf32, #tpu.memory_space<hbm>>
        %dma_wait3A_389 = tpu.memref_slice %arg7[%add3A_387] : memref<6400000xf32, #tpu.memory_space<hbm>> -> memref<2000xf32, #tpu.memory_space<hbm>>
        tpu.wait_dma2 semaphore(%arg43 : memref<!tpu.dma_semaphore, #tpu.memory_space<semaphore_mem>>) src(%arg21 : memref<2000xf32, #tpu.memory_space<vmem>>) dst(%dma_wait3A_389 : memref<2000xf32, #tpu.memory_space<hbm>>)
      } else {
      }
      %add3A_357 = arith.constant 2 : i32
      %add3A_358 = arith.addi %add3A_346, %add3A_357 : i32
      %lt3A_359 = arith.constant 100 : i32
      %lt3A_360 = arith.cmpi slt, %add3A_358, %lt3A_359 : i32
      %convert_element_type3A_361 = arith.extui %lt3A_360 : i1 to i32
      %cond3A_362 = arith.constant 0 : i32
      %cond3A_363 = arith.cmpi ne, %convert_element_type3A_361, %cond3A_362 : i32
      scf.if %cond3A_363 {
        %add3A_383 = arith.constant 2 : i32
        %add3A_384 = arith.addi %add3A_346, %add3A_383 : i32
        %mul3A_385 = arith.constant 2000 : i32
        %mul3A_386 = arith.muli %add3A_384, %mul3A_385 : i32
        %add3A_387 = arith.addi %add3A, %mul3A_386 : i32
        %dma_start3A_388 = tpu.memref_slice %arg3[%add3A_387] : memref<6400000xi32, #tpu.memory_space<hbm>> -> memref<2000xi32, #tpu.memory_space<hbm>>
        %dma_start3A_389 = tpu.memref_slice %arg3[%add3A_387] : memref<6400000xi32, #tpu.memory_space<hbm>> -> memref<2000xi32, #tpu.memory_space<hbm>>
        tpu.enqueue_dma source(%dma_start3A_389 : memref<2000xi32, #tpu.memory_space<hbm>>) target(%arg13 : memref<2000xi32, #tpu.memory_space<vmem>>) target_semaphore(%arg35 : memref<!tpu.dma_semaphore, #tpu.memory_space<semaphore_mem>>)
        %dma_start3A_390 = tpu.memref_slice %arg4[%add3A_387] : memref<6400000xi32, #tpu.memory_space<hbm>> -> memref<2000xi32, #tpu.memory_space<hbm>>
        %dma_start3A_391 = tpu.memref_slice %arg4[%add3A_387] : memref<6400000xi32, #tpu.memory_space<hbm>> -> memref<2000xi32, #tpu.memory_space<hbm>>
        tpu.enqueue_dma source(%dma_start3A_391 : memref<2000xi32, #tpu.memory_space<hbm>>) target(%arg17 : memref<2000xi32, #tpu.memory_space<vmem>>) target_semaphore(%arg35 : memref<!tpu.dma_semaphore, #tpu.memory_space<semaphore_mem>>)
        %dma_start3A_392 = tpu.memref_slice %arg5[%add3A_387] : memref<6400000xf32, #tpu.memory_space<hbm>> -> memref<2000xf32, #tpu.memory_space<hbm>>
        %dma_start3A_393 = tpu.memref_slice %arg5[%add3A_387] : memref<6400000xf32, #tpu.memory_space<hbm>> -> memref<2000xf32, #tpu.memory_space<hbm>>
        tpu.enqueue_dma source(%dma_start3A_393 : memref<2000xf32, #tpu.memory_space<hbm>>) target(%arg21 : memref<2000xf32, #tpu.memory_space<vmem>>) target_semaphore(%arg35 : memref<!tpu.dma_semaphore, #tpu.memory_space<semaphore_mem>>)
      } else {
      }
      %dma_wait3A_364 = arith.constant 0 : i32
      %dma_wait3A_365 = tpu.memref_slice %arg10[%dma_wait3A_364] : memref<100352xf32, #tpu.memory_space<vmem_shared>> -> memref<100352xf32, #tpu.memory_space<vmem_shared>>
      tpu.wait_indirect_dma semaphore(%arg49 : memref<!tpu.dma_semaphore, #tpu.memory_space<semaphore_mem>>) src(%dma_wait3A_365 : memref<100352xf32, #tpu.memory_space<vmem_shared>>) dst(%arg27 : memref<2000xf32, #tpu.memory_space<vmem>>)
      %add3A_366 = arith.constant 1 : i32
      %add3A_367 = arith.addi %add3A_346, %add3A_366 : i32
      %lt3A_368 = arith.constant 100 : i32
      %lt3A_369 = arith.cmpi slt, %add3A_367, %lt3A_368 : i32
      %convert_element_type3A_370 = arith.extui %lt3A_369 : i1 to i32
      %cond3A_371 = arith.constant 0 : i32
      %cond3A_372 = arith.cmpi ne, %convert_element_type3A_370, %cond3A_371 : i32
      scf.if %cond3A_372 {
        %dma_wait3A_383 = arith.constant 0 : i32
        %dma_wait3A_384 = tpu.memref_slice %arg3[%dma_wait3A_383] : memref<6400000xi32, #tpu.memory_space<hbm>> -> memref<2000xi32, #tpu.memory_space<hbm>>
        %dma_wait3A_385 = arith.constant 0 : i32
        %dma_wait3A_386 = tpu.memref_slice %arg3[%dma_wait3A_385] : memref<6400000xi32, #tpu.memory_space<hbm>> -> memref<2000xi32, #tpu.memory_space<hbm>>
        tpu.wait_dma2 semaphore(%arg34 : memref<!tpu.dma_semaphore, #tpu.memory_space<semaphore_mem>>) src(%dma_wait3A_386 : memref<2000xi32, #tpu.memory_space<hbm>>) dst(%arg12 : memref<2000xi32, #tpu.memory_space<vmem>>)
        %dma_wait3A_387 = arith.constant 0 : i32
        %dma_wait3A_388 = tpu.memref_slice %arg4[%dma_wait3A_387] : memref<6400000xi32, #tpu.memory_space<hbm>> -> memref<2000xi32, #tpu.memory_space<hbm>>
        %dma_wait3A_389 = arith.constant 0 : i32
        %dma_wait3A_390 = tpu.memref_slice %arg4[%dma_wait3A_389] : memref<6400000xi32, #tpu.memory_space<hbm>> -> memref<2000xi32, #tpu.memory_space<hbm>>
        tpu.wait_dma2 semaphore(%arg34 : memref<!tpu.dma_semaphore, #tpu.memory_space<semaphore_mem>>) src(%dma_wait3A_390 : memref<2000xi32, #tpu.memory_space<hbm>>) dst(%arg16 : memref<2000xi32, #tpu.memory_space<vmem>>)
        %dma_wait3A_391 = arith.constant 0 : i32
        %dma_wait3A_392 = tpu.memref_slice %arg5[%dma_wait3A_391] : memref<6400000xf32, #tpu.memory_space<hbm>> -> memref<2000xf32, #tpu.memory_space<hbm>>
        %dma_wait3A_393 = arith.constant 0 : i32
        %dma_wait3A_394 = tpu.memref_slice %arg5[%dma_wait3A_393] : memref<6400000xf32, #tpu.memory_space<hbm>> -> memref<2000xf32, #tpu.memory_space<hbm>>
        tpu.wait_dma2 semaphore(%arg34 : memref<!tpu.dma_semaphore, #tpu.memory_space<semaphore_mem>>) src(%dma_wait3A_394 : memref<2000xf32, #tpu.memory_space<hbm>>) dst(%arg20 : memref<2000xf32, #tpu.memory_space<vmem>>)
        %dma_start3A_395 = arith.constant 0 : i32
        %dma_start3A_396 = tpu.memref_slice %arg10[%dma_start3A_395] : memref<100352xf32, #tpu.memory_space<vmem_shared>> -> memref<100352xf32, #tpu.memory_space<vmem_shared>>
        tpu.enqueue_indirect_dma source(%dma_start3A_396 : memref<100352xf32, #tpu.memory_space<vmem_shared>>) target(%arg24 : memref<2000xf32, #tpu.memory_space<vmem>>) offsets(%arg12 : memref<2000xi32, #tpu.memory_space<vmem>>) semaphore(%arg46 : memref<!tpu.dma_semaphore, #tpu.memory_space<semaphore_mem>>)
      } else {
      }
      %parallel_loop3A_373 = arith.constant 0 : i32
      %parallel_loop3A_374 = arith.constant 125 : i32
      %parallel_loop3A_375 = arith.constant 1 : i32
      scf.for %parallel_loop3A_383 = %parallel_loop3A_373 to %parallel_loop3A_374 step %parallel_loop3A_375  : i32 {
        %parallel_loop3A_384 = arith.constant 16 : i32
        %parallel_loop3A_385 = arith.muli %parallel_loop3A_383, %parallel_loop3A_384 : i32
        %parallel_loop3A_386 = arith.index_cast %parallel_loop3A_385 : i32 to index
        %parallel_loop3A_387 = tpu.vector_load %arg23[%parallel_loop3A_386] {strides = array<i32>} : memref<2000xf32, #tpu.memory_space<vmem>>, vector<16xf32>,
        %parallel_loop3A_388 = arith.constant 0.000000e+00 : f32
        %parallel_loop3A_389 = vector.broadcast %parallel_loop3A_388 : f32 to vector<16xf32>
        %parallel_loop3A_390 = arith.subf %parallel_loop3A_389, %parallel_loop3A_387 : vector<16xf32>
        %parallel_loop3A_391 = math.exp %parallel_loop3A_390 : vector<16xf32>
        %parallel_loop3A_392 = arith.constant 1.000000e+00 : f32
        %parallel_loop3A_393 = vector.broadcast %parallel_loop3A_392 : f32 to vector<16xf32>
        %parallel_loop3A_394 = arith.addf %parallel_loop3A_393, %parallel_loop3A_391 : vector<16xf32>
        %parallel_loop3A_395 = arith.constant 1.000000e+00 : f32
        %parallel_loop3A_396 = vector.broadcast %parallel_loop3A_395 : f32 to vector<16xf32>
        %parallel_loop3A_397 = arith.divf %parallel_loop3A_396, %parallel_loop3A_394 : vector<16xf32>
        %parallel_loop3A_398 = arith.index_cast %parallel_loop3A_385 : i32 to index
        %parallel_loop3A_399 = tpu.vector_load %arg23[%parallel_loop3A_398] {strides = array<i32>} : memref<2000xf32, #tpu.memory_space<vmem>>, vector<16xf32>,
        tpu.vector_store %arg23[%parallel_loop3A_398], %parallel_loop3A_397 {strides = array<i32>} : memref<2000xf32, #tpu.memory_space<vmem>>, vector<16xf32>,
        %parallel_loop3A_400 = arith.index_cast %parallel_loop3A_385 : i32 to index
        %parallel_loop3A_401 = tpu.vector_load %arg27[%parallel_loop3A_400] {strides = array<i32>} : memref<2000xf32, #tpu.memory_space<vmem>>, vector<16xf32>,
        %parallel_loop3A_402 = arith.mulf %parallel_loop3A_397, %parallel_loop3A_401 : vector<16xf32>
        %parallel_loop3A_403 = arith.index_cast %parallel_loop3A_385 : i32 to index
        %parallel_loop3A_404 = tpu.vector_load %arg27[%parallel_loop3A_403] {strides = array<i32>} : memref<2000xf32, #tpu.memory_space<vmem>>, vector<16xf32>,
        tpu.vector_store %arg27[%parallel_loop3A_403], %parallel_loop3A_402 {strides = array<i32>} : memref<2000xf32, #tpu.memory_space<vmem>>, vector<16xf32>,
      } {sc.loop_unroll_factor = 8 : i64, sc.parallel_access}
      %dma_start3A_376 = arith.constant 0 : i32
      %dma_start3A_377 = tpu.memref_slice %arg11[%dma_start3A_376] : memref<100352xf32, #tpu.memory_space<vmem_shared>> -> memref<100352xf32, #tpu.memory_space<vmem_shared>>
      tpu.enqueue_indirect_dma source(%arg27 : memref<2000xf32, #tpu.memory_space<vmem>>) target(%dma_start3A_377 : memref<100352xf32, #tpu.memory_space<vmem_shared>>) offsets(%arg19 : memref<2000xi32, #tpu.memory_space<vmem>>) semaphore(%arg41 : memref<!tpu.dma_semaphore, #tpu.memory_space<semaphore_mem>>) {add = true}
      %mul3A_378 = arith.constant 2000 : i32
      %mul3A_379 = arith.muli %add3A_346, %mul3A_378 : i32
      %add3A_380 = arith.addi %add3A, %mul3A_379 : i32
      %dma_start3A_381 = tpu.memref_slice %arg7[%add3A_380] : memref<6400000xf32, #tpu.memory_space<hbm>> -> memref<2000xf32, #tpu.memory_space<hbm>>
      %dma_start3A_382 = tpu.memref_slice %arg7[%add3A_380] : memref<6400000xf32, #tpu.memory_space<hbm>> -> memref<2000xf32, #tpu.memory_space<hbm>>
      tpu.enqueue_dma source(%arg23 : memref<2000xf32, #tpu.memory_space<vmem>>) target(%dma_start3A_382 : memref<2000xf32, #tpu.memory_space<hbm>>) target_semaphore(%arg45 : memref<!tpu.dma_semaphore, #tpu.memory_space<semaphore_mem>>)
    }
    %scan3A_40 = arith.constant 25 : i32
    %dma_wait3A_41 = arith.constant 0 : i32
    %dma_wait3A_42 = tpu.memref_slice %arg11[%dma_wait3A_41] : memref<100352xf32, #tpu.memory_space<vmem_shared>> -> memref<100352xf32, #tpu.memory_space<vmem_shared>>
    tpu.wait_indirect_dma semaphore(%arg40 : memref<!tpu.dma_semaphore, #tpu.memory_space<semaphore_mem>>) src(%arg26 : memref<2000xf32, #tpu.memory_space<vmem>>) dst(%dma_wait3A_42 : memref<100352xf32, #tpu.memory_space<vmem_shared>>)
    %add3A_43 = arith.constant 196000 : i32
    %add3A_44 = arith.addi %add3A, %add3A_43 : i32
    %dma_wait3A_45 = tpu.memref_slice %arg7[%add3A_44] : memref<6400000xf32, #tpu.memory_space<hbm>> -> memref<2000xf32, #tpu.memory_space<hbm>>
    %dma_wait3A_46 = tpu.memref_slice %arg7[%add3A_44] : memref<6400000xf32, #tpu.memory_space<hbm>> -> memref<2000xf32, #tpu.memory_space<hbm>>
    tpu.wait_dma2 semaphore(%arg44 : memref<!tpu.dma_semaphore, #tpu.memory_space<semaphore_mem>>) src(%arg22 : memref<2000xf32, #tpu.memory_space<vmem>>) dst(%dma_wait3A_46 : memref<2000xf32, #tpu.memory_space<hbm>>)
    %dma_wait3A_47 = arith.constant 0 : i32
    %dma_wait3A_48 = tpu.memref_slice %arg11[%dma_wait3A_47] : memref<100352xf32, #tpu.memory_space<vmem_shared>> -> memref<100352xf32, #tpu.memory_space<vmem_shared>>
    tpu.wait_indirect_dma semaphore(%arg41 : memref<!tpu.dma_semaphore, #tpu.memory_space<semaphore_mem>>) src(%arg27 : memref<2000xf32, #tpu.memory_space<vmem>>) dst(%dma_wait3A_48 : memref<100352xf32, #tpu.memory_space<vmem_shared>>)
    %add3A_49 = arith.constant 198000 : i32
    %add3A_50 = arith.addi %add3A, %add3A_49 : i32
    %dma_wait3A_51 = tpu.memref_slice %arg7[%add3A_50] : memref<6400000xf32, #tpu.memory_space<hbm>> -> memref<2000xf32, #tpu.memory_space<hbm>>
    %dma_wait3A_52 = tpu.memref_slice %arg7[%add3A_50] : memref<6400000xf32, #tpu.memory_space<hbm>> -> memref<2000xf32, #tpu.memory_space<hbm>>
    tpu.wait_dma2 semaphore(%arg45 : memref<!tpu.dma_semaphore, #tpu.memory_space<semaphore_mem>>) src(%arg23 : memref<2000xf32, #tpu.memory_space<vmem>>) dst(%dma_wait3A_52 : memref<2000xf32, #tpu.memory_space<hbm>>)
    %barrier3A_53 = arith.constant 0 : index
    tpu.barrier barrier_id(%barrier3A_53)
    "tpu.region"() ({
      %run_scoped3A = tpu.sem_alloc : memref<!tpu.dma_semaphore, #tpu.memory_space<semaphore_mem>>
      %dma_start3A_228 = tpu.memref_slice %arg11[%mul3A_0] : memref<100352xf32, #tpu.memory_space<vmem_shared>> -> memref<6272xf32, #tpu.memory_space<vmem_shared>>
      %dma_start3A_229 = tpu.memref_slice %arg11[%mul3A_0] : memref<100352xf32, #tpu.memory_space<vmem_shared>> -> memref<6272xf32, #tpu.memory_space<vmem_shared>>
      tpu.enqueue_dma source(%dma_start3A_229 : memref<6272xf32, #tpu.memory_space<vmem_shared>>) target(%arg30 : memref<6272xf32, #tpu.memory_space<vmem>>) target_semaphore(%run_scoped3A : memref<!tpu.dma_semaphore, #tpu.memory_space<semaphore_mem>>)
      %dma_wait3A_230 = tpu.memref_slice %arg11[%mul3A_0] : memref<100352xf32, #tpu.memory_space<vmem_shared>> -> memref<6272xf32, #tpu.memory_space<vmem_shared>>
      %dma_wait3A_231 = tpu.memref_slice %arg11[%mul3A_0] : memref<100352xf32, #tpu.memory_space<vmem_shared>> -> memref<6272xf32, #tpu.memory_space<vmem_shared>>
      tpu.wait_dma2 semaphore(%run_scoped3A : memref<!tpu.dma_semaphore, #tpu.memory_space<semaphore_mem>>) src(%dma_wait3A_231 : memref<6272xf32, #tpu.memory_space<vmem_shared>>) dst(%arg30 : memref<6272xf32, #tpu.memory_space<vmem>>)
      tpu.yield
    }) : () -> ()
    %mul3A_54 = arith.constant 100352 : i32
    %mul3A_55 = arith.muli %arg0, %mul3A_54 : i32
    %add3A_56 = arith.addi %mul3A_55, %mul3A_0 : i32
    "tpu.region"() ({
      %run_scoped3A = tpu.sem_alloc : memref<!tpu.dma_semaphore, #tpu.memory_space<semaphore_mem>>
      %dma_start3A_228 = tpu.memref_slice %arg8[%add3A_56] : memref<200704xf32, #tpu.memory_space<hbm>> -> memref<6272xf32, #tpu.memory_space<hbm>>
      %dma_start3A_229 = tpu.memref_slice %arg8[%add3A_56] : memref<200704xf32, #tpu.memory_space<hbm>> -> memref<6272xf32, #tpu.memory_space<hbm>>
      tpu.enqueue_dma source(%arg30 : memref<6272xf32, #tpu.memory_space<vmem>>) target(%dma_start3A_229 : memref<6272xf32, #tpu.memory_space<hbm>>) target_semaphore(%run_scoped3A : memref<!tpu.dma_semaphore, #tpu.memory_space<semaphore_mem>>)
      %dma_wait3A_230 = tpu.memref_slice %arg8[%add3A_56] : memref<200704xf32, #tpu.memory_space<hbm>> -> memref<6272xf32, #tpu.memory_space<hbm>>
      %dma_wait3A_231 = tpu.memref_slice %arg8[%add3A_56] : memref<200704xf32, #tpu.memory_space<hbm>> -> memref<6272xf32, #tpu.memory_space<hbm>>
      tpu.wait_dma2 semaphore(%run_scoped3A : memref<!tpu.dma_semaphore, #tpu.memory_space<semaphore_mem>>) src(%arg30 : memref<6272xf32, #tpu.memory_space<vmem>>) dst(%dma_wait3A_231 : memref<6272xf32, #tpu.memory_space<hbm>>)
      tpu.yield
    }) : () -> ()
    %parallel_loop3A_57 = arith.constant 0 : i32
    %parallel_loop3A_58 = arith.constant 392 : i32
    %parallel_loop3A_59 = arith.constant 1 : i32
    scf.for %parallel_loop3A_228 = %parallel_loop3A_57 to %parallel_loop3A_58 step %parallel_loop3A_59  : i32 {
      %parallel_loop3A_229 = arith.constant 16 : i32
      %parallel_loop3A_230 = arith.muli %parallel_loop3A_228, %parallel_loop3A_229 : i32
      %parallel_loop3A_231 = arith.constant 0.000000e+00 : f32
      %parallel_loop3A_232 = vector.broadcast %parallel_loop3A_231 : f32 to vector<16xf32>
      %parallel_loop3A_233 = arith.index_cast %parallel_loop3A_230 : i32 to index
      %parallel_loop3A_234 = tpu.vector_load %arg31[%parallel_loop3A_233] {strides = array<i32>} : memref<6272xf32, #tpu.memory_space<vmem>>, vector<16xf32>,
      tpu.vector_store %arg31[%parallel_loop3A_233], %parallel_loop3A_232 {strides = array<i32>} : memref<6272xf32, #tpu.memory_space<vmem>>, vector<16xf32>,
    } {sc.loop_unroll_factor = 8 : i64, sc.parallel_access}
    "tpu.region"() ({
      %run_scoped3A = tpu.sem_alloc : memref<!tpu.dma_semaphore, #tpu.memory_space<semaphore_mem>>
      %dma_start3A_228 = tpu.memref_slice %arg11[%mul3A_0] : memref<100352xf32, #tpu.memory_space<vmem_shared>> -> memref<6272xf32, #tpu.memory_space<vmem_shared>>
      %dma_start3A_229 = tpu.memref_slice %arg11[%mul3A_0] : memref<100352xf32, #tpu.memory_space<vmem_shared>> -> memref<6272xf32, #tpu.memory_space<vmem_shared>>
      tpu.enqueue_dma source(%arg31 : memref<6272xf32, #tpu.memory_space<vmem>>) target(%dma_start3A_229 : memref<6272xf32, #tpu.memory_space<vmem_shared>>) target_semaphore(%run_scoped3A : memref<!tpu.dma_semaphore, #tpu.memory_space<semaphore_mem>>)
      %dma_wait3A_230 = tpu.memref_slice %arg11[%mul3A_0] : memref<100352xf32, #tpu.memory_space<vmem_shared>> -> memref<6272xf32, #tpu.memory_space<vmem_shared>>
      %dma_wait3A_231 = tpu.memref_slice %arg11[%mul3A_0] : memref<100352xf32, #tpu.memory_space<vmem_shared>> -> memref<6272xf32, #tpu.memory_space<vmem_shared>>
      tpu.wait_dma2 semaphore(%run_scoped3A : memref<!tpu.dma_semaphore, #tpu.memory_space<semaphore_mem>>) src(%arg31 : memref<6272xf32, #tpu.memory_space<vmem>>) dst(%dma_wait3A_231 : memref<6272xf32, #tpu.memory_space<vmem_shared>>)
      tpu.yield
    }) : () -> ()
    %barrier3A_60 = arith.constant 0 : index
    tpu.barrier barrier_id(%barrier3A_60)
    %eq3A_61 = arith.constant 0 : i32
    %eq3A_62 = arith.cmpi eq, %arg1, %eq3A_61 : i32
    %convert_element_type3A_63 = arith.extui %eq3A_62 : i1 to i32
    %cond3A_64 = arith.constant 0 : i32
    %cond3A_65 = arith.cmpi ne, %convert_element_type3A_63, %cond3A_64 : i32
    scf.if %cond3A_65 {
      %broadcast_in_dim3A_228 = arith.constant 1554098945 : i32
      %broadcast_in_dim3A_229 = vector.broadcast %broadcast_in_dim3A_228 : i32 to vector<16xi32>
      %swap3A_230 = arith.constant 0 : index
      %swap3A_231 = tpu.vector_load %arg32[%swap3A_230] {strides = array<i32>} : memref<16xi32, #tpu.memory_space<vmem>>, vector<16xi32>,
      tpu.vector_store %arg32[%swap3A_230], %broadcast_in_dim3A_229 {strides = array<i32>} : memref<16xi32, #tpu.memory_space<vmem>>, vector<16xi32>,
      %mul3A_232 = arith.constant 3 : i32
      %mul3A_233 = arith.muli %arg0, %mul3A_232 : i32
      %add3A_234 = arith.constant 1 : i32
      %add3A_235 = arith.addi %mul3A_233, %add3A_234 : i32
      %sub3A_236 = arith.constant 1 : i32
      %sub3A_237 = arith.subi %add3A_235, %sub3A_236 : i32
      %mul3A_238 = arith.constant 16 : i32
      %mul3A_239 = arith.muli %sub3A_237, %mul3A_238 : i32
      "tpu.region"() ({
        %run_scoped3A = tpu.sem_alloc : memref<!tpu.dma_semaphore, #tpu.memory_space<semaphore_mem>>
        %dma_start3A_240 = tpu.memref_slice %arg9[%mul3A_239] : memref<96xi32, #tpu.memory_space<hbm>> -> memref<16xi32, #tpu.memory_space<hbm>>
        %dma_start3A_241 = tpu.memref_slice %arg9[%mul3A_239] : memref<96xi32, #tpu.memory_space<hbm>> -> memref<16xi32, #tpu.memory_space<hbm>>
        tpu.enqueue_dma source(%arg32 : memref<16xi32, #tpu.memory_space<vmem>>) target(%dma_start3A_241 : memref<16xi32, #tpu.memory_space<hbm>>) target_semaphore(%run_scoped3A : memref<!tpu.dma_semaphore, #tpu.memory_space<semaphore_mem>>)
        %dma_wait3A_242 = tpu.memref_slice %arg9[%mul3A_239] : memref<96xi32, #tpu.memory_space<hbm>> -> memref<16xi32, #tpu.memory_space<hbm>>
        %dma_wait3A_243 = tpu.memref_slice %arg9[%mul3A_239] : memref<96xi32, #tpu.memory_space<hbm>> -> memref<16xi32, #tpu.memory_space<hbm>>
        tpu.wait_dma2 semaphore(%run_scoped3A : memref<!tpu.dma_semaphore, #tpu.memory_space<semaphore_mem>>) src(%arg32 : memref<16xi32, #tpu.memory_space<vmem>>) dst(%dma_wait3A_243 : memref<16xi32, #tpu.memory_space<hbm>>)
        tpu.yield
      }) : () -> ()
    } else {
    }
    %broadcast_in_dim3A = arith.constant 0 : i32
    %broadcast_in_dim3A_66 = vector.broadcast %broadcast_in_dim3A : i32 to vector<16xi32>
    %swap3A = arith.constant 0 : index
    %swap3A_67 = tpu.vector_load %arg33[%swap3A] {strides = array<i32>} : memref<16xi32, #tpu.memory_space<vmem>>, vector<16xi32>,
    tpu.vector_store %arg33[%swap3A], %broadcast_in_dim3A_66 {strides = array<i32>} : memref<16xi32, #tpu.memory_space<vmem>>, vector<16xi32>,
    %scan3A_68 = arith.constant 0 : i32
    %scan3A_69 = arith.constant 100 : i32
    %scan3A_70 = arith.addi %scan3A_68, %scan3A_69 : i32
    %scan3A_71 = arith.constant 1 : i32
    scf.for %scan3A_228 = %scan3A_68 to %scan3A_70 step %scan3A_71  : i32 {
      %mul3A_229 = arith.constant 1 : i32
      %mul3A_230 = arith.muli %scan3A_228, %mul3A_229 : i32
      %add3A_231 = arith.constant 0 : i32
      %add3A_232 = arith.addi %add3A_231, %mul3A_230 : i32
      %get3A = arith.constant 0 : index
      %get3A_233 = tpu.vector_load %arg33[%get3A] {strides = array<i32>} : memref<16xi32, #tpu.memory_space<vmem>>, vector<16xi32>,
      %reduce_min3A = arith.constant true
      %reduce_min3A_234 = vector.broadcast %reduce_min3A : i1 to vector<16xi1>
      %reduce_min3A_235 = arith.constant -2147483648 : i32
      %reduce_min3A_236 = vector.broadcast %reduce_min3A_235 : i32 to vector<16xi32>
      %reduce_min3A_237 = arith.xori %get3A_233, %reduce_min3A_236 : vector<16xi32>
      %reduce_min3A_238 = tpu.scan <min>, %reduce_min3A_237 masked %reduce_min3A_234 : vector<16xi32>, vector<16xi1> -> vector<16xi32>
      %reduce_min3A_239 = arith.xori %reduce_min3A_238, %reduce_min3A_236 : vector<16xi32>
      %reduce_min3A_240 = vector.extract %reduce_min3A_239[15] : i32 from vector<16xi32>
      %eq3A_241 = arith.constant 0 : i32
      %eq3A_242 = arith.cmpi eq, %reduce_min3A_240, %eq3A_241 : i32
      %convert_element_type3A_243 = arith.extui %eq3A_242 : i1 to i32
      %cond3A_244 = arith.constant 0 : i32
      %cond3A_245 = arith.cmpi ne, %convert_element_type3A_243, %cond3A_244 : i32
      scf.if %cond3A_245 {
        %sub3A_246 = arith.constant 1 : i32
        %sub3A_247 = arith.subi %sub3A_246, %arg0 : i32
        %mul3A_248 = arith.constant 3 : i32
        %mul3A_249 = arith.muli %sub3A_247, %mul3A_248 : i32
        %add3A_250 = arith.constant 1 : i32
        %add3A_251 = arith.addi %mul3A_249, %add3A_250 : i32
        %sub3A_252 = arith.constant 1 : i32
        %sub3A_253 = arith.subi %add3A_251, %sub3A_252 : i32
        %mul3A_254 = arith.constant 16 : i32
        %mul3A_255 = arith.muli %sub3A_253, %mul3A_254 : i32
        %dma_start3A_256 = tpu.memref_slice %arg9[%mul3A_255] : memref<96xi32, #tpu.memory_space<hbm>> -> memref<16xi32, #tpu.memory_space<hbm>>
        %dma_start3A_257 = tpu.memref_slice %arg9[%mul3A_255] : memref<96xi32, #tpu.memory_space<hbm>> -> memref<16xi32, #tpu.memory_space<hbm>>
        tpu.enqueue_dma source(%dma_start3A_257 : memref<16xi32, #tpu.memory_space<hbm>>) target(%arg32 : memref<16xi32, #tpu.memory_space<vmem>>) target_semaphore(%arg50 : memref<!tpu.dma_semaphore, #tpu.memory_space<semaphore_mem>>)
        %dma_wait3A_258 = tpu.memref_slice %arg9[%mul3A_255] : memref<96xi32, #tpu.memory_space<hbm>> -> memref<16xi32, #tpu.memory_space<hbm>>
        %dma_wait3A_259 = tpu.memref_slice %arg9[%mul3A_255] : memref<96xi32, #tpu.memory_space<hbm>> -> memref<16xi32, #tpu.memory_space<hbm>>
        tpu.wait_dma2 semaphore(%arg50 : memref<!tpu.dma_semaphore, #tpu.memory_space<semaphore_mem>>) src(%dma_wait3A_259 : memref<16xi32, #tpu.memory_space<hbm>>) dst(%arg32 : memref<16xi32, #tpu.memory_space<vmem>>)
        %sub3A_260 = arith.constant 1 : i32
        %sub3A_261 = arith.subi %sub3A_260, %arg0 : i32
        %mul3A_262 = arith.constant 3 : i32
        %mul3A_263 = arith.muli %sub3A_261, %mul3A_262 : i32
        %add3A_264 = arith.constant 1 : i32
        %add3A_265 = arith.addi %mul3A_263, %add3A_264 : i32
        %sub3A_266 = arith.constant 1 : i32
        %sub3A_267 = arith.subi %add3A_265, %sub3A_266 : i32
        %mul3A_268 = arith.constant 16 : i32
        %mul3A_269 = arith.muli %sub3A_267, %mul3A_268 : i32
        %dma_start3A_270 = tpu.memref_slice %arg9[%mul3A_269] : memref<96xi32, #tpu.memory_space<hbm>> -> memref<16xi32, #tpu.memory_space<hbm>>
        %dma_start3A_271 = tpu.memref_slice %arg9[%mul3A_269] : memref<96xi32, #tpu.memory_space<hbm>> -> memref<16xi32, #tpu.memory_space<hbm>>
        tpu.enqueue_dma source(%dma_start3A_271 : memref<16xi32, #tpu.memory_space<hbm>>) target(%arg32 : memref<16xi32, #tpu.memory_space<vmem>>) target_semaphore(%arg50 : memref<!tpu.dma_semaphore, #tpu.memory_space<semaphore_mem>>)
        %dma_wait3A_272 = tpu.memref_slice %arg9[%mul3A_269] : memref<96xi32, #tpu.memory_space<hbm>> -> memref<16xi32, #tpu.memory_space<hbm>>
        %dma_wait3A_273 = tpu.memref_slice %arg9[%mul3A_269] : memref<96xi32, #tpu.memory_space<hbm>> -> memref<16xi32, #tpu.memory_space<hbm>>
        tpu.wait_dma2 semaphore(%arg50 : memref<!tpu.dma_semaphore, #tpu.memory_space<semaphore_mem>>) src(%dma_wait3A_273 : memref<16xi32, #tpu.memory_space<hbm>>) dst(%arg32 : memref<16xi32, #tpu.memory_space<vmem>>)
        %sub3A_274 = arith.constant 1 : i32
        %sub3A_275 = arith.subi %sub3A_274, %arg0 : i32
        %mul3A_276 = arith.constant 3 : i32
        %mul3A_277 = arith.muli %sub3A_275, %mul3A_276 : i32
        %add3A_278 = arith.constant 1 : i32
        %add3A_279 = arith.addi %mul3A_277, %add3A_278 : i32
        %sub3A_280 = arith.constant 1 : i32
        %sub3A_281 = arith.subi %add3A_279, %sub3A_280 : i32
        %mul3A_282 = arith.constant 16 : i32
        %mul3A_283 = arith.muli %sub3A_281, %mul3A_282 : i32
        %dma_start3A_284 = tpu.memref_slice %arg9[%mul3A_283] : memref<96xi32, #tpu.memory_space<hbm>> -> memref<16xi32, #tpu.memory_space<hbm>>
        %dma_start3A_285 = tpu.memref_slice %arg9[%mul3A_283] : memref<96xi32, #tpu.memory_space<hbm>> -> memref<16xi32, #tpu.memory_space<hbm>>
        tpu.enqueue_dma source(%dma_start3A_285 : memref<16xi32, #tpu.memory_space<hbm>>) target(%arg32 : memref<16xi32, #tpu.memory_space<vmem>>) target_semaphore(%arg50 : memref<!tpu.dma_semaphore, #tpu.memory_space<semaphore_mem>>)
        %dma_wait3A_286 = tpu.memref_slice %arg9[%mul3A_283] : memref<96xi32, #tpu.memory_space<hbm>> -> memref<16xi32, #tpu.memory_space<hbm>>
        %dma_wait3A_287 = tpu.memref_slice %arg9[%mul3A_283] : memref<96xi32, #tpu.memory_space<hbm>> -> memref<16xi32, #tpu.memory_space<hbm>>
        tpu.wait_dma2 semaphore(%arg50 : memref<!tpu.dma_semaphore, #tpu.memory_space<semaphore_mem>>) src(%dma_wait3A_287 : memref<16xi32, #tpu.memory_space<hbm>>) dst(%arg32 : memref<16xi32, #tpu.memory_space<vmem>>)
        %sub3A_288 = arith.constant 1 : i32
        %sub3A_289 = arith.subi %sub3A_288, %arg0 : i32
        %mul3A_290 = arith.constant 3 : i32
        %mul3A_291 = arith.muli %sub3A_289, %mul3A_290 : i32
        %add3A_292 = arith.constant 1 : i32
        %add3A_293 = arith.addi %mul3A_291, %add3A_292 : i32
        %sub3A_294 = arith.constant 1 : i32
        %sub3A_295 = arith.subi %add3A_293, %sub3A_294 : i32
        %mul3A_296 = arith.constant 16 : i32
        %mul3A_297 = arith.muli %sub3A_295, %mul3A_296 : i32
        %dma_start3A_298 = tpu.memref_slice %arg9[%mul3A_297] : memref<96xi32, #tpu.memory_space<hbm>> -> memref<16xi32, #tpu.memory_space<hbm>>
        %dma_start3A_299 = tpu.memref_slice %arg9[%mul3A_297] : memref<96xi32, #tpu.memory_space<hbm>> -> memref<16xi32, #tpu.memory_space<hbm>>
        tpu.enqueue_dma source(%dma_start3A_299 : memref<16xi32, #tpu.memory_space<hbm>>) target(%arg32 : memref<16xi32, #tpu.memory_space<vmem>>) target_semaphore(%arg50 : memref<!tpu.dma_semaphore, #tpu.memory_space<semaphore_mem>>)
        %dma_wait3A_300 = tpu.memref_slice %arg9[%mul3A_297] : memref<96xi32, #tpu.memory_space<hbm>> -> memref<16xi32, #tpu.memory_space<hbm>>
        %dma_wait3A_301 = tpu.memref_slice %arg9[%mul3A_297] : memref<96xi32, #tpu.memory_space<hbm>> -> memref<16xi32, #tpu.memory_space<hbm>>
        tpu.wait_dma2 semaphore(%arg50 : memref<!tpu.dma_semaphore, #tpu.memory_space<semaphore_mem>>) src(%dma_wait3A_301 : memref<16xi32, #tpu.memory_space<hbm>>) dst(%arg32 : memref<16xi32, #tpu.memory_space<vmem>>)
        %get3A_302 = arith.constant 0 : index
        %get3A_303 = tpu.vector_load %arg32[%get3A_302] {strides = array<i32>} : memref<16xi32, #tpu.memory_space<vmem>>, vector<16xi32>,
        %eq3A_304 = arith.constant 1554098945 : i32
        %eq3A_305 = vector.broadcast %eq3A_304 : i32 to vector<16xi32>
        %eq3A_306 = arith.cmpi eq, %get3A_303, %eq3A_305 : vector<16xi32>
        %jit3A = arith.constant 1 : i32
        %jit3A_307 = arith.constant 0 : i32
        %broadcast_in_dim3A_308 = vector.broadcast %jit3A : i32 to vector<16xi32>
        %broadcast_in_dim3A_309 = vector.broadcast %jit3A_307 : i32 to vector<16xi32>
        %select_n3A = arith.select %eq3A_306, %broadcast_in_dim3A_308, %broadcast_in_dim3A_309 : vector<16xi1>, vector<16xi32>
        %swap3A_310 = arith.constant 0 : index
        %swap3A_311 = tpu.vector_load %arg33[%swap3A_310] {strides = array<i32>} : memref<16xi32, #tpu.memory_space<vmem>>, vector<16xi32>,
        tpu.vector_store %arg33[%swap3A_310], %select_n3A {strides = array<i32>} : memref<16xi32, #tpu.memory_space<vmem>>, vector<16xi32>,
      } else {
      }
    }
    %scan3A_72 = arith.constant 100 : i32
    %sub3A = arith.constant 1 : i32
    %sub3A_73 = arith.subi %sub3A, %arg0 : i32
    %mul3A_74 = arith.constant 100352 : i32
    %mul3A_75 = arith.muli %sub3A_73, %mul3A_74 : i32
    %add3A_76 = arith.addi %mul3A_75, %mul3A_0 : i32
    "tpu.region"() ({
      %run_scoped3A = tpu.sem_alloc : memref<!tpu.dma_semaphore, #tpu.memory_space<semaphore_mem>>
      %dma_start3A_228 = tpu.memref_slice %arg8[%add3A_76] : memref<200704xf32, #tpu.memory_space<hbm>> -> memref<6272xf32, #tpu.memory_space<hbm>>
      %dma_start3A_229 = tpu.memref_slice %arg8[%add3A_76] : memref<200704xf32, #tpu.memory_space<hbm>> -> memref<6272xf32, #tpu.memory_space<hbm>>
      tpu.enqueue_dma source(%dma_start3A_229 : memref<6272xf32, #tpu.memory_space<hbm>>) target(%arg31 : memref<6272xf32, #tpu.memory_space<vmem>>) target_semaphore(%run_scoped3A : memref<!tpu.dma_semaphore, #tpu.memory_space<semaphore_mem>>)
      %dma_wait3A_230 = tpu.memref_slice %arg8[%add3A_76] : memref<200704xf32, #tpu.memory_space<hbm>> -> memref<6272xf32, #tpu.memory_space<hbm>>
      %dma_wait3A_231 = tpu.memref_slice %arg8[%add3A_76] : memref<200704xf32, #tpu.memory_space<hbm>> -> memref<6272xf32, #tpu.memory_space<hbm>>
      tpu.wait_dma2 semaphore(%run_scoped3A : memref<!tpu.dma_semaphore, #tpu.memory_space<semaphore_mem>>) src(%dma_wait3A_231 : memref<6272xf32, #tpu.memory_space<hbm>>) dst(%arg31 : memref<6272xf32, #tpu.memory_space<vmem>>)
      tpu.yield
    }) : () -> ()
    %parallel_loop3A_77 = arith.constant 0 : i32
    %parallel_loop3A_78 = arith.constant 392 : i32
    %parallel_loop3A_79 = arith.constant 1 : i32
    scf.for %parallel_loop3A_228 = %parallel_loop3A_77 to %parallel_loop3A_78 step %parallel_loop3A_79  : i32 {
      %parallel_loop3A_229 = arith.constant 16 : i32
      %parallel_loop3A_230 = arith.muli %parallel_loop3A_228, %parallel_loop3A_229 : i32
      %parallel_loop3A_231 = arith.index_cast %parallel_loop3A_230 : i32 to index
      %parallel_loop3A_232 = tpu.vector_load %arg30[%parallel_loop3A_231] {strides = array<i32>} : memref<6272xf32, #tpu.memory_space<vmem>>, vector<16xf32>,
      %parallel_loop3A_233 = arith.index_cast %parallel_loop3A_230 : i32 to index
      %parallel_loop3A_234 = tpu.vector_load %arg31[%parallel_loop3A_233] {strides = array<i32>} : memref<6272xf32, #tpu.memory_space<vmem>>, vector<16xf32>,
      %parallel_loop3A_235 = arith.addf %parallel_loop3A_232, %parallel_loop3A_234 : vector<16xf32>
      %parallel_loop3A_236 = arith.constant 0.000000e+00 : f32
      %parallel_loop3A_237 = vector.broadcast %parallel_loop3A_236 : f32 to vector<16xf32>
      %parallel_loop3A_238 = arith.maximumf %parallel_loop3A_235, %parallel_loop3A_237 : vector<16xf32>
      %parallel_loop3A_239 = arith.constant 1.000000e+01 : f32
      %parallel_loop3A_240 = vector.broadcast %parallel_loop3A_239 : f32 to vector<16xf32>
      %parallel_loop3A_241 = arith.minimumf %parallel_loop3A_238, %parallel_loop3A_240 : vector<16xf32>
      %parallel_loop3A_242 = arith.index_cast %parallel_loop3A_230 : i32 to index
      %parallel_loop3A_243 = tpu.vector_load %arg29[%parallel_loop3A_242] {strides = array<i32>} : memref<6272xf32, #tpu.memory_space<vmem>>, vector<16xf32>,
      %parallel_loop3A_244 = arith.constant 0.000000e+00 : f32
      %parallel_loop3A_245 = vector.broadcast %parallel_loop3A_244 : f32 to vector<16xf32>
      %parallel_loop3A_246 = arith.subf %parallel_loop3A_245, %parallel_loop3A_241 : vector<16xf32>
      %parallel_loop3A_247 = math.exp %parallel_loop3A_246 : vector<16xf32>
      %parallel_loop3A_248 = arith.constant 1.000000e+00 : f32
      %parallel_loop3A_249 = vector.broadcast %parallel_loop3A_248 : f32 to vector<16xf32>
      %parallel_loop3A_250 = arith.subf %parallel_loop3A_249, %parallel_loop3A_247 : vector<16xf32>
      %parallel_loop3A_251 = arith.mulf %parallel_loop3A_243, %parallel_loop3A_250 : vector<16xf32>
      %parallel_loop3A_252 = arith.index_cast %parallel_loop3A_230 : i32 to index
      %parallel_loop3A_253 = tpu.vector_load %arg28[%parallel_loop3A_252] {strides = array<i32>} : memref<6272xf32, #tpu.memory_space<vmem>>, vector<16xf32>,
      tpu.vector_store %arg28[%parallel_loop3A_252], %parallel_loop3A_251 {strides = array<i32>} : memref<6272xf32, #tpu.memory_space<vmem>>, vector<16xf32>,
      %parallel_loop3A_254 = arith.constant 1.000000e+00 : f32
      %parallel_loop3A_255 = vector.broadcast %parallel_loop3A_254 : f32 to vector<16xf32>
      %parallel_loop3A_256 = arith.subf %parallel_loop3A_255, %parallel_loop3A_251 : vector<16xf32>
      %parallel_loop3A_257 = arith.mulf %parallel_loop3A_243, %parallel_loop3A_256 : vector<16xf32>
      %parallel_loop3A_258 = arith.index_cast %parallel_loop3A_230 : i32 to index
      %parallel_loop3A_259 = tpu.vector_load %arg29[%parallel_loop3A_258] {strides = array<i32>} : memref<6272xf32, #tpu.memory_space<vmem>>, vector<16xf32>,
      tpu.vector_store %arg29[%parallel_loop3A_258], %parallel_loop3A_257 {strides = array<i32>} : memref<6272xf32, #tpu.memory_space<vmem>>, vector<16xf32>,
    } {sc.loop_unroll_factor = 8 : i64, sc.parallel_access}
    "tpu.region"() ({
      %run_scoped3A = tpu.sem_alloc : memref<!tpu.dma_semaphore, #tpu.memory_space<semaphore_mem>>
      %dma_start3A_228 = tpu.memref_slice %arg10[%mul3A_0] : memref<100352xf32, #tpu.memory_space<vmem_shared>> -> memref<6272xf32, #tpu.memory_space<vmem_shared>>
      %dma_start3A_229 = tpu.memref_slice %arg10[%mul3A_0] : memref<100352xf32, #tpu.memory_space<vmem_shared>> -> memref<6272xf32, #tpu.memory_space<vmem_shared>>
      tpu.enqueue_dma source(%arg28 : memref<6272xf32, #tpu.memory_space<vmem>>) target(%dma_start3A_229 : memref<6272xf32, #tpu.memory_space<vmem_shared>>) target_semaphore(%run_scoped3A : memref<!tpu.dma_semaphore, #tpu.memory_space<semaphore_mem>>)
      %dma_wait3A_230 = tpu.memref_slice %arg10[%mul3A_0] : memref<100352xf32, #tpu.memory_space<vmem_shared>> -> memref<6272xf32, #tpu.memory_space<vmem_shared>>
      %dma_wait3A_231 = tpu.memref_slice %arg10[%mul3A_0] : memref<100352xf32, #tpu.memory_space<vmem_shared>> -> memref<6272xf32, #tpu.memory_space<vmem_shared>>
      tpu.wait_dma2 semaphore(%run_scoped3A : memref<!tpu.dma_semaphore, #tpu.memory_space<semaphore_mem>>) src(%arg28 : memref<6272xf32, #tpu.memory_space<vmem>>) dst(%dma_wait3A_231 : memref<6272xf32, #tpu.memory_space<vmem_shared>>)
      tpu.yield
    }) : () -> ()
    %barrier3A_80 = arith.constant 0 : index
    tpu.barrier barrier_id(%barrier3A_80)
    %add3A_81 = arith.constant 0 : i32
    %add3A_82 = arith.addi %add3A, %add3A_81 : i32
    %dma_start3A_83 = tpu.memref_slice %arg3[%add3A_82] : memref<6400000xi32, #tpu.memory_space<hbm>> -> memref<2000xi32, #tpu.memory_space<hbm>>
    %dma_start3A_84 = tpu.memref_slice %arg3[%add3A_82] : memref<6400000xi32, #tpu.memory_space<hbm>> -> memref<2000xi32, #tpu.memory_space<hbm>>
    tpu.enqueue_dma source(%dma_start3A_84 : memref<2000xi32, #tpu.memory_space<hbm>>) target(%arg12 : memref<2000xi32, #tpu.memory_space<vmem>>) target_semaphore(%arg34 : memref<!tpu.dma_semaphore, #tpu.memory_space<semaphore_mem>>)
    %dma_start3A_85 = tpu.memref_slice %arg4[%add3A_82] : memref<6400000xi32, #tpu.memory_space<hbm>> -> memref<2000xi32, #tpu.memory_space<hbm>>
    %dma_start3A_86 = tpu.memref_slice %arg4[%add3A_82] : memref<6400000xi32, #tpu.memory_space<hbm>> -> memref<2000xi32, #tpu.memory_space<hbm>>
    tpu.enqueue_dma source(%dma_start3A_86 : memref<2000xi32, #tpu.memory_space<hbm>>) target(%arg16 : memref<2000xi32, #tpu.memory_space<vmem>>) target_semaphore(%arg34 : memref<!tpu.dma_semaphore, #tpu.memory_space<semaphore_mem>>)
    %dma_start3A_87 = tpu.memref_slice %arg7[%add3A_82] : memref<6400000xf32, #tpu.memory_space<hbm>> -> memref<2000xf32, #tpu.memory_space<hbm>>
    %dma_start3A_88 = tpu.memref_slice %arg7[%add3A_82] : memref<6400000xf32, #tpu.memory_space<hbm>> -> memref<2000xf32, #tpu.memory_space<hbm>>
    tpu.enqueue_dma source(%dma_start3A_88 : memref<2000xf32, #tpu.memory_space<hbm>>) target(%arg20 : memref<2000xf32, #tpu.memory_space<vmem>>) target_semaphore(%arg34 : memref<!tpu.dma_semaphore, #tpu.memory_space<semaphore_mem>>)
    %add3A_89 = arith.constant 2000 : i32
    %add3A_90 = arith.addi %add3A, %add3A_89 : i32
    %dma_start3A_91 = tpu.memref_slice %arg3[%add3A_90] : memref<6400000xi32, #tpu.memory_space<hbm>> -> memref<2000xi32, #tpu.memory_space<hbm>>
    %dma_start3A_92 = tpu.memref_slice %arg3[%add3A_90] : memref<6400000xi32, #tpu.memory_space<hbm>> -> memref<2000xi32, #tpu.memory_space<hbm>>
    tpu.enqueue_dma source(%dma_start3A_92 : memref<2000xi32, #tpu.memory_space<hbm>>) target(%arg13 : memref<2000xi32, #tpu.memory_space<vmem>>) target_semaphore(%arg35 : memref<!tpu.dma_semaphore, #tpu.memory_space<semaphore_mem>>)
    %dma_start3A_93 = tpu.memref_slice %arg4[%add3A_90] : memref<6400000xi32, #tpu.memory_space<hbm>> -> memref<2000xi32, #tpu.memory_space<hbm>>
    %dma_start3A_94 = tpu.memref_slice %arg4[%add3A_90] : memref<6400000xi32, #tpu.memory_space<hbm>> -> memref<2000xi32, #tpu.memory_space<hbm>>
    tpu.enqueue_dma source(%dma_start3A_94 : memref<2000xi32, #tpu.memory_space<hbm>>) target(%arg17 : memref<2000xi32, #tpu.memory_space<vmem>>) target_semaphore(%arg35 : memref<!tpu.dma_semaphore, #tpu.memory_space<semaphore_mem>>)
    %dma_start3A_95 = tpu.memref_slice %arg7[%add3A_90] : memref<6400000xf32, #tpu.memory_space<hbm>> -> memref<2000xf32, #tpu.memory_space<hbm>>
    %dma_start3A_96 = tpu.memref_slice %arg7[%add3A_90] : memref<6400000xf32, #tpu.memory_space<hbm>> -> memref<2000xf32, #tpu.memory_space<hbm>>
    tpu.enqueue_dma source(%dma_start3A_96 : memref<2000xf32, #tpu.memory_space<hbm>>) target(%arg21 : memref<2000xf32, #tpu.memory_space<vmem>>) target_semaphore(%arg35 : memref<!tpu.dma_semaphore, #tpu.memory_space<semaphore_mem>>)
    %dma_wait3A_97 = arith.constant 0 : i32
    %dma_wait3A_98 = tpu.memref_slice %arg3[%dma_wait3A_97] : memref<6400000xi32, #tpu.memory_space<hbm>> -> memref<2000xi32, #tpu.memory_space<hbm>>
    %dma_wait3A_99 = arith.constant 0 : i32
    %dma_wait3A_100 = tpu.memref_slice %arg3[%dma_wait3A_99] : memref<6400000xi32, #tpu.memory_space<hbm>> -> memref<2000xi32, #tpu.memory_space<hbm>>
    tpu.wait_dma2 semaphore(%arg34 : memref<!tpu.dma_semaphore, #tpu.memory_space<semaphore_mem>>) src(%dma_wait3A_100 : memref<2000xi32, #tpu.memory_space<hbm>>) dst(%arg12 : memref<2000xi32, #tpu.memory_space<vmem>>)
    %dma_wait3A_101 = arith.constant 0 : i32
    %dma_wait3A_102 = tpu.memref_slice %arg4[%dma_wait3A_101] : memref<6400000xi32, #tpu.memory_space<hbm>> -> memref<2000xi32, #tpu.memory_space<hbm>>
    %dma_wait3A_103 = arith.constant 0 : i32
    %dma_wait3A_104 = tpu.memref_slice %arg4[%dma_wait3A_103] : memref<6400000xi32, #tpu.memory_space<hbm>> -> memref<2000xi32, #tpu.memory_space<hbm>>
    tpu.wait_dma2 semaphore(%arg34 : memref<!tpu.dma_semaphore, #tpu.memory_space<semaphore_mem>>) src(%dma_wait3A_104 : memref<2000xi32, #tpu.memory_space<hbm>>) dst(%arg16 : memref<2000xi32, #tpu.memory_space<vmem>>)
    %dma_wait3A_105 = arith.constant 0 : i32
    %dma_wait3A_106 = tpu.memref_slice %arg5[%dma_wait3A_105] : memref<6400000xf32, #tpu.memory_space<hbm>> -> memref<2000xf32, #tpu.memory_space<hbm>>
    %dma_wait3A_107 = arith.constant 0 : i32
    %dma_wait3A_108 = tpu.memref_slice %arg5[%dma_wait3A_107] : memref<6400000xf32, #tpu.memory_space<hbm>> -> memref<2000xf32, #tpu.memory_space<hbm>>
    tpu.wait_dma2 semaphore(%arg34 : memref<!tpu.dma_semaphore, #tpu.memory_space<semaphore_mem>>) src(%dma_wait3A_108 : memref<2000xf32, #tpu.memory_space<hbm>>) dst(%arg20 : memref<2000xf32, #tpu.memory_space<vmem>>)
    %dma_start3A_109 = arith.constant 0 : i32
    %dma_start3A_110 = tpu.memref_slice %arg10[%dma_start3A_109] : memref<100352xf32, #tpu.memory_space<vmem_shared>> -> memref<100352xf32, #tpu.memory_space<vmem_shared>>
    tpu.enqueue_indirect_dma source(%dma_start3A_110 : memref<100352xf32, #tpu.memory_space<vmem_shared>>) target(%arg24 : memref<2000xf32, #tpu.memory_space<vmem>>) offsets(%arg12 : memref<2000xi32, #tpu.memory_space<vmem>>) semaphore(%arg46 : memref<!tpu.dma_semaphore, #tpu.memory_space<semaphore_mem>>)
    %scan3A_111 = arith.constant 0 : i32
    %scan3A_112 = arith.constant 25 : i32
    %scan3A_113 = arith.addi %scan3A_111, %scan3A_112 : i32
    %scan3A_114 = arith.constant 1 : i32
    scf.for %scan3A_228 = %scan3A_111 to %scan3A_113 step %scan3A_114  : i32 {
      %mul3A_229 = arith.constant 4 : i32
      %mul3A_230 = arith.muli %scan3A_228, %mul3A_229 : i32
      %add3A_231 = arith.constant 0 : i32
      %add3A_232 = arith.addi %add3A_231, %mul3A_230 : i32
      %add3A_233 = arith.constant 0 : i32
      %add3A_234 = arith.addi %add3A_232, %add3A_233 : i32
      %ge3A = arith.constant 2 : i32
      %ge3A_235 = arith.cmpi sge, %add3A_234, %ge3A : i32
      %convert_element_type3A_236 = arith.extui %ge3A_235 : i1 to i32
      %cond3A_237 = arith.constant 0 : i32
      %cond3A_238 = arith.cmpi ne, %convert_element_type3A_236, %cond3A_237 : i32
      scf.if %cond3A_238 {
        %dma_wait3A_343 = arith.constant 0 : i32
        %dma_wait3A_344 = tpu.memref_slice %arg11[%dma_wait3A_343] : memref<100352xf32, #tpu.memory_space<vmem_shared>> -> memref<100352xf32, #tpu.memory_space<vmem_shared>>
        tpu.wait_indirect_dma semaphore(%arg40 : memref<!tpu.dma_semaphore, #tpu.memory_space<semaphore_mem>>) src(%arg26 : memref<2000xf32, #tpu.memory_space<vmem>>) dst(%dma_wait3A_344 : memref<100352xf32, #tpu.memory_space<vmem_shared>>)
      } else {
      }
      %add3A_239 = arith.constant 2 : i32
      %add3A_240 = arith.addi %add3A_234, %add3A_239 : i32
      %lt3A = arith.constant 100 : i32
      %lt3A_241 = arith.cmpi slt, %add3A_240, %lt3A : i32
      %convert_element_type3A_242 = arith.extui %lt3A_241 : i1 to i32
      %cond3A_243 = arith.constant 0 : i32
      %cond3A_244 = arith.cmpi ne, %convert_element_type3A_242, %cond3A_243 : i32
      scf.if %cond3A_244 {
        %add3A_343 = arith.constant 2 : i32
        %add3A_344 = arith.addi %add3A_234, %add3A_343 : i32
        %mul3A_345 = arith.constant 2000 : i32
        %mul3A_346 = arith.muli %add3A_344, %mul3A_345 : i32
        %add3A_347 = arith.addi %add3A, %mul3A_346 : i32
        %dma_start3A_348 = tpu.memref_slice %arg3[%add3A_347] : memref<6400000xi32, #tpu.memory_space<hbm>> -> memref<2000xi32, #tpu.memory_space<hbm>>
        %dma_start3A_349 = tpu.memref_slice %arg3[%add3A_347] : memref<6400000xi32, #tpu.memory_space<hbm>> -> memref<2000xi32, #tpu.memory_space<hbm>>
        tpu.enqueue_dma source(%dma_start3A_349 : memref<2000xi32, #tpu.memory_space<hbm>>) target(%arg14 : memref<2000xi32, #tpu.memory_space<vmem>>) target_semaphore(%arg36 : memref<!tpu.dma_semaphore, #tpu.memory_space<semaphore_mem>>)
        %dma_start3A_350 = tpu.memref_slice %arg4[%add3A_347] : memref<6400000xi32, #tpu.memory_space<hbm>> -> memref<2000xi32, #tpu.memory_space<hbm>>
        %dma_start3A_351 = tpu.memref_slice %arg4[%add3A_347] : memref<6400000xi32, #tpu.memory_space<hbm>> -> memref<2000xi32, #tpu.memory_space<hbm>>
        tpu.enqueue_dma source(%dma_start3A_351 : memref<2000xi32, #tpu.memory_space<hbm>>) target(%arg18 : memref<2000xi32, #tpu.memory_space<vmem>>) target_semaphore(%arg36 : memref<!tpu.dma_semaphore, #tpu.memory_space<semaphore_mem>>)
        %dma_start3A_352 = tpu.memref_slice %arg7[%add3A_347] : memref<6400000xf32, #tpu.memory_space<hbm>> -> memref<2000xf32, #tpu.memory_space<hbm>>
        %dma_start3A_353 = tpu.memref_slice %arg7[%add3A_347] : memref<6400000xf32, #tpu.memory_space<hbm>> -> memref<2000xf32, #tpu.memory_space<hbm>>
        tpu.enqueue_dma source(%dma_start3A_353 : memref<2000xf32, #tpu.memory_space<hbm>>) target(%arg22 : memref<2000xf32, #tpu.memory_space<vmem>>) target_semaphore(%arg36 : memref<!tpu.dma_semaphore, #tpu.memory_space<semaphore_mem>>)
      } else {
      }
      %dma_wait3A_245 = arith.constant 0 : i32
      %dma_wait3A_246 = tpu.memref_slice %arg10[%dma_wait3A_245] : memref<100352xf32, #tpu.memory_space<vmem_shared>> -> memref<100352xf32, #tpu.memory_space<vmem_shared>>
      tpu.wait_indirect_dma semaphore(%arg46 : memref<!tpu.dma_semaphore, #tpu.memory_space<semaphore_mem>>) src(%dma_wait3A_246 : memref<100352xf32, #tpu.memory_space<vmem_shared>>) dst(%arg24 : memref<2000xf32, #tpu.memory_space<vmem>>)
      %add3A_247 = arith.constant 1 : i32
      %add3A_248 = arith.addi %add3A_234, %add3A_247 : i32
      %lt3A_249 = arith.constant 100 : i32
      %lt3A_250 = arith.cmpi slt, %add3A_248, %lt3A_249 : i32
      %convert_element_type3A_251 = arith.extui %lt3A_250 : i1 to i32
      %cond3A_252 = arith.constant 0 : i32
      %cond3A_253 = arith.cmpi ne, %convert_element_type3A_251, %cond3A_252 : i32
      scf.if %cond3A_253 {
        %dma_wait3A_343 = arith.constant 0 : i32
        %dma_wait3A_344 = tpu.memref_slice %arg3[%dma_wait3A_343] : memref<6400000xi32, #tpu.memory_space<hbm>> -> memref<2000xi32, #tpu.memory_space<hbm>>
        %dma_wait3A_345 = arith.constant 0 : i32
        %dma_wait3A_346 = tpu.memref_slice %arg3[%dma_wait3A_345] : memref<6400000xi32, #tpu.memory_space<hbm>> -> memref<2000xi32, #tpu.memory_space<hbm>>
        tpu.wait_dma2 semaphore(%arg35 : memref<!tpu.dma_semaphore, #tpu.memory_space<semaphore_mem>>) src(%dma_wait3A_346 : memref<2000xi32, #tpu.memory_space<hbm>>) dst(%arg13 : memref<2000xi32, #tpu.memory_space<vmem>>)
        %dma_wait3A_347 = arith.constant 0 : i32
        %dma_wait3A_348 = tpu.memref_slice %arg4[%dma_wait3A_347] : memref<6400000xi32, #tpu.memory_space<hbm>> -> memref<2000xi32, #tpu.memory_space<hbm>>
        %dma_wait3A_349 = arith.constant 0 : i32
        %dma_wait3A_350 = tpu.memref_slice %arg4[%dma_wait3A_349] : memref<6400000xi32, #tpu.memory_space<hbm>> -> memref<2000xi32, #tpu.memory_space<hbm>>
        tpu.wait_dma2 semaphore(%arg35 : memref<!tpu.dma_semaphore, #tpu.memory_space<semaphore_mem>>) src(%dma_wait3A_350 : memref<2000xi32, #tpu.memory_space<hbm>>) dst(%arg17 : memref<2000xi32, #tpu.memory_space<vmem>>)
        %dma_wait3A_351 = arith.constant 0 : i32
        %dma_wait3A_352 = tpu.memref_slice %arg5[%dma_wait3A_351] : memref<6400000xf32, #tpu.memory_space<hbm>> -> memref<2000xf32, #tpu.memory_space<hbm>>
        %dma_wait3A_353 = arith.constant 0 : i32
        %dma_wait3A_354 = tpu.memref_slice %arg5[%dma_wait3A_353] : memref<6400000xf32, #tpu.memory_space<hbm>> -> memref<2000xf32, #tpu.memory_space<hbm>>
        tpu.wait_dma2 semaphore(%arg35 : memref<!tpu.dma_semaphore, #tpu.memory_space<semaphore_mem>>) src(%dma_wait3A_354 : memref<2000xf32, #tpu.memory_space<hbm>>) dst(%arg21 : memref<2000xf32, #tpu.memory_space<vmem>>)
        %dma_start3A_355 = arith.constant 0 : i32
        %dma_start3A_356 = tpu.memref_slice %arg10[%dma_start3A_355] : memref<100352xf32, #tpu.memory_space<vmem_shared>> -> memref<100352xf32, #tpu.memory_space<vmem_shared>>
        tpu.enqueue_indirect_dma source(%dma_start3A_356 : memref<100352xf32, #tpu.memory_space<vmem_shared>>) target(%arg25 : memref<2000xf32, #tpu.memory_space<vmem>>) offsets(%arg13 : memref<2000xi32, #tpu.memory_space<vmem>>) semaphore(%arg47 : memref<!tpu.dma_semaphore, #tpu.memory_space<semaphore_mem>>)
      } else {
      }
      %parallel_loop3A_254 = arith.constant 0 : i32
      %parallel_loop3A_255 = arith.constant 125 : i32
      %parallel_loop3A_256 = arith.constant 1 : i32
      scf.for %parallel_loop3A_343 = %parallel_loop3A_254 to %parallel_loop3A_255 step %parallel_loop3A_256  : i32 {
        %parallel_loop3A_344 = arith.constant 16 : i32
        %parallel_loop3A_345 = arith.muli %parallel_loop3A_343, %parallel_loop3A_344 : i32
        %parallel_loop3A_346 = arith.index_cast %parallel_loop3A_345 : i32 to index
        %parallel_loop3A_347 = tpu.vector_load %arg20[%parallel_loop3A_346] {strides = array<i32>} : memref<2000xf32, #tpu.memory_space<vmem>>, vector<16xf32>,
        %parallel_loop3A_348 = arith.index_cast %parallel_loop3A_345 : i32 to index
        %parallel_loop3A_349 = tpu.vector_load %arg24[%parallel_loop3A_348] {strides = array<i32>} : memref<2000xf32, #tpu.memory_space<vmem>>, vector<16xf32>,
        %parallel_loop3A_350 = arith.mulf %parallel_loop3A_347, %parallel_loop3A_349 : vector<16xf32>
        %parallel_loop3A_351 = arith.index_cast %parallel_loop3A_345 : i32 to index
        %parallel_loop3A_352 = tpu.vector_load %arg24[%parallel_loop3A_351] {strides = array<i32>} : memref<2000xf32, #tpu.memory_space<vmem>>, vector<16xf32>,
        tpu.vector_store %arg24[%parallel_loop3A_351], %parallel_loop3A_350 {strides = array<i32>} : memref<2000xf32, #tpu.memory_space<vmem>>, vector<16xf32>,
      } {sc.loop_unroll_factor = 8 : i64, sc.parallel_access}
      %dma_start3A_257 = arith.constant 0 : i32
      %dma_start3A_258 = tpu.memref_slice %arg11[%dma_start3A_257] : memref<100352xf32, #tpu.memory_space<vmem_shared>> -> memref<100352xf32, #tpu.memory_space<vmem_shared>>
      tpu.enqueue_indirect_dma source(%arg24 : memref<2000xf32, #tpu.memory_space<vmem>>) target(%dma_start3A_258 : memref<100352xf32, #tpu.memory_space<vmem_shared>>) offsets(%arg16 : memref<2000xi32, #tpu.memory_space<vmem>>) semaphore(%arg38 : memref<!tpu.dma_semaphore, #tpu.memory_space<semaphore_mem>>) {add = true}
      %add3A_259 = arith.constant 1 : i32
      %add3A_260 = arith.addi %add3A_232, %add3A_259 : i32
      %ge3A_261 = arith.constant 2 : i32
      %ge3A_262 = arith.cmpi sge, %add3A_260, %ge3A_261 : i32
      %convert_element_type3A_263 = arith.extui %ge3A_262 : i1 to i32
      %cond3A_264 = arith.constant 0 : i32
      %cond3A_265 = arith.cmpi ne, %convert_element_type3A_263, %cond3A_264 : i32
      scf.if %cond3A_265 {
        %dma_wait3A_343 = arith.constant 0 : i32
        %dma_wait3A_344 = tpu.memref_slice %arg11[%dma_wait3A_343] : memref<100352xf32, #tpu.memory_space<vmem_shared>> -> memref<100352xf32, #tpu.memory_space<vmem_shared>>
        tpu.wait_indirect_dma semaphore(%arg41 : memref<!tpu.dma_semaphore, #tpu.memory_space<semaphore_mem>>) src(%arg27 : memref<2000xf32, #tpu.memory_space<vmem>>) dst(%dma_wait3A_344 : memref<100352xf32, #tpu.memory_space<vmem_shared>>)
      } else {
      }
      %add3A_266 = arith.constant 2 : i32
      %add3A_267 = arith.addi %add3A_260, %add3A_266 : i32
      %lt3A_268 = arith.constant 100 : i32
      %lt3A_269 = arith.cmpi slt, %add3A_267, %lt3A_268 : i32
      %convert_element_type3A_270 = arith.extui %lt3A_269 : i1 to i32
      %cond3A_271 = arith.constant 0 : i32
      %cond3A_272 = arith.cmpi ne, %convert_element_type3A_270, %cond3A_271 : i32
      scf.if %cond3A_272 {
        %add3A_343 = arith.constant 2 : i32
        %add3A_344 = arith.addi %add3A_260, %add3A_343 : i32
        %mul3A_345 = arith.constant 2000 : i32
        %mul3A_346 = arith.muli %add3A_344, %mul3A_345 : i32
        %add3A_347 = arith.addi %add3A, %mul3A_346 : i32
        %dma_start3A_348 = tpu.memref_slice %arg3[%add3A_347] : memref<6400000xi32, #tpu.memory_space<hbm>> -> memref<2000xi32, #tpu.memory_space<hbm>>
        %dma_start3A_349 = tpu.memref_slice %arg3[%add3A_347] : memref<6400000xi32, #tpu.memory_space<hbm>> -> memref<2000xi32, #tpu.memory_space<hbm>>
        tpu.enqueue_dma source(%dma_start3A_349 : memref<2000xi32, #tpu.memory_space<hbm>>) target(%arg15 : memref<2000xi32, #tpu.memory_space<vmem>>) target_semaphore(%arg37 : memref<!tpu.dma_semaphore, #tpu.memory_space<semaphore_mem>>)
        %dma_start3A_350 = tpu.memref_slice %arg4[%add3A_347] : memref<6400000xi32, #tpu.memory_space<hbm>> -> memref<2000xi32, #tpu.memory_space<hbm>>
        %dma_start3A_351 = tpu.memref_slice %arg4[%add3A_347] : memref<6400000xi32, #tpu.memory_space<hbm>> -> memref<2000xi32, #tpu.memory_space<hbm>>
        tpu.enqueue_dma source(%dma_start3A_351 : memref<2000xi32, #tpu.memory_space<hbm>>) target(%arg19 : memref<2000xi32, #tpu.memory_space<vmem>>) target_semaphore(%arg37 : memref<!tpu.dma_semaphore, #tpu.memory_space<semaphore_mem>>)
        %dma_start3A_352 = tpu.memref_slice %arg7[%add3A_347] : memref<6400000xf32, #tpu.memory_space<hbm>> -> memref<2000xf32, #tpu.memory_space<hbm>>
        %dma_start3A_353 = tpu.memref_slice %arg7[%add3A_347] : memref<6400000xf32, #tpu.memory_space<hbm>> -> memref<2000xf32, #tpu.memory_space<hbm>>
        tpu.enqueue_dma source(%dma_start3A_353 : memref<2000xf32, #tpu.memory_space<hbm>>) target(%arg23 : memref<2000xf32, #tpu.memory_space<vmem>>) target_semaphore(%arg37 : memref<!tpu.dma_semaphore, #tpu.memory_space<semaphore_mem>>)
      } else {
      }
      %dma_wait3A_273 = arith.constant 0 : i32
      %dma_wait3A_274 = tpu.memref_slice %arg10[%dma_wait3A_273] : memref<100352xf32, #tpu.memory_space<vmem_shared>> -> memref<100352xf32, #tpu.memory_space<vmem_shared>>
      tpu.wait_indirect_dma semaphore(%arg47 : memref<!tpu.dma_semaphore, #tpu.memory_space<semaphore_mem>>) src(%dma_wait3A_274 : memref<100352xf32, #tpu.memory_space<vmem_shared>>) dst(%arg25 : memref<2000xf32, #tpu.memory_space<vmem>>)
      %add3A_275 = arith.constant 1 : i32
      %add3A_276 = arith.addi %add3A_260, %add3A_275 : i32
      %lt3A_277 = arith.constant 100 : i32
      %lt3A_278 = arith.cmpi slt, %add3A_276, %lt3A_277 : i32
      %convert_element_type3A_279 = arith.extui %lt3A_278 : i1 to i32
      %cond3A_280 = arith.constant 0 : i32
      %cond3A_281 = arith.cmpi ne, %convert_element_type3A_279, %cond3A_280 : i32
      scf.if %cond3A_281 {
        %dma_wait3A_343 = arith.constant 0 : i32
        %dma_wait3A_344 = tpu.memref_slice %arg3[%dma_wait3A_343] : memref<6400000xi32, #tpu.memory_space<hbm>> -> memref<2000xi32, #tpu.memory_space<hbm>>
        %dma_wait3A_345 = arith.constant 0 : i32
        %dma_wait3A_346 = tpu.memref_slice %arg3[%dma_wait3A_345] : memref<6400000xi32, #tpu.memory_space<hbm>> -> memref<2000xi32, #tpu.memory_space<hbm>>
        tpu.wait_dma2 semaphore(%arg36 : memref<!tpu.dma_semaphore, #tpu.memory_space<semaphore_mem>>) src(%dma_wait3A_346 : memref<2000xi32, #tpu.memory_space<hbm>>) dst(%arg14 : memref<2000xi32, #tpu.memory_space<vmem>>)
        %dma_wait3A_347 = arith.constant 0 : i32
        %dma_wait3A_348 = tpu.memref_slice %arg4[%dma_wait3A_347] : memref<6400000xi32, #tpu.memory_space<hbm>> -> memref<2000xi32, #tpu.memory_space<hbm>>
        %dma_wait3A_349 = arith.constant 0 : i32
        %dma_wait3A_350 = tpu.memref_slice %arg4[%dma_wait3A_349] : memref<6400000xi32, #tpu.memory_space<hbm>> -> memref<2000xi32, #tpu.memory_space<hbm>>
        tpu.wait_dma2 semaphore(%arg36 : memref<!tpu.dma_semaphore, #tpu.memory_space<semaphore_mem>>) src(%dma_wait3A_350 : memref<2000xi32, #tpu.memory_space<hbm>>) dst(%arg18 : memref<2000xi32, #tpu.memory_space<vmem>>)
        %dma_wait3A_351 = arith.constant 0 : i32
        %dma_wait3A_352 = tpu.memref_slice %arg5[%dma_wait3A_351] : memref<6400000xf32, #tpu.memory_space<hbm>> -> memref<2000xf32, #tpu.memory_space<hbm>>
        %dma_wait3A_353 = arith.constant 0 : i32
        %dma_wait3A_354 = tpu.memref_slice %arg5[%dma_wait3A_353] : memref<6400000xf32, #tpu.memory_space<hbm>> -> memref<2000xf32, #tpu.memory_space<hbm>>
        tpu.wait_dma2 semaphore(%arg36 : memref<!tpu.dma_semaphore, #tpu.memory_space<semaphore_mem>>) src(%dma_wait3A_354 : memref<2000xf32, #tpu.memory_space<hbm>>) dst(%arg22 : memref<2000xf32, #tpu.memory_space<vmem>>)
        %dma_start3A_355 = arith.constant 0 : i32
        %dma_start3A_356 = tpu.memref_slice %arg10[%dma_start3A_355] : memref<100352xf32, #tpu.memory_space<vmem_shared>> -> memref<100352xf32, #tpu.memory_space<vmem_shared>>
        tpu.enqueue_indirect_dma source(%dma_start3A_356 : memref<100352xf32, #tpu.memory_space<vmem_shared>>) target(%arg26 : memref<2000xf32, #tpu.memory_space<vmem>>) offsets(%arg14 : memref<2000xi32, #tpu.memory_space<vmem>>) semaphore(%arg48 : memref<!tpu.dma_semaphore, #tpu.memory_space<semaphore_mem>>)
      } else {
      }
      %parallel_loop3A_282 = arith.constant 0 : i32
      %parallel_loop3A_283 = arith.constant 125 : i32
      %parallel_loop3A_284 = arith.constant 1 : i32
      scf.for %parallel_loop3A_343 = %parallel_loop3A_282 to %parallel_loop3A_283 step %parallel_loop3A_284  : i32 {
        %parallel_loop3A_344 = arith.constant 16 : i32
        %parallel_loop3A_345 = arith.muli %parallel_loop3A_343, %parallel_loop3A_344 : i32
        %parallel_loop3A_346 = arith.index_cast %parallel_loop3A_345 : i32 to index
        %parallel_loop3A_347 = tpu.vector_load %arg21[%parallel_loop3A_346] {strides = array<i32>} : memref<2000xf32, #tpu.memory_space<vmem>>, vector<16xf32>,
        %parallel_loop3A_348 = arith.index_cast %parallel_loop3A_345 : i32 to index
        %parallel_loop3A_349 = tpu.vector_load %arg25[%parallel_loop3A_348] {strides = array<i32>} : memref<2000xf32, #tpu.memory_space<vmem>>, vector<16xf32>,
        %parallel_loop3A_350 = arith.mulf %parallel_loop3A_347, %parallel_loop3A_349 : vector<16xf32>
        %parallel_loop3A_351 = arith.index_cast %parallel_loop3A_345 : i32 to index
        %parallel_loop3A_352 = tpu.vector_load %arg25[%parallel_loop3A_351] {strides = array<i32>} : memref<2000xf32, #tpu.memory_space<vmem>>, vector<16xf32>,
        tpu.vector_store %arg25[%parallel_loop3A_351], %parallel_loop3A_350 {strides = array<i32>} : memref<2000xf32, #tpu.memory_space<vmem>>, vector<16xf32>,
      } {sc.loop_unroll_factor = 8 : i64, sc.parallel_access}
      %dma_start3A_285 = arith.constant 0 : i32
      %dma_start3A_286 = tpu.memref_slice %arg11[%dma_start3A_285] : memref<100352xf32, #tpu.memory_space<vmem_shared>> -> memref<100352xf32, #tpu.memory_space<vmem_shared>>
      tpu.enqueue_indirect_dma source(%arg25 : memref<2000xf32, #tpu.memory_space<vmem>>) target(%dma_start3A_286 : memref<100352xf32, #tpu.memory_space<vmem_shared>>) offsets(%arg17 : memref<2000xi32, #tpu.memory_space<vmem>>) semaphore(%arg39 : memref<!tpu.dma_semaphore, #tpu.memory_space<semaphore_mem>>) {add = true}
      %add3A_287 = arith.constant 2 : i32
      %add3A_288 = arith.addi %add3A_232, %add3A_287 : i32
      %ge3A_289 = arith.constant 2 : i32
      %ge3A_290 = arith.cmpi sge, %add3A_288, %ge3A_289 : i32
      %convert_element_type3A_291 = arith.extui %ge3A_290 : i1 to i32
      %cond3A_292 = arith.constant 0 : i32
      %cond3A_293 = arith.cmpi ne, %convert_element_type3A_291, %cond3A_292 : i32
      scf.if %cond3A_293 {
        %dma_wait3A_343 = arith.constant 0 : i32
        %dma_wait3A_344 = tpu.memref_slice %arg11[%dma_wait3A_343] : memref<100352xf32, #tpu.memory_space<vmem_shared>> -> memref<100352xf32, #tpu.memory_space<vmem_shared>>
        tpu.wait_indirect_dma semaphore(%arg38 : memref<!tpu.dma_semaphore, #tpu.memory_space<semaphore_mem>>) src(%arg24 : memref<2000xf32, #tpu.memory_space<vmem>>) dst(%dma_wait3A_344 : memref<100352xf32, #tpu.memory_space<vmem_shared>>)
      } else {
      }
      %add3A_294 = arith.constant 2 : i32
      %add3A_295 = arith.addi %add3A_288, %add3A_294 : i32
      %lt3A_296 = arith.constant 100 : i32
      %lt3A_297 = arith.cmpi slt, %add3A_295, %lt3A_296 : i32
      %convert_element_type3A_298 = arith.extui %lt3A_297 : i1 to i32
      %cond3A_299 = arith.constant 0 : i32
      %cond3A_300 = arith.cmpi ne, %convert_element_type3A_298, %cond3A_299 : i32
      scf.if %cond3A_300 {
        %add3A_343 = arith.constant 2 : i32
        %add3A_344 = arith.addi %add3A_288, %add3A_343 : i32
        %mul3A_345 = arith.constant 2000 : i32
        %mul3A_346 = arith.muli %add3A_344, %mul3A_345 : i32
        %add3A_347 = arith.addi %add3A, %mul3A_346 : i32
        %dma_start3A_348 = tpu.memref_slice %arg3[%add3A_347] : memref<6400000xi32, #tpu.memory_space<hbm>> -> memref<2000xi32, #tpu.memory_space<hbm>>
        %dma_start3A_349 = tpu.memref_slice %arg3[%add3A_347] : memref<6400000xi32, #tpu.memory_space<hbm>> -> memref<2000xi32, #tpu.memory_space<hbm>>
        tpu.enqueue_dma source(%dma_start3A_349 : memref<2000xi32, #tpu.memory_space<hbm>>) target(%arg12 : memref<2000xi32, #tpu.memory_space<vmem>>) target_semaphore(%arg34 : memref<!tpu.dma_semaphore, #tpu.memory_space<semaphore_mem>>)
        %dma_start3A_350 = tpu.memref_slice %arg4[%add3A_347] : memref<6400000xi32, #tpu.memory_space<hbm>> -> memref<2000xi32, #tpu.memory_space<hbm>>
        %dma_start3A_351 = tpu.memref_slice %arg4[%add3A_347] : memref<6400000xi32, #tpu.memory_space<hbm>> -> memref<2000xi32, #tpu.memory_space<hbm>>
        tpu.enqueue_dma source(%dma_start3A_351 : memref<2000xi32, #tpu.memory_space<hbm>>) target(%arg16 : memref<2000xi32, #tpu.memory_space<vmem>>) target_semaphore(%arg34 : memref<!tpu.dma_semaphore, #tpu.memory_space<semaphore_mem>>)
        %dma_start3A_352 = tpu.memref_slice %arg7[%add3A_347] : memref<6400000xf32, #tpu.memory_space<hbm>> -> memref<2000xf32, #tpu.memory_space<hbm>>
        %dma_start3A_353 = tpu.memref_slice %arg7[%add3A_347] : memref<6400000xf32, #tpu.memory_space<hbm>> -> memref<2000xf32, #tpu.memory_space<hbm>>
        tpu.enqueue_dma source(%dma_start3A_353 : memref<2000xf32, #tpu.memory_space<hbm>>) target(%arg20 : memref<2000xf32, #tpu.memory_space<vmem>>) target_semaphore(%arg34 : memref<!tpu.dma_semaphore, #tpu.memory_space<semaphore_mem>>)
      } else {
      }
      %dma_wait3A_301 = arith.constant 0 : i32
      %dma_wait3A_302 = tpu.memref_slice %arg10[%dma_wait3A_301] : memref<100352xf32, #tpu.memory_space<vmem_shared>> -> memref<100352xf32, #tpu.memory_space<vmem_shared>>
      tpu.wait_indirect_dma semaphore(%arg48 : memref<!tpu.dma_semaphore, #tpu.memory_space<semaphore_mem>>) src(%dma_wait3A_302 : memref<100352xf32, #tpu.memory_space<vmem_shared>>) dst(%arg26 : memref<2000xf32, #tpu.memory_space<vmem>>)
      %add3A_303 = arith.constant 1 : i32
      %add3A_304 = arith.addi %add3A_288, %add3A_303 : i32
      %lt3A_305 = arith.constant 100 : i32
      %lt3A_306 = arith.cmpi slt, %add3A_304, %lt3A_305 : i32
      %convert_element_type3A_307 = arith.extui %lt3A_306 : i1 to i32
      %cond3A_308 = arith.constant 0 : i32
      %cond3A_309 = arith.cmpi ne, %convert_element_type3A_307, %cond3A_308 : i32
      scf.if %cond3A_309 {
        %dma_wait3A_343 = arith.constant 0 : i32
        %dma_wait3A_344 = tpu.memref_slice %arg3[%dma_wait3A_343] : memref<6400000xi32, #tpu.memory_space<hbm>> -> memref<2000xi32, #tpu.memory_space<hbm>>
        %dma_wait3A_345 = arith.constant 0 : i32
        %dma_wait3A_346 = tpu.memref_slice %arg3[%dma_wait3A_345] : memref<6400000xi32, #tpu.memory_space<hbm>> -> memref<2000xi32, #tpu.memory_space<hbm>>
        tpu.wait_dma2 semaphore(%arg37 : memref<!tpu.dma_semaphore, #tpu.memory_space<semaphore_mem>>) src(%dma_wait3A_346 : memref<2000xi32, #tpu.memory_space<hbm>>) dst(%arg15 : memref<2000xi32, #tpu.memory_space<vmem>>)
        %dma_wait3A_347 = arith.constant 0 : i32
        %dma_wait3A_348 = tpu.memref_slice %arg4[%dma_wait3A_347] : memref<6400000xi32, #tpu.memory_space<hbm>> -> memref<2000xi32, #tpu.memory_space<hbm>>
        %dma_wait3A_349 = arith.constant 0 : i32
        %dma_wait3A_350 = tpu.memref_slice %arg4[%dma_wait3A_349] : memref<6400000xi32, #tpu.memory_space<hbm>> -> memref<2000xi32, #tpu.memory_space<hbm>>
        tpu.wait_dma2 semaphore(%arg37 : memref<!tpu.dma_semaphore, #tpu.memory_space<semaphore_mem>>) src(%dma_wait3A_350 : memref<2000xi32, #tpu.memory_space<hbm>>) dst(%arg19 : memref<2000xi32, #tpu.memory_space<vmem>>)
        %dma_wait3A_351 = arith.constant 0 : i32
        %dma_wait3A_352 = tpu.memref_slice %arg5[%dma_wait3A_351] : memref<6400000xf32, #tpu.memory_space<hbm>> -> memref<2000xf32, #tpu.memory_space<hbm>>
        %dma_wait3A_353 = arith.constant 0 : i32
        %dma_wait3A_354 = tpu.memref_slice %arg5[%dma_wait3A_353] : memref<6400000xf32, #tpu.memory_space<hbm>> -> memref<2000xf32, #tpu.memory_space<hbm>>
        tpu.wait_dma2 semaphore(%arg37 : memref<!tpu.dma_semaphore, #tpu.memory_space<semaphore_mem>>) src(%dma_wait3A_354 : memref<2000xf32, #tpu.memory_space<hbm>>) dst(%arg23 : memref<2000xf32, #tpu.memory_space<vmem>>)
        %dma_start3A_355 = arith.constant 0 : i32
        %dma_start3A_356 = tpu.memref_slice %arg10[%dma_start3A_355] : memref<100352xf32, #tpu.memory_space<vmem_shared>> -> memref<100352xf32, #tpu.memory_space<vmem_shared>>
        tpu.enqueue_indirect_dma source(%dma_start3A_356 : memref<100352xf32, #tpu.memory_space<vmem_shared>>) target(%arg27 : memref<2000xf32, #tpu.memory_space<vmem>>) offsets(%arg15 : memref<2000xi32, #tpu.memory_space<vmem>>) semaphore(%arg49 : memref<!tpu.dma_semaphore, #tpu.memory_space<semaphore_mem>>)
      } else {
      }
      %parallel_loop3A_310 = arith.constant 0 : i32
      %parallel_loop3A_311 = arith.constant 125 : i32
      %parallel_loop3A_312 = arith.constant 1 : i32
      scf.for %parallel_loop3A_343 = %parallel_loop3A_310 to %parallel_loop3A_311 step %parallel_loop3A_312  : i32 {
        %parallel_loop3A_344 = arith.constant 16 : i32
        %parallel_loop3A_345 = arith.muli %parallel_loop3A_343, %parallel_loop3A_344 : i32
        %parallel_loop3A_346 = arith.index_cast %parallel_loop3A_345 : i32 to index
        %parallel_loop3A_347 = tpu.vector_load %arg22[%parallel_loop3A_346] {strides = array<i32>} : memref<2000xf32, #tpu.memory_space<vmem>>, vector<16xf32>,
        %parallel_loop3A_348 = arith.index_cast %parallel_loop3A_345 : i32 to index
        %parallel_loop3A_349 = tpu.vector_load %arg26[%parallel_loop3A_348] {strides = array<i32>} : memref<2000xf32, #tpu.memory_space<vmem>>, vector<16xf32>,
        %parallel_loop3A_350 = arith.mulf %parallel_loop3A_347, %parallel_loop3A_349 : vector<16xf32>
        %parallel_loop3A_351 = arith.index_cast %parallel_loop3A_345 : i32 to index
        %parallel_loop3A_352 = tpu.vector_load %arg26[%parallel_loop3A_351] {strides = array<i32>} : memref<2000xf32, #tpu.memory_space<vmem>>, vector<16xf32>,
        tpu.vector_store %arg26[%parallel_loop3A_351], %parallel_loop3A_350 {strides = array<i32>} : memref<2000xf32, #tpu.memory_space<vmem>>, vector<16xf32>,
      } {sc.loop_unroll_factor = 8 : i64, sc.parallel_access}
      %dma_start3A_313 = arith.constant 0 : i32
      %dma_start3A_314 = tpu.memref_slice %arg11[%dma_start3A_313] : memref<100352xf32, #tpu.memory_space<vmem_shared>> -> memref<100352xf32, #tpu.memory_space<vmem_shared>>
      tpu.enqueue_indirect_dma source(%arg26 : memref<2000xf32, #tpu.memory_space<vmem>>) target(%dma_start3A_314 : memref<100352xf32, #tpu.memory_space<vmem_shared>>) offsets(%arg18 : memref<2000xi32, #tpu.memory_space<vmem>>) semaphore(%arg40 : memref<!tpu.dma_semaphore, #tpu.memory_space<semaphore_mem>>) {add = true}
      %add3A_315 = arith.constant 3 : i32
      %add3A_316 = arith.addi %add3A_232, %add3A_315 : i32
      %ge3A_317 = arith.constant 2 : i32
      %ge3A_318 = arith.cmpi sge, %add3A_316, %ge3A_317 : i32
      %convert_element_type3A_319 = arith.extui %ge3A_318 : i1 to i32
      %cond3A_320 = arith.constant 0 : i32
      %cond3A_321 = arith.cmpi ne, %convert_element_type3A_319, %cond3A_320 : i32
      scf.if %cond3A_321 {
        %dma_wait3A_343 = arith.constant 0 : i32
        %dma_wait3A_344 = tpu.memref_slice %arg11[%dma_wait3A_343] : memref<100352xf32, #tpu.memory_space<vmem_shared>> -> memref<100352xf32, #tpu.memory_space<vmem_shared>>
        tpu.wait_indirect_dma semaphore(%arg39 : memref<!tpu.dma_semaphore, #tpu.memory_space<semaphore_mem>>) src(%arg25 : memref<2000xf32, #tpu.memory_space<vmem>>) dst(%dma_wait3A_344 : memref<100352xf32, #tpu.memory_space<vmem_shared>>)
      } else {
      }
      %add3A_322 = arith.constant 2 : i32
      %add3A_323 = arith.addi %add3A_316, %add3A_322 : i32
      %lt3A_324 = arith.constant 100 : i32
      %lt3A_325 = arith.cmpi slt, %add3A_323, %lt3A_324 : i32
      %convert_element_type3A_326 = arith.extui %lt3A_325 : i1 to i32
      %cond3A_327 = arith.constant 0 : i32
      %cond3A_328 = arith.cmpi ne, %convert_element_type3A_326, %cond3A_327 : i32
      scf.if %cond3A_328 {
        %add3A_343 = arith.constant 2 : i32
        %add3A_344 = arith.addi %add3A_316, %add3A_343 : i32
        %mul3A_345 = arith.constant 2000 : i32
        %mul3A_346 = arith.muli %add3A_344, %mul3A_345 : i32
        %add3A_347 = arith.addi %add3A, %mul3A_346 : i32
        %dma_start3A_348 = tpu.memref_slice %arg3[%add3A_347] : memref<6400000xi32, #tpu.memory_space<hbm>> -> memref<2000xi32, #tpu.memory_space<hbm>>
        %dma_start3A_349 = tpu.memref_slice %arg3[%add3A_347] : memref<6400000xi32, #tpu.memory_space<hbm>> -> memref<2000xi32, #tpu.memory_space<hbm>>
        tpu.enqueue_dma source(%dma_start3A_349 : memref<2000xi32, #tpu.memory_space<hbm>>) target(%arg13 : memref<2000xi32, #tpu.memory_space<vmem>>) target_semaphore(%arg35 : memref<!tpu.dma_semaphore, #tpu.memory_space<semaphore_mem>>)
        %dma_start3A_350 = tpu.memref_slice %arg4[%add3A_347] : memref<6400000xi32, #tpu.memory_space<hbm>> -> memref<2000xi32, #tpu.memory_space<hbm>>
        %dma_start3A_351 = tpu.memref_slice %arg4[%add3A_347] : memref<6400000xi32, #tpu.memory_space<hbm>> -> memref<2000xi32, #tpu.memory_space<hbm>>
        tpu.enqueue_dma source(%dma_start3A_351 : memref<2000xi32, #tpu.memory_space<hbm>>) target(%arg17 : memref<2000xi32, #tpu.memory_space<vmem>>) target_semaphore(%arg35 : memref<!tpu.dma_semaphore, #tpu.memory_space<semaphore_mem>>)
        %dma_start3A_352 = tpu.memref_slice %arg7[%add3A_347] : memref<6400000xf32, #tpu.memory_space<hbm>> -> memref<2000xf32, #tpu.memory_space<hbm>>
        %dma_start3A_353 = tpu.memref_slice %arg7[%add3A_347] : memref<6400000xf32, #tpu.memory_space<hbm>> -> memref<2000xf32, #tpu.memory_space<hbm>>
        tpu.enqueue_dma source(%dma_start3A_353 : memref<2000xf32, #tpu.memory_space<hbm>>) target(%arg21 : memref<2000xf32, #tpu.memory_space<vmem>>) target_semaphore(%arg35 : memref<!tpu.dma_semaphore, #tpu.memory_space<semaphore_mem>>)
      } else {
      }
      %dma_wait3A_329 = arith.constant 0 : i32
      %dma_wait3A_330 = tpu.memref_slice %arg10[%dma_wait3A_329] : memref<100352xf32, #tpu.memory_space<vmem_shared>> -> memref<100352xf32, #tpu.memory_space<vmem_shared>>
      tpu.wait_indirect_dma semaphore(%arg49 : memref<!tpu.dma_semaphore, #tpu.memory_space<semaphore_mem>>) src(%dma_wait3A_330 : memref<100352xf32, #tpu.memory_space<vmem_shared>>) dst(%arg27 : memref<2000xf32, #tpu.memory_space<vmem>>)
      %add3A_331 = arith.constant 1 : i32
      %add3A_332 = arith.addi %add3A_316, %add3A_331 : i32
      %lt3A_333 = arith.constant 100 : i32
      %lt3A_334 = arith.cmpi slt, %add3A_332, %lt3A_333 : i32
      %convert_element_type3A_335 = arith.extui %lt3A_334 : i1 to i32
      %cond3A_336 = arith.constant 0 : i32
      %cond3A_337 = arith.cmpi ne, %convert_element_type3A_335, %cond3A_336 : i32
      scf.if %cond3A_337 {
        %dma_wait3A_343 = arith.constant 0 : i32
        %dma_wait3A_344 = tpu.memref_slice %arg3[%dma_wait3A_343] : memref<6400000xi32, #tpu.memory_space<hbm>> -> memref<2000xi32, #tpu.memory_space<hbm>>
        %dma_wait3A_345 = arith.constant 0 : i32
        %dma_wait3A_346 = tpu.memref_slice %arg3[%dma_wait3A_345] : memref<6400000xi32, #tpu.memory_space<hbm>> -> memref<2000xi32, #tpu.memory_space<hbm>>
        tpu.wait_dma2 semaphore(%arg34 : memref<!tpu.dma_semaphore, #tpu.memory_space<semaphore_mem>>) src(%dma_wait3A_346 : memref<2000xi32, #tpu.memory_space<hbm>>) dst(%arg12 : memref<2000xi32, #tpu.memory_space<vmem>>)
        %dma_wait3A_347 = arith.constant 0 : i32
        %dma_wait3A_348 = tpu.memref_slice %arg4[%dma_wait3A_347] : memref<6400000xi32, #tpu.memory_space<hbm>> -> memref<2000xi32, #tpu.memory_space<hbm>>
        %dma_wait3A_349 = arith.constant 0 : i32
        %dma_wait3A_350 = tpu.memref_slice %arg4[%dma_wait3A_349] : memref<6400000xi32, #tpu.memory_space<hbm>> -> memref<2000xi32, #tpu.memory_space<hbm>>
        tpu.wait_dma2 semaphore(%arg34 : memref<!tpu.dma_semaphore, #tpu.memory_space<semaphore_mem>>) src(%dma_wait3A_350 : memref<2000xi32, #tpu.memory_space<hbm>>) dst(%arg16 : memref<2000xi32, #tpu.memory_space<vmem>>)
        %dma_wait3A_351 = arith.constant 0 : i32
        %dma_wait3A_352 = tpu.memref_slice %arg5[%dma_wait3A_351] : memref<6400000xf32, #tpu.memory_space<hbm>> -> memref<2000xf32, #tpu.memory_space<hbm>>
        %dma_wait3A_353 = arith.constant 0 : i32
        %dma_wait3A_354 = tpu.memref_slice %arg5[%dma_wait3A_353] : memref<6400000xf32, #tpu.memory_space<hbm>> -> memref<2000xf32, #tpu.memory_space<hbm>>
        tpu.wait_dma2 semaphore(%arg34 : memref<!tpu.dma_semaphore, #tpu.memory_space<semaphore_mem>>) src(%dma_wait3A_354 : memref<2000xf32, #tpu.memory_space<hbm>>) dst(%arg20 : memref<2000xf32, #tpu.memory_space<vmem>>)
        %dma_start3A_355 = arith.constant 0 : i32
        %dma_start3A_356 = tpu.memref_slice %arg10[%dma_start3A_355] : memref<100352xf32, #tpu.memory_space<vmem_shared>> -> memref<100352xf32, #tpu.memory_space<vmem_shared>>
        tpu.enqueue_indirect_dma source(%dma_start3A_356 : memref<100352xf32, #tpu.memory_space<vmem_shared>>) target(%arg24 : memref<2000xf32, #tpu.memory_space<vmem>>) offsets(%arg12 : memref<2000xi32, #tpu.memory_space<vmem>>) semaphore(%arg46 : memref<!tpu.dma_semaphore, #tpu.memory_space<semaphore_mem>>)
      } else {
      }
      %parallel_loop3A_338 = arith.constant 0 : i32
      %parallel_loop3A_339 = arith.constant 125 : i32
      %parallel_loop3A_340 = arith.constant 1 : i32
      scf.for %parallel_loop3A_343 = %parallel_loop3A_338 to %parallel_loop3A_339 step %parallel_loop3A_340  : i32 {
        %parallel_loop3A_344 = arith.constant 16 : i32
        %parallel_loop3A_345 = arith.muli %parallel_loop3A_343, %parallel_loop3A_344 : i32
        %parallel_loop3A_346 = arith.index_cast %parallel_loop3A_345 : i32 to index
        %parallel_loop3A_347 = tpu.vector_load %arg23[%parallel_loop3A_346] {strides = array<i32>} : memref<2000xf32, #tpu.memory_space<vmem>>, vector<16xf32>,
        %parallel_loop3A_348 = arith.index_cast %parallel_loop3A_345 : i32 to index
        %parallel_loop3A_349 = tpu.vector_load %arg27[%parallel_loop3A_348] {strides = array<i32>} : memref<2000xf32, #tpu.memory_space<vmem>>, vector<16xf32>,
        %parallel_loop3A_350 = arith.mulf %parallel_loop3A_347, %parallel_loop3A_349 : vector<16xf32>
        %parallel_loop3A_351 = arith.index_cast %parallel_loop3A_345 : i32 to index
        %parallel_loop3A_352 = tpu.vector_load %arg27[%parallel_loop3A_351] {strides = array<i32>} : memref<2000xf32, #tpu.memory_space<vmem>>, vector<16xf32>,
        tpu.vector_store %arg27[%parallel_loop3A_351], %parallel_loop3A_350 {strides = array<i32>} : memref<2000xf32, #tpu.memory_space<vmem>>, vector<16xf32>,
      } {sc.loop_unroll_factor = 8 : i64, sc.parallel_access}
      %dma_start3A_341 = arith.constant 0 : i32
      %dma_start3A_342 = tpu.memref_slice %arg11[%dma_start3A_341] : memref<100352xf32, #tpu.memory_space<vmem_shared>> -> memref<100352xf32, #tpu.memory_space<vmem_shared>>
      tpu.enqueue_indirect_dma source(%arg27 : memref<2000xf32, #tpu.memory_space<vmem>>) target(%dma_start3A_342 : memref<100352xf32, #tpu.memory_space<vmem_shared>>) offsets(%arg19 : memref<2000xi32, #tpu.memory_space<vmem>>) semaphore(%arg41 : memref<!tpu.dma_semaphore, #tpu.memory_space<semaphore_mem>>) {add = true}
    }
    %scan3A_115 = arith.constant 25 : i32
    %dma_wait3A_116 = arith.constant 0 : i32
    %dma_wait3A_117 = tpu.memref_slice %arg11[%dma_wait3A_116] : memref<100352xf32, #tpu.memory_space<vmem_shared>> -> memref<100352xf32, #tpu.memory_space<vmem_shared>>
    tpu.wait_indirect_dma semaphore(%arg40 : memref<!tpu.dma_semaphore, #tpu.memory_space<semaphore_mem>>) src(%arg26 : memref<2000xf32, #tpu.memory_space<vmem>>) dst(%dma_wait3A_117 : memref<100352xf32, #tpu.memory_space<vmem_shared>>)
    %dma_wait3A_118 = arith.constant 0 : i32
    %dma_wait3A_119 = tpu.memref_slice %arg11[%dma_wait3A_118] : memref<100352xf32, #tpu.memory_space<vmem_shared>> -> memref<100352xf32, #tpu.memory_space<vmem_shared>>
    tpu.wait_indirect_dma semaphore(%arg41 : memref<!tpu.dma_semaphore, #tpu.memory_space<semaphore_mem>>) src(%arg27 : memref<2000xf32, #tpu.memory_space<vmem>>) dst(%dma_wait3A_119 : memref<100352xf32, #tpu.memory_space<vmem_shared>>)
    %barrier3A_120 = arith.constant 0 : index
    tpu.barrier barrier_id(%barrier3A_120)
    "tpu.region"() ({
      %run_scoped3A = tpu.sem_alloc : memref<!tpu.dma_semaphore, #tpu.memory_space<semaphore_mem>>
      %dma_start3A_228 = tpu.memref_slice %arg11[%mul3A_0] : memref<100352xf32, #tpu.memory_space<vmem_shared>> -> memref<6272xf32, #tpu.memory_space<vmem_shared>>
      %dma_start3A_229 = tpu.memref_slice %arg11[%mul3A_0] : memref<100352xf32, #tpu.memory_space<vmem_shared>> -> memref<6272xf32, #tpu.memory_space<vmem_shared>>
      tpu.enqueue_dma source(%dma_start3A_229 : memref<6272xf32, #tpu.memory_space<vmem_shared>>) target(%arg30 : memref<6272xf32, #tpu.memory_space<vmem>>) target_semaphore(%run_scoped3A : memref<!tpu.dma_semaphore, #tpu.memory_space<semaphore_mem>>)
      %dma_wait3A_230 = tpu.memref_slice %arg11[%mul3A_0] : memref<100352xf32, #tpu.memory_space<vmem_shared>> -> memref<6272xf32, #tpu.memory_space<vmem_shared>>
      %dma_wait3A_231 = tpu.memref_slice %arg11[%mul3A_0] : memref<100352xf32, #tpu.memory_space<vmem_shared>> -> memref<6272xf32, #tpu.memory_space<vmem_shared>>
      tpu.wait_dma2 semaphore(%run_scoped3A : memref<!tpu.dma_semaphore, #tpu.memory_space<semaphore_mem>>) src(%dma_wait3A_231 : memref<6272xf32, #tpu.memory_space<vmem_shared>>) dst(%arg30 : memref<6272xf32, #tpu.memory_space<vmem>>)
      tpu.yield
    }) : () -> ()
    %mul3A_121 = arith.constant 100352 : i32
    %mul3A_122 = arith.muli %arg0, %mul3A_121 : i32
    %add3A_123 = arith.addi %mul3A_122, %mul3A_0 : i32
    "tpu.region"() ({
      %run_scoped3A = tpu.sem_alloc : memref<!tpu.dma_semaphore, #tpu.memory_space<semaphore_mem>>
      %dma_start3A_228 = tpu.memref_slice %arg8[%add3A_123] : memref<200704xf32, #tpu.memory_space<hbm>> -> memref<6272xf32, #tpu.memory_space<hbm>>
      %dma_start3A_229 = tpu.memref_slice %arg8[%add3A_123] : memref<200704xf32, #tpu.memory_space<hbm>> -> memref<6272xf32, #tpu.memory_space<hbm>>
      tpu.enqueue_dma source(%arg30 : memref<6272xf32, #tpu.memory_space<vmem>>) target(%dma_start3A_229 : memref<6272xf32, #tpu.memory_space<hbm>>) target_semaphore(%run_scoped3A : memref<!tpu.dma_semaphore, #tpu.memory_space<semaphore_mem>>)
      %dma_wait3A_230 = tpu.memref_slice %arg8[%add3A_123] : memref<200704xf32, #tpu.memory_space<hbm>> -> memref<6272xf32, #tpu.memory_space<hbm>>
      %dma_wait3A_231 = tpu.memref_slice %arg8[%add3A_123] : memref<200704xf32, #tpu.memory_space<hbm>> -> memref<6272xf32, #tpu.memory_space<hbm>>
      tpu.wait_dma2 semaphore(%run_scoped3A : memref<!tpu.dma_semaphore, #tpu.memory_space<semaphore_mem>>) src(%arg30 : memref<6272xf32, #tpu.memory_space<vmem>>) dst(%dma_wait3A_231 : memref<6272xf32, #tpu.memory_space<hbm>>)
      tpu.yield
    }) : () -> ()
    %parallel_loop3A_124 = arith.constant 0 : i32
    %parallel_loop3A_125 = arith.constant 392 : i32
    %parallel_loop3A_126 = arith.constant 1 : i32
    scf.for %parallel_loop3A_228 = %parallel_loop3A_124 to %parallel_loop3A_125 step %parallel_loop3A_126  : i32 {
      %parallel_loop3A_229 = arith.constant 16 : i32
      %parallel_loop3A_230 = arith.muli %parallel_loop3A_228, %parallel_loop3A_229 : i32
      %parallel_loop3A_231 = arith.constant 0.000000e+00 : f32
      %parallel_loop3A_232 = vector.broadcast %parallel_loop3A_231 : f32 to vector<16xf32>
      %parallel_loop3A_233 = arith.index_cast %parallel_loop3A_230 : i32 to index
      %parallel_loop3A_234 = tpu.vector_load %arg31[%parallel_loop3A_233] {strides = array<i32>} : memref<6272xf32, #tpu.memory_space<vmem>>, vector<16xf32>,
      tpu.vector_store %arg31[%parallel_loop3A_233], %parallel_loop3A_232 {strides = array<i32>} : memref<6272xf32, #tpu.memory_space<vmem>>, vector<16xf32>,
    } {sc.loop_unroll_factor = 8 : i64, sc.parallel_access}
    "tpu.region"() ({
      %run_scoped3A = tpu.sem_alloc : memref<!tpu.dma_semaphore, #tpu.memory_space<semaphore_mem>>
      %dma_start3A_228 = tpu.memref_slice %arg11[%mul3A_0] : memref<100352xf32, #tpu.memory_space<vmem_shared>> -> memref<6272xf32, #tpu.memory_space<vmem_shared>>
      %dma_start3A_229 = tpu.memref_slice %arg11[%mul3A_0] : memref<100352xf32, #tpu.memory_space<vmem_shared>> -> memref<6272xf32, #tpu.memory_space<vmem_shared>>
      tpu.enqueue_dma source(%arg31 : memref<6272xf32, #tpu.memory_space<vmem>>) target(%dma_start3A_229 : memref<6272xf32, #tpu.memory_space<vmem_shared>>) target_semaphore(%run_scoped3A : memref<!tpu.dma_semaphore, #tpu.memory_space<semaphore_mem>>)
      %dma_wait3A_230 = tpu.memref_slice %arg11[%mul3A_0] : memref<100352xf32, #tpu.memory_space<vmem_shared>> -> memref<6272xf32, #tpu.memory_space<vmem_shared>>
      %dma_wait3A_231 = tpu.memref_slice %arg11[%mul3A_0] : memref<100352xf32, #tpu.memory_space<vmem_shared>> -> memref<6272xf32, #tpu.memory_space<vmem_shared>>
      tpu.wait_dma2 semaphore(%run_scoped3A : memref<!tpu.dma_semaphore, #tpu.memory_space<semaphore_mem>>) src(%arg31 : memref<6272xf32, #tpu.memory_space<vmem>>) dst(%dma_wait3A_231 : memref<6272xf32, #tpu.memory_space<vmem_shared>>)
      tpu.yield
    }) : () -> ()
    %barrier3A_127 = arith.constant 0 : index
    tpu.barrier barrier_id(%barrier3A_127)
    %eq3A_128 = arith.constant 0 : i32
    %eq3A_129 = arith.cmpi eq, %arg1, %eq3A_128 : i32
    %convert_element_type3A_130 = arith.extui %eq3A_129 : i1 to i32
    %cond3A_131 = arith.constant 0 : i32
    %cond3A_132 = arith.cmpi ne, %convert_element_type3A_130, %cond3A_131 : i32
    scf.if %cond3A_132 {
      %broadcast_in_dim3A_228 = arith.constant 1554098946 : i32
      %broadcast_in_dim3A_229 = vector.broadcast %broadcast_in_dim3A_228 : i32 to vector<16xi32>
      %swap3A_230 = arith.constant 0 : index
      %swap3A_231 = tpu.vector_load %arg32[%swap3A_230] {strides = array<i32>} : memref<16xi32, #tpu.memory_space<vmem>>, vector<16xi32>,
      tpu.vector_store %arg32[%swap3A_230], %broadcast_in_dim3A_229 {strides = array<i32>} : memref<16xi32, #tpu.memory_space<vmem>>, vector<16xi32>,
      %mul3A_232 = arith.constant 3 : i32
      %mul3A_233 = arith.muli %arg0, %mul3A_232 : i32
      %add3A_234 = arith.constant 2 : i32
      %add3A_235 = arith.addi %mul3A_233, %add3A_234 : i32
      %sub3A_236 = arith.constant 1 : i32
      %sub3A_237 = arith.subi %add3A_235, %sub3A_236 : i32
      %mul3A_238 = arith.constant 16 : i32
      %mul3A_239 = arith.muli %sub3A_237, %mul3A_238 : i32
      "tpu.region"() ({
        %run_scoped3A = tpu.sem_alloc : memref<!tpu.dma_semaphore, #tpu.memory_space<semaphore_mem>>
        %dma_start3A_240 = tpu.memref_slice %arg9[%mul3A_239] : memref<96xi32, #tpu.memory_space<hbm>> -> memref<16xi32, #tpu.memory_space<hbm>>
        %dma_start3A_241 = tpu.memref_slice %arg9[%mul3A_239] : memref<96xi32, #tpu.memory_space<hbm>> -> memref<16xi32, #tpu.memory_space<hbm>>
        tpu.enqueue_dma source(%arg32 : memref<16xi32, #tpu.memory_space<vmem>>) target(%dma_start3A_241 : memref<16xi32, #tpu.memory_space<hbm>>) target_semaphore(%run_scoped3A : memref<!tpu.dma_semaphore, #tpu.memory_space<semaphore_mem>>)
        %dma_wait3A_242 = tpu.memref_slice %arg9[%mul3A_239] : memref<96xi32, #tpu.memory_space<hbm>> -> memref<16xi32, #tpu.memory_space<hbm>>
        %dma_wait3A_243 = tpu.memref_slice %arg9[%mul3A_239] : memref<96xi32, #tpu.memory_space<hbm>> -> memref<16xi32, #tpu.memory_space<hbm>>
        tpu.wait_dma2 semaphore(%run_scoped3A : memref<!tpu.dma_semaphore, #tpu.memory_space<semaphore_mem>>) src(%arg32 : memref<16xi32, #tpu.memory_space<vmem>>) dst(%dma_wait3A_243 : memref<16xi32, #tpu.memory_space<hbm>>)
        tpu.yield
      }) : () -> ()
    } else {
    }
    %broadcast_in_dim3A_133 = arith.constant 0 : i32
    %broadcast_in_dim3A_134 = vector.broadcast %broadcast_in_dim3A_133 : i32 to vector<16xi32>
    %swap3A_135 = arith.constant 0 : index
    %swap3A_136 = tpu.vector_load %arg33[%swap3A_135] {strides = array<i32>} : memref<16xi32, #tpu.memory_space<vmem>>, vector<16xi32>,
    tpu.vector_store %arg33[%swap3A_135], %broadcast_in_dim3A_134 {strides = array<i32>} : memref<16xi32, #tpu.memory_space<vmem>>, vector<16xi32>,
    %scan3A_137 = arith.constant 0 : i32
    %scan3A_138 = arith.constant 100 : i32
    %scan3A_139 = arith.addi %scan3A_137, %scan3A_138 : i32
    %scan3A_140 = arith.constant 1 : i32
    scf.for %scan3A_228 = %scan3A_137 to %scan3A_139 step %scan3A_140  : i32 {
      %mul3A_229 = arith.constant 1 : i32
      %mul3A_230 = arith.muli %scan3A_228, %mul3A_229 : i32
      %add3A_231 = arith.constant 0 : i32
      %add3A_232 = arith.addi %add3A_231, %mul3A_230 : i32
      %get3A = arith.constant 0 : index
      %get3A_233 = tpu.vector_load %arg33[%get3A] {strides = array<i32>} : memref<16xi32, #tpu.memory_space<vmem>>, vector<16xi32>,
      %reduce_min3A = arith.constant true
      %reduce_min3A_234 = vector.broadcast %reduce_min3A : i1 to vector<16xi1>
      %reduce_min3A_235 = arith.constant -2147483648 : i32
      %reduce_min3A_236 = vector.broadcast %reduce_min3A_235 : i32 to vector<16xi32>
      %reduce_min3A_237 = arith.xori %get3A_233, %reduce_min3A_236 : vector<16xi32>
      %reduce_min3A_238 = tpu.scan <min>, %reduce_min3A_237 masked %reduce_min3A_234 : vector<16xi32>, vector<16xi1> -> vector<16xi32>
      %reduce_min3A_239 = arith.xori %reduce_min3A_238, %reduce_min3A_236 : vector<16xi32>
      %reduce_min3A_240 = vector.extract %reduce_min3A_239[15] : i32 from vector<16xi32>
      %eq3A_241 = arith.constant 0 : i32
      %eq3A_242 = arith.cmpi eq, %reduce_min3A_240, %eq3A_241 : i32
      %convert_element_type3A_243 = arith.extui %eq3A_242 : i1 to i32
      %cond3A_244 = arith.constant 0 : i32
      %cond3A_245 = arith.cmpi ne, %convert_element_type3A_243, %cond3A_244 : i32
      scf.if %cond3A_245 {
        %sub3A_246 = arith.constant 1 : i32
        %sub3A_247 = arith.subi %sub3A_246, %arg0 : i32
        %mul3A_248 = arith.constant 3 : i32
        %mul3A_249 = arith.muli %sub3A_247, %mul3A_248 : i32
        %add3A_250 = arith.constant 2 : i32
        %add3A_251 = arith.addi %mul3A_249, %add3A_250 : i32
        %sub3A_252 = arith.constant 1 : i32
        %sub3A_253 = arith.subi %add3A_251, %sub3A_252 : i32
        %mul3A_254 = arith.constant 16 : i32
        %mul3A_255 = arith.muli %sub3A_253, %mul3A_254 : i32
        %dma_start3A_256 = tpu.memref_slice %arg9[%mul3A_255] : memref<96xi32, #tpu.memory_space<hbm>> -> memref<16xi32, #tpu.memory_space<hbm>>
        %dma_start3A_257 = tpu.memref_slice %arg9[%mul3A_255] : memref<96xi32, #tpu.memory_space<hbm>> -> memref<16xi32, #tpu.memory_space<hbm>>
        tpu.enqueue_dma source(%dma_start3A_257 : memref<16xi32, #tpu.memory_space<hbm>>) target(%arg32 : memref<16xi32, #tpu.memory_space<vmem>>) target_semaphore(%arg50 : memref<!tpu.dma_semaphore, #tpu.memory_space<semaphore_mem>>)
        %dma_wait3A_258 = tpu.memref_slice %arg9[%mul3A_255] : memref<96xi32, #tpu.memory_space<hbm>> -> memref<16xi32, #tpu.memory_space<hbm>>
        %dma_wait3A_259 = tpu.memref_slice %arg9[%mul3A_255] : memref<96xi32, #tpu.memory_space<hbm>> -> memref<16xi32, #tpu.memory_space<hbm>>
        tpu.wait_dma2 semaphore(%arg50 : memref<!tpu.dma_semaphore, #tpu.memory_space<semaphore_mem>>) src(%dma_wait3A_259 : memref<16xi32, #tpu.memory_space<hbm>>) dst(%arg32 : memref<16xi32, #tpu.memory_space<vmem>>)
        %sub3A_260 = arith.constant 1 : i32
        %sub3A_261 = arith.subi %sub3A_260, %arg0 : i32
        %mul3A_262 = arith.constant 3 : i32
        %mul3A_263 = arith.muli %sub3A_261, %mul3A_262 : i32
        %add3A_264 = arith.constant 2 : i32
        %add3A_265 = arith.addi %mul3A_263, %add3A_264 : i32
        %sub3A_266 = arith.constant 1 : i32
        %sub3A_267 = arith.subi %add3A_265, %sub3A_266 : i32
        %mul3A_268 = arith.constant 16 : i32
        %mul3A_269 = arith.muli %sub3A_267, %mul3A_268 : i32
        %dma_start3A_270 = tpu.memref_slice %arg9[%mul3A_269] : memref<96xi32, #tpu.memory_space<hbm>> -> memref<16xi32, #tpu.memory_space<hbm>>
        %dma_start3A_271 = tpu.memref_slice %arg9[%mul3A_269] : memref<96xi32, #tpu.memory_space<hbm>> -> memref<16xi32, #tpu.memory_space<hbm>>
        tpu.enqueue_dma source(%dma_start3A_271 : memref<16xi32, #tpu.memory_space<hbm>>) target(%arg32 : memref<16xi32, #tpu.memory_space<vmem>>) target_semaphore(%arg50 : memref<!tpu.dma_semaphore, #tpu.memory_space<semaphore_mem>>)
        %dma_wait3A_272 = tpu.memref_slice %arg9[%mul3A_269] : memref<96xi32, #tpu.memory_space<hbm>> -> memref<16xi32, #tpu.memory_space<hbm>>
        %dma_wait3A_273 = tpu.memref_slice %arg9[%mul3A_269] : memref<96xi32, #tpu.memory_space<hbm>> -> memref<16xi32, #tpu.memory_space<hbm>>
        tpu.wait_dma2 semaphore(%arg50 : memref<!tpu.dma_semaphore, #tpu.memory_space<semaphore_mem>>) src(%dma_wait3A_273 : memref<16xi32, #tpu.memory_space<hbm>>) dst(%arg32 : memref<16xi32, #tpu.memory_space<vmem>>)
        %sub3A_274 = arith.constant 1 : i32
        %sub3A_275 = arith.subi %sub3A_274, %arg0 : i32
        %mul3A_276 = arith.constant 3 : i32
        %mul3A_277 = arith.muli %sub3A_275, %mul3A_276 : i32
        %add3A_278 = arith.constant 2 : i32
        %add3A_279 = arith.addi %mul3A_277, %add3A_278 : i32
        %sub3A_280 = arith.constant 1 : i32
        %sub3A_281 = arith.subi %add3A_279, %sub3A_280 : i32
        %mul3A_282 = arith.constant 16 : i32
        %mul3A_283 = arith.muli %sub3A_281, %mul3A_282 : i32
        %dma_start3A_284 = tpu.memref_slice %arg9[%mul3A_283] : memref<96xi32, #tpu.memory_space<hbm>> -> memref<16xi32, #tpu.memory_space<hbm>>
        %dma_start3A_285 = tpu.memref_slice %arg9[%mul3A_283] : memref<96xi32, #tpu.memory_space<hbm>> -> memref<16xi32, #tpu.memory_space<hbm>>
        tpu.enqueue_dma source(%dma_start3A_285 : memref<16xi32, #tpu.memory_space<hbm>>) target(%arg32 : memref<16xi32, #tpu.memory_space<vmem>>) target_semaphore(%arg50 : memref<!tpu.dma_semaphore, #tpu.memory_space<semaphore_mem>>)
        %dma_wait3A_286 = tpu.memref_slice %arg9[%mul3A_283] : memref<96xi32, #tpu.memory_space<hbm>> -> memref<16xi32, #tpu.memory_space<hbm>>
        %dma_wait3A_287 = tpu.memref_slice %arg9[%mul3A_283] : memref<96xi32, #tpu.memory_space<hbm>> -> memref<16xi32, #tpu.memory_space<hbm>>
        tpu.wait_dma2 semaphore(%arg50 : memref<!tpu.dma_semaphore, #tpu.memory_space<semaphore_mem>>) src(%dma_wait3A_287 : memref<16xi32, #tpu.memory_space<hbm>>) dst(%arg32 : memref<16xi32, #tpu.memory_space<vmem>>)
        %sub3A_288 = arith.constant 1 : i32
        %sub3A_289 = arith.subi %sub3A_288, %arg0 : i32
        %mul3A_290 = arith.constant 3 : i32
        %mul3A_291 = arith.muli %sub3A_289, %mul3A_290 : i32
        %add3A_292 = arith.constant 2 : i32
        %add3A_293 = arith.addi %mul3A_291, %add3A_292 : i32
        %sub3A_294 = arith.constant 1 : i32
        %sub3A_295 = arith.subi %add3A_293, %sub3A_294 : i32
        %mul3A_296 = arith.constant 16 : i32
        %mul3A_297 = arith.muli %sub3A_295, %mul3A_296 : i32
        %dma_start3A_298 = tpu.memref_slice %arg9[%mul3A_297] : memref<96xi32, #tpu.memory_space<hbm>> -> memref<16xi32, #tpu.memory_space<hbm>>
        %dma_start3A_299 = tpu.memref_slice %arg9[%mul3A_297] : memref<96xi32, #tpu.memory_space<hbm>> -> memref<16xi32, #tpu.memory_space<hbm>>
        tpu.enqueue_dma source(%dma_start3A_299 : memref<16xi32, #tpu.memory_space<hbm>>) target(%arg32 : memref<16xi32, #tpu.memory_space<vmem>>) target_semaphore(%arg50 : memref<!tpu.dma_semaphore, #tpu.memory_space<semaphore_mem>>)
        %dma_wait3A_300 = tpu.memref_slice %arg9[%mul3A_297] : memref<96xi32, #tpu.memory_space<hbm>> -> memref<16xi32, #tpu.memory_space<hbm>>
        %dma_wait3A_301 = tpu.memref_slice %arg9[%mul3A_297] : memref<96xi32, #tpu.memory_space<hbm>> -> memref<16xi32, #tpu.memory_space<hbm>>
        tpu.wait_dma2 semaphore(%arg50 : memref<!tpu.dma_semaphore, #tpu.memory_space<semaphore_mem>>) src(%dma_wait3A_301 : memref<16xi32, #tpu.memory_space<hbm>>) dst(%arg32 : memref<16xi32, #tpu.memory_space<vmem>>)
        %get3A_302 = arith.constant 0 : index
        %get3A_303 = tpu.vector_load %arg32[%get3A_302] {strides = array<i32>} : memref<16xi32, #tpu.memory_space<vmem>>, vector<16xi32>,
        %eq3A_304 = arith.constant 1554098946 : i32
        %eq3A_305 = vector.broadcast %eq3A_304 : i32 to vector<16xi32>
        %eq3A_306 = arith.cmpi eq, %get3A_303, %eq3A_305 : vector<16xi32>
        %jit3A = arith.constant 1 : i32
        %jit3A_307 = arith.constant 0 : i32
        %broadcast_in_dim3A_308 = vector.broadcast %jit3A : i32 to vector<16xi32>
        %broadcast_in_dim3A_309 = vector.broadcast %jit3A_307 : i32 to vector<16xi32>
        %select_n3A = arith.select %eq3A_306, %broadcast_in_dim3A_308, %broadcast_in_dim3A_309 : vector<16xi1>, vector<16xi32>
        %swap3A_310 = arith.constant 0 : index
        %swap3A_311 = tpu.vector_load %arg33[%swap3A_310] {strides = array<i32>} : memref<16xi32, #tpu.memory_space<vmem>>, vector<16xi32>,
        tpu.vector_store %arg33[%swap3A_310], %select_n3A {strides = array<i32>} : memref<16xi32, #tpu.memory_space<vmem>>, vector<16xi32>,
      } else {
      }
    }
    %scan3A_141 = arith.constant 100 : i32
    %sub3A_142 = arith.constant 1 : i32
    %sub3A_143 = arith.subi %sub3A_142, %arg0 : i32
    %mul3A_144 = arith.constant 100352 : i32
    %mul3A_145 = arith.muli %sub3A_143, %mul3A_144 : i32
    %add3A_146 = arith.addi %mul3A_145, %mul3A_0 : i32
    "tpu.region"() ({
      %run_scoped3A = tpu.sem_alloc : memref<!tpu.dma_semaphore, #tpu.memory_space<semaphore_mem>>
      %dma_start3A_228 = tpu.memref_slice %arg8[%add3A_146] : memref<200704xf32, #tpu.memory_space<hbm>> -> memref<6272xf32, #tpu.memory_space<hbm>>
      %dma_start3A_229 = tpu.memref_slice %arg8[%add3A_146] : memref<200704xf32, #tpu.memory_space<hbm>> -> memref<6272xf32, #tpu.memory_space<hbm>>
      tpu.enqueue_dma source(%dma_start3A_229 : memref<6272xf32, #tpu.memory_space<hbm>>) target(%arg31 : memref<6272xf32, #tpu.memory_space<vmem>>) target_semaphore(%run_scoped3A : memref<!tpu.dma_semaphore, #tpu.memory_space<semaphore_mem>>)
      %dma_wait3A_230 = tpu.memref_slice %arg8[%add3A_146] : memref<200704xf32, #tpu.memory_space<hbm>> -> memref<6272xf32, #tpu.memory_space<hbm>>
      %dma_wait3A_231 = tpu.memref_slice %arg8[%add3A_146] : memref<200704xf32, #tpu.memory_space<hbm>> -> memref<6272xf32, #tpu.memory_space<hbm>>
      tpu.wait_dma2 semaphore(%run_scoped3A : memref<!tpu.dma_semaphore, #tpu.memory_space<semaphore_mem>>) src(%dma_wait3A_231 : memref<6272xf32, #tpu.memory_space<hbm>>) dst(%arg31 : memref<6272xf32, #tpu.memory_space<vmem>>)
      tpu.yield
    }) : () -> ()
    %parallel_loop3A_147 = arith.constant 0 : i32
    %parallel_loop3A_148 = arith.constant 392 : i32
    %parallel_loop3A_149 = arith.constant 1 : i32
    scf.for %parallel_loop3A_228 = %parallel_loop3A_147 to %parallel_loop3A_148 step %parallel_loop3A_149  : i32 {
      %parallel_loop3A_229 = arith.constant 16 : i32
      %parallel_loop3A_230 = arith.muli %parallel_loop3A_228, %parallel_loop3A_229 : i32
      %parallel_loop3A_231 = arith.index_cast %parallel_loop3A_230 : i32 to index
      %parallel_loop3A_232 = tpu.vector_load %arg30[%parallel_loop3A_231] {strides = array<i32>} : memref<6272xf32, #tpu.memory_space<vmem>>, vector<16xf32>,
      %parallel_loop3A_233 = arith.index_cast %parallel_loop3A_230 : i32 to index
      %parallel_loop3A_234 = tpu.vector_load %arg31[%parallel_loop3A_233] {strides = array<i32>} : memref<6272xf32, #tpu.memory_space<vmem>>, vector<16xf32>,
      %parallel_loop3A_235 = arith.addf %parallel_loop3A_232, %parallel_loop3A_234 : vector<16xf32>
      %parallel_loop3A_236 = arith.constant 0.000000e+00 : f32
      %parallel_loop3A_237 = vector.broadcast %parallel_loop3A_236 : f32 to vector<16xf32>
      %parallel_loop3A_238 = arith.maximumf %parallel_loop3A_235, %parallel_loop3A_237 : vector<16xf32>
      %parallel_loop3A_239 = arith.constant 1.000000e+01 : f32
      %parallel_loop3A_240 = vector.broadcast %parallel_loop3A_239 : f32 to vector<16xf32>
      %parallel_loop3A_241 = arith.minimumf %parallel_loop3A_238, %parallel_loop3A_240 : vector<16xf32>
      %parallel_loop3A_242 = arith.index_cast %parallel_loop3A_230 : i32 to index
      %parallel_loop3A_243 = tpu.vector_load %arg29[%parallel_loop3A_242] {strides = array<i32>} : memref<6272xf32, #tpu.memory_space<vmem>>, vector<16xf32>,
      %parallel_loop3A_244 = arith.constant 0.000000e+00 : f32
      %parallel_loop3A_245 = vector.broadcast %parallel_loop3A_244 : f32 to vector<16xf32>
      %parallel_loop3A_246 = arith.subf %parallel_loop3A_245, %parallel_loop3A_241 : vector<16xf32>
      %parallel_loop3A_247 = math.exp %parallel_loop3A_246 : vector<16xf32>
      %parallel_loop3A_248 = arith.constant 1.000000e+00 : f32
      %parallel_loop3A_249 = vector.broadcast %parallel_loop3A_248 : f32 to vector<16xf32>
      %parallel_loop3A_250 = arith.subf %parallel_loop3A_249, %parallel_loop3A_247 : vector<16xf32>
      %parallel_loop3A_251 = arith.mulf %parallel_loop3A_243, %parallel_loop3A_250 : vector<16xf32>
      %parallel_loop3A_252 = arith.index_cast %parallel_loop3A_230 : i32 to index
      %parallel_loop3A_253 = tpu.vector_load %arg28[%parallel_loop3A_252] {strides = array<i32>} : memref<6272xf32, #tpu.memory_space<vmem>>, vector<16xf32>,
      tpu.vector_store %arg28[%parallel_loop3A_252], %parallel_loop3A_251 {strides = array<i32>} : memref<6272xf32, #tpu.memory_space<vmem>>, vector<16xf32>,
      %parallel_loop3A_254 = arith.constant 1.000000e+00 : f32
      %parallel_loop3A_255 = vector.broadcast %parallel_loop3A_254 : f32 to vector<16xf32>
      %parallel_loop3A_256 = arith.subf %parallel_loop3A_255, %parallel_loop3A_251 : vector<16xf32>
      %parallel_loop3A_257 = arith.mulf %parallel_loop3A_243, %parallel_loop3A_256 : vector<16xf32>
      %parallel_loop3A_258 = arith.index_cast %parallel_loop3A_230 : i32 to index
      %parallel_loop3A_259 = tpu.vector_load %arg29[%parallel_loop3A_258] {strides = array<i32>} : memref<6272xf32, #tpu.memory_space<vmem>>, vector<16xf32>,
      tpu.vector_store %arg29[%parallel_loop3A_258], %parallel_loop3A_257 {strides = array<i32>} : memref<6272xf32, #tpu.memory_space<vmem>>, vector<16xf32>,
    } {sc.loop_unroll_factor = 8 : i64, sc.parallel_access}
    "tpu.region"() ({
      %run_scoped3A = tpu.sem_alloc : memref<!tpu.dma_semaphore, #tpu.memory_space<semaphore_mem>>
      %dma_start3A_228 = tpu.memref_slice %arg10[%mul3A_0] : memref<100352xf32, #tpu.memory_space<vmem_shared>> -> memref<6272xf32, #tpu.memory_space<vmem_shared>>
      %dma_start3A_229 = tpu.memref_slice %arg10[%mul3A_0] : memref<100352xf32, #tpu.memory_space<vmem_shared>> -> memref<6272xf32, #tpu.memory_space<vmem_shared>>
      tpu.enqueue_dma source(%arg28 : memref<6272xf32, #tpu.memory_space<vmem>>) target(%dma_start3A_229 : memref<6272xf32, #tpu.memory_space<vmem_shared>>) target_semaphore(%run_scoped3A : memref<!tpu.dma_semaphore, #tpu.memory_space<semaphore_mem>>)
      %dma_wait3A_230 = tpu.memref_slice %arg10[%mul3A_0] : memref<100352xf32, #tpu.memory_space<vmem_shared>> -> memref<6272xf32, #tpu.memory_space<vmem_shared>>
      %dma_wait3A_231 = tpu.memref_slice %arg10[%mul3A_0] : memref<100352xf32, #tpu.memory_space<vmem_shared>> -> memref<6272xf32, #tpu.memory_space<vmem_shared>>
      tpu.wait_dma2 semaphore(%run_scoped3A : memref<!tpu.dma_semaphore, #tpu.memory_space<semaphore_mem>>) src(%arg28 : memref<6272xf32, #tpu.memory_space<vmem>>) dst(%dma_wait3A_231 : memref<6272xf32, #tpu.memory_space<vmem_shared>>)
      tpu.yield
    }) : () -> ()
    %barrier3A_150 = arith.constant 0 : index
    tpu.barrier barrier_id(%barrier3A_150)
    %add3A_151 = arith.constant 0 : i32
    %add3A_152 = arith.addi %add3A, %add3A_151 : i32
    %dma_start3A_153 = tpu.memref_slice %arg3[%add3A_152] : memref<6400000xi32, #tpu.memory_space<hbm>> -> memref<2000xi32, #tpu.memory_space<hbm>>
    %dma_start3A_154 = tpu.memref_slice %arg3[%add3A_152] : memref<6400000xi32, #tpu.memory_space<hbm>> -> memref<2000xi32, #tpu.memory_space<hbm>>
    tpu.enqueue_dma source(%dma_start3A_154 : memref<2000xi32, #tpu.memory_space<hbm>>) target(%arg12 : memref<2000xi32, #tpu.memory_space<vmem>>) target_semaphore(%arg34 : memref<!tpu.dma_semaphore, #tpu.memory_space<semaphore_mem>>)
    %dma_start3A_155 = tpu.memref_slice %arg4[%add3A_152] : memref<6400000xi32, #tpu.memory_space<hbm>> -> memref<2000xi32, #tpu.memory_space<hbm>>
    %dma_start3A_156 = tpu.memref_slice %arg4[%add3A_152] : memref<6400000xi32, #tpu.memory_space<hbm>> -> memref<2000xi32, #tpu.memory_space<hbm>>
    tpu.enqueue_dma source(%dma_start3A_156 : memref<2000xi32, #tpu.memory_space<hbm>>) target(%arg16 : memref<2000xi32, #tpu.memory_space<vmem>>) target_semaphore(%arg34 : memref<!tpu.dma_semaphore, #tpu.memory_space<semaphore_mem>>)
    %dma_start3A_157 = tpu.memref_slice %arg7[%add3A_152] : memref<6400000xf32, #tpu.memory_space<hbm>> -> memref<2000xf32, #tpu.memory_space<hbm>>
    %dma_start3A_158 = tpu.memref_slice %arg7[%add3A_152] : memref<6400000xf32, #tpu.memory_space<hbm>> -> memref<2000xf32, #tpu.memory_space<hbm>>
    tpu.enqueue_dma source(%dma_start3A_158 : memref<2000xf32, #tpu.memory_space<hbm>>) target(%arg20 : memref<2000xf32, #tpu.memory_space<vmem>>) target_semaphore(%arg34 : memref<!tpu.dma_semaphore, #tpu.memory_space<semaphore_mem>>)
    %add3A_159 = arith.constant 2000 : i32
    %add3A_160 = arith.addi %add3A, %add3A_159 : i32
    %dma_start3A_161 = tpu.memref_slice %arg3[%add3A_160] : memref<6400000xi32, #tpu.memory_space<hbm>> -> memref<2000xi32, #tpu.memory_space<hbm>>
    %dma_start3A_162 = tpu.memref_slice %arg3[%add3A_160] : memref<6400000xi32, #tpu.memory_space<hbm>> -> memref<2000xi32, #tpu.memory_space<hbm>>
    tpu.enqueue_dma source(%dma_start3A_162 : memref<2000xi32, #tpu.memory_space<hbm>>) target(%arg13 : memref<2000xi32, #tpu.memory_space<vmem>>) target_semaphore(%arg35 : memref<!tpu.dma_semaphore, #tpu.memory_space<semaphore_mem>>)
    %dma_start3A_163 = tpu.memref_slice %arg4[%add3A_160] : memref<6400000xi32, #tpu.memory_space<hbm>> -> memref<2000xi32, #tpu.memory_space<hbm>>
    %dma_start3A_164 = tpu.memref_slice %arg4[%add3A_160] : memref<6400000xi32, #tpu.memory_space<hbm>> -> memref<2000xi32, #tpu.memory_space<hbm>>
    tpu.enqueue_dma source(%dma_start3A_164 : memref<2000xi32, #tpu.memory_space<hbm>>) target(%arg17 : memref<2000xi32, #tpu.memory_space<vmem>>) target_semaphore(%arg35 : memref<!tpu.dma_semaphore, #tpu.memory_space<semaphore_mem>>)
    %dma_start3A_165 = tpu.memref_slice %arg7[%add3A_160] : memref<6400000xf32, #tpu.memory_space<hbm>> -> memref<2000xf32, #tpu.memory_space<hbm>>
    %dma_start3A_166 = tpu.memref_slice %arg7[%add3A_160] : memref<6400000xf32, #tpu.memory_space<hbm>> -> memref<2000xf32, #tpu.memory_space<hbm>>
    tpu.enqueue_dma source(%dma_start3A_166 : memref<2000xf32, #tpu.memory_space<hbm>>) target(%arg21 : memref<2000xf32, #tpu.memory_space<vmem>>) target_semaphore(%arg35 : memref<!tpu.dma_semaphore, #tpu.memory_space<semaphore_mem>>)
    %dma_wait3A_167 = arith.constant 0 : i32
    %dma_wait3A_168 = tpu.memref_slice %arg3[%dma_wait3A_167] : memref<6400000xi32, #tpu.memory_space<hbm>> -> memref<2000xi32, #tpu.memory_space<hbm>>
    %dma_wait3A_169 = arith.constant 0 : i32
    %dma_wait3A_170 = tpu.memref_slice %arg3[%dma_wait3A_169] : memref<6400000xi32, #tpu.memory_space<hbm>> -> memref<2000xi32, #tpu.memory_space<hbm>>
    tpu.wait_dma2 semaphore(%arg34 : memref<!tpu.dma_semaphore, #tpu.memory_space<semaphore_mem>>) src(%dma_wait3A_170 : memref<2000xi32, #tpu.memory_space<hbm>>) dst(%arg12 : memref<2000xi32, #tpu.memory_space<vmem>>)
    %dma_wait3A_171 = arith.constant 0 : i32
    %dma_wait3A_172 = tpu.memref_slice %arg4[%dma_wait3A_171] : memref<6400000xi32, #tpu.memory_space<hbm>> -> memref<2000xi32, #tpu.memory_space<hbm>>
    %dma_wait3A_173 = arith.constant 0 : i32
    %dma_wait3A_174 = tpu.memref_slice %arg4[%dma_wait3A_173] : memref<6400000xi32, #tpu.memory_space<hbm>> -> memref<2000xi32, #tpu.memory_space<hbm>>
    tpu.wait_dma2 semaphore(%arg34 : memref<!tpu.dma_semaphore, #tpu.memory_space<semaphore_mem>>) src(%dma_wait3A_174 : memref<2000xi32, #tpu.memory_space<hbm>>) dst(%arg16 : memref<2000xi32, #tpu.memory_space<vmem>>)
    %dma_wait3A_175 = arith.constant 0 : i32
    %dma_wait3A_176 = tpu.memref_slice %arg5[%dma_wait3A_175] : memref<6400000xf32, #tpu.memory_space<hbm>> -> memref<2000xf32, #tpu.memory_space<hbm>>
    %dma_wait3A_177 = arith.constant 0 : i32
    %dma_wait3A_178 = tpu.memref_slice %arg5[%dma_wait3A_177] : memref<6400000xf32, #tpu.memory_space<hbm>> -> memref<2000xf32, #tpu.memory_space<hbm>>
    tpu.wait_dma2 semaphore(%arg34 : memref<!tpu.dma_semaphore, #tpu.memory_space<semaphore_mem>>) src(%dma_wait3A_178 : memref<2000xf32, #tpu.memory_space<hbm>>) dst(%arg20 : memref<2000xf32, #tpu.memory_space<vmem>>)
    %dma_start3A_179 = arith.constant 0 : i32
    %dma_start3A_180 = tpu.memref_slice %arg10[%dma_start3A_179] : memref<100352xf32, #tpu.memory_space<vmem_shared>> -> memref<100352xf32, #tpu.memory_space<vmem_shared>>
    tpu.enqueue_indirect_dma source(%dma_start3A_180 : memref<100352xf32, #tpu.memory_space<vmem_shared>>) target(%arg24 : memref<2000xf32, #tpu.memory_space<vmem>>) offsets(%arg12 : memref<2000xi32, #tpu.memory_space<vmem>>) semaphore(%arg46 : memref<!tpu.dma_semaphore, #tpu.memory_space<semaphore_mem>>)
    %scan3A_181 = arith.constant 0 : i32
    %scan3A_182 = arith.constant 25 : i32
    %scan3A_183 = arith.addi %scan3A_181, %scan3A_182 : i32
    %scan3A_184 = arith.constant 1 : i32
    scf.for %scan3A_228 = %scan3A_181 to %scan3A_183 step %scan3A_184  : i32 {
      %mul3A_229 = arith.constant 4 : i32
      %mul3A_230 = arith.muli %scan3A_228, %mul3A_229 : i32
      %add3A_231 = arith.constant 0 : i32
      %add3A_232 = arith.addi %add3A_231, %mul3A_230 : i32
      %add3A_233 = arith.constant 0 : i32
      %add3A_234 = arith.addi %add3A_232, %add3A_233 : i32
      %ge3A = arith.constant 2 : i32
      %ge3A_235 = arith.cmpi sge, %add3A_234, %ge3A : i32
      %convert_element_type3A_236 = arith.extui %ge3A_235 : i1 to i32
      %cond3A_237 = arith.constant 0 : i32
      %cond3A_238 = arith.cmpi ne, %convert_element_type3A_236, %cond3A_237 : i32
      scf.if %cond3A_238 {
        %dma_wait3A_343 = arith.constant 0 : i32
        %dma_wait3A_344 = tpu.memref_slice %arg11[%dma_wait3A_343] : memref<100352xf32, #tpu.memory_space<vmem_shared>> -> memref<100352xf32, #tpu.memory_space<vmem_shared>>
        tpu.wait_indirect_dma semaphore(%arg40 : memref<!tpu.dma_semaphore, #tpu.memory_space<semaphore_mem>>) src(%arg26 : memref<2000xf32, #tpu.memory_space<vmem>>) dst(%dma_wait3A_344 : memref<100352xf32, #tpu.memory_space<vmem_shared>>)
      } else {
      }
      %add3A_239 = arith.constant 2 : i32
      %add3A_240 = arith.addi %add3A_234, %add3A_239 : i32
      %lt3A = arith.constant 100 : i32
      %lt3A_241 = arith.cmpi slt, %add3A_240, %lt3A : i32
      %convert_element_type3A_242 = arith.extui %lt3A_241 : i1 to i32
      %cond3A_243 = arith.constant 0 : i32
      %cond3A_244 = arith.cmpi ne, %convert_element_type3A_242, %cond3A_243 : i32
      scf.if %cond3A_244 {
        %add3A_343 = arith.constant 2 : i32
        %add3A_344 = arith.addi %add3A_234, %add3A_343 : i32
        %mul3A_345 = arith.constant 2000 : i32
        %mul3A_346 = arith.muli %add3A_344, %mul3A_345 : i32
        %add3A_347 = arith.addi %add3A, %mul3A_346 : i32
        %dma_start3A_348 = tpu.memref_slice %arg3[%add3A_347] : memref<6400000xi32, #tpu.memory_space<hbm>> -> memref<2000xi32, #tpu.memory_space<hbm>>
        %dma_start3A_349 = tpu.memref_slice %arg3[%add3A_347] : memref<6400000xi32, #tpu.memory_space<hbm>> -> memref<2000xi32, #tpu.memory_space<hbm>>
        tpu.enqueue_dma source(%dma_start3A_349 : memref<2000xi32, #tpu.memory_space<hbm>>) target(%arg14 : memref<2000xi32, #tpu.memory_space<vmem>>) target_semaphore(%arg36 : memref<!tpu.dma_semaphore, #tpu.memory_space<semaphore_mem>>)
        %dma_start3A_350 = tpu.memref_slice %arg4[%add3A_347] : memref<6400000xi32, #tpu.memory_space<hbm>> -> memref<2000xi32, #tpu.memory_space<hbm>>
        %dma_start3A_351 = tpu.memref_slice %arg4[%add3A_347] : memref<6400000xi32, #tpu.memory_space<hbm>> -> memref<2000xi32, #tpu.memory_space<hbm>>
        tpu.enqueue_dma source(%dma_start3A_351 : memref<2000xi32, #tpu.memory_space<hbm>>) target(%arg18 : memref<2000xi32, #tpu.memory_space<vmem>>) target_semaphore(%arg36 : memref<!tpu.dma_semaphore, #tpu.memory_space<semaphore_mem>>)
        %dma_start3A_352 = tpu.memref_slice %arg7[%add3A_347] : memref<6400000xf32, #tpu.memory_space<hbm>> -> memref<2000xf32, #tpu.memory_space<hbm>>
        %dma_start3A_353 = tpu.memref_slice %arg7[%add3A_347] : memref<6400000xf32, #tpu.memory_space<hbm>> -> memref<2000xf32, #tpu.memory_space<hbm>>
        tpu.enqueue_dma source(%dma_start3A_353 : memref<2000xf32, #tpu.memory_space<hbm>>) target(%arg22 : memref<2000xf32, #tpu.memory_space<vmem>>) target_semaphore(%arg36 : memref<!tpu.dma_semaphore, #tpu.memory_space<semaphore_mem>>)
      } else {
      }
      %dma_wait3A_245 = arith.constant 0 : i32
      %dma_wait3A_246 = tpu.memref_slice %arg10[%dma_wait3A_245] : memref<100352xf32, #tpu.memory_space<vmem_shared>> -> memref<100352xf32, #tpu.memory_space<vmem_shared>>
      tpu.wait_indirect_dma semaphore(%arg46 : memref<!tpu.dma_semaphore, #tpu.memory_space<semaphore_mem>>) src(%dma_wait3A_246 : memref<100352xf32, #tpu.memory_space<vmem_shared>>) dst(%arg24 : memref<2000xf32, #tpu.memory_space<vmem>>)
      %add3A_247 = arith.constant 1 : i32
      %add3A_248 = arith.addi %add3A_234, %add3A_247 : i32
      %lt3A_249 = arith.constant 100 : i32
      %lt3A_250 = arith.cmpi slt, %add3A_248, %lt3A_249 : i32
      %convert_element_type3A_251 = arith.extui %lt3A_250 : i1 to i32
      %cond3A_252 = arith.constant 0 : i32
      %cond3A_253 = arith.cmpi ne, %convert_element_type3A_251, %cond3A_252 : i32
      scf.if %cond3A_253 {
        %dma_wait3A_343 = arith.constant 0 : i32
        %dma_wait3A_344 = tpu.memref_slice %arg3[%dma_wait3A_343] : memref<6400000xi32, #tpu.memory_space<hbm>> -> memref<2000xi32, #tpu.memory_space<hbm>>
        %dma_wait3A_345 = arith.constant 0 : i32
        %dma_wait3A_346 = tpu.memref_slice %arg3[%dma_wait3A_345] : memref<6400000xi32, #tpu.memory_space<hbm>> -> memref<2000xi32, #tpu.memory_space<hbm>>
        tpu.wait_dma2 semaphore(%arg35 : memref<!tpu.dma_semaphore, #tpu.memory_space<semaphore_mem>>) src(%dma_wait3A_346 : memref<2000xi32, #tpu.memory_space<hbm>>) dst(%arg13 : memref<2000xi32, #tpu.memory_space<vmem>>)
        %dma_wait3A_347 = arith.constant 0 : i32
        %dma_wait3A_348 = tpu.memref_slice %arg4[%dma_wait3A_347] : memref<6400000xi32, #tpu.memory_space<hbm>> -> memref<2000xi32, #tpu.memory_space<hbm>>
        %dma_wait3A_349 = arith.constant 0 : i32
        %dma_wait3A_350 = tpu.memref_slice %arg4[%dma_wait3A_349] : memref<6400000xi32, #tpu.memory_space<hbm>> -> memref<2000xi32, #tpu.memory_space<hbm>>
        tpu.wait_dma2 semaphore(%arg35 : memref<!tpu.dma_semaphore, #tpu.memory_space<semaphore_mem>>) src(%dma_wait3A_350 : memref<2000xi32, #tpu.memory_space<hbm>>) dst(%arg17 : memref<2000xi32, #tpu.memory_space<vmem>>)
        %dma_wait3A_351 = arith.constant 0 : i32
        %dma_wait3A_352 = tpu.memref_slice %arg5[%dma_wait3A_351] : memref<6400000xf32, #tpu.memory_space<hbm>> -> memref<2000xf32, #tpu.memory_space<hbm>>
        %dma_wait3A_353 = arith.constant 0 : i32
        %dma_wait3A_354 = tpu.memref_slice %arg5[%dma_wait3A_353] : memref<6400000xf32, #tpu.memory_space<hbm>> -> memref<2000xf32, #tpu.memory_space<hbm>>
        tpu.wait_dma2 semaphore(%arg35 : memref<!tpu.dma_semaphore, #tpu.memory_space<semaphore_mem>>) src(%dma_wait3A_354 : memref<2000xf32, #tpu.memory_space<hbm>>) dst(%arg21 : memref<2000xf32, #tpu.memory_space<vmem>>)
        %dma_start3A_355 = arith.constant 0 : i32
        %dma_start3A_356 = tpu.memref_slice %arg10[%dma_start3A_355] : memref<100352xf32, #tpu.memory_space<vmem_shared>> -> memref<100352xf32, #tpu.memory_space<vmem_shared>>
        tpu.enqueue_indirect_dma source(%dma_start3A_356 : memref<100352xf32, #tpu.memory_space<vmem_shared>>) target(%arg25 : memref<2000xf32, #tpu.memory_space<vmem>>) offsets(%arg13 : memref<2000xi32, #tpu.memory_space<vmem>>) semaphore(%arg47 : memref<!tpu.dma_semaphore, #tpu.memory_space<semaphore_mem>>)
      } else {
      }
      %parallel_loop3A_254 = arith.constant 0 : i32
      %parallel_loop3A_255 = arith.constant 125 : i32
      %parallel_loop3A_256 = arith.constant 1 : i32
      scf.for %parallel_loop3A_343 = %parallel_loop3A_254 to %parallel_loop3A_255 step %parallel_loop3A_256  : i32 {
        %parallel_loop3A_344 = arith.constant 16 : i32
        %parallel_loop3A_345 = arith.muli %parallel_loop3A_343, %parallel_loop3A_344 : i32
        %parallel_loop3A_346 = arith.index_cast %parallel_loop3A_345 : i32 to index
        %parallel_loop3A_347 = tpu.vector_load %arg20[%parallel_loop3A_346] {strides = array<i32>} : memref<2000xf32, #tpu.memory_space<vmem>>, vector<16xf32>,
        %parallel_loop3A_348 = arith.index_cast %parallel_loop3A_345 : i32 to index
        %parallel_loop3A_349 = tpu.vector_load %arg24[%parallel_loop3A_348] {strides = array<i32>} : memref<2000xf32, #tpu.memory_space<vmem>>, vector<16xf32>,
        %parallel_loop3A_350 = arith.mulf %parallel_loop3A_347, %parallel_loop3A_349 : vector<16xf32>
        %parallel_loop3A_351 = arith.index_cast %parallel_loop3A_345 : i32 to index
        %parallel_loop3A_352 = tpu.vector_load %arg24[%parallel_loop3A_351] {strides = array<i32>} : memref<2000xf32, #tpu.memory_space<vmem>>, vector<16xf32>,
        tpu.vector_store %arg24[%parallel_loop3A_351], %parallel_loop3A_350 {strides = array<i32>} : memref<2000xf32, #tpu.memory_space<vmem>>, vector<16xf32>,
      } {sc.loop_unroll_factor = 8 : i64, sc.parallel_access}
      %dma_start3A_257 = arith.constant 0 : i32
      %dma_start3A_258 = tpu.memref_slice %arg11[%dma_start3A_257] : memref<100352xf32, #tpu.memory_space<vmem_shared>> -> memref<100352xf32, #tpu.memory_space<vmem_shared>>
      tpu.enqueue_indirect_dma source(%arg24 : memref<2000xf32, #tpu.memory_space<vmem>>) target(%dma_start3A_258 : memref<100352xf32, #tpu.memory_space<vmem_shared>>) offsets(%arg16 : memref<2000xi32, #tpu.memory_space<vmem>>) semaphore(%arg38 : memref<!tpu.dma_semaphore, #tpu.memory_space<semaphore_mem>>) {add = true}
      %add3A_259 = arith.constant 1 : i32
      %add3A_260 = arith.addi %add3A_232, %add3A_259 : i32
      %ge3A_261 = arith.constant 2 : i32
      %ge3A_262 = arith.cmpi sge, %add3A_260, %ge3A_261 : i32
      %convert_element_type3A_263 = arith.extui %ge3A_262 : i1 to i32
      %cond3A_264 = arith.constant 0 : i32
      %cond3A_265 = arith.cmpi ne, %convert_element_type3A_263, %cond3A_264 : i32
      scf.if %cond3A_265 {
        %dma_wait3A_343 = arith.constant 0 : i32
        %dma_wait3A_344 = tpu.memref_slice %arg11[%dma_wait3A_343] : memref<100352xf32, #tpu.memory_space<vmem_shared>> -> memref<100352xf32, #tpu.memory_space<vmem_shared>>
        tpu.wait_indirect_dma semaphore(%arg41 : memref<!tpu.dma_semaphore, #tpu.memory_space<semaphore_mem>>) src(%arg27 : memref<2000xf32, #tpu.memory_space<vmem>>) dst(%dma_wait3A_344 : memref<100352xf32, #tpu.memory_space<vmem_shared>>)
      } else {
      }
      %add3A_266 = arith.constant 2 : i32
      %add3A_267 = arith.addi %add3A_260, %add3A_266 : i32
      %lt3A_268 = arith.constant 100 : i32
      %lt3A_269 = arith.cmpi slt, %add3A_267, %lt3A_268 : i32
      %convert_element_type3A_270 = arith.extui %lt3A_269 : i1 to i32
      %cond3A_271 = arith.constant 0 : i32
      %cond3A_272 = arith.cmpi ne, %convert_element_type3A_270, %cond3A_271 : i32
      scf.if %cond3A_272 {
        %add3A_343 = arith.constant 2 : i32
        %add3A_344 = arith.addi %add3A_260, %add3A_343 : i32
        %mul3A_345 = arith.constant 2000 : i32
        %mul3A_346 = arith.muli %add3A_344, %mul3A_345 : i32
        %add3A_347 = arith.addi %add3A, %mul3A_346 : i32
        %dma_start3A_348 = tpu.memref_slice %arg3[%add3A_347] : memref<6400000xi32, #tpu.memory_space<hbm>> -> memref<2000xi32, #tpu.memory_space<hbm>>
        %dma_start3A_349 = tpu.memref_slice %arg3[%add3A_347] : memref<6400000xi32, #tpu.memory_space<hbm>> -> memref<2000xi32, #tpu.memory_space<hbm>>
        tpu.enqueue_dma source(%dma_start3A_349 : memref<2000xi32, #tpu.memory_space<hbm>>) target(%arg15 : memref<2000xi32, #tpu.memory_space<vmem>>) target_semaphore(%arg37 : memref<!tpu.dma_semaphore, #tpu.memory_space<semaphore_mem>>)
        %dma_start3A_350 = tpu.memref_slice %arg4[%add3A_347] : memref<6400000xi32, #tpu.memory_space<hbm>> -> memref<2000xi32, #tpu.memory_space<hbm>>
        %dma_start3A_351 = tpu.memref_slice %arg4[%add3A_347] : memref<6400000xi32, #tpu.memory_space<hbm>> -> memref<2000xi32, #tpu.memory_space<hbm>>
        tpu.enqueue_dma source(%dma_start3A_351 : memref<2000xi32, #tpu.memory_space<hbm>>) target(%arg19 : memref<2000xi32, #tpu.memory_space<vmem>>) target_semaphore(%arg37 : memref<!tpu.dma_semaphore, #tpu.memory_space<semaphore_mem>>)
        %dma_start3A_352 = tpu.memref_slice %arg7[%add3A_347] : memref<6400000xf32, #tpu.memory_space<hbm>> -> memref<2000xf32, #tpu.memory_space<hbm>>
        %dma_start3A_353 = tpu.memref_slice %arg7[%add3A_347] : memref<6400000xf32, #tpu.memory_space<hbm>> -> memref<2000xf32, #tpu.memory_space<hbm>>
        tpu.enqueue_dma source(%dma_start3A_353 : memref<2000xf32, #tpu.memory_space<hbm>>) target(%arg23 : memref<2000xf32, #tpu.memory_space<vmem>>) target_semaphore(%arg37 : memref<!tpu.dma_semaphore, #tpu.memory_space<semaphore_mem>>)
      } else {
      }
      %dma_wait3A_273 = arith.constant 0 : i32
      %dma_wait3A_274 = tpu.memref_slice %arg10[%dma_wait3A_273] : memref<100352xf32, #tpu.memory_space<vmem_shared>> -> memref<100352xf32, #tpu.memory_space<vmem_shared>>
      tpu.wait_indirect_dma semaphore(%arg47 : memref<!tpu.dma_semaphore, #tpu.memory_space<semaphore_mem>>) src(%dma_wait3A_274 : memref<100352xf32, #tpu.memory_space<vmem_shared>>) dst(%arg25 : memref<2000xf32, #tpu.memory_space<vmem>>)
      %add3A_275 = arith.constant 1 : i32
      %add3A_276 = arith.addi %add3A_260, %add3A_275 : i32
      %lt3A_277 = arith.constant 100 : i32
      %lt3A_278 = arith.cmpi slt, %add3A_276, %lt3A_277 : i32
      %convert_element_type3A_279 = arith.extui %lt3A_278 : i1 to i32
      %cond3A_280 = arith.constant 0 : i32
      %cond3A_281 = arith.cmpi ne, %convert_element_type3A_279, %cond3A_280 : i32
      scf.if %cond3A_281 {
        %dma_wait3A_343 = arith.constant 0 : i32
        %dma_wait3A_344 = tpu.memref_slice %arg3[%dma_wait3A_343] : memref<6400000xi32, #tpu.memory_space<hbm>> -> memref<2000xi32, #tpu.memory_space<hbm>>
        %dma_wait3A_345 = arith.constant 0 : i32
        %dma_wait3A_346 = tpu.memref_slice %arg3[%dma_wait3A_345] : memref<6400000xi32, #tpu.memory_space<hbm>> -> memref<2000xi32, #tpu.memory_space<hbm>>
        tpu.wait_dma2 semaphore(%arg36 : memref<!tpu.dma_semaphore, #tpu.memory_space<semaphore_mem>>) src(%dma_wait3A_346 : memref<2000xi32, #tpu.memory_space<hbm>>) dst(%arg14 : memref<2000xi32, #tpu.memory_space<vmem>>)
        %dma_wait3A_347 = arith.constant 0 : i32
        %dma_wait3A_348 = tpu.memref_slice %arg4[%dma_wait3A_347] : memref<6400000xi32, #tpu.memory_space<hbm>> -> memref<2000xi32, #tpu.memory_space<hbm>>
        %dma_wait3A_349 = arith.constant 0 : i32
        %dma_wait3A_350 = tpu.memref_slice %arg4[%dma_wait3A_349] : memref<6400000xi32, #tpu.memory_space<hbm>> -> memref<2000xi32, #tpu.memory_space<hbm>>
        tpu.wait_dma2 semaphore(%arg36 : memref<!tpu.dma_semaphore, #tpu.memory_space<semaphore_mem>>) src(%dma_wait3A_350 : memref<2000xi32, #tpu.memory_space<hbm>>) dst(%arg18 : memref<2000xi32, #tpu.memory_space<vmem>>)
        %dma_wait3A_351 = arith.constant 0 : i32
        %dma_wait3A_352 = tpu.memref_slice %arg5[%dma_wait3A_351] : memref<6400000xf32, #tpu.memory_space<hbm>> -> memref<2000xf32, #tpu.memory_space<hbm>>
        %dma_wait3A_353 = arith.constant 0 : i32
        %dma_wait3A_354 = tpu.memref_slice %arg5[%dma_wait3A_353] : memref<6400000xf32, #tpu.memory_space<hbm>> -> memref<2000xf32, #tpu.memory_space<hbm>>
        tpu.wait_dma2 semaphore(%arg36 : memref<!tpu.dma_semaphore, #tpu.memory_space<semaphore_mem>>) src(%dma_wait3A_354 : memref<2000xf32, #tpu.memory_space<hbm>>) dst(%arg22 : memref<2000xf32, #tpu.memory_space<vmem>>)
        %dma_start3A_355 = arith.constant 0 : i32
        %dma_start3A_356 = tpu.memref_slice %arg10[%dma_start3A_355] : memref<100352xf32, #tpu.memory_space<vmem_shared>> -> memref<100352xf32, #tpu.memory_space<vmem_shared>>
        tpu.enqueue_indirect_dma source(%dma_start3A_356 : memref<100352xf32, #tpu.memory_space<vmem_shared>>) target(%arg26 : memref<2000xf32, #tpu.memory_space<vmem>>) offsets(%arg14 : memref<2000xi32, #tpu.memory_space<vmem>>) semaphore(%arg48 : memref<!tpu.dma_semaphore, #tpu.memory_space<semaphore_mem>>)
      } else {
      }
      %parallel_loop3A_282 = arith.constant 0 : i32
      %parallel_loop3A_283 = arith.constant 125 : i32
      %parallel_loop3A_284 = arith.constant 1 : i32
      scf.for %parallel_loop3A_343 = %parallel_loop3A_282 to %parallel_loop3A_283 step %parallel_loop3A_284  : i32 {
        %parallel_loop3A_344 = arith.constant 16 : i32
        %parallel_loop3A_345 = arith.muli %parallel_loop3A_343, %parallel_loop3A_344 : i32
        %parallel_loop3A_346 = arith.index_cast %parallel_loop3A_345 : i32 to index
        %parallel_loop3A_347 = tpu.vector_load %arg21[%parallel_loop3A_346] {strides = array<i32>} : memref<2000xf32, #tpu.memory_space<vmem>>, vector<16xf32>,
        %parallel_loop3A_348 = arith.index_cast %parallel_loop3A_345 : i32 to index
        %parallel_loop3A_349 = tpu.vector_load %arg25[%parallel_loop3A_348] {strides = array<i32>} : memref<2000xf32, #tpu.memory_space<vmem>>, vector<16xf32>,
        %parallel_loop3A_350 = arith.mulf %parallel_loop3A_347, %parallel_loop3A_349 : vector<16xf32>
        %parallel_loop3A_351 = arith.index_cast %parallel_loop3A_345 : i32 to index
        %parallel_loop3A_352 = tpu.vector_load %arg25[%parallel_loop3A_351] {strides = array<i32>} : memref<2000xf32, #tpu.memory_space<vmem>>, vector<16xf32>,
        tpu.vector_store %arg25[%parallel_loop3A_351], %parallel_loop3A_350 {strides = array<i32>} : memref<2000xf32, #tpu.memory_space<vmem>>, vector<16xf32>,
      } {sc.loop_unroll_factor = 8 : i64, sc.parallel_access}
      %dma_start3A_285 = arith.constant 0 : i32
      %dma_start3A_286 = tpu.memref_slice %arg11[%dma_start3A_285] : memref<100352xf32, #tpu.memory_space<vmem_shared>> -> memref<100352xf32, #tpu.memory_space<vmem_shared>>
      tpu.enqueue_indirect_dma source(%arg25 : memref<2000xf32, #tpu.memory_space<vmem>>) target(%dma_start3A_286 : memref<100352xf32, #tpu.memory_space<vmem_shared>>) offsets(%arg17 : memref<2000xi32, #tpu.memory_space<vmem>>) semaphore(%arg39 : memref<!tpu.dma_semaphore, #tpu.memory_space<semaphore_mem>>) {add = true}
      %add3A_287 = arith.constant 2 : i32
      %add3A_288 = arith.addi %add3A_232, %add3A_287 : i32
      %ge3A_289 = arith.constant 2 : i32
      %ge3A_290 = arith.cmpi sge, %add3A_288, %ge3A_289 : i32
      %convert_element_type3A_291 = arith.extui %ge3A_290 : i1 to i32
      %cond3A_292 = arith.constant 0 : i32
      %cond3A_293 = arith.cmpi ne, %convert_element_type3A_291, %cond3A_292 : i32
      scf.if %cond3A_293 {
        %dma_wait3A_343 = arith.constant 0 : i32
        %dma_wait3A_344 = tpu.memref_slice %arg11[%dma_wait3A_343] : memref<100352xf32, #tpu.memory_space<vmem_shared>> -> memref<100352xf32, #tpu.memory_space<vmem_shared>>
        tpu.wait_indirect_dma semaphore(%arg38 : memref<!tpu.dma_semaphore, #tpu.memory_space<semaphore_mem>>) src(%arg24 : memref<2000xf32, #tpu.memory_space<vmem>>) dst(%dma_wait3A_344 : memref<100352xf32, #tpu.memory_space<vmem_shared>>)
      } else {
      }
      %add3A_294 = arith.constant 2 : i32
      %add3A_295 = arith.addi %add3A_288, %add3A_294 : i32
      %lt3A_296 = arith.constant 100 : i32
      %lt3A_297 = arith.cmpi slt, %add3A_295, %lt3A_296 : i32
      %convert_element_type3A_298 = arith.extui %lt3A_297 : i1 to i32
      %cond3A_299 = arith.constant 0 : i32
      %cond3A_300 = arith.cmpi ne, %convert_element_type3A_298, %cond3A_299 : i32
      scf.if %cond3A_300 {
        %add3A_343 = arith.constant 2 : i32
        %add3A_344 = arith.addi %add3A_288, %add3A_343 : i32
        %mul3A_345 = arith.constant 2000 : i32
        %mul3A_346 = arith.muli %add3A_344, %mul3A_345 : i32
        %add3A_347 = arith.addi %add3A, %mul3A_346 : i32
        %dma_start3A_348 = tpu.memref_slice %arg3[%add3A_347] : memref<6400000xi32, #tpu.memory_space<hbm>> -> memref<2000xi32, #tpu.memory_space<hbm>>
        %dma_start3A_349 = tpu.memref_slice %arg3[%add3A_347] : memref<6400000xi32, #tpu.memory_space<hbm>> -> memref<2000xi32, #tpu.memory_space<hbm>>
        tpu.enqueue_dma source(%dma_start3A_349 : memref<2000xi32, #tpu.memory_space<hbm>>) target(%arg12 : memref<2000xi32, #tpu.memory_space<vmem>>) target_semaphore(%arg34 : memref<!tpu.dma_semaphore, #tpu.memory_space<semaphore_mem>>)
        %dma_start3A_350 = tpu.memref_slice %arg4[%add3A_347] : memref<6400000xi32, #tpu.memory_space<hbm>> -> memref<2000xi32, #tpu.memory_space<hbm>>
        %dma_start3A_351 = tpu.memref_slice %arg4[%add3A_347] : memref<6400000xi32, #tpu.memory_space<hbm>> -> memref<2000xi32, #tpu.memory_space<hbm>>
        tpu.enqueue_dma source(%dma_start3A_351 : memref<2000xi32, #tpu.memory_space<hbm>>) target(%arg16 : memref<2000xi32, #tpu.memory_space<vmem>>) target_semaphore(%arg34 : memref<!tpu.dma_semaphore, #tpu.memory_space<semaphore_mem>>)
        %dma_start3A_352 = tpu.memref_slice %arg7[%add3A_347] : memref<6400000xf32, #tpu.memory_space<hbm>> -> memref<2000xf32, #tpu.memory_space<hbm>>
        %dma_start3A_353 = tpu.memref_slice %arg7[%add3A_347] : memref<6400000xf32, #tpu.memory_space<hbm>> -> memref<2000xf32, #tpu.memory_space<hbm>>
        tpu.enqueue_dma source(%dma_start3A_353 : memref<2000xf32, #tpu.memory_space<hbm>>) target(%arg20 : memref<2000xf32, #tpu.memory_space<vmem>>) target_semaphore(%arg34 : memref<!tpu.dma_semaphore, #tpu.memory_space<semaphore_mem>>)
      } else {
      }
      %dma_wait3A_301 = arith.constant 0 : i32
      %dma_wait3A_302 = tpu.memref_slice %arg10[%dma_wait3A_301] : memref<100352xf32, #tpu.memory_space<vmem_shared>> -> memref<100352xf32, #tpu.memory_space<vmem_shared>>
      tpu.wait_indirect_dma semaphore(%arg48 : memref<!tpu.dma_semaphore, #tpu.memory_space<semaphore_mem>>) src(%dma_wait3A_302 : memref<100352xf32, #tpu.memory_space<vmem_shared>>) dst(%arg26 : memref<2000xf32, #tpu.memory_space<vmem>>)
      %add3A_303 = arith.constant 1 : i32
      %add3A_304 = arith.addi %add3A_288, %add3A_303 : i32
      %lt3A_305 = arith.constant 100 : i32
      %lt3A_306 = arith.cmpi slt, %add3A_304, %lt3A_305 : i32
      %convert_element_type3A_307 = arith.extui %lt3A_306 : i1 to i32
      %cond3A_308 = arith.constant 0 : i32
      %cond3A_309 = arith.cmpi ne, %convert_element_type3A_307, %cond3A_308 : i32
      scf.if %cond3A_309 {
        %dma_wait3A_343 = arith.constant 0 : i32
        %dma_wait3A_344 = tpu.memref_slice %arg3[%dma_wait3A_343] : memref<6400000xi32, #tpu.memory_space<hbm>> -> memref<2000xi32, #tpu.memory_space<hbm>>
        %dma_wait3A_345 = arith.constant 0 : i32
        %dma_wait3A_346 = tpu.memref_slice %arg3[%dma_wait3A_345] : memref<6400000xi32, #tpu.memory_space<hbm>> -> memref<2000xi32, #tpu.memory_space<hbm>>
        tpu.wait_dma2 semaphore(%arg37 : memref<!tpu.dma_semaphore, #tpu.memory_space<semaphore_mem>>) src(%dma_wait3A_346 : memref<2000xi32, #tpu.memory_space<hbm>>) dst(%arg15 : memref<2000xi32, #tpu.memory_space<vmem>>)
        %dma_wait3A_347 = arith.constant 0 : i32
        %dma_wait3A_348 = tpu.memref_slice %arg4[%dma_wait3A_347] : memref<6400000xi32, #tpu.memory_space<hbm>> -> memref<2000xi32, #tpu.memory_space<hbm>>
        %dma_wait3A_349 = arith.constant 0 : i32
        %dma_wait3A_350 = tpu.memref_slice %arg4[%dma_wait3A_349] : memref<6400000xi32, #tpu.memory_space<hbm>> -> memref<2000xi32, #tpu.memory_space<hbm>>
        tpu.wait_dma2 semaphore(%arg37 : memref<!tpu.dma_semaphore, #tpu.memory_space<semaphore_mem>>) src(%dma_wait3A_350 : memref<2000xi32, #tpu.memory_space<hbm>>) dst(%arg19 : memref<2000xi32, #tpu.memory_space<vmem>>)
        %dma_wait3A_351 = arith.constant 0 : i32
        %dma_wait3A_352 = tpu.memref_slice %arg5[%dma_wait3A_351] : memref<6400000xf32, #tpu.memory_space<hbm>> -> memref<2000xf32, #tpu.memory_space<hbm>>
        %dma_wait3A_353 = arith.constant 0 : i32
        %dma_wait3A_354 = tpu.memref_slice %arg5[%dma_wait3A_353] : memref<6400000xf32, #tpu.memory_space<hbm>> -> memref<2000xf32, #tpu.memory_space<hbm>>
        tpu.wait_dma2 semaphore(%arg37 : memref<!tpu.dma_semaphore, #tpu.memory_space<semaphore_mem>>) src(%dma_wait3A_354 : memref<2000xf32, #tpu.memory_space<hbm>>) dst(%arg23 : memref<2000xf32, #tpu.memory_space<vmem>>)
        %dma_start3A_355 = arith.constant 0 : i32
        %dma_start3A_356 = tpu.memref_slice %arg10[%dma_start3A_355] : memref<100352xf32, #tpu.memory_space<vmem_shared>> -> memref<100352xf32, #tpu.memory_space<vmem_shared>>
        tpu.enqueue_indirect_dma source(%dma_start3A_356 : memref<100352xf32, #tpu.memory_space<vmem_shared>>) target(%arg27 : memref<2000xf32, #tpu.memory_space<vmem>>) offsets(%arg15 : memref<2000xi32, #tpu.memory_space<vmem>>) semaphore(%arg49 : memref<!tpu.dma_semaphore, #tpu.memory_space<semaphore_mem>>)
      } else {
      }
      %parallel_loop3A_310 = arith.constant 0 : i32
      %parallel_loop3A_311 = arith.constant 125 : i32
      %parallel_loop3A_312 = arith.constant 1 : i32
      scf.for %parallel_loop3A_343 = %parallel_loop3A_310 to %parallel_loop3A_311 step %parallel_loop3A_312  : i32 {
        %parallel_loop3A_344 = arith.constant 16 : i32
        %parallel_loop3A_345 = arith.muli %parallel_loop3A_343, %parallel_loop3A_344 : i32
        %parallel_loop3A_346 = arith.index_cast %parallel_loop3A_345 : i32 to index
        %parallel_loop3A_347 = tpu.vector_load %arg22[%parallel_loop3A_346] {strides = array<i32>} : memref<2000xf32, #tpu.memory_space<vmem>>, vector<16xf32>,
        %parallel_loop3A_348 = arith.index_cast %parallel_loop3A_345 : i32 to index
        %parallel_loop3A_349 = tpu.vector_load %arg26[%parallel_loop3A_348] {strides = array<i32>} : memref<2000xf32, #tpu.memory_space<vmem>>, vector<16xf32>,
        %parallel_loop3A_350 = arith.mulf %parallel_loop3A_347, %parallel_loop3A_349 : vector<16xf32>
        %parallel_loop3A_351 = arith.index_cast %parallel_loop3A_345 : i32 to index
        %parallel_loop3A_352 = tpu.vector_load %arg26[%parallel_loop3A_351] {strides = array<i32>} : memref<2000xf32, #tpu.memory_space<vmem>>, vector<16xf32>,
        tpu.vector_store %arg26[%parallel_loop3A_351], %parallel_loop3A_350 {strides = array<i32>} : memref<2000xf32, #tpu.memory_space<vmem>>, vector<16xf32>,
      } {sc.loop_unroll_factor = 8 : i64, sc.parallel_access}
      %dma_start3A_313 = arith.constant 0 : i32
      %dma_start3A_314 = tpu.memref_slice %arg11[%dma_start3A_313] : memref<100352xf32, #tpu.memory_space<vmem_shared>> -> memref<100352xf32, #tpu.memory_space<vmem_shared>>
      tpu.enqueue_indirect_dma source(%arg26 : memref<2000xf32, #tpu.memory_space<vmem>>) target(%dma_start3A_314 : memref<100352xf32, #tpu.memory_space<vmem_shared>>) offsets(%arg18 : memref<2000xi32, #tpu.memory_space<vmem>>) semaphore(%arg40 : memref<!tpu.dma_semaphore, #tpu.memory_space<semaphore_mem>>) {add = true}
      %add3A_315 = arith.constant 3 : i32
      %add3A_316 = arith.addi %add3A_232, %add3A_315 : i32
      %ge3A_317 = arith.constant 2 : i32
      %ge3A_318 = arith.cmpi sge, %add3A_316, %ge3A_317 : i32
      %convert_element_type3A_319 = arith.extui %ge3A_318 : i1 to i32
      %cond3A_320 = arith.constant 0 : i32
      %cond3A_321 = arith.cmpi ne, %convert_element_type3A_319, %cond3A_320 : i32
      scf.if %cond3A_321 {
        %dma_wait3A_343 = arith.constant 0 : i32
        %dma_wait3A_344 = tpu.memref_slice %arg11[%dma_wait3A_343] : memref<100352xf32, #tpu.memory_space<vmem_shared>> -> memref<100352xf32, #tpu.memory_space<vmem_shared>>
        tpu.wait_indirect_dma semaphore(%arg39 : memref<!tpu.dma_semaphore, #tpu.memory_space<semaphore_mem>>) src(%arg25 : memref<2000xf32, #tpu.memory_space<vmem>>) dst(%dma_wait3A_344 : memref<100352xf32, #tpu.memory_space<vmem_shared>>)
      } else {
      }
      %add3A_322 = arith.constant 2 : i32
      %add3A_323 = arith.addi %add3A_316, %add3A_322 : i32
      %lt3A_324 = arith.constant 100 : i32
      %lt3A_325 = arith.cmpi slt, %add3A_323, %lt3A_324 : i32
      %convert_element_type3A_326 = arith.extui %lt3A_325 : i1 to i32
      %cond3A_327 = arith.constant 0 : i32
      %cond3A_328 = arith.cmpi ne, %convert_element_type3A_326, %cond3A_327 : i32
      scf.if %cond3A_328 {
        %add3A_343 = arith.constant 2 : i32
        %add3A_344 = arith.addi %add3A_316, %add3A_343 : i32
        %mul3A_345 = arith.constant 2000 : i32
        %mul3A_346 = arith.muli %add3A_344, %mul3A_345 : i32
        %add3A_347 = arith.addi %add3A, %mul3A_346 : i32
        %dma_start3A_348 = tpu.memref_slice %arg3[%add3A_347] : memref<6400000xi32, #tpu.memory_space<hbm>> -> memref<2000xi32, #tpu.memory_space<hbm>>
        %dma_start3A_349 = tpu.memref_slice %arg3[%add3A_347] : memref<6400000xi32, #tpu.memory_space<hbm>> -> memref<2000xi32, #tpu.memory_space<hbm>>
        tpu.enqueue_dma source(%dma_start3A_349 : memref<2000xi32, #tpu.memory_space<hbm>>) target(%arg13 : memref<2000xi32, #tpu.memory_space<vmem>>) target_semaphore(%arg35 : memref<!tpu.dma_semaphore, #tpu.memory_space<semaphore_mem>>)
        %dma_start3A_350 = tpu.memref_slice %arg4[%add3A_347] : memref<6400000xi32, #tpu.memory_space<hbm>> -> memref<2000xi32, #tpu.memory_space<hbm>>
        %dma_start3A_351 = tpu.memref_slice %arg4[%add3A_347] : memref<6400000xi32, #tpu.memory_space<hbm>> -> memref<2000xi32, #tpu.memory_space<hbm>>
        tpu.enqueue_dma source(%dma_start3A_351 : memref<2000xi32, #tpu.memory_space<hbm>>) target(%arg17 : memref<2000xi32, #tpu.memory_space<vmem>>) target_semaphore(%arg35 : memref<!tpu.dma_semaphore, #tpu.memory_space<semaphore_mem>>)
        %dma_start3A_352 = tpu.memref_slice %arg7[%add3A_347] : memref<6400000xf32, #tpu.memory_space<hbm>> -> memref<2000xf32, #tpu.memory_space<hbm>>
        %dma_start3A_353 = tpu.memref_slice %arg7[%add3A_347] : memref<6400000xf32, #tpu.memory_space<hbm>> -> memref<2000xf32, #tpu.memory_space<hbm>>
        tpu.enqueue_dma source(%dma_start3A_353 : memref<2000xf32, #tpu.memory_space<hbm>>) target(%arg21 : memref<2000xf32, #tpu.memory_space<vmem>>) target_semaphore(%arg35 : memref<!tpu.dma_semaphore, #tpu.memory_space<semaphore_mem>>)
      } else {
      }
      %dma_wait3A_329 = arith.constant 0 : i32
      %dma_wait3A_330 = tpu.memref_slice %arg10[%dma_wait3A_329] : memref<100352xf32, #tpu.memory_space<vmem_shared>> -> memref<100352xf32, #tpu.memory_space<vmem_shared>>
      tpu.wait_indirect_dma semaphore(%arg49 : memref<!tpu.dma_semaphore, #tpu.memory_space<semaphore_mem>>) src(%dma_wait3A_330 : memref<100352xf32, #tpu.memory_space<vmem_shared>>) dst(%arg27 : memref<2000xf32, #tpu.memory_space<vmem>>)
      %add3A_331 = arith.constant 1 : i32
      %add3A_332 = arith.addi %add3A_316, %add3A_331 : i32
      %lt3A_333 = arith.constant 100 : i32
      %lt3A_334 = arith.cmpi slt, %add3A_332, %lt3A_333 : i32
      %convert_element_type3A_335 = arith.extui %lt3A_334 : i1 to i32
      %cond3A_336 = arith.constant 0 : i32
      %cond3A_337 = arith.cmpi ne, %convert_element_type3A_335, %cond3A_336 : i32
      scf.if %cond3A_337 {
        %dma_wait3A_343 = arith.constant 0 : i32
        %dma_wait3A_344 = tpu.memref_slice %arg3[%dma_wait3A_343] : memref<6400000xi32, #tpu.memory_space<hbm>> -> memref<2000xi32, #tpu.memory_space<hbm>>
        %dma_wait3A_345 = arith.constant 0 : i32
        %dma_wait3A_346 = tpu.memref_slice %arg3[%dma_wait3A_345] : memref<6400000xi32, #tpu.memory_space<hbm>> -> memref<2000xi32, #tpu.memory_space<hbm>>
        tpu.wait_dma2 semaphore(%arg34 : memref<!tpu.dma_semaphore, #tpu.memory_space<semaphore_mem>>) src(%dma_wait3A_346 : memref<2000xi32, #tpu.memory_space<hbm>>) dst(%arg12 : memref<2000xi32, #tpu.memory_space<vmem>>)
        %dma_wait3A_347 = arith.constant 0 : i32
        %dma_wait3A_348 = tpu.memref_slice %arg4[%dma_wait3A_347] : memref<6400000xi32, #tpu.memory_space<hbm>> -> memref<2000xi32, #tpu.memory_space<hbm>>
        %dma_wait3A_349 = arith.constant 0 : i32
        %dma_wait3A_350 = tpu.memref_slice %arg4[%dma_wait3A_349] : memref<6400000xi32, #tpu.memory_space<hbm>> -> memref<2000xi32, #tpu.memory_space<hbm>>
        tpu.wait_dma2 semaphore(%arg34 : memref<!tpu.dma_semaphore, #tpu.memory_space<semaphore_mem>>) src(%dma_wait3A_350 : memref<2000xi32, #tpu.memory_space<hbm>>) dst(%arg16 : memref<2000xi32, #tpu.memory_space<vmem>>)
        %dma_wait3A_351 = arith.constant 0 : i32
        %dma_wait3A_352 = tpu.memref_slice %arg5[%dma_wait3A_351] : memref<6400000xf32, #tpu.memory_space<hbm>> -> memref<2000xf32, #tpu.memory_space<hbm>>
        %dma_wait3A_353 = arith.constant 0 : i32
        %dma_wait3A_354 = tpu.memref_slice %arg5[%dma_wait3A_353] : memref<6400000xf32, #tpu.memory_space<hbm>> -> memref<2000xf32, #tpu.memory_space<hbm>>
        tpu.wait_dma2 semaphore(%arg34 : memref<!tpu.dma_semaphore, #tpu.memory_space<semaphore_mem>>) src(%dma_wait3A_354 : memref<2000xf32, #tpu.memory_space<hbm>>) dst(%arg20 : memref<2000xf32, #tpu.memory_space<vmem>>)
        %dma_start3A_355 = arith.constant 0 : i32
        %dma_start3A_356 = tpu.memref_slice %arg10[%dma_start3A_355] : memref<100352xf32, #tpu.memory_space<vmem_shared>> -> memref<100352xf32, #tpu.memory_space<vmem_shared>>
        tpu.enqueue_indirect_dma source(%dma_start3A_356 : memref<100352xf32, #tpu.memory_space<vmem_shared>>) target(%arg24 : memref<2000xf32, #tpu.memory_space<vmem>>) offsets(%arg12 : memref<2000xi32, #tpu.memory_space<vmem>>) semaphore(%arg46 : memref<!tpu.dma_semaphore, #tpu.memory_space<semaphore_mem>>)
      } else {
      }
      %parallel_loop3A_338 = arith.constant 0 : i32
      %parallel_loop3A_339 = arith.constant 125 : i32
      %parallel_loop3A_340 = arith.constant 1 : i32
      scf.for %parallel_loop3A_343 = %parallel_loop3A_338 to %parallel_loop3A_339 step %parallel_loop3A_340  : i32 {
        %parallel_loop3A_344 = arith.constant 16 : i32
        %parallel_loop3A_345 = arith.muli %parallel_loop3A_343, %parallel_loop3A_344 : i32
        %parallel_loop3A_346 = arith.index_cast %parallel_loop3A_345 : i32 to index
        %parallel_loop3A_347 = tpu.vector_load %arg23[%parallel_loop3A_346] {strides = array<i32>} : memref<2000xf32, #tpu.memory_space<vmem>>, vector<16xf32>,
        %parallel_loop3A_348 = arith.index_cast %parallel_loop3A_345 : i32 to index
        %parallel_loop3A_349 = tpu.vector_load %arg27[%parallel_loop3A_348] {strides = array<i32>} : memref<2000xf32, #tpu.memory_space<vmem>>, vector<16xf32>,
        %parallel_loop3A_350 = arith.mulf %parallel_loop3A_347, %parallel_loop3A_349 : vector<16xf32>
        %parallel_loop3A_351 = arith.index_cast %parallel_loop3A_345 : i32 to index
        %parallel_loop3A_352 = tpu.vector_load %arg27[%parallel_loop3A_351] {strides = array<i32>} : memref<2000xf32, #tpu.memory_space<vmem>>, vector<16xf32>,
        tpu.vector_store %arg27[%parallel_loop3A_351], %parallel_loop3A_350 {strides = array<i32>} : memref<2000xf32, #tpu.memory_space<vmem>>, vector<16xf32>,
      } {sc.loop_unroll_factor = 8 : i64, sc.parallel_access}
      %dma_start3A_341 = arith.constant 0 : i32
      %dma_start3A_342 = tpu.memref_slice %arg11[%dma_start3A_341] : memref<100352xf32, #tpu.memory_space<vmem_shared>> -> memref<100352xf32, #tpu.memory_space<vmem_shared>>
      tpu.enqueue_indirect_dma source(%arg27 : memref<2000xf32, #tpu.memory_space<vmem>>) target(%dma_start3A_342 : memref<100352xf32, #tpu.memory_space<vmem_shared>>) offsets(%arg19 : memref<2000xi32, #tpu.memory_space<vmem>>) semaphore(%arg41 : memref<!tpu.dma_semaphore, #tpu.memory_space<semaphore_mem>>) {add = true}
    }
    %scan3A_185 = arith.constant 25 : i32
    %dma_wait3A_186 = arith.constant 0 : i32
    %dma_wait3A_187 = tpu.memref_slice %arg11[%dma_wait3A_186] : memref<100352xf32, #tpu.memory_space<vmem_shared>> -> memref<100352xf32, #tpu.memory_space<vmem_shared>>
    tpu.wait_indirect_dma semaphore(%arg40 : memref<!tpu.dma_semaphore, #tpu.memory_space<semaphore_mem>>) src(%arg26 : memref<2000xf32, #tpu.memory_space<vmem>>) dst(%dma_wait3A_187 : memref<100352xf32, #tpu.memory_space<vmem_shared>>)
    %dma_wait3A_188 = arith.constant 0 : i32
    %dma_wait3A_189 = tpu.memref_slice %arg11[%dma_wait3A_188] : memref<100352xf32, #tpu.memory_space<vmem_shared>> -> memref<100352xf32, #tpu.memory_space<vmem_shared>>
    tpu.wait_indirect_dma semaphore(%arg41 : memref<!tpu.dma_semaphore, #tpu.memory_space<semaphore_mem>>) src(%arg27 : memref<2000xf32, #tpu.memory_space<vmem>>) dst(%dma_wait3A_189 : memref<100352xf32, #tpu.memory_space<vmem_shared>>)
    %barrier3A_190 = arith.constant 0 : index
    tpu.barrier barrier_id(%barrier3A_190)
    "tpu.region"() ({
      %run_scoped3A = tpu.sem_alloc : memref<!tpu.dma_semaphore, #tpu.memory_space<semaphore_mem>>
      %dma_start3A_228 = tpu.memref_slice %arg11[%mul3A_0] : memref<100352xf32, #tpu.memory_space<vmem_shared>> -> memref<6272xf32, #tpu.memory_space<vmem_shared>>
      %dma_start3A_229 = tpu.memref_slice %arg11[%mul3A_0] : memref<100352xf32, #tpu.memory_space<vmem_shared>> -> memref<6272xf32, #tpu.memory_space<vmem_shared>>
      tpu.enqueue_dma source(%dma_start3A_229 : memref<6272xf32, #tpu.memory_space<vmem_shared>>) target(%arg30 : memref<6272xf32, #tpu.memory_space<vmem>>) target_semaphore(%run_scoped3A : memref<!tpu.dma_semaphore, #tpu.memory_space<semaphore_mem>>)
      %dma_wait3A_230 = tpu.memref_slice %arg11[%mul3A_0] : memref<100352xf32, #tpu.memory_space<vmem_shared>> -> memref<6272xf32, #tpu.memory_space<vmem_shared>>
      %dma_wait3A_231 = tpu.memref_slice %arg11[%mul3A_0] : memref<100352xf32, #tpu.memory_space<vmem_shared>> -> memref<6272xf32, #tpu.memory_space<vmem_shared>>
      tpu.wait_dma2 semaphore(%run_scoped3A : memref<!tpu.dma_semaphore, #tpu.memory_space<semaphore_mem>>) src(%dma_wait3A_231 : memref<6272xf32, #tpu.memory_space<vmem_shared>>) dst(%arg30 : memref<6272xf32, #tpu.memory_space<vmem>>)
      tpu.yield
    }) : () -> ()
    %mul3A_191 = arith.constant 100352 : i32
    %mul3A_192 = arith.muli %arg0, %mul3A_191 : i32
    %add3A_193 = arith.addi %mul3A_192, %mul3A_0 : i32
    "tpu.region"() ({
      %run_scoped3A = tpu.sem_alloc : memref<!tpu.dma_semaphore, #tpu.memory_space<semaphore_mem>>
      %dma_start3A_228 = tpu.memref_slice %arg8[%add3A_193] : memref<200704xf32, #tpu.memory_space<hbm>> -> memref<6272xf32, #tpu.memory_space<hbm>>
      %dma_start3A_229 = tpu.memref_slice %arg8[%add3A_193] : memref<200704xf32, #tpu.memory_space<hbm>> -> memref<6272xf32, #tpu.memory_space<hbm>>
      tpu.enqueue_dma source(%arg30 : memref<6272xf32, #tpu.memory_space<vmem>>) target(%dma_start3A_229 : memref<6272xf32, #tpu.memory_space<hbm>>) target_semaphore(%run_scoped3A : memref<!tpu.dma_semaphore, #tpu.memory_space<semaphore_mem>>)
      %dma_wait3A_230 = tpu.memref_slice %arg8[%add3A_193] : memref<200704xf32, #tpu.memory_space<hbm>> -> memref<6272xf32, #tpu.memory_space<hbm>>
      %dma_wait3A_231 = tpu.memref_slice %arg8[%add3A_193] : memref<200704xf32, #tpu.memory_space<hbm>> -> memref<6272xf32, #tpu.memory_space<hbm>>
      tpu.wait_dma2 semaphore(%run_scoped3A : memref<!tpu.dma_semaphore, #tpu.memory_space<semaphore_mem>>) src(%arg30 : memref<6272xf32, #tpu.memory_space<vmem>>) dst(%dma_wait3A_231 : memref<6272xf32, #tpu.memory_space<hbm>>)
      tpu.yield
    }) : () -> ()
    %parallel_loop3A_194 = arith.constant 0 : i32
    %parallel_loop3A_195 = arith.constant 392 : i32
    %parallel_loop3A_196 = arith.constant 1 : i32
    scf.for %parallel_loop3A_228 = %parallel_loop3A_194 to %parallel_loop3A_195 step %parallel_loop3A_196  : i32 {
      %parallel_loop3A_229 = arith.constant 16 : i32
      %parallel_loop3A_230 = arith.muli %parallel_loop3A_228, %parallel_loop3A_229 : i32
      %parallel_loop3A_231 = arith.constant 0.000000e+00 : f32
      %parallel_loop3A_232 = vector.broadcast %parallel_loop3A_231 : f32 to vector<16xf32>
      %parallel_loop3A_233 = arith.index_cast %parallel_loop3A_230 : i32 to index
      %parallel_loop3A_234 = tpu.vector_load %arg31[%parallel_loop3A_233] {strides = array<i32>} : memref<6272xf32, #tpu.memory_space<vmem>>, vector<16xf32>,
      tpu.vector_store %arg31[%parallel_loop3A_233], %parallel_loop3A_232 {strides = array<i32>} : memref<6272xf32, #tpu.memory_space<vmem>>, vector<16xf32>,
    } {sc.loop_unroll_factor = 8 : i64, sc.parallel_access}
    "tpu.region"() ({
      %run_scoped3A = tpu.sem_alloc : memref<!tpu.dma_semaphore, #tpu.memory_space<semaphore_mem>>
      %dma_start3A_228 = tpu.memref_slice %arg11[%mul3A_0] : memref<100352xf32, #tpu.memory_space<vmem_shared>> -> memref<6272xf32, #tpu.memory_space<vmem_shared>>
      %dma_start3A_229 = tpu.memref_slice %arg11[%mul3A_0] : memref<100352xf32, #tpu.memory_space<vmem_shared>> -> memref<6272xf32, #tpu.memory_space<vmem_shared>>
      tpu.enqueue_dma source(%arg31 : memref<6272xf32, #tpu.memory_space<vmem>>) target(%dma_start3A_229 : memref<6272xf32, #tpu.memory_space<vmem_shared>>) target_semaphore(%run_scoped3A : memref<!tpu.dma_semaphore, #tpu.memory_space<semaphore_mem>>)
      %dma_wait3A_230 = tpu.memref_slice %arg11[%mul3A_0] : memref<100352xf32, #tpu.memory_space<vmem_shared>> -> memref<6272xf32, #tpu.memory_space<vmem_shared>>
      %dma_wait3A_231 = tpu.memref_slice %arg11[%mul3A_0] : memref<100352xf32, #tpu.memory_space<vmem_shared>> -> memref<6272xf32, #tpu.memory_space<vmem_shared>>
      tpu.wait_dma2 semaphore(%run_scoped3A : memref<!tpu.dma_semaphore, #tpu.memory_space<semaphore_mem>>) src(%arg31 : memref<6272xf32, #tpu.memory_space<vmem>>) dst(%dma_wait3A_231 : memref<6272xf32, #tpu.memory_space<vmem_shared>>)
      tpu.yield
    }) : () -> ()
    %barrier3A_197 = arith.constant 0 : index
    tpu.barrier barrier_id(%barrier3A_197)
    %eq3A_198 = arith.constant 0 : i32
    %eq3A_199 = arith.cmpi eq, %arg1, %eq3A_198 : i32
    %convert_element_type3A_200 = arith.extui %eq3A_199 : i1 to i32
    %cond3A_201 = arith.constant 0 : i32
    %cond3A_202 = arith.cmpi ne, %convert_element_type3A_200, %cond3A_201 : i32
    scf.if %cond3A_202 {
      %broadcast_in_dim3A_228 = arith.constant 1554098947 : i32
      %broadcast_in_dim3A_229 = vector.broadcast %broadcast_in_dim3A_228 : i32 to vector<16xi32>
      %swap3A_230 = arith.constant 0 : index
      %swap3A_231 = tpu.vector_load %arg32[%swap3A_230] {strides = array<i32>} : memref<16xi32, #tpu.memory_space<vmem>>, vector<16xi32>,
      tpu.vector_store %arg32[%swap3A_230], %broadcast_in_dim3A_229 {strides = array<i32>} : memref<16xi32, #tpu.memory_space<vmem>>, vector<16xi32>,
      %mul3A_232 = arith.constant 3 : i32
      %mul3A_233 = arith.muli %arg0, %mul3A_232 : i32
      %add3A_234 = arith.constant 3 : i32
      %add3A_235 = arith.addi %mul3A_233, %add3A_234 : i32
      %sub3A_236 = arith.constant 1 : i32
      %sub3A_237 = arith.subi %add3A_235, %sub3A_236 : i32
      %mul3A_238 = arith.constant 16 : i32
      %mul3A_239 = arith.muli %sub3A_237, %mul3A_238 : i32
      "tpu.region"() ({
        %run_scoped3A = tpu.sem_alloc : memref<!tpu.dma_semaphore, #tpu.memory_space<semaphore_mem>>
        %dma_start3A_240 = tpu.memref_slice %arg9[%mul3A_239] : memref<96xi32, #tpu.memory_space<hbm>> -> memref<16xi32, #tpu.memory_space<hbm>>
        %dma_start3A_241 = tpu.memref_slice %arg9[%mul3A_239] : memref<96xi32, #tpu.memory_space<hbm>> -> memref<16xi32, #tpu.memory_space<hbm>>
        tpu.enqueue_dma source(%arg32 : memref<16xi32, #tpu.memory_space<vmem>>) target(%dma_start3A_241 : memref<16xi32, #tpu.memory_space<hbm>>) target_semaphore(%run_scoped3A : memref<!tpu.dma_semaphore, #tpu.memory_space<semaphore_mem>>)
        %dma_wait3A_242 = tpu.memref_slice %arg9[%mul3A_239] : memref<96xi32, #tpu.memory_space<hbm>> -> memref<16xi32, #tpu.memory_space<hbm>>
        %dma_wait3A_243 = tpu.memref_slice %arg9[%mul3A_239] : memref<96xi32, #tpu.memory_space<hbm>> -> memref<16xi32, #tpu.memory_space<hbm>>
        tpu.wait_dma2 semaphore(%run_scoped3A : memref<!tpu.dma_semaphore, #tpu.memory_space<semaphore_mem>>) src(%arg32 : memref<16xi32, #tpu.memory_space<vmem>>) dst(%dma_wait3A_243 : memref<16xi32, #tpu.memory_space<hbm>>)
        tpu.yield
      }) : () -> ()
    } else {
    }
    %broadcast_in_dim3A_203 = arith.constant 0 : i32
    %broadcast_in_dim3A_204 = vector.broadcast %broadcast_in_dim3A_203 : i32 to vector<16xi32>
    %swap3A_205 = arith.constant 0 : index
    %swap3A_206 = tpu.vector_load %arg33[%swap3A_205] {strides = array<i32>} : memref<16xi32, #tpu.memory_space<vmem>>, vector<16xi32>,
    tpu.vector_store %arg33[%swap3A_205], %broadcast_in_dim3A_204 {strides = array<i32>} : memref<16xi32, #tpu.memory_space<vmem>>, vector<16xi32>,
    %scan3A_207 = arith.constant 0 : i32
    %scan3A_208 = arith.constant 100 : i32
    %scan3A_209 = arith.addi %scan3A_207, %scan3A_208 : i32
    %scan3A_210 = arith.constant 1 : i32
    scf.for %scan3A_228 = %scan3A_207 to %scan3A_209 step %scan3A_210  : i32 {
      %mul3A_229 = arith.constant 1 : i32
      %mul3A_230 = arith.muli %scan3A_228, %mul3A_229 : i32
      %add3A_231 = arith.constant 0 : i32
      %add3A_232 = arith.addi %add3A_231, %mul3A_230 : i32
      %get3A = arith.constant 0 : index
      %get3A_233 = tpu.vector_load %arg33[%get3A] {strides = array<i32>} : memref<16xi32, #tpu.memory_space<vmem>>, vector<16xi32>,
      %reduce_min3A = arith.constant true
      %reduce_min3A_234 = vector.broadcast %reduce_min3A : i1 to vector<16xi1>
      %reduce_min3A_235 = arith.constant -2147483648 : i32
      %reduce_min3A_236 = vector.broadcast %reduce_min3A_235 : i32 to vector<16xi32>
      %reduce_min3A_237 = arith.xori %get3A_233, %reduce_min3A_236 : vector<16xi32>
      %reduce_min3A_238 = tpu.scan <min>, %reduce_min3A_237 masked %reduce_min3A_234 : vector<16xi32>, vector<16xi1> -> vector<16xi32>
      %reduce_min3A_239 = arith.xori %reduce_min3A_238, %reduce_min3A_236 : vector<16xi32>
      %reduce_min3A_240 = vector.extract %reduce_min3A_239[15] : i32 from vector<16xi32>
      %eq3A_241 = arith.constant 0 : i32
      %eq3A_242 = arith.cmpi eq, %reduce_min3A_240, %eq3A_241 : i32
      %convert_element_type3A_243 = arith.extui %eq3A_242 : i1 to i32
      %cond3A_244 = arith.constant 0 : i32
      %cond3A_245 = arith.cmpi ne, %convert_element_type3A_243, %cond3A_244 : i32
      scf.if %cond3A_245 {
        %sub3A_246 = arith.constant 1 : i32
        %sub3A_247 = arith.subi %sub3A_246, %arg0 : i32
        %mul3A_248 = arith.constant 3 : i32
        %mul3A_249 = arith.muli %sub3A_247, %mul3A_248 : i32
        %add3A_250 = arith.constant 3 : i32
        %add3A_251 = arith.addi %mul3A_249, %add3A_250 : i32
        %sub3A_252 = arith.constant 1 : i32
        %sub3A_253 = arith.subi %add3A_251, %sub3A_252 : i32
        %mul3A_254 = arith.constant 16 : i32
        %mul3A_255 = arith.muli %sub3A_253, %mul3A_254 : i32
        %dma_start3A_256 = tpu.memref_slice %arg9[%mul3A_255] : memref<96xi32, #tpu.memory_space<hbm>> -> memref<16xi32, #tpu.memory_space<hbm>>
        %dma_start3A_257 = tpu.memref_slice %arg9[%mul3A_255] : memref<96xi32, #tpu.memory_space<hbm>> -> memref<16xi32, #tpu.memory_space<hbm>>
        tpu.enqueue_dma source(%dma_start3A_257 : memref<16xi32, #tpu.memory_space<hbm>>) target(%arg32 : memref<16xi32, #tpu.memory_space<vmem>>) target_semaphore(%arg50 : memref<!tpu.dma_semaphore, #tpu.memory_space<semaphore_mem>>)
        %dma_wait3A_258 = tpu.memref_slice %arg9[%mul3A_255] : memref<96xi32, #tpu.memory_space<hbm>> -> memref<16xi32, #tpu.memory_space<hbm>>
        %dma_wait3A_259 = tpu.memref_slice %arg9[%mul3A_255] : memref<96xi32, #tpu.memory_space<hbm>> -> memref<16xi32, #tpu.memory_space<hbm>>
        tpu.wait_dma2 semaphore(%arg50 : memref<!tpu.dma_semaphore, #tpu.memory_space<semaphore_mem>>) src(%dma_wait3A_259 : memref<16xi32, #tpu.memory_space<hbm>>) dst(%arg32 : memref<16xi32, #tpu.memory_space<vmem>>)
        %sub3A_260 = arith.constant 1 : i32
        %sub3A_261 = arith.subi %sub3A_260, %arg0 : i32
        %mul3A_262 = arith.constant 3 : i32
        %mul3A_263 = arith.muli %sub3A_261, %mul3A_262 : i32
        %add3A_264 = arith.constant 3 : i32
        %add3A_265 = arith.addi %mul3A_263, %add3A_264 : i32
        %sub3A_266 = arith.constant 1 : i32
        %sub3A_267 = arith.subi %add3A_265, %sub3A_266 : i32
        %mul3A_268 = arith.constant 16 : i32
        %mul3A_269 = arith.muli %sub3A_267, %mul3A_268 : i32
        %dma_start3A_270 = tpu.memref_slice %arg9[%mul3A_269] : memref<96xi32, #tpu.memory_space<hbm>> -> memref<16xi32, #tpu.memory_space<hbm>>
        %dma_start3A_271 = tpu.memref_slice %arg9[%mul3A_269] : memref<96xi32, #tpu.memory_space<hbm>> -> memref<16xi32, #tpu.memory_space<hbm>>
        tpu.enqueue_dma source(%dma_start3A_271 : memref<16xi32, #tpu.memory_space<hbm>>) target(%arg32 : memref<16xi32, #tpu.memory_space<vmem>>) target_semaphore(%arg50 : memref<!tpu.dma_semaphore, #tpu.memory_space<semaphore_mem>>)
        %dma_wait3A_272 = tpu.memref_slice %arg9[%mul3A_269] : memref<96xi32, #tpu.memory_space<hbm>> -> memref<16xi32, #tpu.memory_space<hbm>>
        %dma_wait3A_273 = tpu.memref_slice %arg9[%mul3A_269] : memref<96xi32, #tpu.memory_space<hbm>> -> memref<16xi32, #tpu.memory_space<hbm>>
        tpu.wait_dma2 semaphore(%arg50 : memref<!tpu.dma_semaphore, #tpu.memory_space<semaphore_mem>>) src(%dma_wait3A_273 : memref<16xi32, #tpu.memory_space<hbm>>) dst(%arg32 : memref<16xi32, #tpu.memory_space<vmem>>)
        %sub3A_274 = arith.constant 1 : i32
        %sub3A_275 = arith.subi %sub3A_274, %arg0 : i32
        %mul3A_276 = arith.constant 3 : i32
        %mul3A_277 = arith.muli %sub3A_275, %mul3A_276 : i32
        %add3A_278 = arith.constant 3 : i32
        %add3A_279 = arith.addi %mul3A_277, %add3A_278 : i32
        %sub3A_280 = arith.constant 1 : i32
        %sub3A_281 = arith.subi %add3A_279, %sub3A_280 : i32
        %mul3A_282 = arith.constant 16 : i32
        %mul3A_283 = arith.muli %sub3A_281, %mul3A_282 : i32
        %dma_start3A_284 = tpu.memref_slice %arg9[%mul3A_283] : memref<96xi32, #tpu.memory_space<hbm>> -> memref<16xi32, #tpu.memory_space<hbm>>
        %dma_start3A_285 = tpu.memref_slice %arg9[%mul3A_283] : memref<96xi32, #tpu.memory_space<hbm>> -> memref<16xi32, #tpu.memory_space<hbm>>
        tpu.enqueue_dma source(%dma_start3A_285 : memref<16xi32, #tpu.memory_space<hbm>>) target(%arg32 : memref<16xi32, #tpu.memory_space<vmem>>) target_semaphore(%arg50 : memref<!tpu.dma_semaphore, #tpu.memory_space<semaphore_mem>>)
        %dma_wait3A_286 = tpu.memref_slice %arg9[%mul3A_283] : memref<96xi32, #tpu.memory_space<hbm>> -> memref<16xi32, #tpu.memory_space<hbm>>
        %dma_wait3A_287 = tpu.memref_slice %arg9[%mul3A_283] : memref<96xi32, #tpu.memory_space<hbm>> -> memref<16xi32, #tpu.memory_space<hbm>>
        tpu.wait_dma2 semaphore(%arg50 : memref<!tpu.dma_semaphore, #tpu.memory_space<semaphore_mem>>) src(%dma_wait3A_287 : memref<16xi32, #tpu.memory_space<hbm>>) dst(%arg32 : memref<16xi32, #tpu.memory_space<vmem>>)
        %sub3A_288 = arith.constant 1 : i32
        %sub3A_289 = arith.subi %sub3A_288, %arg0 : i32
        %mul3A_290 = arith.constant 3 : i32
        %mul3A_291 = arith.muli %sub3A_289, %mul3A_290 : i32
        %add3A_292 = arith.constant 3 : i32
        %add3A_293 = arith.addi %mul3A_291, %add3A_292 : i32
        %sub3A_294 = arith.constant 1 : i32
        %sub3A_295 = arith.subi %add3A_293, %sub3A_294 : i32
        %mul3A_296 = arith.constant 16 : i32
        %mul3A_297 = arith.muli %sub3A_295, %mul3A_296 : i32
        %dma_start3A_298 = tpu.memref_slice %arg9[%mul3A_297] : memref<96xi32, #tpu.memory_space<hbm>> -> memref<16xi32, #tpu.memory_space<hbm>>
        %dma_start3A_299 = tpu.memref_slice %arg9[%mul3A_297] : memref<96xi32, #tpu.memory_space<hbm>> -> memref<16xi32, #tpu.memory_space<hbm>>
        tpu.enqueue_dma source(%dma_start3A_299 : memref<16xi32, #tpu.memory_space<hbm>>) target(%arg32 : memref<16xi32, #tpu.memory_space<vmem>>) target_semaphore(%arg50 : memref<!tpu.dma_semaphore, #tpu.memory_space<semaphore_mem>>)
        %dma_wait3A_300 = tpu.memref_slice %arg9[%mul3A_297] : memref<96xi32, #tpu.memory_space<hbm>> -> memref<16xi32, #tpu.memory_space<hbm>>
        %dma_wait3A_301 = tpu.memref_slice %arg9[%mul3A_297] : memref<96xi32, #tpu.memory_space<hbm>> -> memref<16xi32, #tpu.memory_space<hbm>>
        tpu.wait_dma2 semaphore(%arg50 : memref<!tpu.dma_semaphore, #tpu.memory_space<semaphore_mem>>) src(%dma_wait3A_301 : memref<16xi32, #tpu.memory_space<hbm>>) dst(%arg32 : memref<16xi32, #tpu.memory_space<vmem>>)
        %get3A_302 = arith.constant 0 : index
        %get3A_303 = tpu.vector_load %arg32[%get3A_302] {strides = array<i32>} : memref<16xi32, #tpu.memory_space<vmem>>, vector<16xi32>,
        %eq3A_304 = arith.constant 1554098947 : i32
        %eq3A_305 = vector.broadcast %eq3A_304 : i32 to vector<16xi32>
        %eq3A_306 = arith.cmpi eq, %get3A_303, %eq3A_305 : vector<16xi32>
        %jit3A = arith.constant 1 : i32
        %jit3A_307 = arith.constant 0 : i32
        %broadcast_in_dim3A_308 = vector.broadcast %jit3A : i32 to vector<16xi32>
        %broadcast_in_dim3A_309 = vector.broadcast %jit3A_307 : i32 to vector<16xi32>
        %select_n3A = arith.select %eq3A_306, %broadcast_in_dim3A_308, %broadcast_in_dim3A_309 : vector<16xi1>, vector<16xi32>
        %swap3A_310 = arith.constant 0 : index
        %swap3A_311 = tpu.vector_load %arg33[%swap3A_310] {strides = array<i32>} : memref<16xi32, #tpu.memory_space<vmem>>, vector<16xi32>,
        tpu.vector_store %arg33[%swap3A_310], %select_n3A {strides = array<i32>} : memref<16xi32, #tpu.memory_space<vmem>>, vector<16xi32>,
      } else {
      }
    }
    %scan3A_211 = arith.constant 100 : i32
    %sub3A_212 = arith.constant 1 : i32
    %sub3A_213 = arith.subi %sub3A_212, %arg0 : i32
    %mul3A_214 = arith.constant 100352 : i32
    %mul3A_215 = arith.muli %sub3A_213, %mul3A_214 : i32
    %add3A_216 = arith.addi %mul3A_215, %mul3A_0 : i32
    "tpu.region"() ({
      %run_scoped3A = tpu.sem_alloc : memref<!tpu.dma_semaphore, #tpu.memory_space<semaphore_mem>>
      %dma_start3A_228 = tpu.memref_slice %arg8[%add3A_216] : memref<200704xf32, #tpu.memory_space<hbm>> -> memref<6272xf32, #tpu.memory_space<hbm>>
      %dma_start3A_229 = tpu.memref_slice %arg8[%add3A_216] : memref<200704xf32, #tpu.memory_space<hbm>> -> memref<6272xf32, #tpu.memory_space<hbm>>
      tpu.enqueue_dma source(%dma_start3A_229 : memref<6272xf32, #tpu.memory_space<hbm>>) target(%arg31 : memref<6272xf32, #tpu.memory_space<vmem>>) target_semaphore(%run_scoped3A : memref<!tpu.dma_semaphore, #tpu.memory_space<semaphore_mem>>)
      %dma_wait3A_230 = tpu.memref_slice %arg8[%add3A_216] : memref<200704xf32, #tpu.memory_space<hbm>> -> memref<6272xf32, #tpu.memory_space<hbm>>
      %dma_wait3A_231 = tpu.memref_slice %arg8[%add3A_216] : memref<200704xf32, #tpu.memory_space<hbm>> -> memref<6272xf32, #tpu.memory_space<hbm>>
      tpu.wait_dma2 semaphore(%run_scoped3A : memref<!tpu.dma_semaphore, #tpu.memory_space<semaphore_mem>>) src(%dma_wait3A_231 : memref<6272xf32, #tpu.memory_space<hbm>>) dst(%arg31 : memref<6272xf32, #tpu.memory_space<vmem>>)
      tpu.yield
    }) : () -> ()
    %parallel_loop3A_217 = arith.constant 0 : i32
    %parallel_loop3A_218 = arith.constant 392 : i32
    %parallel_loop3A_219 = arith.constant 1 : i32
    scf.for %parallel_loop3A_228 = %parallel_loop3A_217 to %parallel_loop3A_218 step %parallel_loop3A_219  : i32 {
      %parallel_loop3A_229 = arith.constant 16 : i32
      %parallel_loop3A_230 = arith.muli %parallel_loop3A_228, %parallel_loop3A_229 : i32
      %parallel_loop3A_231 = arith.index_cast %parallel_loop3A_230 : i32 to index
      %parallel_loop3A_232 = tpu.vector_load %arg30[%parallel_loop3A_231] {strides = array<i32>} : memref<6272xf32, #tpu.memory_space<vmem>>, vector<16xf32>,
      %parallel_loop3A_233 = arith.index_cast %parallel_loop3A_230 : i32 to index
      %parallel_loop3A_234 = tpu.vector_load %arg31[%parallel_loop3A_233] {strides = array<i32>} : memref<6272xf32, #tpu.memory_space<vmem>>, vector<16xf32>,
      %parallel_loop3A_235 = arith.addf %parallel_loop3A_232, %parallel_loop3A_234 : vector<16xf32>
      %parallel_loop3A_236 = arith.constant 0.000000e+00 : f32
      %parallel_loop3A_237 = vector.broadcast %parallel_loop3A_236 : f32 to vector<16xf32>
      %parallel_loop3A_238 = arith.maximumf %parallel_loop3A_235, %parallel_loop3A_237 : vector<16xf32>
      %parallel_loop3A_239 = arith.constant 1.000000e+01 : f32
      %parallel_loop3A_240 = vector.broadcast %parallel_loop3A_239 : f32 to vector<16xf32>
      %parallel_loop3A_241 = arith.minimumf %parallel_loop3A_238, %parallel_loop3A_240 : vector<16xf32>
      %parallel_loop3A_242 = arith.index_cast %parallel_loop3A_230 : i32 to index
      %parallel_loop3A_243 = tpu.vector_load %arg29[%parallel_loop3A_242] {strides = array<i32>} : memref<6272xf32, #tpu.memory_space<vmem>>, vector<16xf32>,
      %parallel_loop3A_244 = arith.constant 0.000000e+00 : f32
      %parallel_loop3A_245 = vector.broadcast %parallel_loop3A_244 : f32 to vector<16xf32>
      %parallel_loop3A_246 = arith.subf %parallel_loop3A_245, %parallel_loop3A_241 : vector<16xf32>
      %parallel_loop3A_247 = math.exp %parallel_loop3A_246 : vector<16xf32>
      %parallel_loop3A_248 = arith.constant 1.000000e+00 : f32
      %parallel_loop3A_249 = vector.broadcast %parallel_loop3A_248 : f32 to vector<16xf32>
      %parallel_loop3A_250 = arith.subf %parallel_loop3A_249, %parallel_loop3A_247 : vector<16xf32>
      %parallel_loop3A_251 = arith.mulf %parallel_loop3A_243, %parallel_loop3A_250 : vector<16xf32>
      %parallel_loop3A_252 = arith.index_cast %parallel_loop3A_230 : i32 to index
      %parallel_loop3A_253 = tpu.vector_load %arg28[%parallel_loop3A_252] {strides = array<i32>} : memref<6272xf32, #tpu.memory_space<vmem>>, vector<16xf32>,
      tpu.vector_store %arg28[%parallel_loop3A_252], %parallel_loop3A_251 {strides = array<i32>} : memref<6272xf32, #tpu.memory_space<vmem>>, vector<16xf32>,
      %parallel_loop3A_254 = arith.constant 1.000000e+00 : f32
      %parallel_loop3A_255 = vector.broadcast %parallel_loop3A_254 : f32 to vector<16xf32>
      %parallel_loop3A_256 = arith.subf %parallel_loop3A_255, %parallel_loop3A_251 : vector<16xf32>
      %parallel_loop3A_257 = arith.mulf %parallel_loop3A_243, %parallel_loop3A_256 : vector<16xf32>
      %parallel_loop3A_258 = arith.index_cast %parallel_loop3A_230 : i32 to index
      %parallel_loop3A_259 = tpu.vector_load %arg29[%parallel_loop3A_258] {strides = array<i32>} : memref<6272xf32, #tpu.memory_space<vmem>>, vector<16xf32>,
      tpu.vector_store %arg29[%parallel_loop3A_258], %parallel_loop3A_257 {strides = array<i32>} : memref<6272xf32, #tpu.memory_space<vmem>>, vector<16xf32>,
    } {sc.loop_unroll_factor = 8 : i64, sc.parallel_access}
    %parallel_loop3A_220 = arith.constant 0 : i32
    %parallel_loop3A_221 = arith.constant 392 : i32
    %parallel_loop3A_222 = arith.constant 1 : i32
    scf.for %parallel_loop3A_228 = %parallel_loop3A_220 to %parallel_loop3A_221 step %parallel_loop3A_222  : i32 {
      %parallel_loop3A_229 = arith.constant 16 : i32
      %parallel_loop3A_230 = arith.muli %parallel_loop3A_228, %parallel_loop3A_229 : i32
      %parallel_loop3A_231 = arith.index_cast %parallel_loop3A_230 : i32 to index
      %parallel_loop3A_232 = tpu.vector_load %arg29[%parallel_loop3A_231] {strides = array<i32>} : memref<6272xf32, #tpu.memory_space<vmem>>, vector<16xf32>,
      %parallel_loop3A_233 = arith.constant 1.000000e+00 : f32
      %parallel_loop3A_234 = vector.broadcast %parallel_loop3A_233 : f32 to vector<16xf32>
      %parallel_loop3A_235 = arith.subf %parallel_loop3A_234, %parallel_loop3A_232 : vector<16xf32>
      %parallel_loop3A_236 = arith.index_cast %parallel_loop3A_230 : i32 to index
      %parallel_loop3A_237 = tpu.vector_load %arg28[%parallel_loop3A_236] {strides = array<i32>} : memref<6272xf32, #tpu.memory_space<vmem>>, vector<16xf32>,
      tpu.vector_store %arg28[%parallel_loop3A_236], %parallel_loop3A_235 {strides = array<i32>} : memref<6272xf32, #tpu.memory_space<vmem>>, vector<16xf32>,
    } {sc.loop_unroll_factor = 8 : i64, sc.parallel_access}
    %eq3A_223 = arith.constant 0 : i32
    %eq3A_224 = arith.cmpi eq, %arg0, %eq3A_223 : i32
    %convert_element_type3A_225 = arith.extui %eq3A_224 : i1 to i32
    %cond3A_226 = arith.constant 0 : i32
    %cond3A_227 = arith.cmpi ne, %convert_element_type3A_225, %cond3A_226 : i32
    scf.if %cond3A_227 {
      "tpu.region"() ({
        %run_scoped3A = tpu.sem_alloc : memref<!tpu.dma_semaphore, #tpu.memory_space<semaphore_mem>>
        %dma_start3A_228 = tpu.memref_slice %arg6[%mul3A_0] : memref<100352xf32, #tpu.memory_space<hbm>> -> memref<6272xf32, #tpu.memory_space<hbm>>
        %dma_start3A_229 = tpu.memref_slice %arg6[%mul3A_0] : memref<100352xf32, #tpu.memory_space<hbm>> -> memref<6272xf32, #tpu.memory_space<hbm>>
        tpu.enqueue_dma source(%arg28 : memref<6272xf32, #tpu.memory_space<vmem>>) target(%dma_start3A_229 : memref<6272xf32, #tpu.memory_space<hbm>>) target_semaphore(%run_scoped3A : memref<!tpu.dma_semaphore, #tpu.memory_space<semaphore_mem>>)
        %dma_wait3A_230 = tpu.memref_slice %arg6[%mul3A_0] : memref<100352xf32, #tpu.memory_space<hbm>> -> memref<6272xf32, #tpu.memory_space<hbm>>
        %dma_wait3A_231 = tpu.memref_slice %arg6[%mul3A_0] : memref<100352xf32, #tpu.memory_space<hbm>> -> memref<6272xf32, #tpu.memory_space<hbm>>
        tpu.wait_dma2 semaphore(%run_scoped3A : memref<!tpu.dma_semaphore, #tpu.memory_space<semaphore_mem>>) src(%arg28 : memref<6272xf32, #tpu.memory_space<vmem>>) dst(%dma_wait3A_231 : memref<6272xf32, #tpu.memory_space<hbm>>)
        tpu.yield
      }) : () -> ()
    } else {
    }
    return
  }
}

</mosaic_0001>

<sc_bundles>
// kernel: kernel.3.cloned.1.call-start
scs
__scs_entry_jumppad:
0x0: {  	(pc) =	sbr.rel $0x88, $3  }
0x1: {  	(tag) =	ssettag $0x0;
	lr =	simm.s32 $0x1  }
0x2: {  	[smem:$0x3F9E] =	sst lr;
	_ =	strace $0xD0000000  }
0x3: {  	_ = 	snop  }
0x4: {  	_ = 	snop  }
0x5: {  	_ = 	snop  }
0x6: {  	_ = 	snop  }
0x7: {  	_ = 	snop  }
__scs_overlays_trampoline_lowered:
0x8: {  	[smem:$0x3FAD] =	sst s0  }
0x9: {  	[smem:$0x3FAE] =	sst s1  }
0xa: {  	[smem:$0x3FAF] =	sst s2  }
0xb: {  	[smem:$0x3FB0] =	sst s3  }
0xc: {  	[smem:$0x3FB1] =	sst s4  }
0xd: {  	[smem:$0x3FB2] =	sst s5  }
0xe: {  	[smem:$0x3FB3] =	sst s6  }
0xf: {  	[smem:$0x3FB4] =	sst s7  }
0x10: {  	[smem:$0x3FB5] =	sst s8  }
0x11: {  	[smem:$0x3FB6] =	sst s9;
	s0 =	simm.s32 @!p0 $0x0  }
0x12: {  	s1 =	sld [smem:$0x3F9C];
	s0 =	simm.s32 @p0 $0x1  }
0x13: {  	[smem:$0x3FB7] =	sst s0;
	s0 =	simm.s32 @!p1 $0x0  }
0x14: {  	s2 =	sld [smem:$0x3F9B];
	s0 =	simm.s32 @p1 $0x1  }
0x15: {  	[smem:$0x3FB8] =	sst s0;
	s0 =	simm.s32 @!p2 $0x0  }
0x16: {  	s3 =	sld [smem:$0x3FDB];
	s0 =	simm.s32 @p2 $0x1  }
0x17: {  	s4 =	simm.s32 $0x1BF5;
	[smem:$0x3FBA] =	sst s0  }
0x18: {  	s0 =	sld [smem:$0x3F9D];
	_ =	swait.ge [sflag:s4], $0x0  }
0x19: {  	s7 =	sld [smem:$0x3F9E]  }
0x1a: {  	s8 =	sadd.s32 $0xFFFFE003, lr  }
0x1b: {  	s9 =	sadd.s32 $0xFFFFFEF7, lr;
	s5 =	simm.s32 $0xFFFFFFFF;
	p2 =	slt.u32 s8, $0xFFFFF086  }
0x1c: {  	p1 =	slt.u32 s9, $0xF7A;
	s5 =	simm.s32 @!p2 $0x0  }
0x1d: {  	s5 =	simm.s32 @p1 $0x1;
	p0 =	seq.s32 s7, s2  }
0x1e: {  	s7 =	smul.u32 @!p0 $0xF7A, s2;
	p2 =	seq.s32 @!p0 s5, $0x0  }
0x1f: {  	s9 =	smul.u32 $0xF7A, s1;
	s8 =	simm.s32 @!p0 $0x1BF5;
	p2 =	por !p2, p0  }
0x20: {  	[sflag:s8] =	ssyncset.s32 @!p0 $0xFFFFF086;
	s6 =	sadd.s32 @!p0 s3, s7;
	s7 =	simm.s32 @!p0 $0x108  }
0x21: {  	s3 =	sadd.s32 s3, s9;
	s6 =	sadd.s32 @!p0 $0x88, s6;
	s7 =	simm.s32 @p2 $0x1082  }
0x22: {  	[simem:s7], [sflag:s8] =	dma.local @!p0 [hbm:s6], $0xF7A  }
0x23: {  	s9 =	sor.u32 $0xD0000000, s2;
	s6 =	simm.s32 $0x108;
	_ =	swait.ge @!p0 [sflag:s8], $0x0  }
0x24: {  	s3 =	sadd.s32 $0x88, s3;
	s6 =	simm.s32 @!p1 $0x1082;
	[sflag:s4] =	ssyncset.s32 $0xFFFFF086  }
0x25: {  	[simem:s6], [sflag:s4] =	dma.local [hbm:s3], $0xF7A  }
0x26: {  	[smem:$0x3F9E] =	sst s1;
	(tag) =	ssettag s2;
	_ =	strace s9  }
0x27: {  	s1 =	sld [smem:$0x3FAE]  }
0x28: {  	s2 =	sld [smem:$0x3FAF]  }
0x29: {  	s4 =	sld [smem:$0x3FB1]  }
0x2a: {  	p0 =	seq.s32 s5, $0x0;
	s5 =	sld [smem:$0x3FB2]  }
0x2b: {  	s6 =	sld [smem:$0x3FB3]  }
0x2c: {  	s7 =	sld [smem:$0x3FB4]  }
0x2d: {  	s3 =	simm.s32 $0x108;
	s8 =	sld [smem:$0x3FB5]  }
0x2e: {  	s3 =	simm.s32 @!p0 $0x1082;
	s9 =	sld [smem:$0x3FB6]  }
0x2f: {  	lr =	sadd.s32 s0, s3;
	s0 =	sld [smem:$0x3FAD]  }
0x30: {  	s3 =	sld [smem:$0x3FB0]  }
0x31: {  	[smem:$0x3FB9] =	sst s10  }
0x32: {  	s10 =	sld [smem:$0x3FB7];
	_ =	sdelay $0x3  }
0x33: {  	p0 =	seq.s32 s10, $0x1;
	s10 =	sld [smem:$0x3FB9];
	_ =	sdelay $0x3  }
0x34: {  	[smem:$0x3FB9] =	sst s10  }
0x35: {  	s10 =	sld [smem:$0x3FB8];
	_ =	sdelay $0x3  }
0x36: {  	p1 =	seq.s32 s10, $0x1;
	s10 =	sld [smem:$0x3FB9];
	_ =	sdelay $0x3  }
0x37: {  	[smem:$0x3FB9] =	sst s10  }
0x38: {  	s10 =	sld [smem:$0x3FBA]  }
0x39: {  	_ = 	snop;
	(pc) =	sbr.ind lr, $3  }
0x3a: {  	_ = 	snop  }
0x3b: {  	_ = 	snop  }
0x3c: {  	p2 =	seq.s32 s10, $0x1;
	s10 =	sld [smem:$0x3FB9]  }
0x3d: {  	_ =	shalt  }
0x3e: {  	_ =	shalt  }
0x3f: {  	_ =	shalt  }
0x40: {  	_ =	shalt  }
0x41: {  	_ =	shalt  }
0x42: {  	_ =	shalt  }
0x43: {  	_ =	shalt  }
0x44: {  	_ =	shalt  }
0x45: {  	_ =	shalt  }
0x46: {  	_ =	shalt  }
0x47: {  	_ =	shalt  }
0x48: {  	_ =	shalt  }
0x49: {  	_ =	shalt  }
0x4a: {  	_ =	shalt  }
0x4b: {  	_ =	shalt  }
0x4c: {  	_ =	shalt  }
0x4d: {  	_ =	shalt  }
0x4e: {  	_ =	shalt  }
0x4f: {  	_ =	shalt  }
0x50: {  	_ =	shalt  }
0x51: {  	_ =	shalt  }
0x52: {  	_ =	shalt  }
0x53: {  	_ =	shalt  }
0x54: {  	_ =	shalt  }
0x55: {  	_ =	shalt  }
0x56: {  	_ =	shalt  }
0x57: {  	_ =	shalt  }
0x58: {  	_ =	shalt  }
0x59: {  	_ =	shalt  }
0x5a: {  	_ =	shalt  }
0x5b: {  	_ =	shalt  }
0x5c: {  	_ =	shalt  }
0x5d: {  	_ =	shalt  }
0x5e: {  	_ =	shalt  }
0x5f: {  	_ =	shalt  }
0x60: {  	_ =	shalt  }
0x61: {  	_ =	shalt  }
0x62: {  	_ =	shalt  }
0x63: {  	_ =	shalt  }
0x64: {  	_ =	shalt  }
0x65: {  	_ =	shalt  }
0x66: {  	_ =	shalt  }
0x67: {  	_ =	shalt  }
0x68: {  	_ =	shalt  }
0x69: {  	_ =	shalt  }
0x6a: {  	_ =	shalt  }
0x6b: {  	_ =	shalt  }
0x6c: {  	_ =	shalt  }
0x6d: {  	_ =	shalt  }
0x6e: {  	_ =	shalt  }
0x6f: {  	_ =	shalt  }
0x70: {  	_ =	shalt  }
0x71: {  	_ =	shalt  }
0x72: {  	_ =	shalt  }
0x73: {  	_ =	shalt  }
0x74: {  	_ =	shalt  }
0x75: {  	_ =	shalt  }
0x76: {  	_ =	shalt  }
0x77: {  	_ =	shalt  }
0x78: {  	_ =	shalt  }
0x79: {  	_ =	shalt  }
0x7a: {  	_ =	shalt  }
0x7b: {  	_ =	shalt  }
0x7c: {  	_ =	shalt  }
0x7d: {  	_ =	shalt  }
0x7e: {  	_ =	shalt  }
0x7f: {  	_ =	shalt  }
0x80: {  	_ =	shalt  }
0x81: {  	_ =	shalt  }
0x82: {  	_ =	shalt  }
0x83: {  	_ =	shalt  }
0x84: {  	_ =	shalt  }
0x85: {  	_ =	shalt  }
0x86: {  	_ =	shalt  }
0x87: {  	_ =	shalt  }
.Lfunc_end0:
.L_simem_size_0:
called_computation_lowered:
.L_overlay_start_0:
0x88: {  	s2 =	sld [smem:$0x3FD9]  }
0x89: {  	s3 =	sld [smem:$0x3FFE];
	_ =	sdelay $0x1  }
0x8a: {  	s1 =	srdreg.scid  }
0x8b: {  	s0 =	sand.u32 $0x1, s1  }
0x8c: {  	s14 =	sshll.u32 s0, $0xA;
	s2 =	sadd.s32 s3, s2  }
0x8d: {  	s2 =	sadd.s32 s2, s14  }
0x8e: {  	[smem:$0x3FC5] =	sst s2  }
0x8f: {  	_ = 	snop  }
0x90: {  	s2 =	sld [smem:$0x3FD0];
	_ =	sdelay $0x2  }
0x91: {  	s4 =	simm.s32 $0xA;
	s5 =	simm.s32 $0x10;
	s15 =	sld [smem:$0x3FC7]  }
0x92: {  	[smem:s5], [sflag:s4] =	dma.local [hbm:s2], $0x1  }
0x93: {  	_ =	swait.eq [sflag:s4], $0x1  }
0x94: {  	[sflag:s4] =	ssyncset.done $0x0  }
0x95: {  	s16 =	sld [smem:$0x10];
	[sflag:s4] =	ssyncadd.s32 $0xFFFFFFFF  }
0x96: {  	s17 =	sld [smem:$0x11];
	(tm) =	ssettm $0x1  }
0x97: {  	s18 =	sld [smem:$0x3FFB];
	_ =	sdelay $0x3  }
0x98: {  	_ =	strace s18  }
0x99: {  	s5 =	sld [smem:$0x3FFC];
	_ =	sdelay $0x3  }
0x9a: {  	_ =	strace s5  }
0x9b: {  	s5 =	sld [smem:$0x3FFD];
	_ =	sdelay $0x3  }
0x9c: {  	_ =	strace s5  }
0x9d: {  	_ =	strace $0x8FFFFFFF  }
0x9e: {  	s19 =	sld [smem:$0x3FDB];
	_ =	sdelay $0x1  }
0x9f: {  	s6 =	simm.s32 $_scs_section_size  }
0xa0: {  	s7 =	simm.s32 $_size__tile_overlayer_lowered;
	s8 =	simm.s32 $_tile_overlayer_lowered  }
0xa1: {  	s22 =	simm.s32 $0x1BFF;
	s21 =	sshll.u32 s8, $0x1;
	s5 =	sadd.s32 s6, s19  }
0xa2: {  	s9 =	simm.s32 $0x0;
	s20 =	sshll.u32 s7, $0x1;
	s7 =	sadd.s32 s21, s5  }
0xa3: {  	[timem:s9], [sflag:s22] =	dma.local [hbm:s7], s20  }
0xa4: {  	_ =	swait.ge [sflag:s22], s20  }
0xa5: {  	s6 =	ssub.s32 $0x0, s20;
	[sflag:s22] =	ssyncset.done $0x0  }
0xa6: {  	[sflag:s22] =	ssyncadd.s32 s6;
	_ =	sdelay $0x1  }
0xa7: {  	s23 =	simm.s32 $0x1B8B  }
0xa8: {  	_ =	swait.ge [sflag:s23], $0x1  }
0xa9: {  	[sflag:s23] =	ssyncset.done $0x0  }
0xaa: {  	s25 =	simm.s32 $0x1B8E;
	s24 =	sld [smem:$0x3FFE];
	[sflag:s23] =	ssyncadd.s32 $0xFFFFFFFF  }
0xab: {  	s26 =	simm.s32 $execute0_lowered;
	[smem:$0x3FD2] =	sst s25  }
0xac: {  	s7 =	sshll.u32 s26, $0x1;
	_ =	strace $0x80000046;
	[dreg:$0x1] =	wrdreg $0xFFFFFFFF  }
0xad: {  	s28 =	simm.s32 $_size_execute0_lowered;
	s5 =	sadd.s32 s5, s7;
	[dreg:$0x0] =	wrdreg $0x0  }
0xae: {  	s7 =	sshll.u32 s28, $0x1;
	[dreg:$0x2] =	wrdreg s5  }
0xaf: {  	[dreg:$0x3] =	wrdreg s7  }
0xb0: {  	[dreg:$0x4] =	wrdreg $0xC0  }
0xb1: {  	_ =	task [dreg:s9], $0x5FFFF  }
0xb2: {  	[dreg:$0x1] =	wrdreg $0xFFFFFFFF  }
0xb3: {  	[dreg:$0x0] =	wrdreg $0x60  }
0xb4: {  	[dreg:$0x2] =	wrdreg s24  }
0xb5: {  	[dreg:$0x3] =	wrdreg s15  }
0xb6: {  	[dreg:$0x4] =	wrdreg s16  }
0xb7: {  	[dreg:$0x5] =	wrdreg s17  }
0xb8: {  	[dreg:$0x6] =	wrdreg $0x0  }
0xb9: {  	[dreg:$0x7] =	wrdreg $0x18800  }
0xba: {  	[dreg:$0x8] =	wrdreg $0x9  }
0xbb: {  	_ =	task.clear_ibuf [dreg:s9], $0x9FFFF;
	_ =	strace $0x90000046  }
0xbc: {  	s29 =	simm.s32 $0x9;
	_ =	strace $0x80000048  }
0xbd: {  	_ =	swait.ge [sflag:s29], $0x1  }
0xbe: {  	[sflag:s29] =	ssyncadd.s32 $0xFFFFFFFF  }
0xbf: {  	_ =	strace $0x90000048  }
0xc0: {  	_ =	sfence  }
0xc1: {  	s30 =	sld [smem:$0x0];
	_ =	sdelay $0x2  }
0xc2: {  	s31 =	sshll.u32 s1, $0xD;
	s1 =	sshrl.u32 s1, $0x2  }
0xc3: {  	s3 =	sand.u32 $0x4000, s31;
	s1 =	sadd.s32 s1, s30  }
0xc4: {  	s0 =	sor.u32 s3, s0;
	s1 =	sshll.u32 s1, $0x11  }
0xc5: {  	s0 =	sor.u32 s1, s0  }
0xc6: {  	s0 =	sadd.s32 $0x8F2B, s0  }
0xc7: {  	[sflag:s0] =	ssyncadd.remote.s32 $0x1  }
0xc8: {  	_ =	sfence.sel $0xFFFF  }
0xc9: {  	[dreg:$0x0] =	wrdreg $0xFFFFFFFF;
	(pc) =	sbr.abs _section_cstart, $3  }
0xca: {  	[dreg:$0x1] =	wrdreg $0xFFFFFFFF  }
0xcb: {  	_ =	task.clear_ibuf [dreg:s9], $0x2FFFF;
	_ =	strace $0x9FFFFFFF  }
0xcc: {  	(tm) =	ssettm $0x7FFFFFFF  }
0xcd: {  	_ =	shalt  }
tec
execute0_lowered:
.L_overlay_start_1:
0x0: {  	(tag) =	ssettag $0x1  }
0x1: {  	s0 =	rddreg [dreg:$0x0]  }
0x2: {  	s19 =	rddreg [dreg:$0x1]  }
0x3: {  	s1 =	rddreg [dreg:$0x2]  }
0x4: {  	s2 =	rddreg [dreg:$0x3]  }
0x5: {  	s3 =	rddreg [dreg:$0x4]  }
0x6: {  	s4 =	rddreg [dreg:$0x5];
	s8 =	stileid.u32  }
0x7: {  	s5 =	simm.s32 $0x0;
	s6 =	srdreg.scid;
	s31 =	simm.s32 $0xE  }
0x8: {  	s28 =	simm.s32 $0x4;
	s9 =	smul.u32 $0x1880, s8;
	[smem:$0x7FF] =	sst s5  }
0x9: {  	s11 =	sand.u32 $0x1, s6;
	s6 =	sadd.s32 $0xC4200, s0;
	s7 =	sadd.s32 $0xC00, s0  }
0xa: {  	s15 =	smul.u32 $0x30D40, s8;
	s16 =	sadd.s32 $0x18AA00, s0;
	p0 =	sne.s32 s8, $0x0  }
0xb: {  	s8 =	simm.s32 $0x3;
	_ =	strace $0x80000047;
	s13 =	smul.u32 $0x30D400, s11  }
0xc: {  	s14 =	ssub.s32 $0x2, s11;
	s22 =	smul.u32 $0x18800, s11;
	s23 =	sxor.u32 $0x1, s11  }
0xd: {  	s10 =	sshrl.u32 s9, $0x3;
	s17 =	sshrl.u32 s14, $0x1;
	s21 =	sadd.s32 s9, s3  }
0xe: {  	s24 =	sadd.s32 s9, s4;
	s18 =	smul.u32 $0x18800, s23;
	s12 =	sadd.s32 s10, s0  }
0xf: {  	s0 =	sadd.s32 $0x190C00, s0;
	s20 =	sadd.s32 s15, s13;
	[dreg:$0x9] =	wrdreg s21  }
0x10: {  	s15 =	smul.u32 $0x30, s11;
	s1 =	sadd.s32 s1, s10;
	[dreg:$0xa] =	wrdreg s24  }
0x11: {  	s14 =	ssub.s32 s14, s17;
	s17 =	smul.u32 $0x6, s11;
	[dreg:$0x11] =	wrdreg s1  }
0x12: {  	s12 =	sadd.s32 $0x187800, s12;
	[dreg:$0x7] =	wrdreg s20;
	s13 =	sshrl.u32 s15, $0x3  }
0x13: {  	[dreg:$0x8] =	wrdreg s12;
	s12 =	sadd.s32 s0, s17;
	s13 =	sadd.s32 s0, s13  }
0x14: {  	s15 =	smul.u32 $0x30, s23;
	[dreg:$0xb] =	wrdreg s12;
	s25 =	sadd.s32 $0x2, s13  }
0x15: {  	s26 =	sadd.s32 $0x4, s13;
	s13 =	sadd.s32 s9, s22;
	s9 =	sadd.s32 s9, s18  }
0x16: {  	s18 =	smul.u32 $0x6, s23;
	s23 =	sshrl.u32 s20, $0x3;
	[dreg:$0xc] =	wrdreg s25  }
0x17: {  	p1 =	sne.s32 s11, $0x0;
	[dreg:$0xd] =	wrdreg s26;
	s25 =	sadd.s32 s6, s23  }
0x18: {  	s22 =	sshrl.u32 s15, $0x3;
	s26 =	sadd.s32 s7, s23;
	[dreg:$0x10] =	wrdreg s25  }
0x19: {  	s12 =	sshrl.u32 s13, $0x3;
	s10 =	sadd.s32 s19, s23;
	[dreg:$0x12] =	wrdreg s26  }
0x1a: {  	s9 =	sshrl.u32 s9, $0x3;
	s11 =	sadd.s32 s2, s23;
	[dreg:$0x14] =	wrdreg s10  }
0x1b: {  	s23 =	simm.s32 $0xF;
	s12 =	sadd.s32 s16, s12;
	[dreg:$0x15] =	wrdreg s11  }
0x1c: {  	s9 =	sadd.s32 s16, s9;
	s17 =	sadd.s32 s0, s18;
	[dreg:$0xe] =	wrdreg s12  }
0x1d: {  	s0 =	sadd.s32 s0, s22;
	s16 =	smax.u32 s14, $0x1;
	[dreg:$0xf] =	wrdreg s9  }
0x1e: {  	s22 =	sadd.s32 $0xFA0, s20;
	s18 =	sadd.s32 $0x1770, s20;
	[dreg:$0x1a] =	wrdreg s16  }
0x1f: {  	s25 =	simm.s32 $0xD;
	s9 =	sadd.s32 $0x7D0, s20;
	[dreg:$0x1b] =	wrdreg s22  }
0x20: {  	s26 =	simm.s32 $0x2;
	[dreg:$0x1c] =	wrdreg s18;
	s1 =	sshrl.u32 s9, $0x3  }
0x21: {  	s10 =	simm.s32 $0x0;
	[dreg:$0x13] =	wrdreg s9;
	s12 =	sadd.s32 s6, s1  }
0x22: {  	s29 =	sadd.s32 $0x2, s0;
	s13 =	sadd.s32 s7, s1;
	[dreg:$0x16] =	wrdreg s12  }
0x23: {  	s30 =	sadd.s32 $0x4, s0;
	s15 =	sadd.s32 s19, s1;
	[dreg:$0x17] =	wrdreg s13  }
0x24: {  	s16 =	simm.s32 $0xE200;
	s1 =	sadd.s32 s2, s1;
	[dreg:$0x18] =	wrdreg s15  }
0x25: {  	s0 =	simm.s32 $0x6;
	s19 =	sadd.s32 $0x1F40, s20;
	[dreg:$0x19] =	wrdreg s1  }
0x26: {  	s20 =	sadd.s32 $0x2710, s20;
	[dreg:$0x1d] =	wrdreg s19;
	s12 =	simm.s32 $0x12  }
0x27: {  	v0 =	vimm.f32 $0.0e+00;
	s15 =	simm.s32 $0x7D0;
	s13 =	simm.s32 $0x5;
	[dreg:$0x1e] =	wrdreg s20  }
.LBB2_1:
0x28: {  	[dreg:$0x1f] =	wrdreg s10  }
0x29: {  	s1 =	rddreg [dreg:$0x8];
	s9 =	simm.s32 $0xB100  }
0x2a: {  	[tilespmem:s9], [sflag:$0x12] =	stream.linear.gather [hbm4b:s1+s5], $0x1880, $0x38;
	[tilespmem:$0x11400] =	vst v63  }
0x2b: {  	_ =	swait.ge [sflag:s12], $0x1880  }
0x2c: {  	[sflag:s12] =	ssyncset.done $0x0  }
0x2d: {  	s20 =	simm.s32 $0xB140;
	[sflag:s12] =	ssyncadd.s32 $0xFFFFE780  }
0x2e: {  	v1 =	vld [tilespmem:s20+$0x30]  }
0x2f: {  	v2 =	vld [tilespmem:s20+$0xFFFFFFD0]  }
0x30: {  	v3 =	vld [tilespmem:s20+$0xFFFFFFE0];
	_ =	sdelay $0x2  }
0x31: {  	v1 =	vsub.f32 $1.000000000e+00, v1  }
0x32: {  	s1 =	simm.s32 $0xC9C0;
	v4 =	vld [tilespmem:s20+$0xFFFFFFF0];
	v2 =	vsub.f32 $1.000000000e+00, v2  }
0x33: {  	v5 =	vld [tilespmem:s20+$0xFFFFFFC0];
	v3 =	vsub.f32 $1.000000000e+00, v3;
	[tilespmem:s1+$0x30] =	vst v1  }
0x34: {  	v6 =	vld [tilespmem:s20+$0x10];
	[tilespmem:s1+$0xFFFFFFD0] =	vst v2  }
0x35: {  	s9 =	simm.s32 $0xE240;
	v7 =	vld [tilespmem:s20+$0x20];
	[tilespmem:s1+$0xFFFFFFE0] =	vst v3  }
0x36: {  	v1 =	vld [tilespmem:s20+$0x0];
	[tilespmem:s9+$0x30] =	vst v0  }
0x37: {  	v2 =	vsub.f32 $1.000000000e+00, v4;
	[tilespmem:s9+$0xFFFFFFD0] =	vst v0  }
0x38: {  	v4 =	vsub.f32 $1.000000000e+00, v5;
	[tilespmem:s9+$0xFFFFFFE0] =	vst v0  }
0x39: {  	[tilespmem:s1+$0xFFFFFFF0] =	vst v2  }
0x3a: {  	[tilespmem:s1+$0xFFFFFFC0] =	vst v4;
	v2 =	vsub.f32 $1.000000000e+00, v6  }
0x3b: {  	s10 =	simm.s32 $0x0;
	s11 =	simm.s32 $0xB1C0;
	[tilespmem:s9+$0xFFFFFFC0] =	vst v0;
	v3 =	vsub.f32 $1.000000000e+00, v1;
	v1 =	vsub.f32 $1.000000000e+00, v7  }
.LBB2_2:
0x3c: {  	v4 =	vld [tilespmem:s11+$0x30];
	[tilespmem:s9+$0xFFFFFFF0] =	vst v0  }
0x3d: {  	s10 =	sadd.s32 $0x8, s10;
	v5 =	vld [tilespmem:s11+$0xFFFFFFD0];
	[tilespmem:s1+$0x0] =	vst v3  }
0x3e: {  	p2 =	slt.u32 s10, $0x180;
	v3 =	vld [tilespmem:s11+$0xFFFFFFE0];
	[tilespmem:s9+$0x0] =	vst v0  }
0x3f: {  	v6 =	vld [tilespmem:s11+$0xFFFFFFF0];
	[tilespmem:s1+$0x10] =	vst v2  }
0x40: {  	v2 =	vld [tilespmem:s11+$0x0];
	[tilespmem:s9+$0x10] =	vst v0  }
0x41: {  	v7 =	vld [tilespmem:s11+$0x10];
	v4 =	vsub.f32 $1.000000000e+00, v4;
	[tilespmem:s1+$0x20] =	vst v1  }
0x42: {  	s1 =	sadd.s32 $0x80, s1;
	v1 =	vsub.f32 $1.000000000e+00, v5;
	v5 =	vld [tilespmem:s11+$0x20];
	[tilespmem:s9+$0x20] =	vst v0  }
0x43: {  	s9 =	sadd.s32 $0x80, s9;
	v8 =	vld [tilespmem:s11+$0xFFFFFFC0];
	v9 =	vsub.f32 $1.000000000e+00, v3;
	[tilespmem:s1+$0x30] =	vst v4  }
0x44: {  	v4 =	vsub.f32 $1.000000000e+00, v6;
	[tilespmem:s9+$0x30] =	vst v0  }
0x45: {  	[tilespmem:s1+$0xFFFFFFD0] =	vst v1;
	v3 =	vsub.f32 $1.000000000e+00, v2  }
0x46: {  	[tilespmem:s9+$0xFFFFFFD0] =	vst v0;
	v2 =	vsub.f32 $1.000000000e+00, v7  }
.Ltmp0:
0x47: {  	[tilespmem:s1+$0xFFFFFFE0] =	vst v9;
	v1 =	vsub.f32 $1.000000000e+00, v5;
	(pc) =	sbr.rel @p2 .LBB2_2-.Ltmp0, $4  }
0x48: {  	v5 =	vsub.f32 $1.000000000e+00, v8;
	[tilespmem:s9+$0xFFFFFFE0] =	vst v0  }
0x49: {  	[tilespmem:s1+$0xFFFFFFF0] =	vst v4  }
0x4a: {  	[tilespmem:s1+$0xFFFFFFC0] =	vst v5  }
0x4b: {  	s11 =	sadd.s32 $0x80, s11;
	[tilespmem:s9+$0xFFFFFFC0] =	vst v0  }
0x4c: {  	[tilespmem:s9+$0xFFFFFFF0] =	vst v0  }
0x4d: {  	[tilespmem:s1+$0x0] =	vst v3  }
0x4e: {  	[tilespmem:s1+$0x10] =	vst v2  }
0x4f: {  	[tilespmem:s1+$0x20] =	vst v1  }
0x50: {  	[tilespmem:s9+$0x0] =	vst v0  }
0x51: {  	[tilespmem:s9+$0x10] =	vst v0  }
0x52: {  	s14 =	simm.s32 $0xB100;
	[tilespmem:s9+$0x20] =	vst v0  }
0x53: {  	[spmem:s21] =	stream.linear.scatter [tilespmem:s14], [sflag:$0x12], $0x1880, $0x38;
	[tilespmem:$0x11400] =	vst v63  }
0x54: {  	_ =	swait.ge [sflag:s12], $0x1880  }
0x55: {  	[sflag:s12] =	ssyncset.done $0x0  }
0x56: {  	[sflag:s12] =	ssyncadd.s32 $0xFFFFE780  }
0x57: {  	[spmem:s24] =	stream.linear.scatter [tilespmem:s16], [sflag:$0x12], $0x1880, $0x38;
	[tilespmem:$0x11400] =	vst v63  }
0x58: {  	_ =	swait.ge [sflag:s12], $0x1880  }
0x59: {  	[sflag:s12] =	ssyncset.done $0x0  }
0x5a: {  	v1 =	vimm.s32 @!p0 $0x0;
	[sflag:s12] =	ssyncadd.s32 $0xFFFFE780  }
0x5b: {  	s1 =	simm.s32 @!p0 $0x0;
	s9 =	simm.s32 @!p0 $0x11300;
	s10 =	rddreg [dreg:$0xb];
	[tilespmem:$0x11300] =	vst @!p0 v1  }
0x5c: {  	[hbm4b:s10+s1] =	stream.linear.scatter @!p0 [tilespmem:s9], [sflag:$0x12], $0x10, $0x38;
	[tilespmem:$0x11400] =	vst v63  }
0x5d: {  	s10 =	simm.s32 @!p0 $0x12  }
0x5e: {  	_ =	swait.ge @!p0 [sflag:s10], $0x10  }
0x5f: {  	[sflag:s10] =	ssyncset.done @!p0 $0x0  }
0x60: {  	s11 =	rddreg [dreg:$0xc];
	[sflag:s10] =	ssyncadd.s32 @!p0 $0xFFFFFFF0  }
0x61: {  	[hbm4b:s11+s1] =	stream.linear.scatter @!p0 [tilespmem:s9], [sflag:$0x12], $0x10, $0x38;
	[tilespmem:$0x11400] =	vst v63  }
0x62: {  	_ =	swait.ge @!p0 [sflag:s10], $0x10  }
0x63: {  	[sflag:s10] =	ssyncset.done @!p0 $0x0  }
0x64: {  	s11 =	rddreg [dreg:$0xd];
	[sflag:s10] =	ssyncadd.s32 @!p0 $0xFFFFFFF0  }
0x65: {  	[hbm4b:s11+s1] =	stream.linear.scatter @!p0 [tilespmem:s9], [sflag:$0x12], $0x10, $0x38;
	[tilespmem:$0x11400] =	vst v63  }
0x66: {  	_ =	swait.ge @!p0 [sflag:s10], $0x10  }
0x67: {  	[sflag:s10] =	ssyncset.done @!p0 $0x0  }
0x68: {  	[sflag:s10] =	ssyncadd.s32 @!p0 $0xFFFFFFF0  }
0x69: {  	[bflag:$0x0] =	sbarrier.arrive $0xFFFF  }
0x6a: {  	s24 =	simm.s32 $0x0;
	s9 =	simm.s32 $0x3100;
	s16 =	rddreg [dreg:$0x10]  }
0x6b: {  	[tilespmem:s9], [sflag:$0x1] =	stream.linear.gather [hbm4b:s16+s24], $0x7D0, $0x38;
	[tilespmem:$0x11400] =	vst v63  }
0x6c: {  	s19 =	simm.s32 $0x5100;
	s18 =	rddreg [dreg:$0x12]  }
0x6d: {  	[tilespmem:s19], [sflag:$0x1] =	stream.linear.gather [hbm4b:s18+s24], $0x7D0, $0x38;
	[tilespmem:$0x11400] =	vst v63  }
0x6e: {  	s21 =	simm.s32 $0x7100;
	s20 =	rddreg [dreg:$0x14]  }
0x6f: {  	[tilespmem:s21], [sflag:$0x1] =	stream.linear.gather [hbm4b:s20+s24], $0x7D0, $0x38;
	[tilespmem:$0x11400] =	vst v63  }
0x70: {  	s12 =	simm.s32 $0x3900;
	s11 =	rddreg [dreg:$0x16]  }
0x71: {  	[tilespmem:s12], [sflag:$0x2] =	stream.linear.gather [hbm4b:s11+s24], $0x7D0, $0x38;
	[tilespmem:$0x11400] =	vst v63  }
0x72: {  	s14 =	rddreg [dreg:$0x17];
	s16 =	simm.s32 $0x5900  }
0x73: {  	[tilespmem:s16], [sflag:$0x2] =	stream.linear.gather [hbm4b:s14+s24], $0x7D0, $0x38;
	[tilespmem:$0x11400] =	vst v63  }
0x74: {  	s18 =	rddreg [dreg:$0x18];
	s19 =	simm.s32 $0x7900;
	s20 =	simm.s32 $0x1  }
0x75: {  	[tilespmem:s19], [sflag:$0x2] =	stream.linear.gather [hbm4b:s18+s24], $0x7D0, $0x38;
	[tilespmem:$0x11400] =	vst v63  }
0x76: {  	_ =	swait.ge [sflag:s20], $0x7D0  }
0x77: {  	[sflag:s20] =	ssyncset.done $0x0  }
0x78: {  	[sflag:s20] =	ssyncadd.s32 $0xFFFFF830  }
0x79: {  	_ =	swait.ge [sflag:s20], $0x7D0  }
0x7a: {  	[sflag:s20] =	ssyncset.done $0x0  }
0x7b: {  	[sflag:s20] =	ssyncadd.s32 $0xFFFFF830  }
0x7c: {  	_ =	swait.ge [sflag:s20], $0x7D0  }
0x7d: {  	[sflag:s20] =	ssyncset.done $0x0  }
0x7e: {  	s21 =	simm.s32 $0x9100;
	[sflag:s20] =	ssyncadd.s32 $0xFFFFF830  }
0x7f: {  	[tilespmem:s21], [sflag:$0xD] =	stream.indirect.gather [spmem:s3], $0x1, s9, s15, $0xb8;
	[tilespmem:$0x11400] =	vst v63  }
.LBB2_4:
0x80: {  	p2 =	seq.s32 s24, $0x0  }
0x81: {  	s1 =	simm.s32 @!p2 $0x7  }
0x82: {  	_ =	swait.ge @!p2 [sflag:s1], $0x7D0  }
0x83: {  	s10 =	smul.u32 $0x1F40, s24;
	[sflag:s1] =	ssyncset.done @!p2 $0x0  }
0x84: {  	[sflag:s1] =	ssyncadd.s32 @!p2 $0xFFFFF830;
	s1 =	simm.s32 @!p2 $0xB  }
0x85: {  	s9 =	sadd.s32 s10, s22;
	_ =	swait.ge @!p2 [sflag:s1], $0x7D0  }
0x86: {  	s9 =	sshrl.u32 s9, $0x3;
	[sflag:s1] =	ssyncset.done @!p2 $0x0  }
0x87: {  	s11 =	simm.s32 $0x4100;
	s14 =	sadd.s32 s6, s9;
	[sflag:s1] =	ssyncadd.s32 @!p2 $0xFFFFF830  }
0x88: {  	[tilespmem:s11], [sflag:$0x3] =	stream.linear.gather [hbm4b:s14+s5], $0x7D0, $0x38;
	[tilespmem:$0x11400] =	vst v63  }
0x89: {  	s18 =	simm.s32 $0x6100;
	s16 =	sadd.s32 s7, s9;
	s19 =	rddreg [dreg:$0x1]  }
0x8a: {  	[tilespmem:s18], [sflag:$0x3] =	stream.linear.gather [hbm4b:s16+s5], $0x7D0, $0x38;
	[tilespmem:$0x11400] =	vst v63  }
0x8b: {  	s20 =	simm.s32 $0x8100;
	s1 =	sadd.s32 s19, s9  }
0x8c: {  	[tilespmem:s20], [sflag:$0x3] =	stream.linear.gather [hbm4b:s1+s5], $0x7D0, $0x38;
	[tilespmem:$0x11400] =	vst v63  }
0x8d: {  	_ =	swait.ge [sflag:s25], $0x7D0  }
0x8e: {  	[sflag:s25] =	ssyncset.done $0x0  }
0x8f: {  	[sflag:s25] =	ssyncadd.s32 $0xFFFFF830  }
0x90: {  	_ =	swait.ge [sflag:s26], $0x7D0  }
0x91: {  	[sflag:s26] =	ssyncset.done $0x0  }
0x92: {  	[sflag:s26] =	ssyncadd.s32 $0xFFFFF830  }
0x93: {  	_ =	swait.ge [sflag:s26], $0x7D0  }
0x94: {  	[sflag:s26] =	ssyncset.done $0x0  }
0x95: {  	[sflag:s26] =	ssyncadd.s32 $0xFFFFF830  }
0x96: {  	_ =	swait.ge [sflag:s26], $0x7D0  }
0x97: {  	s21 =	simm.s32 $0x3900;
	[sflag:s26] =	ssyncset.done $0x0  }
0x98: {  	s12 =	simm.s32 $0x7140;
	s22 =	simm.s32 $0x9900;
	[sflag:s26] =	ssyncadd.s32 $0xFFFFF830  }
0x99: {  	[tilespmem:s22], [sflag:$0xE] =	stream.indirect.gather [spmem:s3], $0x1, s21, s15, $0xb8;
	[tilespmem:$0x11400] =	vst v63  }
0x9a: {  	v1 =	vld [tilespmem:s12+$0x30];
	_ =	sdelay $0x1  }
0x9b: {  	v2 =	vld [tilespmem:s12+$0x10]  }
0x9c: {  	v3 =	vld [tilespmem:s12+$0xFFFFFFF0]  }
0x9d: {  	v4 =	vld [tilespmem:s12+$0x20]  }
0x9e: {  	v5 =	vld [tilespmem:s12+$0xFFFFFFD0];
	v1 =	vsub.f32 $0.0e+00, v1  }
0x9f: {  	v6 =	vld [tilespmem:s12+$0xFFFFFFE0]  }
0xa0: {  	v2 =	vsub.f32 $0.0e+00, v2;
	v1 =	vmul.f32 $1.442695020e+00, v1  }
0xa1: {  	v3 =	vsub.f32 $0.0e+00, v3  }
0xa2: {  	v4 =	vsub.f32 $0.0e+00, v4;
	v2 =	vmul.f32 $1.442695020e+00, v2;
	(erf) = vpow2.f32 v1  }
0xa3: {  	s22 =	simm.s32 $0x71C0;
	v5 =	vsub.f32 $0.0e+00, v5;
	v3 =	vmul.f32 $1.442695020e+00, v3;
	v1 =	vld [tilespmem:s12+$0xFFFFFFC0]  }
0xa4: {  	v6 =	vsub.f32 $0.0e+00, v6;
	v4 =	vmul.f32 $1.442695020e+00, v4;
	(erf) = vpow2.f32 v2;
	v2 =	vld [tilespmem:s22+$0x30]  }
0xa5: {  	v5 =	vmul.f32 $1.442695020e+00, v5;
	(erf) = vpow2.f32 v3  }
0xa6: {  	v3 =	vmul.f32 $1.442695020e+00, v6;
	v6 =	vld [tilespmem:s22+$0x10];
	(erf) = vpow2.f32 v4  }
0xa7: {  	v4 =	vld [tilespmem:s22+$0xFFFFFFF0];
	(erf) = vpow2.f32 v5  }
0xa8: {  	v5 =	vld [tilespmem:s12+$0x0];
	v1 =	vsub.f32 $0.0e+00, v1;
	(erf) = vpow2.f32 v3  }
0xa9: {  	v3 =	vld [tilespmem:s22+$0x20];
	v2 =	vsub.f32 $0.0e+00, v2  }
0xaa: {  	v1 =	vmul.f32 $1.442695020e+00, v1  }
0xab: {  	v8 =	vld [tilespmem:s22+$0xFFFFFFD0];
	v6 =	vsub.f32 $0.0e+00, v6;
	v2 =	vmul.f32 $1.442695020e+00, v2;
	v7 =	vpop (erf)  }
0xac: {  	v4 =	vsub.f32 $0.0e+00, v4;
	(erf) = vpow2.f32 v1;
	v1 =	vadd.f32 $1.000000000e+00, v7  }
0xad: {  	v5 =	vsub.f32 $0.0e+00, v5;
	v6 =	vmul.f32 $1.442695020e+00, v6;
	v7 =	vpop (erf);
	(erf) = vpow2.f32 v2  }
0xae: {  	v2 =	vsub.f32 $0.0e+00, v3;
	v4 =	vmul.f32 $1.442695020e+00, v4;
	v3 =	vpop (erf);
	(erf) = vrcp.f32 v1  }
0xaf: {  	v5 =	vmul.f32 $1.442695020e+00, v5;
	v1 =	vld [tilespmem:s22+$0xFFFFFFE0];
	v9 =	vpop (erf);
	(erf) = vpow2.f32 v6  }
0xb0: {  	v8 =	vsub.f32 $0.0e+00, v8;
	v2 =	vmul.f32 $1.442695020e+00, v2;
	v6 =	vld [tilespmem:s22+$0x0];
	v10 =	vpop (erf);
	(erf) = vpow2.f32 v4  }
0xb1: {  	s1 =	simm.s32 $0x7240;
	v3 =	vadd.f32 $1.000000000e+00, v3;
	v4 =	vld [tilespmem:s22+$0xFFFFFFC0];
	v11 =	vpop (erf);
	(erf) = vpow2.f32 v5  }
0xb2: {  	v11 =	vadd.f32 $1.000000000e+00, v11;
	(erf) = vpow2.f32 v2;
	v2 =	vmul.f32 $1.442695020e+00, v8;
	v8 =	vld [tilespmem:s1+$0x30]  }
0xb3: {  	(erf) = vrcp.f32 v3  }
0xb4: {  	v10 =	vadd.f32 $1.000000000e+00, v10;
	(erf) = vrcp.f32 v11  }
0xb5: {  	v7 =	vadd.f32 $1.000000000e+00, v7;
	v5 =	vld [tilespmem:s1+$0x20];
	v12 =	vpop (erf);
	(erf) = vpow2.f32 v2  }
0xb6: {  	v1 =	vsub.f32 $0.0e+00, v1;
	v3 =	vld [tilespmem:s1+$0x10];
	v2 =	vsub.f32 $0.0e+00, v4;
	v4 =	vpop (erf);
	(erf) = vrcp.f32 v10  }
0xb7: {  	v11 =	vld [tilespmem:s1+$0xFFFFFFF0];
	v6 =	vsub.f32 $0.0e+00, v6;
	(erf) = vrcp.f32 v7;
	v7 =	vsub.f32 $0.0e+00, v8  }
0xb8: {  	v1 =	vmul.f32 $1.442695020e+00, v1;
	v10 =	vld [tilespmem:s1+$0xFFFFFFE0];
	v13 =	vpop (erf)  }
0xb9: {  	s19 =	simm.s32 $0x72C0;
	v9 =	vadd.f32 $1.000000000e+00, v9;
	v6 =	vmul.f32 $1.442695020e+00, v6;
	v14 =	vpop (erf);
	v7 =	vmul.f32 $1.442695020e+00, v7  }
0xba: {  	v19 =	vld [tilespmem:s19+$0xFFFFFFF0];
	v5 =	vsub.f32 $0.0e+00, v5;
	v2 =	vmul.f32 $1.442695020e+00, v2;
	(erf) = vpow2.f32 v1;
	v15 =	vpop (erf)  }
0xbb: {  	v4 =	vadd.f32 $1.000000000e+00, v4;
	v8 =	vld [tilespmem:s1+$0xFFFFFFD0];
	v3 =	vsub.f32 $0.0e+00, v3;
	(erf) = vrcp.f32 v9;
	v16 =	vpop (erf)  }
0xbc: {  	v1 =	vld [tilespmem:s1+$0x0];
	v5 =	vmul.f32 $1.442695020e+00, v5;
	(erf) = vpow2.f32 v2;
	v2 =	vadd.f32 $1.000000000e+00, v12;
	v18 =	vpop (erf)  }
0xbd: {  	s20 =	simm.s32 $0x9140;
	[tilespmem:s12+$0x30] =	vst v13;
	v9 =	vsub.f32 $0.0e+00, v11;
	v11 =	vld [tilespmem:s1+$0xFFFFFFC0];
	v10 =	vsub.f32 $0.0e+00, v10;
	(erf) = vpow2.f32 v7;
	v7 =	vpop (erf)  }
0xbe: {  	v17 =	vld [tilespmem:s20+$0x30];
	v3 =	vmul.f32 $1.442695020e+00, v3;
	(erf) = vrcp.f32 v2;
	[tilespmem:s12+$0xFFFFFFF0] =	vst v7;
	v12 =	vpop (erf)  }
0xbf: {  	v24 =	vadd.f32 $1.000000000e+00, v14;
	v2 =	vadd.f32 $1.000000000e+00, v16;
	(erf) = vrcp.f32 v4;
	[tilespmem:s12+$0xFFFFFFE0] =	vst v12;
	v4 =	vld [tilespmem:s20+$0xFFFFFFF0]  }
0xc0: {  	v9 =	vmul.f32 $1.442695020e+00, v9;
	v8 =	vsub.f32 $0.0e+00, v8;
	(erf) = vpow2.f32 v3;
	v16 =	vpop (erf);
	v3 =	vld [tilespmem:s20+$0xFFFFFFE0]  }
0xc1: {  	v14 =	vld [tilespmem:s19+$0x30];
	v15 =	vadd.f32 $1.000000000e+00, v15;
	v21 =	vmul.f32 $1.442695020e+00, v10;
	(erf) = vrcp.f32 v2;
	v10 =	vpop (erf)  }
0xc2: {  	v20 =	vld [tilespmem:s19+$0x20];
	v28 =	vadd.f32 $1.000000000e+00, v18;
	v22 =	vmul.f32 $1.442695020e+00, v8;
	(erf) = vpow2.f32 v9;
	[tilespmem:s12+$0xFFFFFFD0] =	vst v10  }
0xc3: {  	v1 =	vsub.f32 $0.0e+00, v1;
	v8 =	vmul.f32 v13, v17;
	v2 =	vpop (erf);
	(erf) = vpow2.f32 v6;
	v25 =	vld [tilespmem:s20+$0xFFFFFFD0]  }
0xc4: {  	v26 =	vld [tilespmem:s19+$0x10];
	v23 =	vadd.f32 $1.000000000e+00, v16;
	v16 =	vsub.f32 $0.0e+00, v11;
	v9 =	vpop (erf);
	(erf) = vpow2.f32 v5  }
0xc5: {  	v27 =	vld [tilespmem:s19+$0xFFFFFFE0];
	[tilespmem:s12+$0x10] =	vst v2;
	v11 =	vpop (erf);
	v6 =	vadd.f32 $1.000000000e+00, v9;
	v4 =	vmul.f32 v7, v4;
	v3 =	vmul.f32 v12, v3  }
0xc6: {  	v17 =	vsub.f32 $0.0e+00, v14;
	v5 =	vmul.f32 $1.442695020e+00, v1;
	(erf) = vrcp.f32 v15;
	[tilespmem:s12+$0x20] =	vst v11;
	v7 =	vld [tilespmem:s19+$0x0];
	v13 =	vpop (erf)  }
0xc7: {  	v12 =	vmul.f32 $1.442695020e+00, v16;
	v18 =	vld [tilespmem:s20+$0x20];
	v14 =	vpop (erf);
	(erf) = vrcp.f32 v6;
	[tilespmem:s20+$0xFFFFFFF0] =	vst v4;
	v4 =	vsub.f32 $0.0e+00, v20  }
0xc8: {  	v16 =	vld [tilespmem:s19+$0xFFFFFFD0];
	(erf) = vpow2.f32 v22;
	v15 =	vpop (erf);
	v6 =	vmul.f32 v10, v25;
	[tilespmem:s20+$0xFFFFFFE0] =	vst v3  }
0xc9: {  	v9 =	vld [tilespmem:s20+$0x10];
	v22 =	vsub.f32 $0.0e+00, v26;
	(erf) = vrcp.f32 v23;
	[tilespmem:s12+$0xFFFFFFC0] =	vst v15;
	v4 =	vmul.f32 $1.442695020e+00, v4;
	v3 =	vpop (erf)  }
0xca: {  	(erf) = vrcp.f32 v24;
	v20 =	vld [tilespmem:s20+$0xFFFFFFC0];
	v24 =	vmul.f32 $1.442695020e+00, v17;
	[tilespmem:s20+$0xFFFFFFD0] =	vst v6;
	v10 =	vpop (erf)  }
0xcb: {  	s11 =	simm.s32 $0x91C0;
	v23 =	vsub.f32 $0.0e+00, v19;
	v22 =	vmul.f32 $1.442695020e+00, v22;
	v6 =	vld [tilespmem:s19+$0xFFFFFFC0];
	(erf) = vpow2.f32 v21;
	[tilespmem:s22+$0x30] =	vst v3;
	v17 =	vpop (erf)  }
0xcc: {  	s14 =	simm.s32 $0x18;
	s18 =	simm.s32 $0x9240;
	s21 =	simm.s32 $0x7340;
	v1 =	vsub.f32 $0.0e+00, v7;
	v21 =	vsub.f32 $0.0e+00, v27;
	v7 =	vld [tilespmem:s11+$0x30];
	v19 =	vpop (erf);
	(erf) = vrcp.f32 v28;
	[tilespmem:s12+$0x0] =	vst v17  }
.LBB2_5:
0xcd: {  	s14 =	sadd.s32 $0x8, s14;
	v30 =	vsub.f32 $0.0e+00, v16;
	v23 =	vmul.f32 $1.442695020e+00, v23;
	v25 =	vpop (erf);
	v26 =	vld [tilespmem:s20+$0x0];
	v11 =	vmul.f32 v11, v18;
	[tilespmem:s20+$0x30] =	vst v8;
	s12 =	smov.u32 s19  }
0xce: {  	s19 =	smov.u32 s21;
	v27 =	vld [tilespmem:s21+$0xFFFFFFF0];
	p3 =	slt.u32 s14, $0x70;
	v21 =	vmul.f32 $1.442695020e+00, v21;
	(erf) = vpow2.f32 v12;
	v8 =	vpop (erf);
	v12 =	vadd.f32 $1.000000000e+00, v13  }
0xcf: {  	v13 =	vadd.f32 $1.000000000e+00, v14;
	v28 =	vld [tilespmem:s21+$0x20];
	v29 =	vmul.f32 $1.442695020e+00, v30;
	(erf) = vpow2.f32 v24;
	v14 =	vpop (erf);
	[tilespmem:s20+$0x20] =	vst v11  }
0xd0: {  	v11 =	vadd.f32 $1.000000000e+00, v25;
	v24 =	vld [tilespmem:s21+$0x10];
	[tilespmem:s22+$0xFFFFFFF0] =	vst v14;
	(erf) = vrcp.f32 v12;
	v16 =	vpop (erf);
	v12 =	vmul.f32 v15, v20  }
0xd1: {  	v9 =	vmul.f32 v2, v9;
	v20 =	vadd.f32 $1.000000000e+00, v10;
	v10 =	vpop (erf);
	(erf) = vrcp.f32 v13;
	[tilespmem:s22+$0xFFFFFFE0] =	vst v16;
	v13 =	vld [tilespmem:s11+$0xFFFFFFF0]  }
0xd2: {  	(erf) = vpow2.f32 v22;
	v10 =	vadd.f32 $1.000000000e+00, v10;
	v15 =	vld [tilespmem:s11+$0xFFFFFFE0];
	v22 =	vpop (erf);
	[tilespmem:s20+$0xFFFFFFC0] =	vst v12;
	v17 =	vmul.f32 v17, v26  }
0xd3: {  	v18 =	vadd.f32 $1.000000000e+00, v19;
	v6 =	vsub.f32 $0.0e+00, v6;
	v25 =	vld [tilespmem:s21+$0x30];
	[tilespmem:s22+$0xFFFFFFD0] =	vst v22;
	(erf) = vrcp.f32 v11;
	v2 =	vpop (erf)  }
0xd4: {  	v26 =	vadd.f32 $1.000000000e+00, v8;
	v8 =	vmul.f32 v3, v7;
	(erf) = vpow2.f32 v23;
	v11 =	vpop (erf);
	v19 =	vld [tilespmem:s11+$0xFFFFFFD0];
	[tilespmem:s20+$0x10] =	vst v9  }
0xd5: {  	v12 =	vmul.f32 $1.442695020e+00, v6;
	v7 =	vld [tilespmem:s21+$0xFFFFFFE0];
	v3 =	vadd.f32 $1.000000000e+00, v11;
	(erf) = vpow2.f32 v5;
	v11 =	vpop (erf);
	[tilespmem:s20+$0x0] =	vst v17;
	s20 =	smov.u32 s11;
	s11 =	smov.u32 s18  }
0xd6: {  	v17 =	vld [tilespmem:s21+$0x0];
	(erf) = vpow2.f32 v4;
	v4 =	vmul.f32 v14, v13;
	[tilespmem:s22+$0x20] =	vst v11  }
0xd7: {  	v13 =	vpop (erf);
	(erf) = vrcp.f32 v18;
	v5 =	vmul.f32 v16, v15;
	[tilespmem:s22+$0x10] =	vst v2;
	v18 =	vld [tilespmem:s20+$0x20]  }
0xd8: {  	v25 =	vsub.f32 $0.0e+00, v25;
	v14 =	vpop (erf);
	(erf) = vrcp.f32 v3;
	[tilespmem:s20+$0xFFFFFFF0] =	vst v4;
	v9 =	vld [tilespmem:s20+$0x10]  }
.Ltmp1:
0xd9: {  	v4 =	vsub.f32 $0.0e+00, v28;
	v16 =	vld [tilespmem:s21+$0xFFFFFFD0];
	(erf) = vpow2.f32 v29;
	v6 =	vmul.f32 v22, v19;
	[tilespmem:s20+$0xFFFFFFE0] =	vst v5;
	v15 =	vpop (erf);
	(pc) =	sbr.rel @p3 .LBB2_5-.Ltmp1, $4  }
0xda: {  	v28 =	vsub.f32 $0.0e+00, v24;
	v5 =	vmul.f32 $1.442695020e+00, v1;
	(erf) = vrcp.f32 v10;
	v3 =	vpop (erf);
	[tilespmem:s22+$0xFFFFFFC0] =	vst v15  }
0xdb: {  	v23 =	vsub.f32 $0.0e+00, v27;
	s18 =	sadd.s32 $0x80, s18;
	v4 =	vmul.f32 $1.442695020e+00, v4;
	v10 =	vpop (erf);
	(erf) = vrcp.f32 v20;
	v20 =	vld [tilespmem:s20+$0xFFFFFFC0];
	[tilespmem:s20+$0xFFFFFFD0] =	vst v6  }
0xdc: {  	v24 =	vmul.f32 $1.442695020e+00, v25;
	v1 =	vsub.f32 $0.0e+00, v17;
	v6 =	vld [tilespmem:s21+$0xFFFFFFC0];
	(erf) = vpow2.f32 v21;
	[tilespmem:s1+$0x30] =	vst v3;
	v17 =	vpop (erf)  }
0xdd: {  	v22 =	vmul.f32 $1.442695020e+00, v28;
	v21 =	vsub.f32 $0.0e+00, v7;
	s21 =	sadd.s32 $0x80, s21;
	v19 =	vpop (erf);
	v7 =	vld [tilespmem:s11+$0x30];
	(erf) = vrcp.f32 v26;
	[tilespmem:s22+$0x0] =	vst v17;
	s22 =	smov.u32 s1;
	s1 =	smov.u32 s12  }
0xde: {  	v25 =	vpop (erf);
	v11 =	vmul.f32 v11, v18;
	(erf) = vpow2.f32 v12;
	v43 =	vadd.f32 $1.000000000e+00, v13  }
0xdf: {  	[tilespmem:s20+$0x30] =	vst v8;
	v14 =	vadd.f32 $1.000000000e+00, v14;
	v2 =	vmul.f32 v2, v9;
	v45 =	vpop (erf);
	(erf) = vpow2.f32 v24  }
0xe0: {  	v44 =	vld [tilespmem:s20+$0x0];
	v49 =	vmul.f32 $1.442695020e+00, v23;
	v46 =	vpop (erf);
	[tilespmem:s20+$0x20] =	vst v11;
	(erf) = vrcp.f32 v43  }
0xe1: {  	v54 =	vsub.f32 $0.0e+00, v16;
	v47 =	vadd.f32 $1.000000000e+00, v25;
	[tilespmem:s20+$0x10] =	vst v2;
	v48 =	vpop (erf);
	(erf) = vrcp.f32 v14  }
0xe2: {  	v15 =	vmul.f32 v15, v20;
	[tilespmem:s22+$0xFFFFFFF0] =	vst v46;
	v50 =	vpop (erf);
	(erf) = vpow2.f32 v22  }
0xe3: {  	v2 =	vmul.f32 $1.442695020e+00, v54;
	[tilespmem:s22+$0xFFFFFFE0] =	vst v48;
	v51 =	vld [tilespmem:s11+$0xFFFFFFF0];
	v53 =	vpop (erf);
	(erf) = vrcp.f32 v47  }
0xe4: {  	[tilespmem:s20+$0xFFFFFFC0] =	vst v15;
	v3 =	vmul.f32 v3, v7;
	v52 =	vld [tilespmem:s11+$0xFFFFFFE0];
	v55 =	vpop (erf);
	(erf) = vpow2.f32 v49  }
0xe5: {  	v56 =	vadd.f32 $1.000000000e+00, v19;
	v13 =	vmul.f32 v17, v44;
	[tilespmem:s22+$0xFFFFFFD0] =	vst v53;
	v57 =	vpop (erf);
	(erf) = vpow2.f32 v5  }
0xe6: {  	[tilespmem:s11+$0x30] =	vst v3;
	v59 =	vadd.f32 $1.000000000e+00, v57;
	v60 =	vpop (erf);
	(erf) = vpow2.f32 v4  }
0xe7: {  	[tilespmem:s20+$0x0] =	vst v13;
	v62 =	vpop (erf);
	(erf) = vrcp.f32 v56  }
0xe8: {  	v63 =	vadd.f32 $1.000000000e+00, v50;
	v58 =	vld [tilespmem:s11+$0xFFFFFFD0];
	[tilespmem:s22+$0x10] =	vst v55;
	v61 =	vmul.f32 v46, v51;
	v20 =	vpop (erf);
	(erf) = vrcp.f32 v59  }
0xe9: {  	v10 =	vadd.f32 $1.000000000e+00, v10;
	v30 =	vld [tilespmem:s11+$0x10];
	[tilespmem:s22+$0x20] =	vst v60;
	v9 =	vmul.f32 v48, v52;
	(erf) = vpow2.f32 v2;
	v2 =	vpop (erf)  }
0xea: {  	v6 =	vsub.f32 $0.0e+00, v6;
	[tilespmem:s11+$0xFFFFFFF0] =	vst v61;
	(erf) = vrcp.f32 v63;
	v25 =	vpop (erf)  }
0xeb: {  	v21 =	vmul.f32 $1.442695020e+00, v21;
	[tilespmem:s11+$0xFFFFFFE0] =	vst v9;
	v26 =	vpop (erf);
	(erf) = vrcp.f32 v10  }
0xec: {  	v8 =	vadd.f32 $1.000000000e+00, v45;
	v6 =	vmul.f32 $1.442695020e+00, v6;
	v23 =	vld [tilespmem:s11+$0x20];
	[tilespmem:s22+$0xFFFFFFC0] =	vst v2;
	v28 =	vpop (erf)  }
0xed: {  	v24 =	vmul.f32 v53, v58;
	v27 =	vld [tilespmem:s11+$0xFFFFFFC0];
	[tilespmem:s1+$0x30] =	vst v25;
	(erf) = vpow2.f32 v21;
	v29 =	vpop (erf)  }
0xee: {  	v7 =	vmul.f32 v55, v30;
	(erf) = vrcp.f32 v8;
	[tilespmem:s22+$0x0] =	vst v28;
	v31 =	vpop (erf)  }
0xef: {  	v13 =	vadd.f32 $1.000000000e+00, v62;
	[tilespmem:s11+$0xFFFFFFD0] =	vst v24;
	v32 =	vld [tilespmem:s11+$0x0];
	v3 =	vpop (erf)  }
0xf0: {  	v1 =	vmul.f32 $1.442695020e+00, v1;
	v33 =	vadd.f32 $1.000000000e+00, v20;
	[tilespmem:s11+$0x10] =	vst v7;
	(erf) = vpow2.f32 v6;
	v34 =	vpop (erf)  }
0xf1: {  	v11 =	vmul.f32 v60, v23;
	v8 =	vadd.f32 $1.000000000e+00, v31;
	(erf) = vrcp.f32 v13;
	[tilespmem:s1+$0xFFFFFFF0] =	vst v34;
	v35 =	vpop (erf)  }
0xf2: {  	v2 =	vmul.f32 v2, v27;
	(erf) = vrcp.f32 v33;
	v36 =	vpop (erf);
	[tilespmem:s1+$0xFFFFFFE0] =	vst v35;
	v37 =	vld [tilespmem:s18+$0xFFFFFFF0]  }
0xf3: {  	[tilespmem:s11+$0x20] =	vst v11;
	v38 =	vld [tilespmem:s18+$0xFFFFFFE0];
	v39 =	vpop (erf);
	(erf) = vrcp.f32 v8  }
0xf4: {  	[tilespmem:s11+$0xFFFFFFC0] =	vst v2;
	v2 =	vmul.f32 v28, v32;
	v40 =	vpop (erf);
	(erf) = vpow2.f32 v1  }
0xf5: {  	[tilespmem:s1+$0xFFFFFFD0] =	vst v39;
	v1 =	vadd.f32 $1.000000000e+00, v29  }
0xf6: {  	v41 =	vpop (erf);
	v42 =	vld [tilespmem:s18+$0xFFFFFFD0];
	[tilespmem:s11+$0x0] =	vst v2  }
0xf7: {  	[tilespmem:s1+$0x10] =	vst v40;
	v43 =	vpop (erf);
	(erf) = vrcp.f32 v1;
	v1 =	vld [tilespmem:s18+$0x30];
	v2 =	vmul.f32 v34, v37  }
0xf8: {  	v5 =	vadd.f32 $1.000000000e+00, v41;
	[tilespmem:s1+$0x20] =	vst v43;
	v45 =	vmul.f32 v35, v38  }
0xf9: {  	v3 =	vadd.f32 $1.000000000e+00, v3;
	v44 =	vadd.f32 $1.000000000e+00, v36;
	v51 =	vld [tilespmem:s18+$0x10];
	v46 =	vpop (erf);
	[tilespmem:s18+$0xFFFFFFF0] =	vst v2  }
0xfa: {  	(erf) = vrcp.f32 v5;
	v47 =	vld [tilespmem:s18+$0x20];
	v2 =	vadd.f32 $1.000000000e+00, v26;
	v48 =	vpop (erf);
	[tilespmem:s18+$0xFFFFFFE0] =	vst v45  }
0xfb: {  	(erf) = vrcp.f32 v44;
	v8 =	vmul.f32 v39, v42;
	v49 =	vpop (erf);
	[tilespmem:s1+$0xFFFFFFC0] =	vst v48  }
0xfc: {  	v5 =	vadd.f32 $1.000000000e+00, v46;
	(erf) = vrcp.f32 v2;
	v2 =	vld [tilespmem:s18+$0xFFFFFFC0];
	v1 =	vmul.f32 v25, v1;
	[tilespmem:s19+$0x30] =	vst v49;
	v50 =	vpop (erf)  }
0xfd: {  	[tilespmem:s18+$0xFFFFFFD0] =	vst v8;
	(erf) = vrcp.f32 v3;
	v3 =	vpop (erf)  }
0xfe: {  	v4 =	vmul.f32 v40, v51;
	[tilespmem:s1+$0x0] =	vst v50;
	(erf) = vrcp.f32 v5;
	v3 =	vadd.f32 $1.000000000e+00, v3  }
0xff: {  	v7 =	vmul.f32 v43, v47;
	[tilespmem:s18+$0x30] =	vst v1;
	v52 =	vld [tilespmem:s18+$0x0]  }
0x100: {  	[tilespmem:s18+$0x10] =	vst v4;
	v1 =	vpop (erf);
	(erf) = vrcp.f32 v3  }
0x101: {  	[tilespmem:s18+$0x20] =	vst v7;
	v2 =	vmul.f32 v48, v2  }
0x102: {  	[tilespmem:s19+$0xFFFFFFF0] =	vst v1  }
0x103: {  	s22 =	sadd.s32 $0x80, s18;
	v3 =	vpop (erf);
	[tilespmem:s18+$0xFFFFFFC0] =	vst v2  }
0x104: {  	v2 =	vld [tilespmem:s22+$0xFFFFFFF0];
	[tilespmem:s19+$0xFFFFFFE0] =	vst v3;
	v53 =	vpop (erf);
	v5 =	vmul.f32 v50, v52  }
0x105: {  	v58 =	vld [tilespmem:s22+$0x30];
	[tilespmem:s19+$0xFFFFFFD0] =	vst v53;
	v55 =	vpop (erf)  }
0x106: {  	v56 =	vld [tilespmem:s22+$0xFFFFFFD0];
	v57 =	vpop (erf);
	[tilespmem:s18+$0x0] =	vst v5  }
0x107: {  	v54 =	vld [tilespmem:s22+$0xFFFFFFE0];
	[tilespmem:s19+$0x20] =	vst v57;
	v59 =	vpop (erf)  }
0x108: {  	v60 =	vld [tilespmem:s22+$0x20];
	[tilespmem:s19+$0xFFFFFFC0] =	vst v59  }
0x109: {  	[tilespmem:s19+$0x10] =	vst v55;
	v1 =	vmul.f32 v1, v2;
	v2 =	vld [tilespmem:s22+$0xFFFFFFC0];
	v61 =	vpop (erf)  }
0x10a: {  	v5 =	vmul.f32 v49, v58;
	v62 =	vld [tilespmem:s22+$0x10];
	[tilespmem:s19+$0x0] =	vst v61  }
0x10b: {  	[tilespmem:s22+$0xFFFFFFF0] =	vst v1;
	v1 =	vmul.f32 v53, v56;
	v63 =	vld [tilespmem:s22+$0x0]  }
0x10c: {  	[tilespmem:s22+$0x30] =	vst v5;
	v3 =	vmul.f32 v3, v54  }
0x10d: {  	[tilespmem:s22+$0xFFFFFFD0] =	vst v1;
	v1 =	vmul.f32 v57, v60  }
0x10e: {  	[tilespmem:s22+$0xFFFFFFE0] =	vst v3;
	v2 =	vmul.f32 v59, v2  }
0x10f: {  	[tilespmem:s22+$0x20] =	vst v1;
	v1 =	vmul.f32 v55, v62  }
0x110: {  	[tilespmem:s22+$0xFFFFFFC0] =	vst v2;
	v2 =	vmul.f32 v61, v63  }
0x111: {  	[tilespmem:s22+$0x10] =	vst v1  }
0x112: {  	s1 =	simm.s32 $0x0;
	[tilespmem:s22+$0x0] =	vst v2  }
.LBB2_7:
0x113: {  	s11 =	sshra.s32 s1, $0x2  }
0x114: {  	v1 =	vld [tilespmem:s11+$0x7880];
	_ =	sdelay $0x4  }
0x115: {  	v1 =	vsub.f32 $0.0e+00, v1;
	_ =	sdelay $0x1  }
0x116: {  	v1 =	vmul.f32 $1.442695020e+00, v1;
	_ =	sdelay $0x1  }
0x117: {  	(erf) = vpow2.f32 v1;
	_ =	sdelay $0x8  }
0x118: {  	v1 =	vpop (erf)  }
0x119: {  	v1 =	vadd.f32 $1.000000000e+00, v1;
	_ =	sdelay $0x1  }
0x11a: {  	(erf) = vrcp.f32 v1;
	_ =	sdelay $0x4  }
0x11b: {  	v1 =	vld [tilespmem:s11+$0x9880];
	_ =	sdelay $0x1  }
0x11c: {  	p3 =	sne.s32 s1, $0x100  }
.Ltmp2:
0x11d: {  	_ = 	snop;
	(pc) =	sbr.rel @p3 .LBB2_7-.Ltmp2, $4  }
0x11e: {  	v2 =	vpop (erf)  }
0x11f: {  	v1 =	vmul.f32 v2, v1  }
0x120: {  	[tilespmem:s11+$0x7880] =	vst v2  }
0x121: {  	s1 =	sadd.s32 $0x40, s1;
	[tilespmem:s11+$0x9880] =	vst v1  }
0x122: {  	s1 =	simm.s32 $0x5100;
	s11 =	simm.s32 $0x9100;
	s21 =	rddreg [dreg:$0x7]  }
0x123: {  	[spmem:s4] =	stream.indirect.scatter.add.f32 [tilespmem:s11], [sflag:$0x5], $0x1, s1, s15, $0xb8;
	[tilespmem:$0x11400] =	vst v63  }
0x124: {  	s1 =	sadd.s32 s21, s10  }
0x125: {  	s1 =	sshrl.u32 s1, $0x3  }
0x126: {  	s22 =	simm.s32 $0x7100;
	s1 =	sadd.s32 s2, s1  }
0x127: {  	[hbm4b:s1+s5] =	stream.linear.scatter [tilespmem:s22], [sflag:$0x9], $0x7D0, $0x38;
	[tilespmem:$0x11400] =	vst v63  }
0x128: {  	s1 =	simm.s32 @!p2 $0x8  }
0x129: {  	_ =	swait.ge @!p2 [sflag:s1], $0x7D0  }
0x12a: {  	[sflag:s1] =	ssyncset.done @!p2 $0x0  }
0x12b: {  	s11 =	simm.s32 @!p2 $0xC;
	[sflag:s1] =	ssyncadd.s32 @!p2 $0xFFFFF830  }
0x12c: {  	_ =	swait.ge @!p2 [sflag:s11], $0x7D0  }
0x12d: {  	s12 =	rddreg [dreg:$0x1c]  }
0x12e: {  	s1 =	sadd.s32 s10, s12  }
0x12f: {  	[sflag:s11] =	ssyncset.done @!p2 $0x0;
	s1 =	sshrl.u32 s1, $0x3  }
0x130: {  	[sflag:s11] =	ssyncadd.s32 @!p2 $0xFFFFF830;
	s12 =	simm.s32 $0x4900;
	s14 =	sadd.s32 s6, s1  }
0x131: {  	[tilespmem:s12], [sflag:$0x4] =	stream.linear.gather [hbm4b:s14+s5], $0x7D0, $0x38;
	[tilespmem:$0x11400] =	vst v63  }
0x132: {  	s18 =	simm.s32 $0x6900;
	s19 =	rddreg [dreg:$0x1];
	s16 =	sadd.s32 s7, s1  }
0x133: {  	[tilespmem:s18], [sflag:$0x4] =	stream.linear.gather [hbm4b:s16+s5], $0x7D0, $0x38;
	[tilespmem:$0x11400] =	vst v63  }
0x134: {  	s20 =	simm.s32 $0x8900;
	s11 =	sadd.s32 s19, s1  }
0x135: {  	[tilespmem:s20], [sflag:$0x4] =	stream.linear.gather [hbm4b:s11+s5], $0x7D0, $0x38;
	[tilespmem:$0x11400] =	vst v63  }
0x136: {  	_ =	swait.ge [sflag:s31], $0x7D0  }
0x137: {  	[sflag:s31] =	ssyncset.done $0x0  }
0x138: {  	[sflag:s31] =	ssyncadd.s32 $0xFFFFF830  }
0x139: {  	_ =	swait.ge [sflag:s8], $0x7D0  }
0x13a: {  	[sflag:s8] =	ssyncset.done $0x0  }
0x13b: {  	[sflag:s8] =	ssyncadd.s32 $0xFFFFF830  }
0x13c: {  	_ =	swait.ge [sflag:s8], $0x7D0  }
0x13d: {  	[sflag:s8] =	ssyncset.done $0x0  }
0x13e: {  	[sflag:s8] =	ssyncadd.s32 $0xFFFFF830  }
0x13f: {  	_ =	swait.ge [sflag:s8], $0x7D0  }
0x140: {  	s21 =	simm.s32 $0x4100;
	[sflag:s8] =	ssyncset.done $0x0  }
0x141: {  	s22 =	simm.s32 $0xA100;
	s14 =	simm.s32 $0x7940;
	[sflag:s8] =	ssyncadd.s32 $0xFFFFF830  }
0x142: {  	[tilespmem:s22], [sflag:$0xF] =	stream.indirect.gather [spmem:s3], $0x1, s21, s15, $0xb8;
	[tilespmem:$0x11400] =	vst v63  }
0x143: {  	v1 =	vld [tilespmem:s14+$0x30];
	_ =	sdelay $0x1  }
0x144: {  	v2 =	vld [tilespmem:s14+$0x10]  }
0x145: {  	v3 =	vld [tilespmem:s14+$0xFFFFFFF0]  }
0x146: {  	v4 =	vld [tilespmem:s14+$0x20]  }
0x147: {  	v5 =	vld [tilespmem:s14+$0xFFFFFFD0];
	v1 =	vsub.f32 $0.0e+00, v1  }
0x148: {  	v6 =	vld [tilespmem:s14+$0xFFFFFFE0]  }
0x149: {  	v2 =	vsub.f32 $0.0e+00, v2;
	v1 =	vmul.f32 $1.442695020e+00, v1  }
0x14a: {  	v3 =	vsub.f32 $0.0e+00, v3  }
0x14b: {  	v4 =	vsub.f32 $0.0e+00, v4;
	v2 =	vmul.f32 $1.442695020e+00, v2;
	(erf) = vpow2.f32 v1  }
0x14c: {  	s18 =	simm.s32 $0x79C0;
	v5 =	vsub.f32 $0.0e+00, v5;
	v3 =	vmul.f32 $1.442695020e+00, v3;
	v1 =	vld [tilespmem:s14+$0xFFFFFFC0]  }
0x14d: {  	v6 =	vsub.f32 $0.0e+00, v6;
	v4 =	vmul.f32 $1.442695020e+00, v4;
	(erf) = vpow2.f32 v2;
	v2 =	vld [tilespmem:s18+$0x30]  }
0x14e: {  	v5 =	vmul.f32 $1.442695020e+00, v5;
	(erf) = vpow2.f32 v3  }
0x14f: {  	v3 =	vmul.f32 $1.442695020e+00, v6;
	v6 =	vld [tilespmem:s18+$0x10];
	(erf) = vpow2.f32 v4  }
0x150: {  	v4 =	vld [tilespmem:s18+$0xFFFFFFF0];
	(erf) = vpow2.f32 v5  }
0x151: {  	v5 =	vld [tilespmem:s14+$0x0];
	v1 =	vsub.f32 $0.0e+00, v1;
	(erf) = vpow2.f32 v3  }
0x152: {  	v3 =	vld [tilespmem:s18+$0x20];
	v2 =	vsub.f32 $0.0e+00, v2  }
0x153: {  	v1 =	vmul.f32 $1.442695020e+00, v1  }
0x154: {  	v8 =	vld [tilespmem:s18+$0xFFFFFFD0];
	v6 =	vsub.f32 $0.0e+00, v6;
	v2 =	vmul.f32 $1.442695020e+00, v2;
	v7 =	vpop (erf)  }
0x155: {  	v4 =	vsub.f32 $0.0e+00, v4;
	(erf) = vpow2.f32 v1;
	v1 =	vadd.f32 $1.000000000e+00, v7  }
0x156: {  	v5 =	vsub.f32 $0.0e+00, v5;
	v6 =	vmul.f32 $1.442695020e+00, v6;
	v7 =	vpop (erf);
	(erf) = vpow2.f32 v2  }
0x157: {  	v2 =	vsub.f32 $0.0e+00, v3;
	v4 =	vmul.f32 $1.442695020e+00, v4;
	v3 =	vpop (erf);
	(erf) = vrcp.f32 v1  }
0x158: {  	v5 =	vmul.f32 $1.442695020e+00, v5;
	v1 =	vld [tilespmem:s18+$0xFFFFFFE0];
	v9 =	vpop (erf);
	(erf) = vpow2.f32 v6  }
0x159: {  	v8 =	vsub.f32 $0.0e+00, v8;
	v2 =	vmul.f32 $1.442695020e+00, v2;
	v6 =	vld [tilespmem:s18+$0x0];
	v10 =	vpop (erf);
	(erf) = vpow2.f32 v4  }
0x15a: {  	s19 =	simm.s32 $0x7A40;
	v3 =	vadd.f32 $1.000000000e+00, v3;
	v4 =	vld [tilespmem:s18+$0xFFFFFFC0];
	v11 =	vpop (erf);
	(erf) = vpow2.f32 v5  }
0x15b: {  	v11 =	vadd.f32 $1.000000000e+00, v11;
	(erf) = vpow2.f32 v2;
	v2 =	vmul.f32 $1.442695020e+00, v8;
	v8 =	vld [tilespmem:s19+$0x30]  }
0x15c: {  	(erf) = vrcp.f32 v3  }
0x15d: {  	v10 =	vadd.f32 $1.000000000e+00, v10;
	(erf) = vrcp.f32 v11  }
0x15e: {  	v7 =	vadd.f32 $1.000000000e+00, v7;
	v5 =	vld [tilespmem:s19+$0x20];
	v12 =	vpop (erf);
	(erf) = vpow2.f32 v2  }
0x15f: {  	v1 =	vsub.f32 $0.0e+00, v1;
	v3 =	vld [tilespmem:s19+$0x10];
	v2 =	vsub.f32 $0.0e+00, v4;
	v4 =	vpop (erf);
	(erf) = vrcp.f32 v10  }
0x160: {  	v11 =	vld [tilespmem:s19+$0xFFFFFFF0];
	v6 =	vsub.f32 $0.0e+00, v6;
	(erf) = vrcp.f32 v7;
	v7 =	vsub.f32 $0.0e+00, v8  }
0x161: {  	v1 =	vmul.f32 $1.442695020e+00, v1;
	v10 =	vld [tilespmem:s19+$0xFFFFFFE0];
	v13 =	vpop (erf)  }
0x162: {  	s22 =	simm.s32 $0x7AC0;
	v9 =	vadd.f32 $1.000000000e+00, v9;
	v6 =	vmul.f32 $1.442695020e+00, v6;
	v14 =	vpop (erf);
	v7 =	vmul.f32 $1.442695020e+00, v7  }
0x163: {  	v19 =	vld [tilespmem:s22+$0xFFFFFFF0];
	v5 =	vsub.f32 $0.0e+00, v5;
	v2 =	vmul.f32 $1.442695020e+00, v2;
	(erf) = vpow2.f32 v1;
	v15 =	vpop (erf)  }
0x164: {  	v4 =	vadd.f32 $1.000000000e+00, v4;
	v8 =	vld [tilespmem:s19+$0xFFFFFFD0];
	v3 =	vsub.f32 $0.0e+00, v3;
	(erf) = vrcp.f32 v9;
	v16 =	vpop (erf)  }
0x165: {  	v1 =	vld [tilespmem:s19+$0x0];
	v5 =	vmul.f32 $1.442695020e+00, v5;
	(erf) = vpow2.f32 v2;
	v2 =	vadd.f32 $1.000000000e+00, v12;
	v18 =	vpop (erf)  }
0x166: {  	s11 =	simm.s32 $0x9940;
	[tilespmem:s14+$0x30] =	vst v13;
	v9 =	vsub.f32 $0.0e+00, v11;
	v11 =	vld [tilespmem:s19+$0xFFFFFFC0];
	v10 =	vsub.f32 $0.0e+00, v10;
	(erf) = vpow2.f32 v7;
	v7 =	vpop (erf)  }
0x167: {  	v17 =	vld [tilespmem:s11+$0x30];
	v3 =	vmul.f32 $1.442695020e+00, v3;
	(erf) = vrcp.f32 v2;
	[tilespmem:s14+$0xFFFFFFF0] =	vst v7;
	v12 =	vpop (erf)  }
0x168: {  	v24 =	vadd.f32 $1.000000000e+00, v14;
	v2 =	vadd.f32 $1.000000000e+00, v16;
	(erf) = vrcp.f32 v4;
	[tilespmem:s14+$0xFFFFFFE0] =	vst v12;
	v4 =	vld [tilespmem:s11+$0xFFFFFFF0]  }
0x169: {  	v9 =	vmul.f32 $1.442695020e+00, v9;
	v8 =	vsub.f32 $0.0e+00, v8;
	(erf) = vpow2.f32 v3;
	v16 =	vpop (erf);
	v3 =	vld [tilespmem:s11+$0xFFFFFFE0]  }
0x16a: {  	v14 =	vld [tilespmem:s22+$0x30];
	v15 =	vadd.f32 $1.000000000e+00, v15;
	v21 =	vmul.f32 $1.442695020e+00, v10;
	(erf) = vrcp.f32 v2;
	v10 =	vpop (erf)  }
0x16b: {  	v20 =	vld [tilespmem:s22+$0x20];
	v28 =	vadd.f32 $1.000000000e+00, v18;
	v22 =	vmul.f32 $1.442695020e+00, v8;
	(erf) = vpow2.f32 v9;
	[tilespmem:s14+$0xFFFFFFD0] =	vst v10  }
0x16c: {  	v1 =	vsub.f32 $0.0e+00, v1;
	v8 =	vmul.f32 v13, v17;
	v2 =	vpop (erf);
	(erf) = vpow2.f32 v6;
	v25 =	vld [tilespmem:s11+$0xFFFFFFD0]  }
0x16d: {  	v26 =	vld [tilespmem:s22+$0x10];
	v23 =	vadd.f32 $1.000000000e+00, v16;
	v16 =	vsub.f32 $0.0e+00, v11;
	v9 =	vpop (erf);
	(erf) = vpow2.f32 v5  }
0x16e: {  	v27 =	vld [tilespmem:s22+$0xFFFFFFE0];
	[tilespmem:s14+$0x10] =	vst v2;
	v11 =	vpop (erf);
	v6 =	vadd.f32 $1.000000000e+00, v9;
	v4 =	vmul.f32 v7, v4;
	v3 =	vmul.f32 v12, v3  }
0x16f: {  	v17 =	vsub.f32 $0.0e+00, v14;
	v5 =	vmul.f32 $1.442695020e+00, v1;
	(erf) = vrcp.f32 v15;
	[tilespmem:s14+$0x20] =	vst v11;
	v7 =	vld [tilespmem:s22+$0x0];
	v13 =	vpop (erf)  }
0x170: {  	v12 =	vmul.f32 $1.442695020e+00, v16;
	v18 =	vld [tilespmem:s11+$0x20];
	v14 =	vpop (erf);
	(erf) = vrcp.f32 v6;
	[tilespmem:s11+$0xFFFFFFF0] =	vst v4;
	v4 =	vsub.f32 $0.0e+00, v20  }
0x171: {  	v16 =	vld [tilespmem:s22+$0xFFFFFFD0];
	(erf) = vpow2.f32 v22;
	v15 =	vpop (erf);
	v6 =	vmul.f32 v10, v25;
	[tilespmem:s11+$0xFFFFFFE0] =	vst v3  }
0x172: {  	v9 =	vld [tilespmem:s11+$0x10];
	v22 =	vsub.f32 $0.0e+00, v26;
	(erf) = vrcp.f32 v23;
	[tilespmem:s14+$0xFFFFFFC0] =	vst v15;
	v4 =	vmul.f32 $1.442695020e+00, v4;
	v3 =	vpop (erf)  }
0x173: {  	(erf) = vrcp.f32 v24;
	v20 =	vld [tilespmem:s11+$0xFFFFFFC0];
	v24 =	vmul.f32 $1.442695020e+00, v17;
	[tilespmem:s11+$0xFFFFFFD0] =	vst v6;
	v10 =	vpop (erf)  }
0x174: {  	s12 =	simm.s32 $0x99C0;
	v23 =	vsub.f32 $0.0e+00, v19;
	v22 =	vmul.f32 $1.442695020e+00, v22;
	v6 =	vld [tilespmem:s22+$0xFFFFFFC0];
	(erf) = vpow2.f32 v21;
	[tilespmem:s18+$0x30] =	vst v3;
	v17 =	vpop (erf)  }
0x175: {  	s20 =	simm.s32 $0x9A40;
	s21 =	simm.s32 $0x18;
	v1 =	vsub.f32 $0.0e+00, v7;
	v21 =	vsub.f32 $0.0e+00, v27;
	v7 =	vld [tilespmem:s12+$0x30];
	[tilespmem:s14+$0x0] =	vst v17;
	s14 =	simm.s32 $0x7B40;
	v19 =	vpop (erf);
	(erf) = vrcp.f32 v28  }
.LBB2_9:
0x176: {  	s21 =	sadd.s32 $0x8, s21;
	v30 =	vsub.f32 $0.0e+00, v16;
	v23 =	vmul.f32 $1.442695020e+00, v23;
	v25 =	vpop (erf);
	v26 =	vld [tilespmem:s11+$0x0];
	v11 =	vmul.f32 v11, v18;
	[tilespmem:s11+$0x30] =	vst v8;
	s16 =	smov.u32 s22  }
0x177: {  	s22 =	smov.u32 s14;
	v27 =	vld [tilespmem:s14+$0xFFFFFFF0];
	p2 =	slt.u32 s21, $0x70;
	v21 =	vmul.f32 $1.442695020e+00, v21;
	(erf) = vpow2.f32 v12;
	v8 =	vpop (erf);
	v12 =	vadd.f32 $1.000000000e+00, v13  }
0x178: {  	v13 =	vadd.f32 $1.000000000e+00, v14;
	v28 =	vld [tilespmem:s14+$0x20];
	v29 =	vmul.f32 $1.442695020e+00, v30;
	(erf) = vpow2.f32 v24;
	v14 =	vpop (erf);
	[tilespmem:s11+$0x20] =	vst v11  }
0x179: {  	v11 =	vadd.f32 $1.000000000e+00, v25;
	v24 =	vld [tilespmem:s14+$0x10];
	[tilespmem:s18+$0xFFFFFFF0] =	vst v14;
	(erf) = vrcp.f32 v12;
	v16 =	vpop (erf);
	v12 =	vmul.f32 v15, v20  }
0x17a: {  	v9 =	vmul.f32 v2, v9;
	v20 =	vadd.f32 $1.000000000e+00, v10;
	v10 =	vpop (erf);
	(erf) = vrcp.f32 v13;
	[tilespmem:s18+$0xFFFFFFE0] =	vst v16;
	v13 =	vld [tilespmem:s12+$0xFFFFFFF0]  }
0x17b: {  	(erf) = vpow2.f32 v22;
	v10 =	vadd.f32 $1.000000000e+00, v10;
	v15 =	vld [tilespmem:s12+$0xFFFFFFE0];
	v22 =	vpop (erf);
	[tilespmem:s11+$0xFFFFFFC0] =	vst v12;
	v17 =	vmul.f32 v17, v26  }
0x17c: {  	v18 =	vadd.f32 $1.000000000e+00, v19;
	v6 =	vsub.f32 $0.0e+00, v6;
	v25 =	vld [tilespmem:s14+$0x30];
	[tilespmem:s18+$0xFFFFFFD0] =	vst v22;
	(erf) = vrcp.f32 v11;
	v2 =	vpop (erf)  }
0x17d: {  	v26 =	vadd.f32 $1.000000000e+00, v8;
	v8 =	vmul.f32 v3, v7;
	(erf) = vpow2.f32 v23;
	v11 =	vpop (erf);
	v19 =	vld [tilespmem:s12+$0xFFFFFFD0];
	[tilespmem:s11+$0x10] =	vst v9  }
0x17e: {  	v12 =	vmul.f32 $1.442695020e+00, v6;
	v7 =	vld [tilespmem:s14+$0xFFFFFFE0];
	v3 =	vadd.f32 $1.000000000e+00, v11;
	(erf) = vpow2.f32 v5;
	v11 =	vpop (erf);
	[tilespmem:s11+$0x0] =	vst v17;
	s11 =	smov.u32 s12;
	s12 =	smov.u32 s20  }
0x17f: {  	v17 =	vld [tilespmem:s14+$0x0];
	(erf) = vpow2.f32 v4;
	v4 =	vmul.f32 v14, v13;
	[tilespmem:s18+$0x20] =	vst v11  }
0x180: {  	v13 =	vpop (erf);
	(erf) = vrcp.f32 v18;
	v5 =	vmul.f32 v16, v15;
	[tilespmem:s18+$0x10] =	vst v2;
	v18 =	vld [tilespmem:s11+$0x20]  }
0x181: {  	v25 =	vsub.f32 $0.0e+00, v25;
	v14 =	vpop (erf);
	(erf) = vrcp.f32 v3;
	[tilespmem:s11+$0xFFFFFFF0] =	vst v4;
	v9 =	vld [tilespmem:s11+$0x10]  }
.Ltmp3:
0x182: {  	v4 =	vsub.f32 $0.0e+00, v28;
	v16 =	vld [tilespmem:s14+$0xFFFFFFD0];
	(erf) = vpow2.f32 v29;
	v6 =	vmul.f32 v22, v19;
	[tilespmem:s11+$0xFFFFFFE0] =	vst v5;
	v15 =	vpop (erf);
	(pc) =	sbr.rel @p2 .LBB2_9-.Ltmp3, $4  }
0x183: {  	v28 =	vsub.f32 $0.0e+00, v24;
	v5 =	vmul.f32 $1.442695020e+00, v1;
	(erf) = vrcp.f32 v10;
	v3 =	vpop (erf);
	[tilespmem:s18+$0xFFFFFFC0] =	vst v15  }
0x184: {  	v23 =	vsub.f32 $0.0e+00, v27;
	s20 =	sadd.s32 $0x80, s20;
	v4 =	vmul.f32 $1.442695020e+00, v4;
	v10 =	vpop (erf);
	(erf) = vrcp.f32 v20;
	v20 =	vld [tilespmem:s11+$0xFFFFFFC0];
	[tilespmem:s11+$0xFFFFFFD0] =	vst v6  }
0x185: {  	v24 =	vmul.f32 $1.442695020e+00, v25;
	v1 =	vsub.f32 $0.0e+00, v17;
	v6 =	vld [tilespmem:s14+$0xFFFFFFC0];
	(erf) = vpow2.f32 v21;
	[tilespmem:s19+$0x30] =	vst v3;
	v17 =	vpop (erf)  }
0x186: {  	v22 =	vmul.f32 $1.442695020e+00, v28;
	v21 =	vsub.f32 $0.0e+00, v7;
	s14 =	sadd.s32 $0x80, s14;
	v19 =	vpop (erf);
	v7 =	vld [tilespmem:s12+$0x30];
	(erf) = vrcp.f32 v26;
	[tilespmem:s18+$0x0] =	vst v17;
	s18 =	smov.u32 s19;
	s19 =	smov.u32 s16  }
0x187: {  	v25 =	vpop (erf);
	v11 =	vmul.f32 v11, v18;
	(erf) = vpow2.f32 v12;
	v43 =	vadd.f32 $1.000000000e+00, v13  }
0x188: {  	[tilespmem:s11+$0x30] =	vst v8;
	v14 =	vadd.f32 $1.000000000e+00, v14;
	v2 =	vmul.f32 v2, v9;
	v45 =	vpop (erf);
	(erf) = vpow2.f32 v24  }
0x189: {  	v44 =	vld [tilespmem:s11+$0x0];
	v49 =	vmul.f32 $1.442695020e+00, v23;
	v46 =	vpop (erf);
	[tilespmem:s11+$0x20] =	vst v11;
	(erf) = vrcp.f32 v43  }
0x18a: {  	v54 =	vsub.f32 $0.0e+00, v16;
	v47 =	vadd.f32 $1.000000000e+00, v25;
	[tilespmem:s11+$0x10] =	vst v2;
	v48 =	vpop (erf);
	(erf) = vrcp.f32 v14  }
0x18b: {  	v15 =	vmul.f32 v15, v20;
	[tilespmem:s18+$0xFFFFFFF0] =	vst v46;
	v50 =	vpop (erf);
	(erf) = vpow2.f32 v22  }
0x18c: {  	v2 =	vmul.f32 $1.442695020e+00, v54;
	[tilespmem:s18+$0xFFFFFFE0] =	vst v48;
	v51 =	vld [tilespmem:s12+$0xFFFFFFF0];
	v53 =	vpop (erf);
	(erf) = vrcp.f32 v47  }
0x18d: {  	[tilespmem:s11+$0xFFFFFFC0] =	vst v15;
	v3 =	vmul.f32 v3, v7;
	v52 =	vld [tilespmem:s12+$0xFFFFFFE0];
	v55 =	vpop (erf);
	(erf) = vpow2.f32 v49  }
0x18e: {  	v56 =	vadd.f32 $1.000000000e+00, v19;
	v13 =	vmul.f32 v17, v44;
	[tilespmem:s18+$0xFFFFFFD0] =	vst v53;
	v57 =	vpop (erf);
	(erf) = vpow2.f32 v5  }
0x18f: {  	[tilespmem:s12+$0x30] =	vst v3;
	v59 =	vadd.f32 $1.000000000e+00, v57;
	v60 =	vpop (erf);
	(erf) = vpow2.f32 v4  }
0x190: {  	[tilespmem:s11+$0x0] =	vst v13;
	v62 =	vpop (erf);
	(erf) = vrcp.f32 v56  }
0x191: {  	v63 =	vadd.f32 $1.000000000e+00, v50;
	v58 =	vld [tilespmem:s12+$0xFFFFFFD0];
	[tilespmem:s18+$0x10] =	vst v55;
	v61 =	vmul.f32 v46, v51;
	v20 =	vpop (erf);
	(erf) = vrcp.f32 v59  }
0x192: {  	v10 =	vadd.f32 $1.000000000e+00, v10;
	v30 =	vld [tilespmem:s12+$0x10];
	[tilespmem:s18+$0x20] =	vst v60;
	v9 =	vmul.f32 v48, v52;
	(erf) = vpow2.f32 v2;
	v2 =	vpop (erf)  }
0x193: {  	v6 =	vsub.f32 $0.0e+00, v6;
	[tilespmem:s12+$0xFFFFFFF0] =	vst v61;
	(erf) = vrcp.f32 v63;
	v25 =	vpop (erf)  }
0x194: {  	v21 =	vmul.f32 $1.442695020e+00, v21;
	[tilespmem:s12+$0xFFFFFFE0] =	vst v9;
	v26 =	vpop (erf);
	(erf) = vrcp.f32 v10  }
0x195: {  	v8 =	vadd.f32 $1.000000000e+00, v45;
	v6 =	vmul.f32 $1.442695020e+00, v6;
	v23 =	vld [tilespmem:s12+$0x20];
	[tilespmem:s18+$0xFFFFFFC0] =	vst v2;
	v28 =	vpop (erf)  }
0x196: {  	v24 =	vmul.f32 v53, v58;
	v27 =	vld [tilespmem:s12+$0xFFFFFFC0];
	[tilespmem:s19+$0x30] =	vst v25;
	(erf) = vpow2.f32 v21;
	v29 =	vpop (erf)  }
0x197: {  	v7 =	vmul.f32 v55, v30;
	(erf) = vrcp.f32 v8;
	[tilespmem:s18+$0x0] =	vst v28;
	v31 =	vpop (erf)  }
0x198: {  	v13 =	vadd.f32 $1.000000000e+00, v62;
	[tilespmem:s12+$0xFFFFFFD0] =	vst v24;
	v32 =	vld [tilespmem:s12+$0x0];
	v3 =	vpop (erf)  }
0x199: {  	v1 =	vmul.f32 $1.442695020e+00, v1;
	v33 =	vadd.f32 $1.000000000e+00, v20;
	[tilespmem:s12+$0x10] =	vst v7;
	(erf) = vpow2.f32 v6;
	v34 =	vpop (erf)  }
0x19a: {  	v11 =	vmul.f32 v60, v23;
	v8 =	vadd.f32 $1.000000000e+00, v31;
	(erf) = vrcp.f32 v13;
	[tilespmem:s19+$0xFFFFFFF0] =	vst v34;
	v35 =	vpop (erf)  }
0x19b: {  	v2 =	vmul.f32 v2, v27;
	(erf) = vrcp.f32 v33;
	v36 =	vpop (erf);
	[tilespmem:s19+$0xFFFFFFE0] =	vst v35;
	v37 =	vld [tilespmem:s20+$0xFFFFFFF0]  }
0x19c: {  	[tilespmem:s12+$0x20] =	vst v11;
	v38 =	vld [tilespmem:s20+$0xFFFFFFE0];
	v39 =	vpop (erf);
	(erf) = vrcp.f32 v8  }
0x19d: {  	[tilespmem:s12+$0xFFFFFFC0] =	vst v2;
	v2 =	vmul.f32 v28, v32;
	v40 =	vpop (erf);
	(erf) = vpow2.f32 v1  }
0x19e: {  	[tilespmem:s19+$0xFFFFFFD0] =	vst v39;
	v1 =	vadd.f32 $1.000000000e+00, v29  }
0x19f: {  	v41 =	vpop (erf);
	v42 =	vld [tilespmem:s20+$0xFFFFFFD0];
	[tilespmem:s12+$0x0] =	vst v2  }
0x1a0: {  	[tilespmem:s19+$0x10] =	vst v40;
	v43 =	vpop (erf);
	(erf) = vrcp.f32 v1;
	v1 =	vld [tilespmem:s20+$0x30];
	v2 =	vmul.f32 v34, v37  }
0x1a1: {  	v5 =	vadd.f32 $1.000000000e+00, v41;
	[tilespmem:s19+$0x20] =	vst v43;
	v45 =	vmul.f32 v35, v38  }
0x1a2: {  	v3 =	vadd.f32 $1.000000000e+00, v3;
	v44 =	vadd.f32 $1.000000000e+00, v36;
	v51 =	vld [tilespmem:s20+$0x10];
	v46 =	vpop (erf);
	[tilespmem:s20+$0xFFFFFFF0] =	vst v2  }
0x1a3: {  	(erf) = vrcp.f32 v5;
	v47 =	vld [tilespmem:s20+$0x20];
	v2 =	vadd.f32 $1.000000000e+00, v26;
	v48 =	vpop (erf);
	[tilespmem:s20+$0xFFFFFFE0] =	vst v45  }
0x1a4: {  	(erf) = vrcp.f32 v44;
	v8 =	vmul.f32 v39, v42;
	v49 =	vpop (erf);
	[tilespmem:s19+$0xFFFFFFC0] =	vst v48  }
0x1a5: {  	v5 =	vadd.f32 $1.000000000e+00, v46;
	(erf) = vrcp.f32 v2;
	v2 =	vld [tilespmem:s20+$0xFFFFFFC0];
	v1 =	vmul.f32 v25, v1;
	[tilespmem:s22+$0x30] =	vst v49;
	v50 =	vpop (erf)  }
0x1a6: {  	[tilespmem:s20+$0xFFFFFFD0] =	vst v8;
	(erf) = vrcp.f32 v3;
	v3 =	vpop (erf)  }
0x1a7: {  	v4 =	vmul.f32 v40, v51;
	[tilespmem:s19+$0x0] =	vst v50;
	(erf) = vrcp.f32 v5;
	v3 =	vadd.f32 $1.000000000e+00, v3  }
0x1a8: {  	v7 =	vmul.f32 v43, v47;
	[tilespmem:s20+$0x30] =	vst v1;
	v52 =	vld [tilespmem:s20+$0x0]  }
0x1a9: {  	[tilespmem:s20+$0x10] =	vst v4;
	v1 =	vpop (erf);
	(erf) = vrcp.f32 v3  }
0x1aa: {  	[tilespmem:s20+$0x20] =	vst v7;
	v2 =	vmul.f32 v48, v2  }
0x1ab: {  	[tilespmem:s22+$0xFFFFFFF0] =	vst v1  }
0x1ac: {  	s21 =	sadd.s32 $0x80, s20;
	v3 =	vpop (erf);
	[tilespmem:s20+$0xFFFFFFC0] =	vst v2  }
0x1ad: {  	v2 =	vld [tilespmem:s21+$0xFFFFFFF0];
	[tilespmem:s22+$0xFFFFFFE0] =	vst v3;
	v53 =	vpop (erf);
	v5 =	vmul.f32 v50, v52  }
0x1ae: {  	v58 =	vld [tilespmem:s21+$0x30];
	[tilespmem:s22+$0xFFFFFFD0] =	vst v53;
	v55 =	vpop (erf)  }
0x1af: {  	v56 =	vld [tilespmem:s21+$0xFFFFFFD0];
	v57 =	vpop (erf);
	[tilespmem:s20+$0x0] =	vst v5  }
0x1b0: {  	v54 =	vld [tilespmem:s21+$0xFFFFFFE0];
	[tilespmem:s22+$0x20] =	vst v57;
	v59 =	vpop (erf)  }
0x1b1: {  	v60 =	vld [tilespmem:s21+$0x20];
	[tilespmem:s22+$0xFFFFFFC0] =	vst v59  }
0x1b2: {  	[tilespmem:s22+$0x10] =	vst v55;
	v1 =	vmul.f32 v1, v2;
	v2 =	vld [tilespmem:s21+$0xFFFFFFC0];
	v61 =	vpop (erf)  }
0x1b3: {  	v5 =	vmul.f32 v49, v58;
	v62 =	vld [tilespmem:s21+$0x10];
	[tilespmem:s22+$0x0] =	vst v61  }
0x1b4: {  	[tilespmem:s21+$0xFFFFFFF0] =	vst v1;
	v1 =	vmul.f32 v53, v56;
	v63 =	vld [tilespmem:s21+$0x0]  }
0x1b5: {  	[tilespmem:s21+$0x30] =	vst v5;
	v3 =	vmul.f32 v3, v54  }
0x1b6: {  	[tilespmem:s21+$0xFFFFFFD0] =	vst v1;
	v1 =	vmul.f32 v57, v60  }
0x1b7: {  	[tilespmem:s21+$0xFFFFFFE0] =	vst v3;
	v2 =	vmul.f32 v59, v2  }
0x1b8: {  	[tilespmem:s21+$0x20] =	vst v1;
	v1 =	vmul.f32 v55, v62  }
0x1b9: {  	[tilespmem:s21+$0xFFFFFFC0] =	vst v2;
	v2 =	vmul.f32 v61, v63  }
0x1ba: {  	[tilespmem:s21+$0x10] =	vst v1  }
0x1bb: {  	s11 =	simm.s32 $0x0;
	[tilespmem:s21+$0x0] =	vst v2  }
.LBB2_11:
0x1bc: {  	s12 =	sshra.s32 s11, $0x2  }
0x1bd: {  	v1 =	vld [tilespmem:s12+$0x8080];
	_ =	sdelay $0x4  }
0x1be: {  	v1 =	vsub.f32 $0.0e+00, v1;
	_ =	sdelay $0x1  }
0x1bf: {  	v1 =	vmul.f32 $1.442695020e+00, v1;
	_ =	sdelay $0x1  }
0x1c0: {  	(erf) = vpow2.f32 v1;
	_ =	sdelay $0x8  }
0x1c1: {  	v1 =	vpop (erf)  }
0x1c2: {  	v1 =	vadd.f32 $1.000000000e+00, v1;
	_ =	sdelay $0x1  }
0x1c3: {  	(erf) = vrcp.f32 v1;
	_ =	sdelay $0x4  }
0x1c4: {  	v1 =	vld [tilespmem:s12+$0xA080];
	_ =	sdelay $0x1  }
0x1c5: {  	p2 =	sne.s32 s11, $0x100  }
.Ltmp4:
0x1c6: {  	_ = 	snop;
	(pc) =	sbr.rel @p2 .LBB2_11-.Ltmp4, $4  }
0x1c7: {  	v2 =	vpop (erf)  }
0x1c8: {  	v1 =	vmul.f32 v2, v1  }
0x1c9: {  	[tilespmem:s12+$0x8080] =	vst v2  }
0x1ca: {  	s11 =	sadd.s32 $0x40, s11;
	[tilespmem:s12+$0xA080] =	vst v1  }
0x1cb: {  	s11 =	simm.s32 $0x5900;
	s12 =	simm.s32 $0x9900;
	s20 =	rddreg [dreg:$0x13]  }
0x1cc: {  	[spmem:s4] =	stream.indirect.scatter.add.f32 [tilespmem:s12], [sflag:$0x6], $0x1, s11, s15, $0xb8;
	[tilespmem:$0x11400] =	vst v63  }
0x1cd: {  	s11 =	sadd.s32 s10, s20  }
0x1ce: {  	s11 =	sshrl.u32 s11, $0x3  }
0x1cf: {  	s21 =	simm.s32 $0x7900;
	s11 =	sadd.s32 s2, s11  }
0x1d0: {  	[hbm4b:s11+s5] =	stream.linear.scatter [tilespmem:s21], [sflag:$0xA], $0x7D0, $0x38;
	[tilespmem:$0x11400] =	vst v63  }
0x1d1: {  	_ =	swait.ge [sflag:s13], $0x7D0  }
0x1d2: {  	[sflag:s13] =	ssyncset.done $0x0  }
0x1d3: {  	s22 =	simm.s32 $0x9;
	[sflag:s13] =	ssyncadd.s32 $0xFFFFF830  }
0x1d4: {  	_ =	swait.ge [sflag:s22], $0x7D0  }
0x1d5: {  	p2 =	seq.s32 s24, $0x18;
	s11 =	rddreg [dreg:$0x1d]  }
0x1d6: {  	s11 =	sadd.s32 @!p2 s10, s11  }
0x1d7: {  	s14 =	simm.s32 @!p2 $0x0;
	[sflag:s22] =	ssyncset.done $0x0;
	s11 =	sshrl.u32 @!p2 s11, $0x3  }
0x1d8: {  	s16 =	simm.s32 @!p2 $0x3100;
	[sflag:s22] =	ssyncadd.s32 $0xFFFFF830;
	s12 =	sadd.s32 @!p2 s6, s11  }
0x1d9: {  	[tilespmem:s16], [sflag:$0x1] =	stream.linear.gather @!p2 [hbm4b:s12+s14], $0x7D0, $0x38;
	[tilespmem:$0x11400] =	vst v63  }
0x1da: {  	s12 =	sadd.s32 @!p2 s7, s11;
	s16 =	simm.s32 @!p2 $0x5100  }
0x1db: {  	[tilespmem:s16], [sflag:$0x1] =	stream.linear.gather @!p2 [hbm4b:s12+s14], $0x7D0, $0x38;
	[tilespmem:$0x11400] =	vst v63  }
0x1dc: {  	s12 =	rddreg [dreg:$0x1]  }
0x1dd: {  	s11 =	sadd.s32 @!p2 s12, s11;
	s12 =	simm.s32 @!p2 $0x7100  }
0x1de: {  	[tilespmem:s12], [sflag:$0x1] =	stream.linear.gather @!p2 [hbm4b:s11+s14], $0x7D0, $0x38;
	[tilespmem:$0x11400] =	vst v63  }
0x1df: {  	_ =	swait.ge [sflag:s23], $0x7D0  }
0x1e0: {  	[sflag:s23] =	ssyncset.done $0x0  }
0x1e1: {  	[sflag:s23] =	ssyncadd.s32 $0xFFFFF830  }
0x1e2: {  	_ =	swait.ge [sflag:s28], $0x7D0  }
0x1e3: {  	[sflag:s28] =	ssyncset.done $0x0  }
0x1e4: {  	[sflag:s28] =	ssyncadd.s32 $0xFFFFF830  }
0x1e5: {  	_ =	swait.ge [sflag:s28], $0x7D0  }
0x1e6: {  	[sflag:s28] =	ssyncset.done $0x0  }
0x1e7: {  	[sflag:s28] =	ssyncadd.s32 $0xFFFFF830  }
0x1e8: {  	_ =	swait.ge [sflag:s28], $0x7D0  }
0x1e9: {  	s16 =	simm.s32 $0x8140;
	[sflag:s28] =	ssyncset.done $0x0  }
0x1ea: {  	s12 =	simm.s32 $0x4900;
	s14 =	simm.s32 $0xA900;
	[sflag:s28] =	ssyncadd.s32 $0xFFFFF830  }
0x1eb: {  	[tilespmem:s14], [sflag:$0x10] =	stream.indirect.gather [spmem:s3], $0x1, s12, s15, $0xb8;
	[tilespmem:$0x11400] =	vst v63  }
0x1ec: {  	v1 =	vld [tilespmem:s16+$0x30];
	_ =	sdelay $0x1  }
0x1ed: {  	v2 =	vld [tilespmem:s16+$0x10]  }
0x1ee: {  	v3 =	vld [tilespmem:s16+$0xFFFFFFF0]  }
0x1ef: {  	v4 =	vld [tilespmem:s16+$0x20]  }
0x1f0: {  	v5 =	vld [tilespmem:s16+$0xFFFFFFD0];
	v1 =	vsub.f32 $0.0e+00, v1  }
0x1f1: {  	v6 =	vld [tilespmem:s16+$0xFFFFFFE0]  }
0x1f2: {  	v2 =	vsub.f32 $0.0e+00, v2;
	v1 =	vmul.f32 $1.442695020e+00, v1  }
0x1f3: {  	v3 =	vsub.f32 $0.0e+00, v3  }
0x1f4: {  	v4 =	vsub.f32 $0.0e+00, v4;
	v2 =	vmul.f32 $1.442695020e+00, v2;
	(erf) = vpow2.f32 v1  }
0x1f5: {  	s18 =	simm.s32 $0x81C0;
	v5 =	vsub.f32 $0.0e+00, v5;
	v3 =	vmul.f32 $1.442695020e+00, v3;
	v1 =	vld [tilespmem:s16+$0xFFFFFFC0]  }
0x1f6: {  	v6 =	vsub.f32 $0.0e+00, v6;
	v4 =	vmul.f32 $1.442695020e+00, v4;
	(erf) = vpow2.f32 v2;
	v2 =	vld [tilespmem:s18+$0x30]  }
0x1f7: {  	v5 =	vmul.f32 $1.442695020e+00, v5;
	(erf) = vpow2.f32 v3  }
0x1f8: {  	v3 =	vmul.f32 $1.442695020e+00, v6;
	v6 =	vld [tilespmem:s18+$0x10];
	(erf) = vpow2.f32 v4  }
0x1f9: {  	v4 =	vld [tilespmem:s18+$0xFFFFFFF0];
	(erf) = vpow2.f32 v5  }
0x1fa: {  	v5 =	vld [tilespmem:s16+$0x0];
	v1 =	vsub.f32 $0.0e+00, v1;
	(erf) = vpow2.f32 v3  }
0x1fb: {  	v3 =	vld [tilespmem:s18+$0x20];
	v2 =	vsub.f32 $0.0e+00, v2  }
0x1fc: {  	v1 =	vmul.f32 $1.442695020e+00, v1  }
0x1fd: {  	v8 =	vld [tilespmem:s18+$0xFFFFFFD0];
	v6 =	vsub.f32 $0.0e+00, v6;
	v2 =	vmul.f32 $1.442695020e+00, v2;
	v7 =	vpop (erf)  }
0x1fe: {  	v4 =	vsub.f32 $0.0e+00, v4;
	(erf) = vpow2.f32 v1;
	v1 =	vadd.f32 $1.000000000e+00, v7  }
0x1ff: {  	v5 =	vsub.f32 $0.0e+00, v5;
	v6 =	vmul.f32 $1.442695020e+00, v6;
	v7 =	vpop (erf);
	(erf) = vpow2.f32 v2  }
0x200: {  	v2 =	vsub.f32 $0.0e+00, v3;
	v4 =	vmul.f32 $1.442695020e+00, v4;
	v3 =	vpop (erf);
	(erf) = vrcp.f32 v1  }
0x201: {  	v5 =	vmul.f32 $1.442695020e+00, v5;
	v1 =	vld [tilespmem:s18+$0xFFFFFFE0];
	v9 =	vpop (erf);
	(erf) = vpow2.f32 v6  }
0x202: {  	v8 =	vsub.f32 $0.0e+00, v8;
	v2 =	vmul.f32 $1.442695020e+00, v2;
	v6 =	vld [tilespmem:s18+$0x0];
	v10 =	vpop (erf);
	(erf) = vpow2.f32 v4  }
0x203: {  	s19 =	simm.s32 $0x8240;
	v3 =	vadd.f32 $1.000000000e+00, v3;
	v4 =	vld [tilespmem:s18+$0xFFFFFFC0];
	v11 =	vpop (erf);
	(erf) = vpow2.f32 v5  }
0x204: {  	v11 =	vadd.f32 $1.000000000e+00, v11;
	(erf) = vpow2.f32 v2;
	v2 =	vmul.f32 $1.442695020e+00, v8;
	v8 =	vld [tilespmem:s19+$0x30]  }
0x205: {  	(erf) = vrcp.f32 v3  }
0x206: {  	v10 =	vadd.f32 $1.000000000e+00, v10;
	(erf) = vrcp.f32 v11  }
0x207: {  	v7 =	vadd.f32 $1.000000000e+00, v7;
	v5 =	vld [tilespmem:s19+$0x20];
	v12 =	vpop (erf);
	(erf) = vpow2.f32 v2  }
0x208: {  	v1 =	vsub.f32 $0.0e+00, v1;
	v3 =	vld [tilespmem:s19+$0x10];
	v2 =	vsub.f32 $0.0e+00, v4;
	v4 =	vpop (erf);
	(erf) = vrcp.f32 v10  }
0x209: {  	v11 =	vld [tilespmem:s19+$0xFFFFFFF0];
	v6 =	vsub.f32 $0.0e+00, v6;
	(erf) = vrcp.f32 v7;
	v7 =	vsub.f32 $0.0e+00, v8  }
0x20a: {  	v1 =	vmul.f32 $1.442695020e+00, v1;
	v10 =	vld [tilespmem:s19+$0xFFFFFFE0];
	v13 =	vpop (erf)  }
0x20b: {  	s22 =	simm.s32 $0x82C0;
	v9 =	vadd.f32 $1.000000000e+00, v9;
	v6 =	vmul.f32 $1.442695020e+00, v6;
	v14 =	vpop (erf);
	v7 =	vmul.f32 $1.442695020e+00, v7  }
0x20c: {  	v19 =	vld [tilespmem:s22+$0xFFFFFFF0];
	v5 =	vsub.f32 $0.0e+00, v5;
	v2 =	vmul.f32 $1.442695020e+00, v2;
	(erf) = vpow2.f32 v1;
	v15 =	vpop (erf)  }
0x20d: {  	v4 =	vadd.f32 $1.000000000e+00, v4;
	v8 =	vld [tilespmem:s19+$0xFFFFFFD0];
	v3 =	vsub.f32 $0.0e+00, v3;
	(erf) = vrcp.f32 v9;
	v16 =	vpop (erf)  }
0x20e: {  	v1 =	vld [tilespmem:s19+$0x0];
	v5 =	vmul.f32 $1.442695020e+00, v5;
	(erf) = vpow2.f32 v2;
	v2 =	vadd.f32 $1.000000000e+00, v12;
	v18 =	vpop (erf)  }
0x20f: {  	s11 =	simm.s32 $0xA140;
	[tilespmem:s16+$0x30] =	vst v13;
	v9 =	vsub.f32 $0.0e+00, v11;
	v11 =	vld [tilespmem:s19+$0xFFFFFFC0];
	v10 =	vsub.f32 $0.0e+00, v10;
	(erf) = vpow2.f32 v7;
	v7 =	vpop (erf)  }
0x210: {  	v17 =	vld [tilespmem:s11+$0x30];
	v3 =	vmul.f32 $1.442695020e+00, v3;
	(erf) = vrcp.f32 v2;
	[tilespmem:s16+$0xFFFFFFF0] =	vst v7;
	v12 =	vpop (erf)  }
0x211: {  	v24 =	vadd.f32 $1.000000000e+00, v14;
	v2 =	vadd.f32 $1.000000000e+00, v16;
	(erf) = vrcp.f32 v4;
	[tilespmem:s16+$0xFFFFFFE0] =	vst v12;
	v4 =	vld [tilespmem:s11+$0xFFFFFFF0]  }
0x212: {  	v9 =	vmul.f32 $1.442695020e+00, v9;
	v8 =	vsub.f32 $0.0e+00, v8;
	(erf) = vpow2.f32 v3;
	v16 =	vpop (erf);
	v3 =	vld [tilespmem:s11+$0xFFFFFFE0]  }
0x213: {  	v14 =	vld [tilespmem:s22+$0x30];
	v15 =	vadd.f32 $1.000000000e+00, v15;
	v21 =	vmul.f32 $1.442695020e+00, v10;
	(erf) = vrcp.f32 v2;
	v10 =	vpop (erf)  }
0x214: {  	v20 =	vld [tilespmem:s22+$0x20];
	v28 =	vadd.f32 $1.000000000e+00, v18;
	v22 =	vmul.f32 $1.442695020e+00, v8;
	(erf) = vpow2.f32 v9;
	[tilespmem:s16+$0xFFFFFFD0] =	vst v10  }
0x215: {  	v1 =	vsub.f32 $0.0e+00, v1;
	v8 =	vmul.f32 v13, v17;
	v2 =	vpop (erf);
	(erf) = vpow2.f32 v6;
	v25 =	vld [tilespmem:s11+$0xFFFFFFD0]  }
0x216: {  	v26 =	vld [tilespmem:s22+$0x10];
	v23 =	vadd.f32 $1.000000000e+00, v16;
	v16 =	vsub.f32 $0.0e+00, v11;
	v9 =	vpop (erf);
	(erf) = vpow2.f32 v5  }
0x217: {  	v27 =	vld [tilespmem:s22+$0xFFFFFFE0];
	[tilespmem:s16+$0x10] =	vst v2;
	v11 =	vpop (erf);
	v6 =	vadd.f32 $1.000000000e+00, v9;
	v4 =	vmul.f32 v7, v4;
	v3 =	vmul.f32 v12, v3  }
0x218: {  	v17 =	vsub.f32 $0.0e+00, v14;
	v5 =	vmul.f32 $1.442695020e+00, v1;
	(erf) = vrcp.f32 v15;
	[tilespmem:s16+$0x20] =	vst v11;
	v7 =	vld [tilespmem:s22+$0x0];
	v13 =	vpop (erf)  }
0x219: {  	v12 =	vmul.f32 $1.442695020e+00, v16;
	v18 =	vld [tilespmem:s11+$0x20];
	v14 =	vpop (erf);
	(erf) = vrcp.f32 v6;
	[tilespmem:s11+$0xFFFFFFF0] =	vst v4;
	v4 =	vsub.f32 $0.0e+00, v20  }
0x21a: {  	v16 =	vld [tilespmem:s22+$0xFFFFFFD0];
	(erf) = vpow2.f32 v22;
	v15 =	vpop (erf);
	v6 =	vmul.f32 v10, v25;
	[tilespmem:s11+$0xFFFFFFE0] =	vst v3  }
0x21b: {  	v9 =	vld [tilespmem:s11+$0x10];
	v22 =	vsub.f32 $0.0e+00, v26;
	(erf) = vrcp.f32 v23;
	[tilespmem:s16+$0xFFFFFFC0] =	vst v15;
	v4 =	vmul.f32 $1.442695020e+00, v4;
	v3 =	vpop (erf)  }
0x21c: {  	(erf) = vrcp.f32 v24;
	v20 =	vld [tilespmem:s11+$0xFFFFFFC0];
	v24 =	vmul.f32 $1.442695020e+00, v17;
	[tilespmem:s11+$0xFFFFFFD0] =	vst v6;
	v10 =	vpop (erf)  }
0x21d: {  	s12 =	simm.s32 $0xA1C0;
	v23 =	vsub.f32 $0.0e+00, v19;
	v22 =	vmul.f32 $1.442695020e+00, v22;
	v6 =	vld [tilespmem:s22+$0xFFFFFFC0];
	(erf) = vpow2.f32 v21;
	[tilespmem:s18+$0x30] =	vst v3;
	v17 =	vpop (erf)  }
0x21e: {  	s20 =	simm.s32 $0xA240;
	s21 =	simm.s32 $0x18;
	s14 =	simm.s32 $0x8340;
	v1 =	vsub.f32 $0.0e+00, v7;
	v21 =	vsub.f32 $0.0e+00, v27;
	v7 =	vld [tilespmem:s12+$0x30];
	[tilespmem:s16+$0x0] =	vst v17;
	v19 =	vpop (erf);
	(erf) = vrcp.f32 v28  }
.LBB2_13:
0x21f: {  	s21 =	sadd.s32 $0x8, s21;
	v30 =	vsub.f32 $0.0e+00, v16;
	v23 =	vmul.f32 $1.442695020e+00, v23;
	v25 =	vpop (erf);
	v26 =	vld [tilespmem:s11+$0x0];
	v11 =	vmul.f32 v11, v18;
	[tilespmem:s11+$0x30] =	vst v8;
	s16 =	smov.u32 s22  }
0x220: {  	s22 =	smov.u32 s14;
	v27 =	vld [tilespmem:s14+$0xFFFFFFF0];
	p2 =	slt.u32 s21, $0x70;
	v21 =	vmul.f32 $1.442695020e+00, v21;
	(erf) = vpow2.f32 v12;
	v8 =	vpop (erf);
	v12 =	vadd.f32 $1.000000000e+00, v13  }
0x221: {  	v13 =	vadd.f32 $1.000000000e+00, v14;
	v28 =	vld [tilespmem:s14+$0x20];
	v29 =	vmul.f32 $1.442695020e+00, v30;
	(erf) = vpow2.f32 v24;
	v14 =	vpop (erf);
	[tilespmem:s11+$0x20] =	vst v11  }
0x222: {  	v11 =	vadd.f32 $1.000000000e+00, v25;
	v24 =	vld [tilespmem:s14+$0x10];
	[tilespmem:s18+$0xFFFFFFF0] =	vst v14;
	(erf) = vrcp.f32 v12;
	v16 =	vpop (erf);
	v12 =	vmul.f32 v15, v20  }
0x223: {  	v9 =	vmul.f32 v2, v9;
	v20 =	vadd.f32 $1.000000000e+00, v10;
	v10 =	vpop (erf);
	(erf) = vrcp.f32 v13;
	[tilespmem:s18+$0xFFFFFFE0] =	vst v16;
	v13 =	vld [tilespmem:s12+$0xFFFFFFF0]  }
0x224: {  	(erf) = vpow2.f32 v22;
	v10 =	vadd.f32 $1.000000000e+00, v10;
	v15 =	vld [tilespmem:s12+$0xFFFFFFE0];
	v22 =	vpop (erf);
	[tilespmem:s11+$0xFFFFFFC0] =	vst v12;
	v17 =	vmul.f32 v17, v26  }
0x225: {  	v18 =	vadd.f32 $1.000000000e+00, v19;
	v6 =	vsub.f32 $0.0e+00, v6;
	v25 =	vld [tilespmem:s14+$0x30];
	[tilespmem:s18+$0xFFFFFFD0] =	vst v22;
	(erf) = vrcp.f32 v11;
	v2 =	vpop (erf)  }
0x226: {  	v26 =	vadd.f32 $1.000000000e+00, v8;
	v8 =	vmul.f32 v3, v7;
	(erf) = vpow2.f32 v23;
	v11 =	vpop (erf);
	v19 =	vld [tilespmem:s12+$0xFFFFFFD0];
	[tilespmem:s11+$0x10] =	vst v9  }
0x227: {  	v12 =	vmul.f32 $1.442695020e+00, v6;
	v7 =	vld [tilespmem:s14+$0xFFFFFFE0];
	v3 =	vadd.f32 $1.000000000e+00, v11;
	(erf) = vpow2.f32 v5;
	v11 =	vpop (erf);
	[tilespmem:s11+$0x0] =	vst v17;
	s11 =	smov.u32 s12;
	s12 =	smov.u32 s20  }
0x228: {  	v17 =	vld [tilespmem:s14+$0x0];
	(erf) = vpow2.f32 v4;
	v4 =	vmul.f32 v14, v13;
	[tilespmem:s18+$0x20] =	vst v11  }
0x229: {  	v13 =	vpop (erf);
	(erf) = vrcp.f32 v18;
	v5 =	vmul.f32 v16, v15;
	[tilespmem:s18+$0x10] =	vst v2;
	v18 =	vld [tilespmem:s11+$0x20]  }
0x22a: {  	v25 =	vsub.f32 $0.0e+00, v25;
	v14 =	vpop (erf);
	(erf) = vrcp.f32 v3;
	[tilespmem:s11+$0xFFFFFFF0] =	vst v4;
	v9 =	vld [tilespmem:s11+$0x10]  }
.Ltmp5:
0x22b: {  	v4 =	vsub.f32 $0.0e+00, v28;
	v16 =	vld [tilespmem:s14+$0xFFFFFFD0];
	(erf) = vpow2.f32 v29;
	v6 =	vmul.f32 v22, v19;
	[tilespmem:s11+$0xFFFFFFE0] =	vst v5;
	v15 =	vpop (erf);
	(pc) =	sbr.rel @p2 .LBB2_13-.Ltmp5, $4  }
0x22c: {  	v28 =	vsub.f32 $0.0e+00, v24;
	v5 =	vmul.f32 $1.442695020e+00, v1;
	(erf) = vrcp.f32 v10;
	v3 =	vpop (erf);
	[tilespmem:s18+$0xFFFFFFC0] =	vst v15  }
0x22d: {  	v23 =	vsub.f32 $0.0e+00, v27;
	s20 =	sadd.s32 $0x80, s20;
	v4 =	vmul.f32 $1.442695020e+00, v4;
	v10 =	vpop (erf);
	(erf) = vrcp.f32 v20;
	v20 =	vld [tilespmem:s11+$0xFFFFFFC0];
	[tilespmem:s11+$0xFFFFFFD0] =	vst v6  }
0x22e: {  	v24 =	vmul.f32 $1.442695020e+00, v25;
	v1 =	vsub.f32 $0.0e+00, v17;
	v6 =	vld [tilespmem:s14+$0xFFFFFFC0];
	(erf) = vpow2.f32 v21;
	[tilespmem:s19+$0x30] =	vst v3;
	v17 =	vpop (erf)  }
0x22f: {  	v22 =	vmul.f32 $1.442695020e+00, v28;
	v21 =	vsub.f32 $0.0e+00, v7;
	s14 =	sadd.s32 $0x80, s14;
	v19 =	vpop (erf);
	v7 =	vld [tilespmem:s12+$0x30];
	(erf) = vrcp.f32 v26;
	[tilespmem:s18+$0x0] =	vst v17;
	s18 =	smov.u32 s19;
	s19 =	smov.u32 s16  }
0x230: {  	v25 =	vpop (erf);
	v11 =	vmul.f32 v11, v18;
	(erf) = vpow2.f32 v12;
	v43 =	vadd.f32 $1.000000000e+00, v13  }
0x231: {  	[tilespmem:s11+$0x30] =	vst v8;
	v14 =	vadd.f32 $1.000000000e+00, v14;
	v2 =	vmul.f32 v2, v9;
	v45 =	vpop (erf);
	(erf) = vpow2.f32 v24  }
0x232: {  	v44 =	vld [tilespmem:s11+$0x0];
	v49 =	vmul.f32 $1.442695020e+00, v23;
	v46 =	vpop (erf);
	[tilespmem:s11+$0x20] =	vst v11;
	(erf) = vrcp.f32 v43  }
0x233: {  	v54 =	vsub.f32 $0.0e+00, v16;
	v47 =	vadd.f32 $1.000000000e+00, v25;
	[tilespmem:s11+$0x10] =	vst v2;
	v48 =	vpop (erf);
	(erf) = vrcp.f32 v14  }
0x234: {  	v15 =	vmul.f32 v15, v20;
	[tilespmem:s18+$0xFFFFFFF0] =	vst v46;
	v50 =	vpop (erf);
	(erf) = vpow2.f32 v22  }
0x235: {  	v2 =	vmul.f32 $1.442695020e+00, v54;
	[tilespmem:s18+$0xFFFFFFE0] =	vst v48;
	v51 =	vld [tilespmem:s12+$0xFFFFFFF0];
	v53 =	vpop (erf);
	(erf) = vrcp.f32 v47  }
0x236: {  	[tilespmem:s11+$0xFFFFFFC0] =	vst v15;
	v3 =	vmul.f32 v3, v7;
	v52 =	vld [tilespmem:s12+$0xFFFFFFE0];
	v55 =	vpop (erf);
	(erf) = vpow2.f32 v49  }
0x237: {  	v56 =	vadd.f32 $1.000000000e+00, v19;
	v13 =	vmul.f32 v17, v44;
	[tilespmem:s18+$0xFFFFFFD0] =	vst v53;
	v57 =	vpop (erf);
	(erf) = vpow2.f32 v5  }
0x238: {  	[tilespmem:s12+$0x30] =	vst v3;
	v59 =	vadd.f32 $1.000000000e+00, v57;
	v60 =	vpop (erf);
	(erf) = vpow2.f32 v4  }
0x239: {  	[tilespmem:s11+$0x0] =	vst v13;
	v62 =	vpop (erf);
	(erf) = vrcp.f32 v56  }
0x23a: {  	v63 =	vadd.f32 $1.000000000e+00, v50;
	v58 =	vld [tilespmem:s12+$0xFFFFFFD0];
	[tilespmem:s18+$0x10] =	vst v55;
	v61 =	vmul.f32 v46, v51;
	v20 =	vpop (erf);
	(erf) = vrcp.f32 v59  }
0x23b: {  	v10 =	vadd.f32 $1.000000000e+00, v10;
	v30 =	vld [tilespmem:s12+$0x10];
	[tilespmem:s18+$0x20] =	vst v60;
	v9 =	vmul.f32 v48, v52;
	(erf) = vpow2.f32 v2;
	v2 =	vpop (erf)  }
0x23c: {  	v6 =	vsub.f32 $0.0e+00, v6;
	[tilespmem:s12+$0xFFFFFFF0] =	vst v61;
	(erf) = vrcp.f32 v63;
	v25 =	vpop (erf)  }
0x23d: {  	v21 =	vmul.f32 $1.442695020e+00, v21;
	[tilespmem:s12+$0xFFFFFFE0] =	vst v9;
	v26 =	vpop (erf);
	(erf) = vrcp.f32 v10  }
0x23e: {  	v8 =	vadd.f32 $1.000000000e+00, v45;
	v6 =	vmul.f32 $1.442695020e+00, v6;
	v23 =	vld [tilespmem:s12+$0x20];
	[tilespmem:s18+$0xFFFFFFC0] =	vst v2;
	v28 =	vpop (erf)  }
0x23f: {  	v24 =	vmul.f32 v53, v58;
	v27 =	vld [tilespmem:s12+$0xFFFFFFC0];
	[tilespmem:s19+$0x30] =	vst v25;
	(erf) = vpow2.f32 v21;
	v29 =	vpop (erf)  }
0x240: {  	v7 =	vmul.f32 v55, v30;
	(erf) = vrcp.f32 v8;
	[tilespmem:s18+$0x0] =	vst v28;
	v31 =	vpop (erf)  }
0x241: {  	v13 =	vadd.f32 $1.000000000e+00, v62;
	[tilespmem:s12+$0xFFFFFFD0] =	vst v24;
	v32 =	vld [tilespmem:s12+$0x0];
	v3 =	vpop (erf)  }
0x242: {  	v1 =	vmul.f32 $1.442695020e+00, v1;
	v33 =	vadd.f32 $1.000000000e+00, v20;
	[tilespmem:s12+$0x10] =	vst v7;
	(erf) = vpow2.f32 v6;
	v34 =	vpop (erf)  }
0x243: {  	v11 =	vmul.f32 v60, v23;
	v8 =	vadd.f32 $1.000000000e+00, v31;
	(erf) = vrcp.f32 v13;
	[tilespmem:s19+$0xFFFFFFF0] =	vst v34;
	v35 =	vpop (erf)  }
0x244: {  	v2 =	vmul.f32 v2, v27;
	(erf) = vrcp.f32 v33;
	v36 =	vpop (erf);
	[tilespmem:s19+$0xFFFFFFE0] =	vst v35;
	v37 =	vld [tilespmem:s20+$0xFFFFFFF0]  }
0x245: {  	[tilespmem:s12+$0x20] =	vst v11;
	v38 =	vld [tilespmem:s20+$0xFFFFFFE0];
	v39 =	vpop (erf);
	(erf) = vrcp.f32 v8  }
0x246: {  	[tilespmem:s12+$0xFFFFFFC0] =	vst v2;
	v2 =	vmul.f32 v28, v32;
	v40 =	vpop (erf);
	(erf) = vpow2.f32 v1  }
0x247: {  	[tilespmem:s19+$0xFFFFFFD0] =	vst v39;
	v1 =	vadd.f32 $1.000000000e+00, v29  }
0x248: {  	v41 =	vpop (erf);
	v42 =	vld [tilespmem:s20+$0xFFFFFFD0];
	[tilespmem:s12+$0x0] =	vst v2  }
0x249: {  	[tilespmem:s19+$0x10] =	vst v40;
	v43 =	vpop (erf);
	(erf) = vrcp.f32 v1;
	v1 =	vld [tilespmem:s20+$0x30];
	v2 =	vmul.f32 v34, v37  }
0x24a: {  	v5 =	vadd.f32 $1.000000000e+00, v41;
	[tilespmem:s19+$0x20] =	vst v43;
	v45 =	vmul.f32 v35, v38  }
0x24b: {  	v3 =	vadd.f32 $1.000000000e+00, v3;
	v44 =	vadd.f32 $1.000000000e+00, v36;
	v51 =	vld [tilespmem:s20+$0x10];
	v46 =	vpop (erf);
	[tilespmem:s20+$0xFFFFFFF0] =	vst v2  }
0x24c: {  	(erf) = vrcp.f32 v5;
	v47 =	vld [tilespmem:s20+$0x20];
	v2 =	vadd.f32 $1.000000000e+00, v26;
	v48 =	vpop (erf);
	[tilespmem:s20+$0xFFFFFFE0] =	vst v45  }
0x24d: {  	(erf) = vrcp.f32 v44;
	v8 =	vmul.f32 v39, v42;
	v49 =	vpop (erf);
	[tilespmem:s19+$0xFFFFFFC0] =	vst v48  }
0x24e: {  	v5 =	vadd.f32 $1.000000000e+00, v46;
	(erf) = vrcp.f32 v2;
	v2 =	vld [tilespmem:s20+$0xFFFFFFC0];
	v1 =	vmul.f32 v25, v1;
	[tilespmem:s22+$0x30] =	vst v49;
	v50 =	vpop (erf)  }
0x24f: {  	[tilespmem:s20+$0xFFFFFFD0] =	vst v8;
	(erf) = vrcp.f32 v3;
	v3 =	vpop (erf)  }
0x250: {  	v4 =	vmul.f32 v40, v51;
	[tilespmem:s19+$0x0] =	vst v50;
	(erf) = vrcp.f32 v5;
	v3 =	vadd.f32 $1.000000000e+00, v3  }
0x251: {  	v7 =	vmul.f32 v43, v47;
	[tilespmem:s20+$0x30] =	vst v1;
	v52 =	vld [tilespmem:s20+$0x0]  }
0x252: {  	[tilespmem:s20+$0x10] =	vst v4;
	v1 =	vpop (erf);
	(erf) = vrcp.f32 v3  }
0x253: {  	[tilespmem:s20+$0x20] =	vst v7;
	v2 =	vmul.f32 v48, v2  }
0x254: {  	[tilespmem:s22+$0xFFFFFFF0] =	vst v1  }
0x255: {  	s21 =	sadd.s32 $0x80, s20;
	v3 =	vpop (erf);
	[tilespmem:s20+$0xFFFFFFC0] =	vst v2  }
0x256: {  	v2 =	vld [tilespmem:s21+$0xFFFFFFF0];
	[tilespmem:s22+$0xFFFFFFE0] =	vst v3;
	v53 =	vpop (erf);
	v5 =	vmul.f32 v50, v52  }
0x257: {  	v58 =	vld [tilespmem:s21+$0x30];
	[tilespmem:s22+$0xFFFFFFD0] =	vst v53;
	v55 =	vpop (erf)  }
0x258: {  	v56 =	vld [tilespmem:s21+$0xFFFFFFD0];
	v57 =	vpop (erf);
	[tilespmem:s20+$0x0] =	vst v5  }
0x259: {  	v54 =	vld [tilespmem:s21+$0xFFFFFFE0];
	[tilespmem:s22+$0x20] =	vst v57;
	v59 =	vpop (erf)  }
0x25a: {  	v60 =	vld [tilespmem:s21+$0x20];
	[tilespmem:s22+$0xFFFFFFC0] =	vst v59  }
0x25b: {  	[tilespmem:s22+$0x10] =	vst v55;
	v1 =	vmul.f32 v1, v2;
	v2 =	vld [tilespmem:s21+$0xFFFFFFC0];
	v61 =	vpop (erf)  }
0x25c: {  	v5 =	vmul.f32 v49, v58;
	v62 =	vld [tilespmem:s21+$0x10];
	[tilespmem:s22+$0x0] =	vst v61  }
0x25d: {  	[tilespmem:s21+$0xFFFFFFF0] =	vst v1;
	v1 =	vmul.f32 v53, v56;
	v63 =	vld [tilespmem:s21+$0x0]  }
0x25e: {  	[tilespmem:s21+$0x30] =	vst v5;
	v3 =	vmul.f32 v3, v54  }
0x25f: {  	[tilespmem:s21+$0xFFFFFFD0] =	vst v1;
	v1 =	vmul.f32 v57, v60  }
0x260: {  	[tilespmem:s21+$0xFFFFFFE0] =	vst v3;
	v2 =	vmul.f32 v59, v2  }
0x261: {  	[tilespmem:s21+$0x20] =	vst v1;
	v1 =	vmul.f32 v55, v62  }
0x262: {  	[tilespmem:s21+$0xFFFFFFC0] =	vst v2;
	v2 =	vmul.f32 v61, v63  }
0x263: {  	[tilespmem:s21+$0x10] =	vst v1  }
0x264: {  	s11 =	simm.s32 $0x0;
	[tilespmem:s21+$0x0] =	vst v2  }
.LBB2_15:
0x265: {  	s12 =	sshra.s32 s11, $0x2  }
0x266: {  	v1 =	vld [tilespmem:s12+$0x8880];
	_ =	sdelay $0x4  }
0x267: {  	v1 =	vsub.f32 $0.0e+00, v1;
	_ =	sdelay $0x1  }
0x268: {  	v1 =	vmul.f32 $1.442695020e+00, v1;
	_ =	sdelay $0x1  }
0x269: {  	(erf) = vpow2.f32 v1;
	_ =	sdelay $0x8  }
0x26a: {  	v1 =	vpop (erf)  }
0x26b: {  	v1 =	vadd.f32 $1.000000000e+00, v1;
	_ =	sdelay $0x1  }
0x26c: {  	(erf) = vrcp.f32 v1;
	_ =	sdelay $0x4  }
0x26d: {  	v1 =	vld [tilespmem:s12+$0xA880];
	_ =	sdelay $0x1  }
0x26e: {  	p2 =	sne.s32 s11, $0x100  }
.Ltmp6:
0x26f: {  	_ = 	snop;
	(pc) =	sbr.rel @p2 .LBB2_15-.Ltmp6, $4  }
0x270: {  	v2 =	vpop (erf)  }
0x271: {  	v1 =	vmul.f32 v2, v1  }
0x272: {  	[tilespmem:s12+$0x8880] =	vst v2  }
0x273: {  	s11 =	sadd.s32 $0x40, s11;
	[tilespmem:s12+$0xA880] =	vst v1  }
0x274: {  	s11 =	simm.s32 $0x6100;
	s12 =	simm.s32 $0xA100  }
0x275: {  	[spmem:s4] =	stream.indirect.scatter.add.f32 [tilespmem:s12], [sflag:$0x7], $0x1, s11, s15, $0xb8;
	[tilespmem:$0x11400] =	vst v63  }
0x276: {  	s9 =	sadd.s32 s2, s9;
	s21 =	simm.s32 $0x8100  }
0x277: {  	[hbm4b:s9+s5] =	stream.linear.scatter [tilespmem:s21], [sflag:$0xB], $0x7D0, $0x38;
	[tilespmem:$0x11400] =	vst v63  }
0x278: {  	_ =	swait.ge [sflag:s0], $0x7D0  }
0x279: {  	[sflag:s0] =	ssyncset.done $0x0  }
0x27a: {  	s22 =	simm.s32 $0xA;
	[sflag:s0] =	ssyncadd.s32 $0xFFFFF830  }
0x27b: {  	_ =	swait.ge [sflag:s22], $0x7D0  }
0x27c: {  	p2 =	sne.s32 s24, $0x18;
	s9 =	rddreg [dreg:$0x1e]  }
0x27d: {  	s9 =	sadd.s32 @p2 s10, s9  }
0x27e: {  	s11 =	simm.s32 @p2 $0x0;
	[sflag:s22] =	ssyncset.done $0x0;
	s9 =	sshrl.u32 @p2 s9, $0x3  }
0x27f: {  	s12 =	simm.s32 @p2 $0x3900;
	[sflag:s22] =	ssyncadd.s32 $0xFFFFF830;
	s10 =	sadd.s32 @p2 s6, s9  }
0x280: {  	[tilespmem:s12], [sflag:$0x2] =	stream.linear.gather @p2 [hbm4b:s10+s11], $0x7D0, $0x38;
	[tilespmem:$0x11400] =	vst v63  }
0x281: {  	s10 =	sadd.s32 @p2 s7, s9;
	s12 =	simm.s32 @p2 $0x5900  }
0x282: {  	[tilespmem:s12], [sflag:$0x2] =	stream.linear.gather @p2 [hbm4b:s10+s11], $0x7D0, $0x38;
	[tilespmem:$0x11400] =	vst v63  }
0x283: {  	s10 =	rddreg [dreg:$0x1]  }
0x284: {  	s9 =	sadd.s32 @p2 s10, s9;
	s10 =	simm.s32 @p2 $0x7900  }
0x285: {  	[tilespmem:s10], [sflag:$0x2] =	stream.linear.gather @p2 [hbm4b:s9+s11], $0x7D0, $0x38;
	[tilespmem:$0x11400] =	vst v63  }
0x286: {  	s9 =	simm.s32 @p2 $0x10  }
0x287: {  	_ =	swait.ge @p2 [sflag:s9], $0x7D0  }
0x288: {  	[sflag:s9] =	ssyncset.done @p2 $0x0  }
0x289: {  	[sflag:s9] =	ssyncadd.s32 @p2 $0xFFFFF830;
	s9 =	simm.s32 @p2 $0x1  }
0x28a: {  	_ =	swait.ge @p2 [sflag:s9], $0x7D0  }
0x28b: {  	[sflag:s9] =	ssyncset.done @p2 $0x0  }
0x28c: {  	[sflag:s9] =	ssyncadd.s32 @p2 $0xFFFFF830  }
0x28d: {  	_ =	swait.ge @p2 [sflag:s9], $0x7D0  }
0x28e: {  	[sflag:s9] =	ssyncset.done @p2 $0x0  }
0x28f: {  	[sflag:s9] =	ssyncadd.s32 @p2 $0xFFFFF830  }
0x290: {  	_ =	swait.ge @p2 [sflag:s9], $0x7D0  }
0x291: {  	s10 =	simm.s32 @p2 $0x3100;
	[sflag:s9] =	ssyncset.done @p2 $0x0  }
0x292: {  	s11 =	simm.s32 @p2 $0x9100;
	[sflag:s9] =	ssyncadd.s32 @p2 $0xFFFFF830;
	s9 =	simm.s32 @p2 $0x7D0  }
0x293: {  	[tilespmem:s11], [sflag:$0xD] =	stream.indirect.gather @p2 [spmem:s3], $0x1, s10, s9, $0xb8;
	[tilespmem:$0x11400] =	vst v63  }
0x294: {  	s9 =	simm.s32 @!p2 $0x10  }
0x295: {  	_ =	swait.ge @!p2 [sflag:s9], $0x7D0  }
0x296: {  	[sflag:s9] =	ssyncset.done @!p2 $0x0  }
0x297: {  	s20 =	simm.s32 $0x8940;
	[sflag:s9] =	ssyncadd.s32 @!p2 $0xFFFFF830  }
0x298: {  	v1 =	vld [tilespmem:s20+$0x30];
	_ =	sdelay $0x1  }
0x299: {  	v2 =	vld [tilespmem:s20+$0x10]  }
0x29a: {  	v3 =	vld [tilespmem:s20+$0xFFFFFFF0]  }
0x29b: {  	v4 =	vld [tilespmem:s20+$0x20]  }
0x29c: {  	v5 =	vld [tilespmem:s20+$0xFFFFFFD0];
	v1 =	vsub.f32 $0.0e+00, v1  }
0x29d: {  	v6 =	vld [tilespmem:s20+$0xFFFFFFE0]  }
0x29e: {  	v2 =	vsub.f32 $0.0e+00, v2;
	v1 =	vmul.f32 $1.442695020e+00, v1  }
0x29f: {  	v3 =	vsub.f32 $0.0e+00, v3  }
0x2a0: {  	v4 =	vsub.f32 $0.0e+00, v4;
	v2 =	vmul.f32 $1.442695020e+00, v2;
	(erf) = vpow2.f32 v1  }
0x2a1: {  	s18 =	simm.s32 $0x89C0;
	v5 =	vsub.f32 $0.0e+00, v5;
	v3 =	vmul.f32 $1.442695020e+00, v3;
	v1 =	vld [tilespmem:s20+$0xFFFFFFC0]  }
0x2a2: {  	v6 =	vsub.f32 $0.0e+00, v6;
	v4 =	vmul.f32 $1.442695020e+00, v4;
	(erf) = vpow2.f32 v2;
	v2 =	vld [tilespmem:s18+$0x30]  }
0x2a3: {  	v5 =	vmul.f32 $1.442695020e+00, v5;
	(erf) = vpow2.f32 v3  }
0x2a4: {  	v3 =	vmul.f32 $1.442695020e+00, v6;
	v6 =	vld [tilespmem:s18+$0x10];
	(erf) = vpow2.f32 v4  }
0x2a5: {  	v4 =	vld [tilespmem:s18+$0xFFFFFFF0];
	(erf) = vpow2.f32 v5  }
0x2a6: {  	v5 =	vld [tilespmem:s20+$0x0];
	v1 =	vsub.f32 $0.0e+00, v1;
	(erf) = vpow2.f32 v3  }
0x2a7: {  	v3 =	vld [tilespmem:s18+$0x20];
	v2 =	vsub.f32 $0.0e+00, v2  }
0x2a8: {  	v1 =	vmul.f32 $1.442695020e+00, v1  }
0x2a9: {  	v8 =	vld [tilespmem:s18+$0xFFFFFFD0];
	v6 =	vsub.f32 $0.0e+00, v6;
	v2 =	vmul.f32 $1.442695020e+00, v2;
	v7 =	vpop (erf)  }
0x2aa: {  	v4 =	vsub.f32 $0.0e+00, v4;
	(erf) = vpow2.f32 v1;
	v1 =	vadd.f32 $1.000000000e+00, v7  }
0x2ab: {  	v5 =	vsub.f32 $0.0e+00, v5;
	v6 =	vmul.f32 $1.442695020e+00, v6;
	v7 =	vpop (erf);
	(erf) = vpow2.f32 v2  }
0x2ac: {  	v2 =	vsub.f32 $0.0e+00, v3;
	v4 =	vmul.f32 $1.442695020e+00, v4;
	v3 =	vpop (erf);
	(erf) = vrcp.f32 v1  }
0x2ad: {  	v5 =	vmul.f32 $1.442695020e+00, v5;
	v9 =	vpop (erf);
	(erf) = vpow2.f32 v6  }
0x2ae: {  	v8 =	vsub.f32 $0.0e+00, v8;
	v1 =	vld [tilespmem:s18+$0xFFFFFFE0];
	v2 =	vmul.f32 $1.442695020e+00, v2;
	v10 =	vpop (erf);
	(erf) = vpow2.f32 v4  }
0x2af: {  	s9 =	simm.s32 $0x8A40;
	v3 =	vadd.f32 $1.000000000e+00, v3;
	v4 =	vld [tilespmem:s18+$0xFFFFFFC0];
	v11 =	vpop (erf);
	(erf) = vpow2.f32 v5  }
0x2b0: {  	v11 =	vadd.f32 $1.000000000e+00, v11;
	(erf) = vpow2.f32 v2;
	v2 =	vmul.f32 $1.442695020e+00, v8;
	v8 =	vld [tilespmem:s9+$0x30]  }
0x2b1: {  	(erf) = vrcp.f32 v3  }
0x2b2: {  	v10 =	vadd.f32 $1.000000000e+00, v10;
	(erf) = vrcp.f32 v11  }
0x2b3: {  	v7 =	vadd.f32 $1.000000000e+00, v7;
	v6 =	vld [tilespmem:s18+$0x0];
	v12 =	vpop (erf);
	(erf) = vpow2.f32 v2  }
0x2b4: {  	v5 =	vld [tilespmem:s9+$0x20];
	v1 =	vsub.f32 $0.0e+00, v1;
	v2 =	vsub.f32 $0.0e+00, v4;
	v4 =	vpop (erf);
	(erf) = vrcp.f32 v10  }
0x2b5: {  	v3 =	vld [tilespmem:s9+$0x10];
	(erf) = vrcp.f32 v7;
	v7 =	vsub.f32 $0.0e+00, v8  }
0x2b6: {  	v1 =	vmul.f32 $1.442695020e+00, v1;
	v10 =	vld [tilespmem:s9+$0xFFFFFFE0];
	v13 =	vpop (erf)  }
0x2b7: {  	v9 =	vadd.f32 $1.000000000e+00, v9;
	v11 =	vld [tilespmem:s9+$0xFFFFFFF0];
	v14 =	vpop (erf);
	v7 =	vmul.f32 $1.442695020e+00, v7  }
0x2b8: {  	s10 =	simm.s32 $0x8AC0;
	v2 =	vmul.f32 $1.442695020e+00, v2;
	(erf) = vpow2.f32 v1;
	v15 =	vpop (erf)  }
0x2b9: {  	v20 =	vld [tilespmem:s10+$0x20];
	v6 =	vsub.f32 $0.0e+00, v6;
	v5 =	vsub.f32 $0.0e+00, v5;
	(erf) = vrcp.f32 v9;
	v16 =	vpop (erf)  }
0x2ba: {  	v8 =	vld [tilespmem:s9+$0xFFFFFFD0];
	v3 =	vsub.f32 $0.0e+00, v3;
	(erf) = vpow2.f32 v2;
	v2 =	vadd.f32 $1.000000000e+00, v12;
	v18 =	vpop (erf)  }
0x2bb: {  	v4 =	vadd.f32 $1.000000000e+00, v4;
	v1 =	vld [tilespmem:s9+$0x0];
	v10 =	vsub.f32 $0.0e+00, v10;
	(erf) = vpow2.f32 v7;
	v7 =	vpop (erf)  }
0x2bc: {  	s11 =	simm.s32 $0xA940;
	v9 =	vsub.f32 $0.0e+00, v11;
	v11 =	vld [tilespmem:s9+$0xFFFFFFC0];
	v3 =	vmul.f32 $1.442695020e+00, v3;
	(erf) = vrcp.f32 v2;
	[tilespmem:s20+$0xFFFFFFF0] =	vst v7;
	v12 =	vpop (erf)  }
0x2bd: {  	v6 =	vmul.f32 $1.442695020e+00, v6;
	v2 =	vadd.f32 $1.000000000e+00, v16;
	(erf) = vrcp.f32 v4;
	[tilespmem:s20+$0xFFFFFFE0] =	vst v12;
	v4 =	vld [tilespmem:s11+$0xFFFFFFF0]  }
0x2be: {  	[tilespmem:s20+$0x30] =	vst v13;
	v9 =	vmul.f32 $1.442695020e+00, v9;
	(erf) = vpow2.f32 v3;
	v16 =	vpop (erf);
	v3 =	vld [tilespmem:s11+$0xFFFFFFE0]  }
0x2bf: {  	v5 =	vmul.f32 $1.442695020e+00, v5;
	v17 =	vld [tilespmem:s11+$0x30];
	v24 =	vadd.f32 $1.000000000e+00, v14;
	v21 =	vmul.f32 $1.442695020e+00, v10;
	v10 =	vpop (erf)  }
0x2c0: {  	v14 =	vld [tilespmem:s10+$0x30];
	v15 =	vadd.f32 $1.000000000e+00, v15;
	v8 =	vsub.f32 $0.0e+00, v8;
	(erf) = vrcp.f32 v2;
	[tilespmem:s20+$0xFFFFFFD0] =	vst v10  }
0x2c1: {  	v28 =	vadd.f32 $1.000000000e+00, v18;
	v1 =	vsub.f32 $0.0e+00, v1;
	(erf) = vpow2.f32 v9;
	v2 =	vpop (erf);
	v25 =	vld [tilespmem:s11+$0xFFFFFFD0]  }
0x2c2: {  	v19 =	vld [tilespmem:s10+$0xFFFFFFF0];
	v22 =	vmul.f32 $1.442695020e+00, v8;
	v23 =	vadd.f32 $1.000000000e+00, v16;
	(erf) = vpow2.f32 v6;
	v9 =	vpop (erf)  }
0x2c3: {  	v26 =	vld [tilespmem:s10+$0x10];
	v16 =	vsub.f32 $0.0e+00, v11;
	[tilespmem:s20+$0x10] =	vst v2;
	v11 =	vpop (erf);
	v4 =	vmul.f32 v7, v4;
	v3 =	vmul.f32 v12, v3  }
0x2c4: {  	v27 =	vld [tilespmem:s10+$0xFFFFFFE0];
	v8 =	vmul.f32 v13, v17;
	(erf) = vpow2.f32 v5;
	v6 =	vadd.f32 $1.000000000e+00, v9;
	[tilespmem:s20+$0x20] =	vst v11;
	v13 =	vpop (erf)  }
0x2c5: {  	v17 =	vsub.f32 $0.0e+00, v14;
	v5 =	vmul.f32 $1.442695020e+00, v1;
	(erf) = vrcp.f32 v15;
	v7 =	vld [tilespmem:s10+$0x0];
	v14 =	vpop (erf);
	[tilespmem:s11+$0xFFFFFFF0] =	vst v4  }
0x2c6: {  	v18 =	vld [tilespmem:s11+$0x20];
	(erf) = vrcp.f32 v6;
	v4 =	vsub.f32 $0.0e+00, v20;
	v15 =	vpop (erf);
	v6 =	vmul.f32 v10, v25;
	[tilespmem:s11+$0xFFFFFFE0] =	vst v3  }
0x2c7: {  	v12 =	vmul.f32 $1.442695020e+00, v16;
	v16 =	vld [tilespmem:s10+$0xFFFFFFD0];
	(erf) = vpow2.f32 v22;
	[tilespmem:s20+$0xFFFFFFC0] =	vst v15;
	v3 =	vpop (erf)  }
0x2c8: {  	v9 =	vld [tilespmem:s11+$0x10];
	v22 =	vsub.f32 $0.0e+00, v26;
	(erf) = vrcp.f32 v23;
	v4 =	vmul.f32 $1.442695020e+00, v4;
	[tilespmem:s11+$0xFFFFFFD0] =	vst v6;
	v10 =	vpop (erf)  }
0x2c9: {  	(erf) = vrcp.f32 v24;
	v20 =	vld [tilespmem:s11+$0xFFFFFFC0];
	v24 =	vmul.f32 $1.442695020e+00, v17;
	[tilespmem:s18+$0x30] =	vst v3;
	v17 =	vpop (erf)  }
0x2ca: {  	s14 =	simm.s32 $0x18;
	s12 =	simm.s32 $0xA9C0;
	v23 =	vsub.f32 $0.0e+00, v19;
	v22 =	vmul.f32 $1.442695020e+00, v22;
	v6 =	vld [tilespmem:s10+$0xFFFFFFC0];
	(erf) = vpow2.f32 v21;
	[tilespmem:s20+$0x0] =	vst v17  }
0x2cb: {  	s19 =	simm.s32 $0xAA40;
	s21 =	simm.s32 $0x8B40;
	v1 =	vsub.f32 $0.0e+00, v7;
	v21 =	vsub.f32 $0.0e+00, v27;
	v7 =	vld [tilespmem:s12+$0x30];
	v19 =	vpop (erf);
	(erf) = vrcp.f32 v28;
	s22 =	rddreg [dreg:$0x1b]  }
.LBB2_17:
0x2cc: {  	s14 =	sadd.s32 $0x8, s14;
	v30 =	vsub.f32 $0.0e+00, v16;
	v23 =	vmul.f32 $1.442695020e+00, v23;
	v25 =	vpop (erf);
	v26 =	vld [tilespmem:s11+$0x0];
	v11 =	vmul.f32 v11, v18;
	[tilespmem:s11+$0x30] =	vst v8;
	s16 =	smov.u32 s10  }
0x2cd: {  	s10 =	smov.u32 s21;
	v27 =	vld [tilespmem:s21+$0xFFFFFFF0];
	p2 =	slt.u32 s14, $0x70;
	v21 =	vmul.f32 $1.442695020e+00, v21;
	(erf) = vpow2.f32 v12;
	v8 =	vpop (erf);
	v12 =	vadd.f32 $1.000000000e+00, v13  }
0x2ce: {  	v13 =	vadd.f32 $1.000000000e+00, v14;
	v28 =	vld [tilespmem:s21+$0x20];
	v29 =	vmul.f32 $1.442695020e+00, v30;
	(erf) = vpow2.f32 v24;
	v14 =	vpop (erf);
	[tilespmem:s11+$0x20] =	vst v11  }
0x2cf: {  	v11 =	vadd.f32 $1.000000000e+00, v25;
	v24 =	vld [tilespmem:s21+$0x10];
	[tilespmem:s18+$0xFFFFFFF0] =	vst v14;
	(erf) = vrcp.f32 v12;
	v16 =	vpop (erf);
	v12 =	vmul.f32 v15, v20  }
0x2d0: {  	v9 =	vmul.f32 v2, v9;
	v20 =	vadd.f32 $1.000000000e+00, v10;
	v10 =	vpop (erf);
	(erf) = vrcp.f32 v13;
	[tilespmem:s18+$0xFFFFFFE0] =	vst v16;
	v13 =	vld [tilespmem:s12+$0xFFFFFFF0]  }
0x2d1: {  	(erf) = vpow2.f32 v22;
	v10 =	vadd.f32 $1.000000000e+00, v10;
	v15 =	vld [tilespmem:s12+$0xFFFFFFE0];
	v22 =	vpop (erf);
	[tilespmem:s11+$0xFFFFFFC0] =	vst v12;
	v17 =	vmul.f32 v17, v26  }
0x2d2: {  	v18 =	vadd.f32 $1.000000000e+00, v19;
	v6 =	vsub.f32 $0.0e+00, v6;
	v25 =	vld [tilespmem:s21+$0x30];
	[tilespmem:s18+$0xFFFFFFD0] =	vst v22;
	(erf) = vrcp.f32 v11;
	v2 =	vpop (erf)  }
0x2d3: {  	v26 =	vadd.f32 $1.000000000e+00, v8;
	v8 =	vmul.f32 v3, v7;
	(erf) = vpow2.f32 v23;
	v11 =	vpop (erf);
	v19 =	vld [tilespmem:s12+$0xFFFFFFD0];
	[tilespmem:s11+$0x10] =	vst v9  }
0x2d4: {  	v12 =	vmul.f32 $1.442695020e+00, v6;
	v7 =	vld [tilespmem:s21+$0xFFFFFFE0];
	v3 =	vadd.f32 $1.000000000e+00, v11;
	(erf) = vpow2.f32 v5;
	v11 =	vpop (erf);
	[tilespmem:s11+$0x0] =	vst v17;
	s11 =	smov.u32 s12;
	s12 =	smov.u32 s19  }
0x2d5: {  	v17 =	vld [tilespmem:s21+$0x0];
	(erf) = vpow2.f32 v4;
	v4 =	vmul.f32 v14, v13;
	[tilespmem:s18+$0x20] =	vst v11  }
0x2d6: {  	v13 =	vpop (erf);
	(erf) = vrcp.f32 v18;
	v5 =	vmul.f32 v16, v15;
	[tilespmem:s18+$0x10] =	vst v2;
	v18 =	vld [tilespmem:s11+$0x20]  }
0x2d7: {  	v25 =	vsub.f32 $0.0e+00, v25;
	v14 =	vpop (erf);
	(erf) = vrcp.f32 v3;
	[tilespmem:s11+$0xFFFFFFF0] =	vst v4;
	v9 =	vld [tilespmem:s11+$0x10]  }
.Ltmp7:
0x2d8: {  	v4 =	vsub.f32 $0.0e+00, v28;
	v16 =	vld [tilespmem:s21+$0xFFFFFFD0];
	(erf) = vpow2.f32 v29;
	v6 =	vmul.f32 v22, v19;
	[tilespmem:s11+$0xFFFFFFE0] =	vst v5;
	v15 =	vpop (erf);
	(pc) =	sbr.rel @p2 .LBB2_17-.Ltmp7, $4  }
0x2d9: {  	v28 =	vsub.f32 $0.0e+00, v24;
	v5 =	vmul.f32 $1.442695020e+00, v1;
	(erf) = vrcp.f32 v10;
	v3 =	vpop (erf);
	[tilespmem:s18+$0xFFFFFFC0] =	vst v15  }
0x2da: {  	v23 =	vsub.f32 $0.0e+00, v27;
	s19 =	sadd.s32 $0x80, s19;
	v4 =	vmul.f32 $1.442695020e+00, v4;
	v10 =	vpop (erf);
	(erf) = vrcp.f32 v20;
	v20 =	vld [tilespmem:s11+$0xFFFFFFC0];
	[tilespmem:s11+$0xFFFFFFD0] =	vst v6  }
0x2db: {  	v24 =	vmul.f32 $1.442695020e+00, v25;
	v1 =	vsub.f32 $0.0e+00, v17;
	v6 =	vld [tilespmem:s21+$0xFFFFFFC0];
	(erf) = vpow2.f32 v21;
	[tilespmem:s9+$0x30] =	vst v3;
	v17 =	vpop (erf)  }
0x2dc: {  	v22 =	vmul.f32 $1.442695020e+00, v28;
	v21 =	vsub.f32 $0.0e+00, v7;
	s21 =	sadd.s32 $0x80, s21;
	v19 =	vpop (erf);
	v7 =	vld [tilespmem:s12+$0x30];
	(erf) = vrcp.f32 v26;
	[tilespmem:s18+$0x0] =	vst v17;
	s18 =	smov.u32 s9;
	s9 =	smov.u32 s16  }
0x2dd: {  	v25 =	vpop (erf);
	v11 =	vmul.f32 v11, v18;
	(erf) = vpow2.f32 v12;
	v43 =	vadd.f32 $1.000000000e+00, v13  }
0x2de: {  	[tilespmem:s11+$0x30] =	vst v8;
	v14 =	vadd.f32 $1.000000000e+00, v14;
	v2 =	vmul.f32 v2, v9;
	v45 =	vpop (erf);
	(erf) = vpow2.f32 v24  }
0x2df: {  	v44 =	vld [tilespmem:s11+$0x0];
	v49 =	vmul.f32 $1.442695020e+00, v23;
	v46 =	vpop (erf);
	[tilespmem:s11+$0x20] =	vst v11;
	(erf) = vrcp.f32 v43  }
0x2e0: {  	v54 =	vsub.f32 $0.0e+00, v16;
	v47 =	vadd.f32 $1.000000000e+00, v25;
	[tilespmem:s11+$0x10] =	vst v2;
	v48 =	vpop (erf);
	(erf) = vrcp.f32 v14  }
0x2e1: {  	v15 =	vmul.f32 v15, v20;
	[tilespmem:s18+$0xFFFFFFF0] =	vst v46;
	v50 =	vpop (erf);
	(erf) = vpow2.f32 v22  }
0x2e2: {  	v2 =	vmul.f32 $1.442695020e+00, v54;
	[tilespmem:s18+$0xFFFFFFE0] =	vst v48;
	v51 =	vld [tilespmem:s12+$0xFFFFFFF0];
	v53 =	vpop (erf);
	(erf) = vrcp.f32 v47  }
0x2e3: {  	[tilespmem:s11+$0xFFFFFFC0] =	vst v15;
	v3 =	vmul.f32 v3, v7;
	v52 =	vld [tilespmem:s12+$0xFFFFFFE0];
	v55 =	vpop (erf);
	(erf) = vpow2.f32 v49  }
0x2e4: {  	v56 =	vadd.f32 $1.000000000e+00, v19;
	v13 =	vmul.f32 v17, v44;
	[tilespmem:s18+$0xFFFFFFD0] =	vst v53;
	v57 =	vpop (erf);
	(erf) = vpow2.f32 v5  }
0x2e5: {  	[tilespmem:s12+$0x30] =	vst v3;
	v59 =	vadd.f32 $1.000000000e+00, v57;
	v60 =	vpop (erf);
	(erf) = vpow2.f32 v4  }
0x2e6: {  	[tilespmem:s11+$0x0] =	vst v13;
	v62 =	vpop (erf);
	(erf) = vrcp.f32 v56  }
0x2e7: {  	v63 =	vadd.f32 $1.000000000e+00, v50;
	v58 =	vld [tilespmem:s12+$0xFFFFFFD0];
	[tilespmem:s18+$0x10] =	vst v55;
	v61 =	vmul.f32 v46, v51;
	v20 =	vpop (erf);
	(erf) = vrcp.f32 v59  }
0x2e8: {  	v10 =	vadd.f32 $1.000000000e+00, v10;
	v30 =	vld [tilespmem:s12+$0x10];
	[tilespmem:s18+$0x20] =	vst v60;
	v9 =	vmul.f32 v48, v52;
	(erf) = vpow2.f32 v2;
	v2 =	vpop (erf)  }
0x2e9: {  	v6 =	vsub.f32 $0.0e+00, v6;
	[tilespmem:s12+$0xFFFFFFF0] =	vst v61;
	(erf) = vrcp.f32 v63;
	v25 =	vpop (erf)  }
0x2ea: {  	v21 =	vmul.f32 $1.442695020e+00, v21;
	[tilespmem:s12+$0xFFFFFFE0] =	vst v9;
	v26 =	vpop (erf);
	(erf) = vrcp.f32 v10  }
0x2eb: {  	v8 =	vadd.f32 $1.000000000e+00, v45;
	v6 =	vmul.f32 $1.442695020e+00, v6;
	v23 =	vld [tilespmem:s12+$0x20];
	[tilespmem:s18+$0xFFFFFFC0] =	vst v2;
	v28 =	vpop (erf)  }
0x2ec: {  	v24 =	vmul.f32 v53, v58;
	v27 =	vld [tilespmem:s12+$0xFFFFFFC0];
	[tilespmem:s9+$0x30] =	vst v25;
	(erf) = vpow2.f32 v21;
	v29 =	vpop (erf)  }
0x2ed: {  	v7 =	vmul.f32 v55, v30;
	(erf) = vrcp.f32 v8;
	[tilespmem:s18+$0x0] =	vst v28;
	v31 =	vpop (erf)  }
0x2ee: {  	v13 =	vadd.f32 $1.000000000e+00, v62;
	[tilespmem:s12+$0xFFFFFFD0] =	vst v24;
	v32 =	vld [tilespmem:s12+$0x0];
	v3 =	vpop (erf)  }
0x2ef: {  	v1 =	vmul.f32 $1.442695020e+00, v1;
	v33 =	vadd.f32 $1.000000000e+00, v20;
	[tilespmem:s12+$0x10] =	vst v7;
	(erf) = vpow2.f32 v6;
	v34 =	vpop (erf)  }
0x2f0: {  	v11 =	vmul.f32 v60, v23;
	v8 =	vadd.f32 $1.000000000e+00, v31;
	(erf) = vrcp.f32 v13;
	[tilespmem:s9+$0xFFFFFFF0] =	vst v34;
	v35 =	vpop (erf)  }
0x2f1: {  	v2 =	vmul.f32 v2, v27;
	(erf) = vrcp.f32 v33;
	v36 =	vpop (erf);
	[tilespmem:s9+$0xFFFFFFE0] =	vst v35;
	v37 =	vld [tilespmem:s19+$0xFFFFFFF0]  }
0x2f2: {  	[tilespmem:s12+$0x20] =	vst v11;
	v38 =	vld [tilespmem:s19+$0xFFFFFFE0];
	v39 =	vpop (erf);
	(erf) = vrcp.f32 v8  }
0x2f3: {  	[tilespmem:s12+$0xFFFFFFC0] =	vst v2;
	v2 =	vmul.f32 v28, v32;
	v40 =	vpop (erf);
	(erf) = vpow2.f32 v1  }
0x2f4: {  	[tilespmem:s9+$0xFFFFFFD0] =	vst v39;
	v1 =	vadd.f32 $1.000000000e+00, v29  }
0x2f5: {  	v41 =	vpop (erf);
	v42 =	vld [tilespmem:s19+$0xFFFFFFD0];
	[tilespmem:s12+$0x0] =	vst v2  }
0x2f6: {  	[tilespmem:s9+$0x10] =	vst v40;
	v43 =	vpop (erf);
	(erf) = vrcp.f32 v1;
	v1 =	vld [tilespmem:s19+$0x30];
	v2 =	vmul.f32 v34, v37  }
0x2f7: {  	v5 =	vadd.f32 $1.000000000e+00, v41;
	[tilespmem:s9+$0x20] =	vst v43;
	v45 =	vmul.f32 v35, v38  }
0x2f8: {  	v3 =	vadd.f32 $1.000000000e+00, v3;
	v44 =	vadd.f32 $1.000000000e+00, v36;
	v51 =	vld [tilespmem:s19+$0x10];
	v46 =	vpop (erf);
	[tilespmem:s19+$0xFFFFFFF0] =	vst v2  }
0x2f9: {  	(erf) = vrcp.f32 v5;
	v47 =	vld [tilespmem:s19+$0x20];
	v2 =	vadd.f32 $1.000000000e+00, v26;
	v48 =	vpop (erf);
	[tilespmem:s19+$0xFFFFFFE0] =	vst v45  }
0x2fa: {  	(erf) = vrcp.f32 v44;
	v8 =	vmul.f32 v39, v42;
	v49 =	vpop (erf);
	[tilespmem:s9+$0xFFFFFFC0] =	vst v48  }
0x2fb: {  	v5 =	vadd.f32 $1.000000000e+00, v46;
	(erf) = vrcp.f32 v2;
	v2 =	vld [tilespmem:s19+$0xFFFFFFC0];
	v1 =	vmul.f32 v25, v1;
	[tilespmem:s10+$0x30] =	vst v49;
	v50 =	vpop (erf)  }
0x2fc: {  	[tilespmem:s19+$0xFFFFFFD0] =	vst v8;
	(erf) = vrcp.f32 v3;
	v3 =	vpop (erf)  }
0x2fd: {  	v4 =	vmul.f32 v40, v51;
	[tilespmem:s9+$0x0] =	vst v50;
	(erf) = vrcp.f32 v5;
	v3 =	vadd.f32 $1.000000000e+00, v3  }
0x2fe: {  	v7 =	vmul.f32 v43, v47;
	[tilespmem:s19+$0x30] =	vst v1;
	v52 =	vld [tilespmem:s19+$0x0]  }
0x2ff: {  	[tilespmem:s19+$0x10] =	vst v4;
	v1 =	vpop (erf);
	(erf) = vrcp.f32 v3  }
0x300: {  	[tilespmem:s19+$0x20] =	vst v7;
	v2 =	vmul.f32 v48, v2  }
0x301: {  	[tilespmem:s10+$0xFFFFFFF0] =	vst v1  }
0x302: {  	s21 =	sadd.s32 $0x80, s19;
	v3 =	vpop (erf);
	[tilespmem:s19+$0xFFFFFFC0] =	vst v2  }
0x303: {  	v2 =	vld [tilespmem:s21+$0xFFFFFFF0];
	[tilespmem:s10+$0xFFFFFFE0] =	vst v3;
	v53 =	vpop (erf);
	v5 =	vmul.f32 v50, v52  }
0x304: {  	v58 =	vld [tilespmem:s21+$0x30];
	[tilespmem:s10+$0xFFFFFFD0] =	vst v53;
	v55 =	vpop (erf)  }
0x305: {  	v56 =	vld [tilespmem:s21+$0xFFFFFFD0];
	v57 =	vpop (erf);
	[tilespmem:s19+$0x0] =	vst v5  }
0x306: {  	v54 =	vld [tilespmem:s21+$0xFFFFFFE0];
	[tilespmem:s10+$0x20] =	vst v57;
	v59 =	vpop (erf)  }
0x307: {  	v60 =	vld [tilespmem:s21+$0x20];
	[tilespmem:s10+$0xFFFFFFC0] =	vst v59  }
0x308: {  	[tilespmem:s10+$0x10] =	vst v55;
	v1 =	vmul.f32 v1, v2;
	v2 =	vld [tilespmem:s21+$0xFFFFFFC0];
	v61 =	vpop (erf)  }
0x309: {  	v5 =	vmul.f32 v49, v58;
	v62 =	vld [tilespmem:s21+$0x10];
	[tilespmem:s10+$0x0] =	vst v61  }
0x30a: {  	[tilespmem:s21+$0xFFFFFFF0] =	vst v1;
	v1 =	vmul.f32 v53, v56;
	v63 =	vld [tilespmem:s21+$0x0]  }
0x30b: {  	[tilespmem:s21+$0x30] =	vst v5;
	v3 =	vmul.f32 v3, v54  }
0x30c: {  	[tilespmem:s21+$0xFFFFFFD0] =	vst v1;
	v1 =	vmul.f32 v57, v60  }
0x30d: {  	[tilespmem:s21+$0xFFFFFFE0] =	vst v3;
	v2 =	vmul.f32 v59, v2  }
0x30e: {  	[tilespmem:s21+$0x20] =	vst v1;
	v1 =	vmul.f32 v55, v62  }
0x30f: {  	[tilespmem:s21+$0xFFFFFFC0] =	vst v2;
	v2 =	vmul.f32 v61, v63  }
0x310: {  	[tilespmem:s21+$0x10] =	vst v1  }
0x311: {  	s9 =	simm.s32 $0x0;
	[tilespmem:s21+$0x0] =	vst v2  }
.LBB2_19:
0x312: {  	s10 =	sshra.s32 s9, $0x2  }
0x313: {  	v1 =	vld [tilespmem:s10+$0x9080];
	_ =	sdelay $0x4  }
0x314: {  	v1 =	vsub.f32 $0.0e+00, v1;
	_ =	sdelay $0x1  }
0x315: {  	v1 =	vmul.f32 $1.442695020e+00, v1;
	_ =	sdelay $0x1  }
0x316: {  	(erf) = vpow2.f32 v1;
	_ =	sdelay $0x8  }
0x317: {  	v1 =	vpop (erf)  }
0x318: {  	v1 =	vadd.f32 $1.000000000e+00, v1;
	_ =	sdelay $0x1  }
0x319: {  	(erf) = vrcp.f32 v1;
	_ =	sdelay $0x4  }
0x31a: {  	v1 =	vld [tilespmem:s10+$0xB080];
	_ =	sdelay $0x1  }
0x31b: {  	p2 =	sne.s32 s9, $0x100  }
.Ltmp8:
0x31c: {  	_ = 	snop;
	(pc) =	sbr.rel @p2 .LBB2_19-.Ltmp8, $4  }
0x31d: {  	v2 =	vpop (erf)  }
0x31e: {  	v1 =	vmul.f32 v2, v1  }
0x31f: {  	[tilespmem:s10+$0x9080] =	vst v2  }
0x320: {  	s9 =	sadd.s32 $0x40, s9;
	[tilespmem:s10+$0xB080] =	vst v1  }
0x321: {  	s24 =	sadd.s32 $0x1, s24  }
0x322: {  	p2 =	sne.s32 s24, $0x19  }
.Ltmp9:
0x323: {  	_ = 	snop;
	(pc) =	sbr.rel @p2 .LBB2_4-.Ltmp9, $4  }
0x324: {  	s9 =	simm.s32 $0x6900;
	s10 =	simm.s32 $0xA900  }
0x325: {  	[spmem:s4] =	stream.indirect.scatter.add.f32 [tilespmem:s10], [sflag:$0x8], $0x1, s9, s15, $0xb8;
	[tilespmem:$0x11400] =	vst v63  }
0x326: {  	s1 =	sadd.s32 s2, s1;
	s21 =	simm.s32 $0x8900  }
0x327: {  	[hbm4b:s1+s5] =	stream.linear.scatter [tilespmem:s21], [sflag:$0xC], $0x7D0, $0x38;
	[tilespmem:$0x11400] =	vst v63  }
0x328: {  	s1 =	simm.s32 $0x7  }
0x329: {  	_ =	swait.ge [sflag:s1], $0x7D0  }
0x32a: {  	[sflag:s1] =	ssyncset.done $0x0  }
0x32b: {  	s18 =	simm.s32 $0xB;
	[sflag:s1] =	ssyncadd.s32 $0xFFFFF830  }
0x32c: {  	_ =	swait.ge [sflag:s18], $0x7D0  }
0x32d: {  	[sflag:s18] =	ssyncset.done $0x0  }
0x32e: {  	s19 =	simm.s32 $0x8;
	[sflag:s18] =	ssyncadd.s32 $0xFFFFF830  }
0x32f: {  	_ =	swait.ge [sflag:s19], $0x7D0  }
0x330: {  	[sflag:s19] =	ssyncset.done $0x0  }
0x331: {  	s20 =	simm.s32 $0xC;
	[sflag:s19] =	ssyncadd.s32 $0xFFFFF830  }
0x332: {  	_ =	swait.ge [sflag:s20], $0x7D0  }
0x333: {  	[sflag:s20] =	ssyncset.done $0x0  }
0x334: {  	[sflag:s20] =	ssyncadd.s32 $0xFFFFF830  }
0x335: {  	[bflag:$0x0] =	sbarrier.arrive $0xFFFF  }
0x336: {  	s21 =	simm.s32 $0xE200;
	s12 =	simm.s32 $0x12;
	s24 =	rddreg [dreg:$0xa]  }
0x337: {  	[tilespmem:s21], [sflag:$0x12] =	stream.linear.gather [spmem:s24], $0x1880, $0x38;
	[tilespmem:$0x11400] =	vst v63  }
0x338: {  	_ =	swait.ge [sflag:s12], $0x1880  }
0x339: {  	[sflag:s12] =	ssyncset.done $0x0  }
0x33a: {  	s19 =	rddreg [dreg:$0xe];
	[sflag:s12] =	ssyncadd.s32 $0xFFFFE780  }
0x33b: {  	[hbm4b:s19+s5] =	stream.linear.scatter [tilespmem:s21], [sflag:$0x12], $0x1880, $0x38;
	[tilespmem:$0x11400] =	vst v63  }
0x33c: {  	_ =	swait.ge [sflag:s12], $0x1880  }
0x33d: {  	[sflag:s12] =	ssyncset.done $0x0  }
0x33e: {  	s1 =	simm.s32 $0xFAC0;
	[sflag:s12] =	ssyncadd.s32 $0xFFFFE780  }
0x33f: {  	[tilespmem:s1+$0xFFFFFFC0] =	vst v0  }
0x340: {  	[tilespmem:s1+$0x30] =	vst v0  }
0x341: {  	[tilespmem:s1+$0x20] =	vst v0  }
0x342: {  	[tilespmem:s1+$0x10] =	vst v0  }
0x343: {  	[tilespmem:s1+$0x0] =	vst v0  }
0x344: {  	[tilespmem:s1+$0xFFFFFFF0] =	vst v0  }
0x345: {  	s9 =	simm.s32 $0x0;
	[tilespmem:s1+$0xFFFFFFE0] =	vst v0  }
.LBB2_22:
0x346: {  	s9 =	sadd.s32 $0x8, s9;
	[tilespmem:s1+$0xFFFFFFD0] =	vst v0;
	s1 =	sadd.s32 $0x80, s1  }
0x347: {  	[tilespmem:s1+$0xFFFFFFC0] =	vst v0;
	p2 =	slt.u32 s9, $0x180  }
0x348: {  	[tilespmem:s1+$0x30] =	vst v0  }
.Ltmp10:
0x349: {  	[tilespmem:s1+$0x20] =	vst v0;
	(pc) =	sbr.rel @p2 .LBB2_22-.Ltmp10, $4  }
0x34a: {  	[tilespmem:s1+$0x10] =	vst v0  }
0x34b: {  	[tilespmem:s1+$0x0] =	vst v0  }
0x34c: {  	[tilespmem:s1+$0xFFFFFFF0] =	vst v0  }
0x34d: {  	[tilespmem:s1+$0xFFFFFFE0] =	vst v0  }
0x34e: {  	[tilespmem:s1+$0xFFFFFFD0] =	vst v0;
	s20 =	simm.s32 $0xFA80  }
0x34f: {  	[spmem:s24] =	stream.linear.scatter [tilespmem:s20], [sflag:$0x12], $0x1880, $0x38;
	[tilespmem:$0x11400] =	vst v63  }
0x350: {  	_ =	swait.ge [sflag:s12], $0x1880  }
0x351: {  	[sflag:s12] =	ssyncset.done $0x0  }
0x352: {  	[sflag:s12] =	ssyncadd.s32 $0xFFFFE780  }
0x353: {  	v1 =	vimm.s32 @!p0 $0x5CA1AB01;
	[bflag:$0x0] =	sbarrier.arrive $0xFFFF  }
0x354: {  	s1 =	simm.s32 @!p0 $0x0;
	s9 =	simm.s32 @!p0 $0x11300;
	[tilespmem:$0x11300] =	vst @!p0 v1;
	s10 =	rddreg [dreg:$0xb]  }
0x355: {  	[hbm4b:s10+s1] =	stream.linear.scatter @!p0 [tilespmem:s9], [sflag:$0x12], $0x10, $0x38;
	[tilespmem:$0x11400] =	vst v63  }
0x356: {  	v1 =	vimm.s32 $0x0;
	s1 =	simm.s32 @!p0 $0x12  }
0x357: {  	v2 =	vor.u32 $0x80000000, v1;
	_ =	swait.ge @!p0 [sflag:s1], $0x10  }
0x358: {  	(xrf0) =	vmin.scan.msk.u32 $0xffff, v2;
	_ =	sdelay $0x5  }
0x359: {  	v2, _, _ =	vpop (xrf0)  }
0x35a: {  	(v2sf) =	vpush v2, $0xF;
	_ =	sdelay $0xe  }
0x35b: {  	[sflag:s1] =	ssyncset.done @!p0 $0x0;
	s21 =	spop (v2sf)  }
0x35c: {  	[sflag:s1] =	ssyncadd.s32 @!p0 $0xFFFFFFF0;
	p2 =	sne.s32 s21, $0x80000000  }
0x35d: {  	[tilespmem:$0x11380] =	vst v1;
	s1 =	simm.s32 @!p2 $0x0;
	s9 =	simm.s32 @!p2 $0x11300;
	s10 =	simm.s32 @!p2 $0x11  }
0x35e: {  	[tilespmem:s9], [sflag:$0x11] =	stream.linear.gather @!p2 [hbm4b:s17+s1], $0x10, $0x38;
	[tilespmem:$0x11400] =	vst v63  }
0x35f: {  	_ =	swait.ge @!p2 [sflag:s10], $0x10  }
0x360: {  	[sflag:s10] =	ssyncset.done @!p2 $0x0  }
0x361: {  	[sflag:s10] =	ssyncadd.s32 @!p2 $0xFFFFFFF0  }
0x362: {  	[tilespmem:s9], [sflag:$0x11] =	stream.linear.gather @!p2 [hbm4b:s17+s1], $0x10, $0x38;
	[tilespmem:$0x11400] =	vst v63  }
0x363: {  	_ =	swait.ge @!p2 [sflag:s10], $0x10  }
0x364: {  	[sflag:s10] =	ssyncset.done @!p2 $0x0  }
0x365: {  	[sflag:s10] =	ssyncadd.s32 @!p2 $0xFFFFFFF0  }
0x366: {  	[tilespmem:s9], [sflag:$0x11] =	stream.linear.gather @!p2 [hbm4b:s17+s1], $0x10, $0x38;
	[tilespmem:$0x11400] =	vst v63  }
0x367: {  	_ =	swait.ge @!p2 [sflag:s10], $0x10  }
0x368: {  	[sflag:s10] =	ssyncset.done @!p2 $0x0  }
0x369: {  	[sflag:s10] =	ssyncadd.s32 @!p2 $0xFFFFFFF0  }
0x36a: {  	[tilespmem:s9], [sflag:$0x11] =	stream.linear.gather @!p2 [hbm4b:s17+s1], $0x10, $0x38;
	[tilespmem:$0x11400] =	vst v63  }
0x36b: {  	_ =	swait.ge @!p2 [sflag:s10], $0x10  }
0x36c: {  	[sflag:s10] =	ssyncset.done @!p2 $0x0  }
0x36d: {  	[sflag:s10] =	ssyncadd.s32 @!p2 $0xFFFFFFF0  }
0x36e: {  	v2 =	vld @!p2 [tilespmem:$0x11300];
	_ =	sdelay $0x4  }
0x36f: {  	vm0 =	veq.s32 @!p2 v2, $0x5CA1AB01;
	v2 =	vimm.s32 @!p2 $0x0  }
0x370: {  	s1 =	simm.s32 $0x63;
	s21 =	rddreg [dreg:$0x9];
	v2 =	vsel @!p2 vm0, $0x1, v2  }
.LBB2_24:
0x371: {  	s1 =	sadd.s32 $0xFFFFFFFF, s1;
	[tilespmem:$0x11380] =	vst @!p2 v2;
	v1 =	vpsel p2, v1, v2  }
0x372: {  	v2 =	vor.u32 $0x80000000, v1;
	p3 =	sne.s32 s1, $0x0  }
0x373: {  	(xrf0) =	vmin.scan.msk.u32 $0xffff, v2;
	_ =	sdelay $0x5  }
0x374: {  	v2, _, _ =	vpop (xrf0)  }
0x375: {  	(v2sf) =	vpush v2, $0xF;
	_ =	sdelay $0xe  }
0x376: {  	s9 =	spop (v2sf)  }
0x377: {  	p2 =	sne.s32 s9, $0x80000000  }
0x378: {  	s9 =	simm.s32 @!p2 $0x0;
	s10 =	simm.s32 @!p2 $0x11300;
	s11 =	simm.s32 @!p2 $0x11  }
0x379: {  	[tilespmem:s10], [sflag:$0x11] =	stream.linear.gather @!p2 [hbm4b:s17+s9], $0x10, $0x38;
	[tilespmem:$0x11400] =	vst v63  }
0x37a: {  	_ =	swait.ge @!p2 [sflag:s11], $0x10  }
0x37b: {  	[sflag:s11] =	ssyncset.done @!p2 $0x0  }
0x37c: {  	[sflag:s11] =	ssyncadd.s32 @!p2 $0xFFFFFFF0  }
0x37d: {  	[tilespmem:s10], [sflag:$0x11] =	stream.linear.gather @!p2 [hbm4b:s17+s9], $0x10, $0x38;
	[tilespmem:$0x11400] =	vst v63  }
0x37e: {  	_ =	swait.ge @!p2 [sflag:s11], $0x10  }
0x37f: {  	[sflag:s11] =	ssyncset.done @!p2 $0x0  }
0x380: {  	[sflag:s11] =	ssyncadd.s32 @!p2 $0xFFFFFFF0  }
0x381: {  	[tilespmem:s10], [sflag:$0x11] =	stream.linear.gather @!p2 [hbm4b:s17+s9], $0x10, $0x38;
	[tilespmem:$0x11400] =	vst v63  }
0x382: {  	_ =	swait.ge @!p2 [sflag:s11], $0x10  }
0x383: {  	[sflag:s11] =	ssyncset.done @!p2 $0x0  }
0x384: {  	[sflag:s11] =	ssyncadd.s32 @!p2 $0xFFFFFFF0  }
0x385: {  	[tilespmem:s10], [sflag:$0x11] =	stream.linear.gather @!p2 [hbm4b:s17+s9], $0x10, $0x38;
	[tilespmem:$0x11400] =	vst v63  }
0x386: {  	_ =	swait.ge @!p2 [sflag:s11], $0x10  }
0x387: {  	[sflag:s11] =	ssyncset.done @!p2 $0x0  }
0x388: {  	[sflag:s11] =	ssyncadd.s32 @!p2 $0xFFFFFFF0  }
0x389: {  	v2 =	vld @!p2 [tilespmem:$0x11300];
	_ =	sdelay $0x1  }
.Ltmp11:
0x38a: {  	(pc) =	sbr.rel @p3 .LBB2_24-.Ltmp11, $3  }
0x38b: {  	_ =	sdelay $0x1  }
0x38c: {  	vm0 =	veq.s32 @!p2 v2, $0x5CA1AB01;
	v2 =	vimm.s32 @!p2 $0x0  }
0x38d: {  	v2 =	vsel @!p2 vm0, $0x1, v2  }
0x38e: {  	[tilespmem:$0x11380] =	vst @!p2 v2;
	s1 =	rddreg [dreg:$0xf];
	s9 =	simm.s32 $0xFA80  }
0x38f: {  	[tilespmem:s9], [sflag:$0x12] =	stream.linear.gather [hbm4b:s1+s5], $0x1880, $0x38;
	[tilespmem:$0x11400] =	vst v63  }
0x390: {  	_ =	swait.ge [sflag:s12], $0x1880  }
0x391: {  	[sflag:s12] =	ssyncset.done $0x0  }
0x392: {  	s16 =	simm.s32 $0xFAC0;
	[sflag:s12] =	ssyncadd.s32 $0xFFFFE780  }
0x393: {  	v1 =	vld [tilespmem:s16+$0xFFFFFFC0]  }
0x394: {  	s18 =	simm.s32 $0xE240;
	v2 =	vld [tilespmem:s16+$0xFFFFFFD0]  }
0x395: {  	v3 =	vld [tilespmem:s18+$0xFFFFFFC0]  }
0x396: {  	v4 =	vld [tilespmem:s18+$0xFFFFFFD0];
	_ =	sdelay $0x2  }
0x397: {  	v5 =	vld [tilespmem:s16+$0xFFFFFFF0]  }
0x398: {  	v6 =	vld [tilespmem:s16+$0xFFFFFFE0];
	v1 =	vadd.f32 v1, v3  }
0x399: {  	v7 =	vld [tilespmem:s16+$0x30];
	v2 =	vadd.f32 v2, v4  }
0x39a: {  	v8 =	vld [tilespmem:s16+$0x20];
	v1 =	vmax.f32 v1, $0.0e+00  }
0x39b: {  	v9 =	vld [tilespmem:s18+$0xFFFFFFE0];
	v2 =	vmax.f32 v2, $0.0e+00;
	v1 =	vmin.f32 v1, $1.000000000e+01  }
0x39c: {  	v10 =	vld [tilespmem:s18+$0x30];
	v2 =	vmin.f32 v2, $1.000000000e+01;
	v1 =	vsub.f32 $0.0e+00, v1  }
0x39d: {  	v11 =	vld [tilespmem:s18+$0xFFFFFFF0];
	v2 =	vsub.f32 $0.0e+00, v2  }
0x39e: {  	s1 =	simm.s32 $0xC9C0;
	v12 =	vld [tilespmem:s18+$0x20];
	v1 =	vmul.f32 $1.442695020e+00, v1  }
0x39f: {  	v13 =	vld [tilespmem:s1+$0xFFFFFFD0];
	v2 =	vmul.f32 $1.442695020e+00, v2  }
0x3a0: {  	v3 =	vld [tilespmem:s16+$0x0];
	(erf) = vpow2.f32 v1  }
0x3a1: {  	v4 =	vld [tilespmem:s18+$0x0];
	v7 =	vadd.f32 v7, v10;
	(erf) = vpow2.f32 v2;
	v2 =	vadd.f32 v6, v9  }
0x3a2: {  	v1 =	vld [tilespmem:s16+$0x10]  }
0x3a3: {  	s20 =	simm.s32 $0xFB40;
	v7 =	vmax.f32 v7, $0.0e+00;
	v6 =	vld [tilespmem:s18+$0x10];
	v2 =	vmax.f32 v2, $0.0e+00  }
0x3a4: {  	s10 =	simm.s32 $0xE2C0;
	v14 =	vld [tilespmem:s20+$0xFFFFFFF0];
	v7 =	vmin.f32 v7, $1.000000000e+01;
	v2 =	vmin.f32 v2, $1.000000000e+01  }
0x3a5: {  	v16 =	vld [tilespmem:s10+$0xFFFFFFD0];
	v7 =	vsub.f32 $0.0e+00, v7;
	v2 =	vsub.f32 $0.0e+00, v2  }
0x3a6: {  	v17 =	vld [tilespmem:s10+$0x0];
	v5 =	vadd.f32 v5, v11  }
0x3a7: {  	v18 =	vld [tilespmem:s20+$0x30];
	v8 =	vadd.f32 v8, v12;
	v3 =	vadd.f32 v3, v4;
	v2 =	vmul.f32 $1.442695020e+00, v2  }
0x3a8: {  	v10 =	vld [tilespmem:s1+$0xFFFFFFC0];
	v4 =	vmax.f32 v5, $0.0e+00;
	v1 =	vadd.f32 v1, v6;
	v6 =	vmul.f32 $1.442695020e+00, v7  }
0x3a9: {  	v11 =	vld [tilespmem:s20+$0xFFFFFFC0];
	v5 =	vmax.f32 v8, $0.0e+00;
	v3 =	vmax.f32 v3, $0.0e+00;
	v7 =	vpop (erf);
	(erf) = vpow2.f32 v2  }
0x3aa: {  	v5 =	vmin.f32 v5, $1.000000000e+01;
	v3 =	vmin.f32 v3, $1.000000000e+01;
	v15 =	vpop (erf);
	(erf) = vpow2.f32 v6;
	v6 =	vld [tilespmem:s10+$0xFFFFFFC0]  }
0x3ab: {  	v12 =	vld [tilespmem:s20+$0xFFFFFFD0];
	v4 =	vmin.f32 v4, $1.000000000e+01;
	v5 =	vsub.f32 $0.0e+00, v5;
	v3 =	vsub.f32 $0.0e+00, v3  }
0x3ac: {  	v19 =	vld [tilespmem:s20+$0x20];
	v4 =	vsub.f32 $0.0e+00, v4;
	v1 =	vmax.f32 v1, $0.0e+00;
	v7 =	vsub.f32 $1.000000000e+00, v7  }
0x3ad: {  	v3 =	vmul.f32 $1.442695020e+00, v3;
	v2 =	vld [tilespmem:s20+$0x0];
	v1 =	vmin.f32 v1, $1.000000000e+01;
	v15 =	vsub.f32 $1.000000000e+00, v15  }
0x3ae: {  	v8 =	vld [tilespmem:s20+$0xFFFFFFE0];
	v5 =	vmul.f32 $1.442695020e+00, v5;
	v1 =	vsub.f32 $0.0e+00, v1;
	v7 =	vmul.f32 v7, v10  }
0x3af: {  	(erf) = vpow2.f32 v3;
	v15 =	vmul.f32 v15, v13;
	v3 =	vadd.f32 v11, v6;
	v6 =	vld [tilespmem:s10+$0xFFFFFFF0]  }
0x3b0: {  	v9 =	vld [tilespmem:s1+$0x30];
	v1 =	vmul.f32 $1.442695020e+00, v1;
	v11 =	vadd.f32 v12, v16;
	v16 =	vsub.f32 $1.000000000e+00, v7  }
0x3b1: {  	v4 =	vmul.f32 $1.442695020e+00, v4;
	(erf) = vpow2.f32 v5;
	v20 =	vsub.f32 $1.000000000e+00, v15;
	v12 =	vld [tilespmem:s10+$0xFFFFFFE0]  }
0x3b2: {  	v5 =	vadd.f32 v2, v17;
	v3 =	vmax.f32 v3, $0.0e+00;
	v10 =	vmul.f32 v16, v10;
	v16 =	vld [tilespmem:s10+$0x30]  }
0x3b3: {  	v20 =	vmul.f32 v20, v13;
	v13 =	vld [tilespmem:s10+$0x20];
	v11 =	vmax.f32 v11, $0.0e+00;
	v2 =	vpop (erf);
	v3 =	vmin.f32 v3, $1.000000000e+01  }
0x3b4: {  	(erf) = vpow2.f32 v1;
	v1 =	vpop (erf);
	v3 =	vsub.f32 $0.0e+00, v3;
	v6 =	vadd.f32 v14, v6  }
0x3b5: {  	v11 =	vmin.f32 v11, $1.000000000e+01;
	(erf) = vpow2.f32 v4;
	v14 =	vld [tilespmem:s20+$0x10];
	v1 =	vsub.f32 $1.000000000e+00, v1  }
0x3b6: {  	v8 =	vadd.f32 v8, v12;
	v12 =	vld [tilespmem:s10+$0x10];
	v3 =	vmul.f32 $1.442695020e+00, v3;
	v6 =	vmax.f32 v6, $0.0e+00  }
0x3b7: {  	v17 =	vmul.f32 v1, v9;
	v1 =	vsub.f32 $0.0e+00, v11;
	v11 =	vadd.f32 v18, v16  }
0x3b8: {  	v13 =	vadd.f32 v19, v13;
	v18 =	vsub.f32 $1.000000000e+00, v2;
	v8 =	vmax.f32 v8, $0.0e+00  }
0x3b9: {  	s10 =	simm.s32 $0xB140;
	v2 =	vld [tilespmem:s1+$0xFFFFFFE0];
	v16 =	vmin.f32 v6, $1.000000000e+01;
	(erf) = vpow2.f32 v3;
	v11 =	vmax.f32 v11, $0.0e+00  }
0x3ba: {  	[tilespmem:s10+$0xFFFFFFC0] =	vst v7;
	v3 =	vld [tilespmem:s1+$0x0];
	v7 =	vmin.f32 v8, $1.000000000e+01;
	v1 =	vmul.f32 $1.442695020e+00, v1;
	v19 =	vsub.f32 $1.000000000e+00, v17  }
0x3bb: {  	[tilespmem:s10+$0xFFFFFFD0] =	vst v15;
	v6 =	vld [tilespmem:s1+$0xFFFFFFF0];
	v4 =	vmax.f32 v13, $0.0e+00;
	v22 =	vsub.f32 $0.0e+00, v7;
	v12 =	vadd.f32 v14, v12;
	v14 =	vpop (erf)  }
0x3bc: {  	[tilespmem:s1+$0xFFFFFFD0] =	vst v20;
	v13 =	vld [tilespmem:s1+$0x20];
	v4 =	vmin.f32 v4, $1.000000000e+01;
	v21 =	vmin.f32 v11, $1.000000000e+01;
	v11 =	vpop (erf);
	(erf) = vpow2.f32 v1  }
0x3bd: {  	s9 =	simm.s32 $0xCA40;
	[tilespmem:s1+$0xFFFFFFC0] =	vst v10;
	v8 =	vld [tilespmem:s1+$0x10];
	v20 =	vsub.f32 $0.0e+00, v4;
	v19 =	vmul.f32 v19, v9  }
0x3be: {  	[tilespmem:s10+$0x30] =	vst v17;
	v7 =	vsub.f32 $0.0e+00, v16;
	v4 =	vld [tilespmem:s9+$0xFFFFFFC0];
	v16 =	vmul.f32 $1.442695020e+00, v22  }
0x3bf: {  	s14 =	simm.s32 $0xE340;
	s11 =	simm.s32 $0xB140;
	v9 =	vld [tilespmem:s9+$0xFFFFFFD0];
	v10 =	vmax.f32 v12, $0.0e+00;
	v15 =	vsub.f32 $1.000000000e+00, v11;
	v17 =	vpop (erf);
	v12 =	vmul.f32 $1.442695020e+00, v20;
	[tilespmem:s1+$0x30] =	vst v19  }
0x3c0: {  	s12 =	simm.s32 $0x8;
	s18 =	simm.s32 $0xFBC0;
	v1 =	vld [tilespmem:s9+$0x30];
	v11 =	vmul.f32 v18, v2;
	v18 =	vsub.f32 $0.0e+00, v21;
	v17 =	vsub.f32 $1.000000000e+00, v17;
	s20 =	rddreg [dreg:$0x1e]  }
.LBB2_26:
0x3c1: {  	v19 =	vld [tilespmem:s18+$0xFFFFFFC0];
	s12 =	sadd.s32 $0x8, s12;
	v5 =	vmax.f32 v5, $0.0e+00;
	v14 =	vsub.f32 $1.000000000e+00, v14;
	v15 =	vmul.f32 v15, v13;
	s10 =	sadd.s32 $0x80, s10;
	v20 =	vpop (erf)  }
0x3c2: {  	v21 =	vld [tilespmem:s18+$0xFFFFFFD0];
	p2 =	slt.u32 s12, $0x180;
	v18 =	vmul.f32 $1.442695020e+00, v18;
	v22 =	vpop (erf);
	v25 =	vsub.f32 $1.000000000e+00, v20;
	v17 =	vmul.f32 v17, v8  }
0x3c3: {  	v5 =	vmin.f32 v5, $1.000000000e+01;
	v23 =	vld [tilespmem:s18+$0xFFFFFFF0];
	(erf) = vpow2.f32 v16;
	v16 =	vsub.f32 $1.000000000e+00, v15  }
0x3c4: {  	v5 =	vsub.f32 $0.0e+00, v5;
	v24 =	vld [tilespmem:s18+$0xFFFFFFE0];
	(erf) = vpow2.f32 v18;
	v18 =	vmul.f32 v25, v6;
	[tilespmem:s11+$0x20] =	vst v15  }
0x3c5: {  	v14 =	vmul.f32 v14, v3;
	v25 =	vsub.f32 $1.000000000e+00, v17;
	v15 =	vld [tilespmem:s18+$0x0];
	v20 =	vpop (erf);
	[tilespmem:s11+$0xFFFFFFE0] =	vst v11;
	v13 =	vmul.f32 v16, v13  }
0x3c6: {  	v5 =	vmul.f32 $1.442695020e+00, v5;
	v16 =	vld [tilespmem:s14+$0xFFFFFFC0];
	v20 =	vsub.f32 $1.000000000e+00, v20;
	v26 =	vsub.f32 $1.000000000e+00, v18;
	[tilespmem:s11+$0x10] =	vst v17  }
0x3c7: {  	v22 =	vsub.f32 $1.000000000e+00, v22;
	v8 =	vmul.f32 v25, v8;
	v17 =	vld [tilespmem:s14+$0xFFFFFFD0];
	[tilespmem:s11+$0xFFFFFFF0] =	vst v18;
	v18 =	vsub.f32 $1.000000000e+00, v14  }
0x3c8: {  	v11 =	vsub.f32 $1.000000000e+00, v11;
	v25 =	vld [tilespmem:s14+$0x0];
	v20 =	vmul.f32 v20, v9;
	v6 =	vmul.f32 v26, v6;
	[tilespmem:s1+$0x20] =	vst v13  }
0x3c9: {  	v13 =	vld [tilespmem:s18+$0x30];
	(erf) = vpow2.f32 v5;
	[tilespmem:s11+$0x0] =	vst v14;
	v3 =	vmul.f32 v18, v3;
	s11 =	smov.u32 s10  }
0x3ca: {  	v10 =	vmin.f32 v10, $1.000000000e+01;
	v18 =	vmul.f32 v22, v4;
	v14 =	vld [tilespmem:s18+$0x20];
	[tilespmem:s10+$0xFFFFFFD0] =	vst v20;
	v5 =	vsub.f32 $1.000000000e+00, v20  }
0x3cb: {  	v10 =	vsub.f32 $0.0e+00, v10;
	v22 =	vadd.f32 v19, v16;
	v19 =	vld [tilespmem:s14+$0xFFFFFFF0];
	(erf) = vpow2.f32 v12;
	[tilespmem:s1+$0x0] =	vst v3  }
0x3cc: {  	v3 =	vadd.f32 v21, v17;
	v12 =	vld [tilespmem:s14+$0xFFFFFFE0];
	v17 =	vsub.f32 $1.000000000e+00, v18;
	v9 =	vmul.f32 v5, v9;
	v20 =	vpop (erf);
	[tilespmem:s1+$0xFFFFFFF0] =	vst v6  }
0x3cd: {  	v10 =	vmul.f32 $1.442695020e+00, v10;
	v6 =	vmax.f32 v22, $0.0e+00;
	v5 =	vadd.f32 v15, v25;
	v15 =	vld [tilespmem:s14+$0x20];
	[tilespmem:s10+$0xFFFFFFC0] =	vst v18;
	v16 =	vpop (erf)  }
0x3ce: {  	v2 =	vmul.f32 v11, v2;
	v6 =	vmin.f32 v6, $1.000000000e+01;
	v3 =	vmax.f32 v3, $0.0e+00;
	v18 =	vld [tilespmem:s14+$0x30];
	[tilespmem:s9+$0xFFFFFFD0] =	vst v9  }
0x3cf: {  	v4 =	vmul.f32 v17, v4;
	v6 =	vsub.f32 $0.0e+00, v6;
	(erf) = vpow2.f32 v10;
	[tilespmem:s1+$0x10] =	vst v8  }
0x3d0: {  	v7 =	vmul.f32 $1.442695020e+00, v7;
	v10 =	vsub.f32 $1.000000000e+00, v16;
	v8 =	vadd.f32 v23, v19;
	v9 =	vld [tilespmem:s18+$0x10];
	[tilespmem:s1+$0xFFFFFFE0] =	vst v2;
	s1 =	smov.u32 s9  }
0x3d1: {  	v3 =	vmin.f32 v3, $1.000000000e+01;
	v2 =	vmul.f32 $1.442695020e+00, v6;
	v6 =	vadd.f32 v24, v12;
	v11 =	vld [tilespmem:s14+$0x10];
	[tilespmem:s9+$0xFFFFFFC0] =	vst v4  }
0x3d2: {  	v10 =	vmul.f32 v10, v1;
	v17 =	vmax.f32 v8, $0.0e+00;
	v8 =	vadd.f32 v14, v15;
	v14 =	vpop (erf)  }
0x3d3: {  	v12 =	vsub.f32 $0.0e+00, v3;
	v13 =	vadd.f32 v13, v18;
	(erf) = vpow2.f32 v7  }
0x3d4: {  	v16 =	vsub.f32 $1.000000000e+00, v20;
	v7 =	vmin.f32 v17, $1.000000000e+01;
	(erf) = vpow2.f32 v2;
	v3 =	vld [tilespmem:s9+$0x0];
	[tilespmem:s10+$0x30] =	vst v10;
	v4 =	vpop (erf)  }
0x3d5: {  	v12 =	vmul.f32 $1.442695020e+00, v12;
	v8 =	vmax.f32 v8, $0.0e+00;
	v13 =	vmax.f32 v13, $0.0e+00;
	v2 =	vld [tilespmem:s9+$0xFFFFFFE0]  }
0x3d6: {  	v15 =	vmax.f32 v6, $0.0e+00;
	v9 =	vadd.f32 v9, v11;
	v6 =	vld [tilespmem:s9+$0xFFFFFFF0];
	v11 =	vsub.f32 $1.000000000e+00, v10  }
.Ltmp12:
0x3d7: {  	v8 =	vmin.f32 v8, $1.000000000e+01;
	v17 =	vmin.f32 v13, $1.000000000e+01;
	s9 =	sadd.s32 $0x80, s9;
	(erf) = vpow2.f32 v12;
	v13 =	vld [tilespmem:s1+$0x20];
	(pc) =	sbr.rel @p2 .LBB2_26-.Ltmp12, $4  }
0x3d8: {  	v12 =	vmin.f32 v15, $1.000000000e+01;
	v10 =	vmax.f32 v9, $0.0e+00;
	v9 =	vsub.f32 $0.0e+00, v8;
	v8 =	vld [tilespmem:s1+$0x10];
	v19 =	vpop (erf)  }
0x3d9: {  	v15 =	vsub.f32 $1.000000000e+00, v4;
	v18 =	vsub.f32 $0.0e+00, v12;
	v20 =	vmul.f32 v11, v1;
	v1 =	vld [tilespmem:s9+$0x30]  }
0x3da: {  	v7 =	vsub.f32 $0.0e+00, v7;
	v4 =	vld [tilespmem:s9+$0xFFFFFFC0];
	v12 =	vmul.f32 $1.442695020e+00, v9;
	v11 =	vmul.f32 v16, v2  }
0x3db: {  	s18 =	sadd.s32 $0x80, s18;
	s14 =	sadd.s32 $0x80, s14;
	v16 =	vmul.f32 $1.442695020e+00, v18;
	v18 =	vsub.f32 $0.0e+00, v17;
	v17 =	vsub.f32 $1.000000000e+00, v19;
	v9 =	vld [tilespmem:s9+$0xFFFFFFD0];
	[tilespmem:s1+$0x30] =	vst v20  }
0x3dc: {  	_ = 	snop  }
0x3dd: {  	v18 =	vmul.f32 $1.442695020e+00, v18  }
0x3de: {  	v5 =	vmax.f32 v5, $0.0e+00;
	(erf) = vpow2.f32 v16  }
0x3df: {  	v15 =	vmul.f32 v15, v13;
	v34 =	vpop (erf);
	v5 =	vmin.f32 v5, $1.000000000e+01;
	(erf) = vpow2.f32 v18  }
0x3e0: {  	v14 =	vsub.f32 $1.000000000e+00, v14;
	v10 =	vmin.f32 v10, $1.000000000e+01;
	v5 =	vsub.f32 $0.0e+00, v5  }
0x3e1: {  	v7 =	vmul.f32 $1.442695020e+00, v7;
	v46 =	vsub.f32 $1.000000000e+00, v11;
	v16 =	vsub.f32 $1.000000000e+00, v34  }
0x3e2: {  	[tilespmem:s11+$0xFFFFFFE0] =	vst v11;
	v17 =	vmul.f32 v17, v8;
	v10 =	vsub.f32 $0.0e+00, v10;
	v5 =	vmul.f32 $1.442695020e+00, v5  }
0x3e3: {  	v19 =	vpop (erf);
	v35 =	vsub.f32 $1.000000000e+00, v15;
	[tilespmem:s11+$0x20] =	vst v15;
	v14 =	vmul.f32 v14, v3;
	v2 =	vmul.f32 v46, v2  }
0x3e4: {  	v41 =	vsub.f32 $1.000000000e+00, v19;
	[tilespmem:s11+$0x10] =	vst v17;
	v10 =	vmul.f32 $1.442695020e+00, v10;
	(erf) = vpow2.f32 v5  }
0x3e5: {  	v16 =	vmul.f32 v16, v6;
	v36 =	vpop (erf);
	v39 =	vsub.f32 $1.000000000e+00, v14;
	[tilespmem:s11+$0x0] =	vst v14;
	(erf) = vpow2.f32 v12  }
0x3e6: {  	v37 =	vmul.f32 v35, v13;
	[tilespmem:s1+$0xFFFFFFE0] =	vst v2;
	v38 =	vsub.f32 $1.000000000e+00, v36;
	(erf) = vpow2.f32 v10  }
0x3e7: {  	v45 =	vsub.f32 $1.000000000e+00, v17;
	[tilespmem:s11+$0xFFFFFFF0] =	vst v16;
	v3 =	vmul.f32 v39, v3;
	v42 =	vpop (erf);
	(erf) = vpow2.f32 v7  }
0x3e8: {  	v40 =	vsub.f32 $1.000000000e+00, v16;
	[tilespmem:s1+$0x20] =	vst v37;
	v5 =	vmul.f32 v38, v9;
	v43 =	vpop (erf)  }
0x3e9: {  	s10 =	sadd.s32 $0x80, s10;
	v48 =	vmul.f32 v45, v8;
	v10 =	vmul.f32 v41, v4;
	[tilespmem:s1+$0x0] =	vst v3;
	v3 =	vsub.f32 $1.000000000e+00, v43  }
0x3ea: {  	v47 =	vld [tilespmem:s9+$0x0];
	v44 =	vmul.f32 v40, v6;
	[tilespmem:s10+$0xFFFFFFD0] =	vst v5;
	v5 =	vsub.f32 $1.000000000e+00, v5  }
0x3eb: {  	v52 =	vld [tilespmem:s9+$0xFFFFFFE0];
	[tilespmem:s1+$0x10] =	vst v48;
	v49 =	vsub.f32 $1.000000000e+00, v10;
	v3 =	vmul.f32 v3, v1  }
0x3ec: {  	v50 =	vld [tilespmem:s9+$0x20];
	[tilespmem:s1+$0xFFFFFFF0] =	vst v44;
	v5 =	vmul.f32 v5, v9  }
0x3ed: {  	v56 =	vld [tilespmem:s9+$0x10];
	[tilespmem:s10+$0xFFFFFFC0] =	vst v10;
	v53 =	vmul.f32 v49, v4;
	v51 =	vpop (erf);
	v55 =	vsub.f32 $1.000000000e+00, v3  }
0x3ee: {  	v2 =	vld [tilespmem:s9+$0xFFFFFFF0];
	v57 =	vsub.f32 $1.000000000e+00, v42;
	[tilespmem:s9+$0xFFFFFFD0] =	vst v5;
	v54 =	vpop (erf)  }
0x3ef: {  	[tilespmem:s9+$0xFFFFFFC0] =	vst v53;
	v5 =	vsub.f32 $1.000000000e+00, v51;
	v8 =	vsub.f32 $1.000000000e+00, v54;
	v58 =	vpop (erf);
	v1 =	vmul.f32 v55, v1  }
0x3f0: {  	v4 =	vmul.f32 v57, v52;
	[tilespmem:s10+$0x30] =	vst v3;
	v3 =	vsub.f32 $1.000000000e+00, v58;
	v59 =	vpop (erf)  }
0x3f1: {  	v5 =	vmul.f32 v5, v47;
	v8 =	vmul.f32 v8, v50;
	[tilespmem:s9+$0x30] =	vst v1;
	v1 =	vsub.f32 $1.000000000e+00, v59  }
0x3f2: {  	[tilespmem:s10+$0xFFFFFFE0] =	vst v4  }
0x3f3: {  	v3 =	vmul.f32 v3, v56;
	[tilespmem:s10+$0x0] =	vst v5;
	v60 =	vsub.f32 $1.000000000e+00, v8;
	v1 =	vmul.f32 v1, v2  }
0x3f4: {  	v62 =	vsub.f32 $1.000000000e+00, v5;
	[tilespmem:s10+$0x20] =	vst v8  }
0x3f5: {  	[tilespmem:s10+$0x10] =	vst v3;
	v61 =	vmul.f32 v60, v50;
	v63 =	vsub.f32 $1.000000000e+00, v1  }
0x3f6: {  	[tilespmem:s10+$0xFFFFFFF0] =	vst v1;
	v1 =	vsub.f32 $1.000000000e+00, v3;
	v3 =	vmul.f32 v62, v47  }
0x3f7: {  	v4 =	vsub.f32 $1.000000000e+00, v4;
	[tilespmem:s9+$0x20] =	vst v61;
	v2 =	vmul.f32 v63, v2  }
0x3f8: {  	v1 =	vmul.f32 v1, v56;
	[tilespmem:s9+$0x0] =	vst v3  }
0x3f9: {  	[tilespmem:s9+$0xFFFFFFF0] =	vst v2;
	v2 =	vmul.f32 v4, v52  }
0x3fa: {  	[tilespmem:s9+$0x10] =	vst v1  }
0x3fb: {  	s10 =	simm.s32 $0x12;
	[tilespmem:s9+$0xFFFFFFE0] =	vst v2;
	s9 =	simm.s32 $0xB100  }
0x3fc: {  	[spmem:s21] =	stream.linear.scatter [tilespmem:s9], [sflag:$0x12], $0x1880, $0x38;
	[tilespmem:$0x11400] =	vst v63  }
0x3fd: {  	_ =	swait.ge [sflag:s10], $0x1880  }
0x3fe: {  	[sflag:s10] =	ssyncset.done $0x0  }
0x3ff: {  	[sflag:s10] =	ssyncadd.s32 $0xFFFFE780  }
0x400: {  	[bflag:$0x0] =	sbarrier.arrive $0xFFFF  }
0x401: {  	s1 =	simm.s32 $0x0;
	s10 =	simm.s32 $0x3100;
	s11 =	rddreg [dreg:$0x10]  }
0x402: {  	[tilespmem:s10], [sflag:$0x1] =	stream.linear.gather [hbm4b:s11+s1], $0x7D0, $0x38;
	[tilespmem:$0x11400] =	vst v63  }
0x403: {  	s14 =	simm.s32 $0x5100;
	s12 =	rddreg [dreg:$0x12]  }
0x404: {  	[tilespmem:s14], [sflag:$0x1] =	stream.linear.gather [hbm4b:s12+s1], $0x7D0, $0x38;
	[tilespmem:$0x11400] =	vst v63  }
0x405: {  	s18 =	simm.s32 $0x7100;
	s16 =	rddreg [dreg:$0x15]  }
0x406: {  	[tilespmem:s18], [sflag:$0x1] =	stream.linear.gather [hbm4b:s16+s1], $0x7D0, $0x38;
	[tilespmem:$0x11400] =	vst v63  }
0x407: {  	s12 =	rddreg [dreg:$0x16];
	s14 =	simm.s32 $0x3900  }
0x408: {  	[tilespmem:s14], [sflag:$0x2] =	stream.linear.gather [hbm4b:s12+s1], $0x7D0, $0x38;
	[tilespmem:$0x11400] =	vst v63  }
0x409: {  	s16 =	rddreg [dreg:$0x17];
	s18 =	simm.s32 $0x5900  }
0x40a: {  	[tilespmem:s18], [sflag:$0x2] =	stream.linear.gather [hbm4b:s16+s1], $0x7D0, $0x38;
	[tilespmem:$0x11400] =	vst v63  }
0x40b: {  	s12 =	rddreg [dreg:$0x19];
	s14 =	simm.s32 $0x7900;
	s16 =	simm.s32 $0x1  }
0x40c: {  	[tilespmem:s14], [sflag:$0x2] =	stream.linear.gather [hbm4b:s12+s1], $0x7D0, $0x38;
	[tilespmem:$0x11400] =	vst v63  }
0x40d: {  	_ =	swait.ge [sflag:s16], $0x7D0  }
0x40e: {  	[sflag:s16] =	ssyncset.done $0x0  }
0x40f: {  	[sflag:s16] =	ssyncadd.s32 $0xFFFFF830  }
0x410: {  	_ =	swait.ge [sflag:s16], $0x7D0  }
0x411: {  	[sflag:s16] =	ssyncset.done $0x0  }
0x412: {  	[sflag:s16] =	ssyncadd.s32 $0xFFFFF830  }
0x413: {  	_ =	swait.ge [sflag:s16], $0x7D0  }
0x414: {  	[sflag:s16] =	ssyncset.done $0x0  }
0x415: {  	s18 =	simm.s32 $0x9100;
	[sflag:s16] =	ssyncadd.s32 $0xFFFFF830  }
0x416: {  	[tilespmem:s18], [sflag:$0xD] =	stream.indirect.gather [spmem:s3], $0x1, s10, s15, $0xb8;
	[tilespmem:$0x11400] =	vst v63  }
0x417: {  	s18 =	rddreg [dreg:$0x1c]  }
.LBB2_28:
0x418: {  	p2 =	seq.s32 s1, $0x0;
	s9 =	smul.u32 $0x1F40, s1  }
0x419: {  	s10 =	simm.s32 @!p2 $0x7  }
0x41a: {  	_ =	swait.ge @!p2 [sflag:s10], $0x7D0;
	s11 =	sadd.s32 s9, s22  }
0x41b: {  	[sflag:s10] =	ssyncset.done @!p2 $0x0;
	s11 =	sshrl.u32 s11, $0x3  }
0x41c: {  	s12 =	simm.s32 $0x4100;
	[sflag:s10] =	ssyncadd.s32 @!p2 $0xFFFFF830;
	s16 =	sadd.s32 s6, s11  }
0x41d: {  	[tilespmem:s12], [sflag:$0x3] =	stream.linear.gather [hbm4b:s16+s5], $0x7D0, $0x38;
	[tilespmem:$0x11400] =	vst v63  }
0x41e: {  	s14 =	sadd.s32 s7, s11;
	s16 =	simm.s32 $0x6100  }
0x41f: {  	[tilespmem:s16], [sflag:$0x3] =	stream.linear.gather [hbm4b:s14+s5], $0x7D0, $0x38;
	[tilespmem:$0x11400] =	vst v63  }
0x420: {  	s14 =	sadd.s32 s2, s11;
	s16 =	simm.s32 $0x8100  }
0x421: {  	[tilespmem:s16], [sflag:$0x3] =	stream.linear.gather [hbm4b:s14+s5], $0x7D0, $0x38;
	[tilespmem:$0x11400] =	vst v63  }
0x422: {  	_ =	swait.ge [sflag:s25], $0x7D0  }
0x423: {  	[sflag:s25] =	ssyncset.done $0x0  }
0x424: {  	[sflag:s25] =	ssyncadd.s32 $0xFFFFF830  }
0x425: {  	_ =	swait.ge [sflag:s26], $0x7D0  }
0x426: {  	[sflag:s26] =	ssyncset.done $0x0  }
0x427: {  	[sflag:s26] =	ssyncadd.s32 $0xFFFFF830  }
0x428: {  	_ =	swait.ge [sflag:s26], $0x7D0  }
0x429: {  	[sflag:s26] =	ssyncset.done $0x0  }
0x42a: {  	[sflag:s26] =	ssyncadd.s32 $0xFFFFF830  }
0x42b: {  	_ =	swait.ge [sflag:s26], $0x7D0  }
0x42c: {  	s12 =	simm.s32 $0x3900;
	[sflag:s26] =	ssyncset.done $0x0  }
0x42d: {  	s14 =	simm.s32 $0x9900;
	s16 =	simm.s32 $0x7140;
	[sflag:s26] =	ssyncadd.s32 $0xFFFFF830  }
0x42e: {  	[tilespmem:s14], [sflag:$0xE] =	stream.indirect.gather [spmem:s3], $0x1, s12, s15, $0xb8;
	[tilespmem:$0x11400] =	vst v63  }
0x42f: {  	s10 =	simm.s32 $0x9140;
	v2 =	vld [tilespmem:s16+$0x30]  }
0x430: {  	v3 =	vld [tilespmem:s10+$0x30]  }
0x431: {  	v1 =	vld [tilespmem:s10+$0xFFFFFFC0]  }
0x432: {  	v4 =	vld [tilespmem:s16+$0xFFFFFFD0]  }
0x433: {  	v5 =	vld [tilespmem:s10+$0xFFFFFFD0]  }
0x434: {  	v6 =	vld [tilespmem:s16+$0xFFFFFFE0]  }
0x435: {  	v7 =	vld [tilespmem:s10+$0xFFFFFFE0]  }
0x436: {  	v8 =	vld [tilespmem:s16+$0xFFFFFFF0]  }
0x437: {  	v9 =	vld [tilespmem:s10+$0xFFFFFFF0]  }
0x438: {  	v10 =	vld [tilespmem:s16+$0x0]  }
0x439: {  	v11 =	vld [tilespmem:s10+$0x0];
	v3 =	vmul.f32 v3, v2  }
0x43a: {  	v5 =	vmul.f32 v5, v4;
	v2 =	vld [tilespmem:s16+$0x10]  }
0x43b: {  	v6 =	vmul.f32 v7, v6;
	v4 =	vld [tilespmem:s10+$0x10];
	[tilespmem:s10+$0x30] =	vst v3  }
0x43c: {  	v7 =	vmul.f32 v9, v8;
	[tilespmem:s10+$0xFFFFFFD0] =	vst v5;
	v3 =	vld [tilespmem:s16+$0x20]  }
0x43d: {  	[tilespmem:s10+$0xFFFFFFE0] =	vst v6;
	v6 =	vld [tilespmem:s10+$0x20]  }
0x43e: {  	s11 =	simm.s32 $0x9140;
	s12 =	simm.s32 $0x0;
	s14 =	simm.s32 $0x71C0;
	v5 =	vld [tilespmem:s16+$0xFFFFFFC0];
	[tilespmem:s10+$0xFFFFFFF0] =	vst v7;
	v7 =	vmul.f32 v11, v10  }
.LBB2_29:
0x43f: {  	v8 =	vld [tilespmem:s14+$0x30];
	s10 =	sadd.s32 $0x80, s10  }
0x440: {  	s12 =	sadd.s32 $0x8, s12;
	v9 =	vld [tilespmem:s10+$0x30];
	[tilespmem:s11+$0x0] =	vst v7;
	v2 =	vmul.f32 v4, v2  }
0x441: {  	p3 =	slt.u32 s12, $0x70;
	v4 =	vld [tilespmem:s10+$0xFFFFFFC0]  }
0x442: {  	v7 =	vld [tilespmem:s14+$0xFFFFFFD0];
	[tilespmem:s11+$0x10] =	vst v2;
	v2 =	vmul.f32 v6, v3  }
0x443: {  	v3 =	vld [tilespmem:s10+$0xFFFFFFD0];
	v10 =	vmul.f32 v1, v5  }
0x444: {  	v5 =	vld [tilespmem:s14+$0xFFFFFFE0];
	[tilespmem:s11+$0x20] =	vst v2  }
0x445: {  	v2 =	vld [tilespmem:s10+$0xFFFFFFE0];
	v6 =	vmul.f32 v9, v8;
	[tilespmem:s11+$0xFFFFFFC0] =	vst v10;
	s11 =	smov.u32 s10  }
0x446: {  	v8 =	vld [tilespmem:s14+$0xFFFFFFF0];
	v1 =	vmov v4  }
0x447: {  	s16 =	simm.s32 $0x0;
	v9 =	vld [tilespmem:s10+$0xFFFFFFF0];
	[tilespmem:s10+$0x30] =	vst v6  }
0x448: {  	v3 =	vmul.f32 v3, v7;
	v7 =	vld [tilespmem:s14+$0x0]  }
0x449: {  	v10 =	vld [tilespmem:s10+$0x0]  }
.Ltmp13:
0x44a: {  	[tilespmem:s10+$0xFFFFFFD0] =	vst v3;
	v3 =	vmul.f32 v2, v5;
	v2 =	vld [tilespmem:s14+$0x10];
	(pc) =	sbr.rel @p3 .LBB2_29-.Ltmp13, $4  }
0x44b: {  	v4 =	vld [tilespmem:s10+$0x10]  }
0x44c: {  	[tilespmem:s10+$0xFFFFFFE0] =	vst v3;
	v8 =	vmul.f32 v9, v8;
	v3 =	vld [tilespmem:s14+$0x20]  }
0x44d: {  	v6 =	vld [tilespmem:s10+$0x20]  }
0x44e: {  	v5 =	vld [tilespmem:s14+$0xFFFFFFC0];
	[tilespmem:s10+$0xFFFFFFF0] =	vst v8;
	v7 =	vmul.f32 v10, v7;
	s14 =	sadd.s32 $0x80, s14  }
0x44f: {  	_ =	sdelay $0x1  }
0x450: {  	v2 =	vmul.f32 v4, v2  }
0x451: {  	[tilespmem:s11+$0x0] =	vst v7;
	v3 =	vmul.f32 v6, v3  }
0x452: {  	[tilespmem:s11+$0x10] =	vst v2;
	v1 =	vmul.f32 v1, v5  }
0x453: {  	[tilespmem:s11+$0x20] =	vst v3  }
0x454: {  	[tilespmem:s11+$0xFFFFFFC0] =	vst v1  }
.LBB2_31:
0x455: {  	s10 =	sshra.s32 s16, $0x2  }
0x456: {  	v1 =	vld [tilespmem:s10+$0x7880]  }
0x457: {  	v2 =	vld [tilespmem:s10+$0x9880];
	_ =	sdelay $0x1  }
0x458: {  	p3 =	sne.s32 s16, $0x100  }
.Ltmp14:
0x459: {  	_ = 	snop;
	(pc) =	sbr.rel @p3 .LBB2_31-.Ltmp14, $3  }
0x45a: {  	_ = 	snop  }
0x45b: {  	v1 =	vmul.f32 v2, v1;
	_ =	sdelay $0x1  }
0x45c: {  	s16 =	sadd.s32 $0x40, s16;
	[tilespmem:s10+$0x9880] =	vst v1  }
0x45d: {  	s10 =	simm.s32 $0x5100;
	s11 =	simm.s32 $0x9100  }
0x45e: {  	[spmem:s4] =	stream.indirect.scatter.add.f32 [tilespmem:s11], [sflag:$0x5], $0x1, s10, s15, $0xb8;
	[tilespmem:$0x11400] =	vst v63  }
0x45f: {  	s10 =	simm.s32 @!p2 $0x8  }
0x460: {  	s14 =	sadd.s32 s9, s18;
	_ =	swait.ge @!p2 [sflag:s10], $0x7D0  }
0x461: {  	s11 =	sshrl.u32 s14, $0x3;
	[sflag:s10] =	ssyncset.done @!p2 $0x0  }
0x462: {  	s12 =	simm.s32 $0x4900;
	s16 =	sadd.s32 s6, s11;
	[sflag:s10] =	ssyncadd.s32 @!p2 $0xFFFFF830  }
0x463: {  	[tilespmem:s12], [sflag:$0x4] =	stream.linear.gather [hbm4b:s16+s5], $0x7D0, $0x38;
	[tilespmem:$0x11400] =	vst v63  }
0x464: {  	s14 =	sadd.s32 s7, s11;
	s16 =	simm.s32 $0x6900  }
0x465: {  	[tilespmem:s16], [sflag:$0x4] =	stream.linear.gather [hbm4b:s14+s5], $0x7D0, $0x38;
	[tilespmem:$0x11400] =	vst v63  }
0x466: {  	s14 =	sadd.s32 s2, s11;
	s16 =	simm.s32 $0x8900  }
0x467: {  	[tilespmem:s16], [sflag:$0x4] =	stream.linear.gather [hbm4b:s14+s5], $0x7D0, $0x38;
	[tilespmem:$0x11400] =	vst v63  }
0x468: {  	_ =	swait.ge [sflag:s31], $0x7D0  }
0x469: {  	[sflag:s31] =	ssyncset.done $0x0  }
0x46a: {  	[sflag:s31] =	ssyncadd.s32 $0xFFFFF830  }
0x46b: {  	_ =	swait.ge [sflag:s8], $0x7D0  }
0x46c: {  	[sflag:s8] =	ssyncset.done $0x0  }
0x46d: {  	[sflag:s8] =	ssyncadd.s32 $0xFFFFF830  }
0x46e: {  	_ =	swait.ge [sflag:s8], $0x7D0  }
0x46f: {  	[sflag:s8] =	ssyncset.done $0x0  }
0x470: {  	[sflag:s8] =	ssyncadd.s32 $0xFFFFF830  }
0x471: {  	_ =	swait.ge [sflag:s8], $0x7D0  }
0x472: {  	s12 =	simm.s32 $0x4100;
	[sflag:s8] =	ssyncset.done $0x0  }
0x473: {  	s14 =	simm.s32 $0xA100;
	s16 =	simm.s32 $0x7940;
	[sflag:s8] =	ssyncadd.s32 $0xFFFFF830  }
0x474: {  	[tilespmem:s14], [sflag:$0xF] =	stream.indirect.gather [spmem:s3], $0x1, s12, s15, $0xb8;
	[tilespmem:$0x11400] =	vst v63  }
0x475: {  	s10 =	simm.s32 $0x9940;
	v2 =	vld [tilespmem:s16+$0x30]  }
0x476: {  	v3 =	vld [tilespmem:s10+$0x30]  }
0x477: {  	v1 =	vld [tilespmem:s10+$0xFFFFFFC0]  }
0x478: {  	v4 =	vld [tilespmem:s16+$0xFFFFFFD0]  }
0x479: {  	v5 =	vld [tilespmem:s10+$0xFFFFFFD0]  }
0x47a: {  	v6 =	vld [tilespmem:s16+$0xFFFFFFE0]  }
0x47b: {  	v7 =	vld [tilespmem:s10+$0xFFFFFFE0]  }
0x47c: {  	v8 =	vld [tilespmem:s16+$0xFFFFFFF0]  }
0x47d: {  	v9 =	vld [tilespmem:s10+$0xFFFFFFF0]  }
0x47e: {  	v10 =	vld [tilespmem:s16+$0x0]  }
0x47f: {  	v11 =	vld [tilespmem:s10+$0x0];
	v3 =	vmul.f32 v3, v2  }
0x480: {  	v5 =	vmul.f32 v5, v4;
	v2 =	vld [tilespmem:s16+$0x10]  }
0x481: {  	v6 =	vmul.f32 v7, v6;
	v4 =	vld [tilespmem:s10+$0x10];
	[tilespmem:s10+$0x30] =	vst v3  }
0x482: {  	v7 =	vmul.f32 v9, v8;
	[tilespmem:s10+$0xFFFFFFD0] =	vst v5;
	v3 =	vld [tilespmem:s16+$0x20]  }
0x483: {  	[tilespmem:s10+$0xFFFFFFE0] =	vst v6;
	v6 =	vld [tilespmem:s10+$0x20]  }
0x484: {  	s11 =	simm.s32 $0x9940;
	s12 =	simm.s32 $0x0;
	s14 =	simm.s32 $0x79C0;
	v5 =	vld [tilespmem:s16+$0xFFFFFFC0];
	[tilespmem:s10+$0xFFFFFFF0] =	vst v7;
	v7 =	vmul.f32 v11, v10  }
.LBB2_33:
0x485: {  	v8 =	vld [tilespmem:s14+$0x30];
	s10 =	sadd.s32 $0x80, s10  }
0x486: {  	s12 =	sadd.s32 $0x8, s12;
	v9 =	vld [tilespmem:s10+$0x30];
	[tilespmem:s11+$0x0] =	vst v7;
	v2 =	vmul.f32 v4, v2  }
0x487: {  	p2 =	slt.u32 s12, $0x70;
	v4 =	vld [tilespmem:s10+$0xFFFFFFC0]  }
0x488: {  	v7 =	vld [tilespmem:s14+$0xFFFFFFD0];
	[tilespmem:s11+$0x10] =	vst v2;
	v2 =	vmul.f32 v6, v3  }
0x489: {  	v3 =	vld [tilespmem:s10+$0xFFFFFFD0];
	v10 =	vmul.f32 v1, v5  }
0x48a: {  	v5 =	vld [tilespmem:s14+$0xFFFFFFE0];
	[tilespmem:s11+$0x20] =	vst v2  }
0x48b: {  	v2 =	vld [tilespmem:s10+$0xFFFFFFE0];
	v6 =	vmul.f32 v9, v8;
	[tilespmem:s11+$0xFFFFFFC0] =	vst v10;
	s11 =	smov.u32 s10  }
0x48c: {  	v8 =	vld [tilespmem:s14+$0xFFFFFFF0];
	v1 =	vmov v4  }
0x48d: {  	s16 =	simm.s32 $0x0;
	v9 =	vld [tilespmem:s10+$0xFFFFFFF0];
	[tilespmem:s10+$0x30] =	vst v6  }
0x48e: {  	v3 =	vmul.f32 v3, v7;
	v7 =	vld [tilespmem:s14+$0x0]  }
0x48f: {  	v10 =	vld [tilespmem:s10+$0x0]  }
.Ltmp15:
0x490: {  	[tilespmem:s10+$0xFFFFFFD0] =	vst v3;
	v3 =	vmul.f32 v2, v5;
	v2 =	vld [tilespmem:s14+$0x10];
	(pc) =	sbr.rel @p2 .LBB2_33-.Ltmp15, $4  }
0x491: {  	v4 =	vld [tilespmem:s10+$0x10]  }
0x492: {  	[tilespmem:s10+$0xFFFFFFE0] =	vst v3;
	v8 =	vmul.f32 v9, v8;
	v3 =	vld [tilespmem:s14+$0x20]  }
0x493: {  	v6 =	vld [tilespmem:s10+$0x20]  }
0x494: {  	v5 =	vld [tilespmem:s14+$0xFFFFFFC0];
	[tilespmem:s10+$0xFFFFFFF0] =	vst v8;
	v7 =	vmul.f32 v10, v7;
	s14 =	sadd.s32 $0x80, s14  }
0x495: {  	_ =	sdelay $0x1  }
0x496: {  	v2 =	vmul.f32 v4, v2  }
0x497: {  	[tilespmem:s11+$0x0] =	vst v7;
	v3 =	vmul.f32 v6, v3  }
0x498: {  	[tilespmem:s11+$0x10] =	vst v2;
	v1 =	vmul.f32 v1, v5  }
0x499: {  	[tilespmem:s11+$0x20] =	vst v3  }
0x49a: {  	[tilespmem:s11+$0xFFFFFFC0] =	vst v1  }
.LBB2_35:
0x49b: {  	s10 =	sshra.s32 s16, $0x2  }
0x49c: {  	v1 =	vld [tilespmem:s10+$0x8080]  }
0x49d: {  	v2 =	vld [tilespmem:s10+$0xA080];
	_ =	sdelay $0x1  }
0x49e: {  	p2 =	sne.s32 s16, $0x100  }
.Ltmp16:
0x49f: {  	_ = 	snop;
	(pc) =	sbr.rel @p2 .LBB2_35-.Ltmp16, $3  }
0x4a0: {  	_ = 	snop  }
0x4a1: {  	v1 =	vmul.f32 v2, v1;
	_ =	sdelay $0x1  }
0x4a2: {  	s16 =	sadd.s32 $0x40, s16;
	[tilespmem:s10+$0xA080] =	vst v1  }
0x4a3: {  	s10 =	simm.s32 $0x5900;
	s11 =	simm.s32 $0x9900  }
0x4a4: {  	[spmem:s4] =	stream.indirect.scatter.add.f32 [tilespmem:s11], [sflag:$0x6], $0x1, s10, s15, $0xb8;
	[tilespmem:$0x11400] =	vst v63  }
0x4a5: {  	_ =	swait.ge [sflag:s13], $0x7D0  }
0x4a6: {  	p2 =	seq.s32 s1, $0x18;
	s10 =	rddreg [dreg:$0x1d]  }
0x4a7: {  	s10 =	sadd.s32 @!p2 s9, s10  }
0x4a8: {  	s12 =	simm.s32 @!p2 $0x0;
	[sflag:s13] =	ssyncset.done $0x0;
	s10 =	sshrl.u32 @!p2 s10, $0x3  }
0x4a9: {  	s14 =	simm.s32 @!p2 $0x3100;
	[sflag:s13] =	ssyncadd.s32 $0xFFFFF830;
	s11 =	sadd.s32 @!p2 s6, s10  }
0x4aa: {  	[tilespmem:s14], [sflag:$0x1] =	stream.linear.gather @!p2 [hbm4b:s11+s12], $0x7D0, $0x38;
	[tilespmem:$0x11400] =	vst v63  }
0x4ab: {  	s11 =	sadd.s32 @!p2 s7, s10;
	s14 =	simm.s32 @!p2 $0x5100  }
0x4ac: {  	[tilespmem:s14], [sflag:$0x1] =	stream.linear.gather @!p2 [hbm4b:s11+s12], $0x7D0, $0x38;
	[tilespmem:$0x11400] =	vst v63  }
0x4ad: {  	s10 =	sadd.s32 @!p2 s2, s10;
	s11 =	simm.s32 @!p2 $0x7100  }
0x4ae: {  	[tilespmem:s11], [sflag:$0x1] =	stream.linear.gather @!p2 [hbm4b:s10+s12], $0x7D0, $0x38;
	[tilespmem:$0x11400] =	vst v63  }
0x4af: {  	_ =	swait.ge [sflag:s23], $0x7D0  }
0x4b0: {  	[sflag:s23] =	ssyncset.done $0x0  }
0x4b1: {  	[sflag:s23] =	ssyncadd.s32 $0xFFFFF830  }
0x4b2: {  	_ =	swait.ge [sflag:s28], $0x7D0  }
0x4b3: {  	[sflag:s28] =	ssyncset.done $0x0  }
0x4b4: {  	[sflag:s28] =	ssyncadd.s32 $0xFFFFF830  }
0x4b5: {  	_ =	swait.ge [sflag:s28], $0x7D0  }
0x4b6: {  	[sflag:s28] =	ssyncset.done $0x0  }
0x4b7: {  	[sflag:s28] =	ssyncadd.s32 $0xFFFFF830  }
0x4b8: {  	_ =	swait.ge [sflag:s28], $0x7D0  }
0x4b9: {  	s16 =	simm.s32 $0x8140;
	[sflag:s28] =	ssyncset.done $0x0  }
0x4ba: {  	s14 =	simm.s32 $0xA900;
	s12 =	simm.s32 $0x4900;
	[sflag:s28] =	ssyncadd.s32 $0xFFFFF830  }
0x4bb: {  	[tilespmem:s14], [sflag:$0x10] =	stream.indirect.gather [spmem:s3], $0x1, s12, s15, $0xb8;
	[tilespmem:$0x11400] =	vst v63  }
0x4bc: {  	s10 =	simm.s32 $0xA140;
	v2 =	vld [tilespmem:s16+$0x30]  }
0x4bd: {  	v3 =	vld [tilespmem:s10+$0x30]  }
0x4be: {  	v1 =	vld [tilespmem:s10+$0xFFFFFFC0]  }
0x4bf: {  	v4 =	vld [tilespmem:s16+$0xFFFFFFD0]  }
0x4c0: {  	v5 =	vld [tilespmem:s10+$0xFFFFFFD0]  }
0x4c1: {  	v6 =	vld [tilespmem:s16+$0xFFFFFFE0]  }
0x4c2: {  	v7 =	vld [tilespmem:s10+$0xFFFFFFE0]  }
0x4c3: {  	v8 =	vld [tilespmem:s16+$0xFFFFFFF0]  }
0x4c4: {  	v9 =	vld [tilespmem:s10+$0xFFFFFFF0]  }
0x4c5: {  	v10 =	vld [tilespmem:s16+$0x0]  }
0x4c6: {  	v11 =	vld [tilespmem:s10+$0x0];
	v3 =	vmul.f32 v3, v2  }
0x4c7: {  	v5 =	vmul.f32 v5, v4;
	v2 =	vld [tilespmem:s16+$0x10]  }
0x4c8: {  	v6 =	vmul.f32 v7, v6;
	v4 =	vld [tilespmem:s10+$0x10];
	[tilespmem:s10+$0x30] =	vst v3  }
0x4c9: {  	v7 =	vmul.f32 v9, v8;
	[tilespmem:s10+$0xFFFFFFD0] =	vst v5;
	v3 =	vld [tilespmem:s16+$0x20]  }
0x4ca: {  	[tilespmem:s10+$0xFFFFFFE0] =	vst v6;
	v6 =	vld [tilespmem:s10+$0x20]  }
0x4cb: {  	s11 =	simm.s32 $0xA140;
	s12 =	simm.s32 $0x0;
	s14 =	simm.s32 $0x81C0;
	v5 =	vld [tilespmem:s16+$0xFFFFFFC0];
	[tilespmem:s10+$0xFFFFFFF0] =	vst v7;
	v7 =	vmul.f32 v11, v10  }
.LBB2_37:
0x4cc: {  	v8 =	vld [tilespmem:s14+$0x30];
	s10 =	sadd.s32 $0x80, s10  }
0x4cd: {  	s12 =	sadd.s32 $0x8, s12;
	v9 =	vld [tilespmem:s10+$0x30];
	[tilespmem:s11+$0x0] =	vst v7;
	v2 =	vmul.f32 v4, v2  }
0x4ce: {  	p2 =	slt.u32 s12, $0x70;
	v4 =	vld [tilespmem:s10+$0xFFFFFFC0]  }
0x4cf: {  	v7 =	vld [tilespmem:s14+$0xFFFFFFD0];
	[tilespmem:s11+$0x10] =	vst v2;
	v2 =	vmul.f32 v6, v3  }
0x4d0: {  	v3 =	vld [tilespmem:s10+$0xFFFFFFD0];
	v10 =	vmul.f32 v1, v5  }
0x4d1: {  	v5 =	vld [tilespmem:s14+$0xFFFFFFE0];
	[tilespmem:s11+$0x20] =	vst v2  }
0x4d2: {  	v2 =	vld [tilespmem:s10+$0xFFFFFFE0];
	v6 =	vmul.f32 v9, v8;
	[tilespmem:s11+$0xFFFFFFC0] =	vst v10;
	s11 =	smov.u32 s10  }
0x4d3: {  	v8 =	vld [tilespmem:s14+$0xFFFFFFF0];
	v1 =	vmov v4  }
0x4d4: {  	s16 =	simm.s32 $0x0;
	v9 =	vld [tilespmem:s10+$0xFFFFFFF0];
	[tilespmem:s10+$0x30] =	vst v6  }
0x4d5: {  	v3 =	vmul.f32 v3, v7;
	v7 =	vld [tilespmem:s14+$0x0]  }
0x4d6: {  	v10 =	vld [tilespmem:s10+$0x0]  }
.Ltmp17:
0x4d7: {  	[tilespmem:s10+$0xFFFFFFD0] =	vst v3;
	v3 =	vmul.f32 v2, v5;
	v2 =	vld [tilespmem:s14+$0x10];
	(pc) =	sbr.rel @p2 .LBB2_37-.Ltmp17, $4  }
0x4d8: {  	v4 =	vld [tilespmem:s10+$0x10]  }
0x4d9: {  	[tilespmem:s10+$0xFFFFFFE0] =	vst v3;
	v8 =	vmul.f32 v9, v8;
	v3 =	vld [tilespmem:s14+$0x20]  }
0x4da: {  	v6 =	vld [tilespmem:s10+$0x20]  }
0x4db: {  	v5 =	vld [tilespmem:s14+$0xFFFFFFC0];
	[tilespmem:s10+$0xFFFFFFF0] =	vst v8;
	v7 =	vmul.f32 v10, v7;
	s14 =	sadd.s32 $0x80, s14  }
0x4dc: {  	_ =	sdelay $0x1  }
0x4dd: {  	v2 =	vmul.f32 v4, v2  }
0x4de: {  	[tilespmem:s11+$0x0] =	vst v7;
	v3 =	vmul.f32 v6, v3  }
0x4df: {  	[tilespmem:s11+$0x10] =	vst v2;
	v1 =	vmul.f32 v1, v5  }
0x4e0: {  	[tilespmem:s11+$0x20] =	vst v3  }
0x4e1: {  	[tilespmem:s11+$0xFFFFFFC0] =	vst v1  }
.LBB2_39:
0x4e2: {  	s10 =	sshra.s32 s16, $0x2  }
0x4e3: {  	v1 =	vld [tilespmem:s10+$0x8880]  }
0x4e4: {  	v2 =	vld [tilespmem:s10+$0xA880];
	_ =	sdelay $0x1  }
0x4e5: {  	p2 =	sne.s32 s16, $0x100  }
.Ltmp18:
0x4e6: {  	_ = 	snop;
	(pc) =	sbr.rel @p2 .LBB2_39-.Ltmp18, $3  }
0x4e7: {  	_ = 	snop  }
0x4e8: {  	v1 =	vmul.f32 v2, v1;
	_ =	sdelay $0x1  }
0x4e9: {  	s16 =	sadd.s32 $0x40, s16;
	[tilespmem:s10+$0xA880] =	vst v1  }
0x4ea: {  	s10 =	simm.s32 $0x6100;
	s11 =	simm.s32 $0xA100;
	p2 =	sne.s32 s1, $0x18  }
0x4eb: {  	[spmem:s4] =	stream.indirect.scatter.add.f32 [tilespmem:s11], [sflag:$0x7], $0x1, s10, s15, $0xb8;
	[tilespmem:$0x11400] =	vst v63  }
0x4ec: {  	s9 =	sadd.s32 @p2 s9, s20;
	_ =	swait.ge [sflag:s0], $0x7D0  }
0x4ed: {  	s11 =	simm.s32 @p2 $0x0;
	s9 =	sshrl.u32 @p2 s9, $0x3;
	[sflag:s0] =	ssyncset.done $0x0  }
0x4ee: {  	s12 =	simm.s32 @p2 $0x3900;
	s10 =	sadd.s32 @p2 s6, s9;
	[sflag:s0] =	ssyncadd.s32 $0xFFFFF830  }
0x4ef: {  	[tilespmem:s12], [sflag:$0x2] =	stream.linear.gather @p2 [hbm4b:s10+s11], $0x7D0, $0x38;
	[tilespmem:$0x11400] =	vst v63  }
0x4f0: {  	s10 =	sadd.s32 @p2 s7, s9;
	s12 =	simm.s32 @p2 $0x5900  }
0x4f1: {  	[tilespmem:s12], [sflag:$0x2] =	stream.linear.gather @p2 [hbm4b:s10+s11], $0x7D0, $0x38;
	[tilespmem:$0x11400] =	vst v63  }
0x4f2: {  	s9 =	sadd.s32 @p2 s2, s9;
	s10 =	simm.s32 @p2 $0x7900  }
0x4f3: {  	[tilespmem:s10], [sflag:$0x2] =	stream.linear.gather @p2 [hbm4b:s9+s11], $0x7D0, $0x38;
	[tilespmem:$0x11400] =	vst v63  }
0x4f4: {  	s9 =	simm.s32 @p2 $0x10  }
0x4f5: {  	_ =	swait.ge @p2 [sflag:s9], $0x7D0  }
0x4f6: {  	[sflag:s9] =	ssyncset.done @p2 $0x0  }
0x4f7: {  	[sflag:s9] =	ssyncadd.s32 @p2 $0xFFFFF830;
	s9 =	simm.s32 @p2 $0x1  }
0x4f8: {  	_ =	swait.ge @p2 [sflag:s9], $0x7D0  }
0x4f9: {  	[sflag:s9] =	ssyncset.done @p2 $0x0  }
0x4fa: {  	[sflag:s9] =	ssyncadd.s32 @p2 $0xFFFFF830  }
0x4fb: {  	_ =	swait.ge @p2 [sflag:s9], $0x7D0  }
0x4fc: {  	[sflag:s9] =	ssyncset.done @p2 $0x0  }
0x4fd: {  	[sflag:s9] =	ssyncadd.s32 @p2 $0xFFFFF830  }
0x4fe: {  	_ =	swait.ge @p2 [sflag:s9], $0x7D0  }
0x4ff: {  	s10 =	simm.s32 @p2 $0x3100;
	[sflag:s9] =	ssyncset.done @p2 $0x0  }
0x500: {  	s11 =	simm.s32 @p2 $0x9100;
	[sflag:s9] =	ssyncadd.s32 @p2 $0xFFFFF830;
	s9 =	simm.s32 @p2 $0x7D0  }
0x501: {  	[tilespmem:s11], [sflag:$0xD] =	stream.indirect.gather @p2 [spmem:s3], $0x1, s10, s9, $0xb8;
	[tilespmem:$0x11400] =	vst v63  }
0x502: {  	s9 =	simm.s32 @!p2 $0x10  }
0x503: {  	_ =	swait.ge @!p2 [sflag:s9], $0x7D0  }
0x504: {  	[sflag:s9] =	ssyncset.done @!p2 $0x0  }
0x505: {  	s16 =	simm.s32 $0x8940;
	[sflag:s9] =	ssyncadd.s32 @!p2 $0xFFFFF830  }
0x506: {  	s9 =	simm.s32 $0xA940;
	v2 =	vld [tilespmem:s16+$0x30]  }
0x507: {  	v3 =	vld [tilespmem:s9+$0x30]  }
0x508: {  	v1 =	vld [tilespmem:s9+$0xFFFFFFC0]  }
0x509: {  	v4 =	vld [tilespmem:s16+$0xFFFFFFD0]  }
0x50a: {  	v5 =	vld [tilespmem:s9+$0xFFFFFFD0]  }
0x50b: {  	v6 =	vld [tilespmem:s16+$0xFFFFFFE0]  }
0x50c: {  	v7 =	vld [tilespmem:s9+$0xFFFFFFE0]  }
0x50d: {  	v8 =	vld [tilespmem:s16+$0xFFFFFFF0]  }
0x50e: {  	v9 =	vld [tilespmem:s9+$0xFFFFFFF0]  }
0x50f: {  	v10 =	vld [tilespmem:s16+$0x0]  }
0x510: {  	v11 =	vld [tilespmem:s9+$0x0];
	v3 =	vmul.f32 v3, v2  }
0x511: {  	v5 =	vmul.f32 v5, v4;
	v2 =	vld [tilespmem:s16+$0x10]  }
0x512: {  	v6 =	vmul.f32 v7, v6;
	v4 =	vld [tilespmem:s9+$0x10];
	[tilespmem:s9+$0x30] =	vst v3  }
0x513: {  	v7 =	vmul.f32 v9, v8;
	[tilespmem:s9+$0xFFFFFFD0] =	vst v5;
	v3 =	vld [tilespmem:s16+$0x20]  }
0x514: {  	[tilespmem:s9+$0xFFFFFFE0] =	vst v6;
	v6 =	vld [tilespmem:s9+$0x20]  }
0x515: {  	s12 =	simm.s32 $0x89C0;
	s11 =	simm.s32 $0x0;
	s10 =	simm.s32 $0xA940;
	v5 =	vld [tilespmem:s16+$0xFFFFFFC0];
	[tilespmem:s9+$0xFFFFFFF0] =	vst v7;
	v7 =	vmul.f32 v11, v10  }
.LBB2_41:
0x516: {  	v8 =	vld [tilespmem:s12+$0x30];
	s9 =	sadd.s32 $0x80, s9  }
0x517: {  	s11 =	sadd.s32 $0x8, s11;
	v9 =	vld [tilespmem:s9+$0x30];
	[tilespmem:s10+$0x0] =	vst v7;
	v2 =	vmul.f32 v4, v2  }
0x518: {  	p2 =	slt.u32 s11, $0x70;
	v4 =	vld [tilespmem:s9+$0xFFFFFFC0]  }
0x519: {  	v7 =	vld [tilespmem:s12+$0xFFFFFFD0];
	[tilespmem:s10+$0x10] =	vst v2;
	v2 =	vmul.f32 v6, v3  }
0x51a: {  	v3 =	vld [tilespmem:s9+$0xFFFFFFD0];
	v10 =	vmul.f32 v1, v5  }
0x51b: {  	v5 =	vld [tilespmem:s12+$0xFFFFFFE0];
	[tilespmem:s10+$0x20] =	vst v2  }
0x51c: {  	v2 =	vld [tilespmem:s9+$0xFFFFFFE0];
	v6 =	vmul.f32 v9, v8;
	[tilespmem:s10+$0xFFFFFFC0] =	vst v10;
	s10 =	smov.u32 s9  }
0x51d: {  	v8 =	vld [tilespmem:s12+$0xFFFFFFF0];
	v1 =	vmov v4  }
0x51e: {  	s14 =	simm.s32 $0x0;
	v9 =	vld [tilespmem:s9+$0xFFFFFFF0];
	[tilespmem:s9+$0x30] =	vst v6  }
0x51f: {  	v3 =	vmul.f32 v3, v7;
	v7 =	vld [tilespmem:s12+$0x0]  }
0x520: {  	v10 =	vld [tilespmem:s9+$0x0]  }
.Ltmp19:
0x521: {  	[tilespmem:s9+$0xFFFFFFD0] =	vst v3;
	v3 =	vmul.f32 v2, v5;
	v2 =	vld [tilespmem:s12+$0x10];
	(pc) =	sbr.rel @p2 .LBB2_41-.Ltmp19, $4  }
0x522: {  	v4 =	vld [tilespmem:s9+$0x10]  }
0x523: {  	[tilespmem:s9+$0xFFFFFFE0] =	vst v3;
	v8 =	vmul.f32 v9, v8;
	v3 =	vld [tilespmem:s12+$0x20]  }
0x524: {  	v6 =	vld [tilespmem:s9+$0x20]  }
0x525: {  	v5 =	vld [tilespmem:s12+$0xFFFFFFC0];
	[tilespmem:s9+$0xFFFFFFF0] =	vst v8;
	v7 =	vmul.f32 v10, v7;
	s12 =	sadd.s32 $0x80, s12  }
0x526: {  	_ =	sdelay $0x1  }
0x527: {  	v2 =	vmul.f32 v4, v2  }
0x528: {  	[tilespmem:s10+$0x0] =	vst v7;
	v3 =	vmul.f32 v6, v3  }
0x529: {  	[tilespmem:s10+$0x10] =	vst v2;
	v1 =	vmul.f32 v1, v5  }
0x52a: {  	[tilespmem:s10+$0x20] =	vst v3  }
0x52b: {  	[tilespmem:s10+$0xFFFFFFC0] =	vst v1  }
.LBB2_43:
0x52c: {  	s9 =	sshra.s32 s14, $0x2  }
0x52d: {  	v1 =	vld [tilespmem:s9+$0x9080]  }
0x52e: {  	v2 =	vld [tilespmem:s9+$0xB080];
	_ =	sdelay $0x1  }
0x52f: {  	p2 =	sne.s32 s14, $0x100  }
.Ltmp20:
0x530: {  	_ = 	snop;
	(pc) =	sbr.rel @p2 .LBB2_43-.Ltmp20, $3  }
0x531: {  	_ = 	snop  }
0x532: {  	v1 =	vmul.f32 v2, v1;
	_ =	sdelay $0x1  }
0x533: {  	s14 =	sadd.s32 $0x40, s14;
	[tilespmem:s9+$0xB080] =	vst v1  }
0x534: {  	s1 =	sadd.s32 $0x1, s1  }
0x535: {  	p2 =	sne.s32 s1, $0x19  }
.Ltmp21:
0x536: {  	_ = 	snop;
	(pc) =	sbr.rel @p2 .LBB2_28-.Ltmp21, $3  }
0x537: {  	_ =	sdelay $0x1  }
0x538: {  	s9 =	simm.s32 $0x6900;
	s10 =	simm.s32 $0xA900  }
0x539: {  	[spmem:s4] =	stream.indirect.scatter.add.f32 [tilespmem:s10], [sflag:$0x8], $0x1, s9, s15, $0xb8;
	[tilespmem:$0x11400] =	vst v63  }
0x53a: {  	s1 =	simm.s32 $0x7  }
0x53b: {  	_ =	swait.ge [sflag:s1], $0x7D0  }
0x53c: {  	[sflag:s1] =	ssyncset.done $0x0  }
0x53d: {  	s16 =	simm.s32 $0x8;
	[sflag:s1] =	ssyncadd.s32 $0xFFFFF830  }
0x53e: {  	_ =	swait.ge [sflag:s16], $0x7D0  }
0x53f: {  	[sflag:s16] =	ssyncset.done $0x0  }
0x540: {  	[sflag:s16] =	ssyncadd.s32 $0xFFFFF830  }
0x541: {  	s18 =	simm.s32 $0xE200;
	s12 =	simm.s32 $0x12;
	[bflag:$0x0] =	sbarrier.arrive $0xFFFF  }
0x542: {  	[tilespmem:s18], [sflag:$0x12] =	stream.linear.gather [spmem:s24], $0x1880, $0x38;
	[tilespmem:$0x11400] =	vst v63  }
0x543: {  	_ =	swait.ge [sflag:s12], $0x1880  }
0x544: {  	[sflag:s12] =	ssyncset.done $0x0  }
0x545: {  	[sflag:s12] =	ssyncadd.s32 $0xFFFFE780  }
0x546: {  	[hbm4b:s19+s5] =	stream.linear.scatter [tilespmem:s18], [sflag:$0x12], $0x1880, $0x38;
	[tilespmem:$0x11400] =	vst v63  }
0x547: {  	_ =	swait.ge [sflag:s12], $0x1880  }
0x548: {  	[sflag:s12] =	ssyncset.done $0x0  }
0x549: {  	s1 =	simm.s32 $0xFAC0;
	[sflag:s12] =	ssyncadd.s32 $0xFFFFE780  }
0x54a: {  	[tilespmem:s1+$0xFFFFFFC0] =	vst v0  }
0x54b: {  	[tilespmem:s1+$0x30] =	vst v0  }
0x54c: {  	[tilespmem:s1+$0x20] =	vst v0  }
0x54d: {  	[tilespmem:s1+$0x10] =	vst v0  }
0x54e: {  	[tilespmem:s1+$0x0] =	vst v0  }
0x54f: {  	[tilespmem:s1+$0xFFFFFFF0] =	vst v0  }
0x550: {  	s9 =	simm.s32 $0x0;
	[tilespmem:s1+$0xFFFFFFE0] =	vst v0  }
.LBB2_46:
0x551: {  	s9 =	sadd.s32 $0x8, s9;
	[tilespmem:s1+$0xFFFFFFD0] =	vst v0;
	s1 =	sadd.s32 $0x80, s1  }
0x552: {  	[tilespmem:s1+$0xFFFFFFC0] =	vst v0;
	p2 =	slt.u32 s9, $0x180  }
0x553: {  	[tilespmem:s1+$0x30] =	vst v0  }
.Ltmp22:
0x554: {  	[tilespmem:s1+$0x20] =	vst v0;
	(pc) =	sbr.rel @p2 .LBB2_46-.Ltmp22, $4  }
0x555: {  	[tilespmem:s1+$0x10] =	vst v0  }
0x556: {  	[tilespmem:s1+$0x0] =	vst v0  }
0x557: {  	[tilespmem:s1+$0xFFFFFFF0] =	vst v0  }
0x558: {  	[tilespmem:s1+$0xFFFFFFE0] =	vst v0  }
0x559: {  	[tilespmem:s1+$0xFFFFFFD0] =	vst v0;
	s16 =	simm.s32 $0xFA80  }
0x55a: {  	[spmem:s24] =	stream.linear.scatter [tilespmem:s16], [sflag:$0x12], $0x1880, $0x38;
	[tilespmem:$0x11400] =	vst v63  }
0x55b: {  	_ =	swait.ge [sflag:s12], $0x1880  }
0x55c: {  	[sflag:s12] =	ssyncset.done $0x0  }
0x55d: {  	[sflag:s12] =	ssyncadd.s32 $0xFFFFE780  }
0x55e: {  	v1 =	vimm.s32 @!p0 $0x5CA1AB02;
	[bflag:$0x0] =	sbarrier.arrive $0xFFFF  }
0x55f: {  	s1 =	simm.s32 @!p0 $0x0;
	s9 =	simm.s32 @!p0 $0x11300;
	[tilespmem:$0x11300] =	vst @!p0 v1;
	s10 =	rddreg [dreg:$0xc]  }
0x560: {  	[hbm4b:s10+s1] =	stream.linear.scatter @!p0 [tilespmem:s9], [sflag:$0x12], $0x10, $0x38;
	[tilespmem:$0x11400] =	vst v63  }
0x561: {  	v1 =	vimm.s32 $0x0;
	s1 =	simm.s32 @!p0 $0x12  }
0x562: {  	v2 =	vor.u32 $0x80000000, v1;
	_ =	swait.ge @!p0 [sflag:s1], $0x10  }
0x563: {  	(xrf0) =	vmin.scan.msk.u32 $0xffff, v2;
	_ =	sdelay $0x5  }
0x564: {  	v2, _, _ =	vpop (xrf0)  }
0x565: {  	(v2sf) =	vpush v2, $0xF;
	_ =	sdelay $0xe  }
0x566: {  	[sflag:s1] =	ssyncset.done @!p0 $0x0;
	s18 =	spop (v2sf)  }
0x567: {  	[sflag:s1] =	ssyncadd.s32 @!p0 $0xFFFFFFF0;
	p2 =	sne.s32 s18, $0x80000000  }
0x568: {  	[tilespmem:$0x11380] =	vst v1;
	s1 =	simm.s32 @!p2 $0x0;
	s9 =	simm.s32 @!p2 $0x11300;
	s10 =	simm.s32 @!p2 $0x11  }
0x569: {  	[tilespmem:s9], [sflag:$0x11] =	stream.linear.gather @!p2 [hbm4b:s29+s1], $0x10, $0x38;
	[tilespmem:$0x11400] =	vst v63  }
0x56a: {  	_ =	swait.ge @!p2 [sflag:s10], $0x10  }
0x56b: {  	[sflag:s10] =	ssyncset.done @!p2 $0x0  }
0x56c: {  	[sflag:s10] =	ssyncadd.s32 @!p2 $0xFFFFFFF0  }
0x56d: {  	[tilespmem:s9], [sflag:$0x11] =	stream.linear.gather @!p2 [hbm4b:s29+s1], $0x10, $0x38;
	[tilespmem:$0x11400] =	vst v63  }
0x56e: {  	_ =	swait.ge @!p2 [sflag:s10], $0x10  }
0x56f: {  	[sflag:s10] =	ssyncset.done @!p2 $0x0  }
0x570: {  	[sflag:s10] =	ssyncadd.s32 @!p2 $0xFFFFFFF0  }
0x571: {  	[tilespmem:s9], [sflag:$0x11] =	stream.linear.gather @!p2 [hbm4b:s29+s1], $0x10, $0x38;
	[tilespmem:$0x11400] =	vst v63  }
0x572: {  	_ =	swait.ge @!p2 [sflag:s10], $0x10  }
0x573: {  	[sflag:s10] =	ssyncset.done @!p2 $0x0  }
0x574: {  	[sflag:s10] =	ssyncadd.s32 @!p2 $0xFFFFFFF0  }
0x575: {  	[tilespmem:s9], [sflag:$0x11] =	stream.linear.gather @!p2 [hbm4b:s29+s1], $0x10, $0x38;
	[tilespmem:$0x11400] =	vst v63  }
0x576: {  	_ =	swait.ge @!p2 [sflag:s10], $0x10  }
0x577: {  	[sflag:s10] =	ssyncset.done @!p2 $0x0  }
0x578: {  	[sflag:s10] =	ssyncadd.s32 @!p2 $0xFFFFFFF0  }
0x579: {  	v2 =	vld @!p2 [tilespmem:$0x11300];
	_ =	sdelay $0x4  }
0x57a: {  	vm0 =	veq.s32 @!p2 v2, $0x5CA1AB02;
	v2 =	vimm.s32 @!p2 $0x0  }
0x57b: {  	s1 =	simm.s32 $0x63;
	v2 =	vsel @!p2 vm0, $0x1, v2  }
.LBB2_48:
0x57c: {  	s1 =	sadd.s32 $0xFFFFFFFF, s1;
	[tilespmem:$0x11380] =	vst @!p2 v2;
	v1 =	vpsel p2, v1, v2  }
0x57d: {  	v2 =	vor.u32 $0x80000000, v1;
	p3 =	sne.s32 s1, $0x0  }
0x57e: {  	(xrf0) =	vmin.scan.msk.u32 $0xffff, v2;
	_ =	sdelay $0x5  }
0x57f: {  	v2, _, _ =	vpop (xrf0)  }
0x580: {  	(v2sf) =	vpush v2, $0xF;
	_ =	sdelay $0xe  }
0x581: {  	s9 =	spop (v2sf)  }
0x582: {  	p2 =	sne.s32 s9, $0x80000000  }
0x583: {  	s9 =	simm.s32 @!p2 $0x0;
	s10 =	simm.s32 @!p2 $0x11300;
	s11 =	simm.s32 @!p2 $0x11  }
0x584: {  	[tilespmem:s10], [sflag:$0x11] =	stream.linear.gather @!p2 [hbm4b:s29+s9], $0x10, $0x38;
	[tilespmem:$0x11400] =	vst v63  }
0x585: {  	_ =	swait.ge @!p2 [sflag:s11], $0x10  }
0x586: {  	[sflag:s11] =	ssyncset.done @!p2 $0x0  }
0x587: {  	[sflag:s11] =	ssyncadd.s32 @!p2 $0xFFFFFFF0  }
0x588: {  	[tilespmem:s10], [sflag:$0x11] =	stream.linear.gather @!p2 [hbm4b:s29+s9], $0x10, $0x38;
	[tilespmem:$0x11400] =	vst v63  }
0x589: {  	_ =	swait.ge @!p2 [sflag:s11], $0x10  }
0x58a: {  	[sflag:s11] =	ssyncset.done @!p2 $0x0  }
0x58b: {  	[sflag:s11] =	ssyncadd.s32 @!p2 $0xFFFFFFF0  }
0x58c: {  	[tilespmem:s10], [sflag:$0x11] =	stream.linear.gather @!p2 [hbm4b:s29+s9], $0x10, $0x38;
	[tilespmem:$0x11400] =	vst v63  }
0x58d: {  	_ =	swait.ge @!p2 [sflag:s11], $0x10  }
0x58e: {  	[sflag:s11] =	ssyncset.done @!p2 $0x0  }
0x58f: {  	[sflag:s11] =	ssyncadd.s32 @!p2 $0xFFFFFFF0  }
0x590: {  	[tilespmem:s10], [sflag:$0x11] =	stream.linear.gather @!p2 [hbm4b:s29+s9], $0x10, $0x38;
	[tilespmem:$0x11400] =	vst v63  }
0x591: {  	_ =	swait.ge @!p2 [sflag:s11], $0x10  }
0x592: {  	[sflag:s11] =	ssyncset.done @!p2 $0x0  }
0x593: {  	[sflag:s11] =	ssyncadd.s32 @!p2 $0xFFFFFFF0  }
0x594: {  	v2 =	vld @!p2 [tilespmem:$0x11300];
	_ =	sdelay $0x1  }
.Ltmp23:
0x595: {  	(pc) =	sbr.rel @p3 .LBB2_48-.Ltmp23, $3  }
0x596: {  	_ =	sdelay $0x1  }
0x597: {  	vm0 =	veq.s32 @!p2 v2, $0x5CA1AB02;
	v2 =	vimm.s32 @!p2 $0x0  }
0x598: {  	v2 =	vsel @!p2 vm0, $0x1, v2  }
0x599: {  	[tilespmem:$0x11380] =	vst @!p2 v2;
	s1 =	rddreg [dreg:$0xf];
	s9 =	simm.s32 $0xFA80  }
0x59a: {  	[tilespmem:s9], [sflag:$0x12] =	stream.linear.gather [hbm4b:s1+s5], $0x1880, $0x38;
	[tilespmem:$0x11400] =	vst v63  }
0x59b: {  	_ =	swait.ge [sflag:s12], $0x1880  }
0x59c: {  	[sflag:s12] =	ssyncset.done $0x0  }
0x59d: {  	s14 =	simm.s32 $0xFAC0;
	[sflag:s12] =	ssyncadd.s32 $0xFFFFE780  }
0x59e: {  	v1 =	vld [tilespmem:s14+$0xFFFFFFC0]  }
0x59f: {  	s16 =	simm.s32 $0xE240;
	v2 =	vld [tilespmem:s14+$0xFFFFFFD0]  }
0x5a0: {  	v3 =	vld [tilespmem:s16+$0xFFFFFFC0]  }
0x5a1: {  	v4 =	vld [tilespmem:s16+$0xFFFFFFD0];
	_ =	sdelay $0x2  }
0x5a2: {  	v5 =	vld [tilespmem:s14+$0xFFFFFFF0]  }
0x5a3: {  	v6 =	vld [tilespmem:s14+$0xFFFFFFE0];
	v1 =	vadd.f32 v1, v3  }
0x5a4: {  	v7 =	vld [tilespmem:s14+$0x30];
	v2 =	vadd.f32 v2, v4  }
0x5a5: {  	v8 =	vld [tilespmem:s14+$0x20];
	v1 =	vmax.f32 v1, $0.0e+00  }
0x5a6: {  	v9 =	vld [tilespmem:s16+$0xFFFFFFE0];
	v2 =	vmax.f32 v2, $0.0e+00;
	v1 =	vmin.f32 v1, $1.000000000e+01  }
0x5a7: {  	v10 =	vld [tilespmem:s16+$0x30];
	v2 =	vmin.f32 v2, $1.000000000e+01;
	v1 =	vsub.f32 $0.0e+00, v1  }
0x5a8: {  	v11 =	vld [tilespmem:s16+$0xFFFFFFF0];
	v2 =	vsub.f32 $0.0e+00, v2  }
0x5a9: {  	s1 =	simm.s32 $0xC9C0;
	v12 =	vld [tilespmem:s16+$0x20];
	v1 =	vmul.f32 $1.442695020e+00, v1  }
0x5aa: {  	v13 =	vld [tilespmem:s1+$0xFFFFFFD0];
	v2 =	vmul.f32 $1.442695020e+00, v2  }
0x5ab: {  	v3 =	vld [tilespmem:s14+$0x0];
	(erf) = vpow2.f32 v1  }
0x5ac: {  	v4 =	vld [tilespmem:s16+$0x0];
	v7 =	vadd.f32 v7, v10;
	(erf) = vpow2.f32 v2;
	v2 =	vadd.f32 v6, v9  }
0x5ad: {  	v1 =	vld [tilespmem:s14+$0x10]  }
0x5ae: {  	s18 =	simm.s32 $0xFB40;
	v7 =	vmax.f32 v7, $0.0e+00;
	v6 =	vld [tilespmem:s16+$0x10];
	v2 =	vmax.f32 v2, $0.0e+00  }
0x5af: {  	s10 =	simm.s32 $0xE2C0;
	v14 =	vld [tilespmem:s18+$0xFFFFFFF0];
	v7 =	vmin.f32 v7, $1.000000000e+01;
	v2 =	vmin.f32 v2, $1.000000000e+01  }
0x5b0: {  	v16 =	vld [tilespmem:s10+$0xFFFFFFD0];
	v7 =	vsub.f32 $0.0e+00, v7;
	v2 =	vsub.f32 $0.0e+00, v2  }
0x5b1: {  	v17 =	vld [tilespmem:s10+$0x0];
	v5 =	vadd.f32 v5, v11  }
0x5b2: {  	v18 =	vld [tilespmem:s18+$0x30];
	v8 =	vadd.f32 v8, v12;
	v3 =	vadd.f32 v3, v4;
	v2 =	vmul.f32 $1.442695020e+00, v2  }
0x5b3: {  	v10 =	vld [tilespmem:s1+$0xFFFFFFC0];
	v4 =	vmax.f32 v5, $0.0e+00;
	v1 =	vadd.f32 v1, v6;
	v6 =	vmul.f32 $1.442695020e+00, v7  }
0x5b4: {  	v11 =	vld [tilespmem:s18+$0xFFFFFFC0];
	v5 =	vmax.f32 v8, $0.0e+00;
	v3 =	vmax.f32 v3, $0.0e+00;
	v7 =	vpop (erf);
	(erf) = vpow2.f32 v2  }
0x5b5: {  	v5 =	vmin.f32 v5, $1.000000000e+01;
	v3 =	vmin.f32 v3, $1.000000000e+01;
	v15 =	vpop (erf);
	(erf) = vpow2.f32 v6;
	v6 =	vld [tilespmem:s10+$0xFFFFFFC0]  }
0x5b6: {  	v12 =	vld [tilespmem:s18+$0xFFFFFFD0];
	v4 =	vmin.f32 v4, $1.000000000e+01;
	v5 =	vsub.f32 $0.0e+00, v5;
	v3 =	vsub.f32 $0.0e+00, v3  }
0x5b7: {  	v19 =	vld [tilespmem:s18+$0x20];
	v4 =	vsub.f32 $0.0e+00, v4;
	v1 =	vmax.f32 v1, $0.0e+00;
	v7 =	vsub.f32 $1.000000000e+00, v7  }
0x5b8: {  	v3 =	vmul.f32 $1.442695020e+00, v3;
	v2 =	vld [tilespmem:s18+$0x0];
	v1 =	vmin.f32 v1, $1.000000000e+01;
	v15 =	vsub.f32 $1.000000000e+00, v15  }
0x5b9: {  	v8 =	vld [tilespmem:s18+$0xFFFFFFE0];
	v5 =	vmul.f32 $1.442695020e+00, v5;
	v1 =	vsub.f32 $0.0e+00, v1;
	v7 =	vmul.f32 v7, v10  }
0x5ba: {  	(erf) = vpow2.f32 v3;
	v15 =	vmul.f32 v15, v13;
	v3 =	vadd.f32 v11, v6;
	v6 =	vld [tilespmem:s10+$0xFFFFFFF0]  }
0x5bb: {  	v9 =	vld [tilespmem:s1+$0x30];
	v1 =	vmul.f32 $1.442695020e+00, v1;
	v11 =	vadd.f32 v12, v16;
	v16 =	vsub.f32 $1.000000000e+00, v7  }
0x5bc: {  	v4 =	vmul.f32 $1.442695020e+00, v4;
	(erf) = vpow2.f32 v5;
	v20 =	vsub.f32 $1.000000000e+00, v15;
	v12 =	vld [tilespmem:s10+$0xFFFFFFE0]  }
0x5bd: {  	v5 =	vadd.f32 v2, v17;
	v3 =	vmax.f32 v3, $0.0e+00;
	v10 =	vmul.f32 v16, v10;
	v16 =	vld [tilespmem:s10+$0x30]  }
0x5be: {  	v20 =	vmul.f32 v20, v13;
	v13 =	vld [tilespmem:s10+$0x20];
	v11 =	vmax.f32 v11, $0.0e+00;
	v2 =	vpop (erf);
	v3 =	vmin.f32 v3, $1.000000000e+01  }
0x5bf: {  	(erf) = vpow2.f32 v1;
	v1 =	vpop (erf);
	v3 =	vsub.f32 $0.0e+00, v3;
	v6 =	vadd.f32 v14, v6  }
0x5c0: {  	v11 =	vmin.f32 v11, $1.000000000e+01;
	(erf) = vpow2.f32 v4;
	v14 =	vld [tilespmem:s18+$0x10];
	v1 =	vsub.f32 $1.000000000e+00, v1  }
0x5c1: {  	v8 =	vadd.f32 v8, v12;
	v12 =	vld [tilespmem:s10+$0x10];
	v3 =	vmul.f32 $1.442695020e+00, v3;
	v6 =	vmax.f32 v6, $0.0e+00  }
0x5c2: {  	v17 =	vmul.f32 v1, v9;
	v1 =	vsub.f32 $0.0e+00, v11;
	v11 =	vadd.f32 v18, v16  }
0x5c3: {  	v13 =	vadd.f32 v19, v13;
	v18 =	vsub.f32 $1.000000000e+00, v2;
	v8 =	vmax.f32 v8, $0.0e+00  }
0x5c4: {  	s10 =	simm.s32 $0xB140;
	v2 =	vld [tilespmem:s1+$0xFFFFFFE0];
	v16 =	vmin.f32 v6, $1.000000000e+01;
	(erf) = vpow2.f32 v3;
	v11 =	vmax.f32 v11, $0.0e+00  }
0x5c5: {  	[tilespmem:s10+$0xFFFFFFC0] =	vst v7;
	v3 =	vld [tilespmem:s1+$0x0];
	v7 =	vmin.f32 v8, $1.000000000e+01;
	v1 =	vmul.f32 $1.442695020e+00, v1;
	v19 =	vsub.f32 $1.000000000e+00, v17  }
0x5c6: {  	v6 =	vld [tilespmem:s1+$0xFFFFFFF0];
	v4 =	vmax.f32 v13, $0.0e+00;
	v22 =	vsub.f32 $0.0e+00, v7;
	v12 =	vadd.f32 v14, v12;
	v14 =	vpop (erf)  }
0x5c7: {  	[tilespmem:s10+$0xFFFFFFD0] =	vst v15;
	v13 =	vld [tilespmem:s1+$0x20];
	v4 =	vmin.f32 v4, $1.000000000e+01;
	v21 =	vmin.f32 v11, $1.000000000e+01;
	v11 =	vpop (erf);
	(erf) = vpow2.f32 v1  }
0x5c8: {  	s9 =	simm.s32 $0xCA40;
	[tilespmem:s1+$0xFFFFFFD0] =	vst v20;
	v8 =	vld [tilespmem:s1+$0x10];
	v20 =	vsub.f32 $0.0e+00, v4  }
0x5c9: {  	[tilespmem:s1+$0xFFFFFFC0] =	vst v10;
	v7 =	vsub.f32 $0.0e+00, v16;
	v19 =	vmul.f32 v19, v9;
	v4 =	vld [tilespmem:s9+$0xFFFFFFC0];
	v16 =	vmul.f32 $1.442695020e+00, v22  }
0x5ca: {  	s11 =	simm.s32 $0xB140;
	[tilespmem:s10+$0x30] =	vst v17;
	v9 =	vld [tilespmem:s9+$0xFFFFFFD0];
	v10 =	vmax.f32 v12, $0.0e+00;
	v15 =	vsub.f32 $1.000000000e+00, v11;
	v17 =	vpop (erf);
	v12 =	vmul.f32 $1.442695020e+00, v20  }
0x5cb: {  	s12 =	simm.s32 $0x8;
	s14 =	simm.s32 $0xE340;
	s18 =	simm.s32 $0xFBC0;
	v1 =	vld [tilespmem:s9+$0x30];
	v11 =	vmul.f32 v18, v2;
	v18 =	vsub.f32 $0.0e+00, v21;
	[tilespmem:s1+$0x30] =	vst v19;
	v17 =	vsub.f32 $1.000000000e+00, v17  }
.LBB2_50:
0x5cc: {  	v19 =	vld [tilespmem:s18+$0xFFFFFFC0];
	s12 =	sadd.s32 $0x8, s12;
	v5 =	vmax.f32 v5, $0.0e+00;
	v14 =	vsub.f32 $1.000000000e+00, v14;
	v15 =	vmul.f32 v15, v13;
	s10 =	sadd.s32 $0x80, s10;
	v20 =	vpop (erf)  }
0x5cd: {  	v21 =	vld [tilespmem:s18+$0xFFFFFFD0];
	p2 =	slt.u32 s12, $0x180;
	v18 =	vmul.f32 $1.442695020e+00, v18;
	v22 =	vpop (erf);
	v25 =	vsub.f32 $1.000000000e+00, v20;
	v17 =	vmul.f32 v17, v8  }
0x5ce: {  	v5 =	vmin.f32 v5, $1.000000000e+01;
	v23 =	vld [tilespmem:s18+$0xFFFFFFF0];
	(erf) = vpow2.f32 v16;
	v16 =	vsub.f32 $1.000000000e+00, v15  }
0x5cf: {  	v5 =	vsub.f32 $0.0e+00, v5;
	v24 =	vld [tilespmem:s18+$0xFFFFFFE0];
	(erf) = vpow2.f32 v18;
	v18 =	vmul.f32 v25, v6;
	[tilespmem:s11+$0x20] =	vst v15  }
0x5d0: {  	v14 =	vmul.f32 v14, v3;
	v25 =	vsub.f32 $1.000000000e+00, v17;
	v15 =	vld [tilespmem:s18+$0x0];
	v20 =	vpop (erf);
	[tilespmem:s11+$0xFFFFFFE0] =	vst v11;
	v13 =	vmul.f32 v16, v13  }
0x5d1: {  	v5 =	vmul.f32 $1.442695020e+00, v5;
	v16 =	vld [tilespmem:s14+$0xFFFFFFC0];
	v20 =	vsub.f32 $1.000000000e+00, v20;
	v26 =	vsub.f32 $1.000000000e+00, v18;
	[tilespmem:s11+$0x10] =	vst v17  }
0x5d2: {  	v22 =	vsub.f32 $1.000000000e+00, v22;
	v8 =	vmul.f32 v25, v8;
	v17 =	vld [tilespmem:s14+$0xFFFFFFD0];
	[tilespmem:s11+$0xFFFFFFF0] =	vst v18;
	v18 =	vsub.f32 $1.000000000e+00, v14  }
0x5d3: {  	v11 =	vsub.f32 $1.000000000e+00, v11;
	v25 =	vld [tilespmem:s14+$0x0];
	v20 =	vmul.f32 v20, v9;
	v6 =	vmul.f32 v26, v6;
	[tilespmem:s1+$0x20] =	vst v13  }
0x5d4: {  	v13 =	vld [tilespmem:s18+$0x30];
	(erf) = vpow2.f32 v5;
	[tilespmem:s11+$0x0] =	vst v14;
	v3 =	vmul.f32 v18, v3;
	s11 =	smov.u32 s10  }
0x5d5: {  	v10 =	vmin.f32 v10, $1.000000000e+01;
	v18 =	vmul.f32 v22, v4;
	v14 =	vld [tilespmem:s18+$0x20];
	[tilespmem:s10+$0xFFFFFFD0] =	vst v20;
	v5 =	vsub.f32 $1.000000000e+00, v20  }
0x5d6: {  	v10 =	vsub.f32 $0.0e+00, v10;
	v22 =	vadd.f32 v19, v16;
	v19 =	vld [tilespmem:s14+$0xFFFFFFF0];
	(erf) = vpow2.f32 v12;
	[tilespmem:s1+$0x0] =	vst v3  }
0x5d7: {  	v3 =	vadd.f32 v21, v17;
	v12 =	vld [tilespmem:s14+$0xFFFFFFE0];
	v17 =	vsub.f32 $1.000000000e+00, v18;
	v9 =	vmul.f32 v5, v9;
	v20 =	vpop (erf);
	[tilespmem:s1+$0xFFFFFFF0] =	vst v6  }
0x5d8: {  	v10 =	vmul.f32 $1.442695020e+00, v10;
	v6 =	vmax.f32 v22, $0.0e+00;
	v5 =	vadd.f32 v15, v25;
	v15 =	vld [tilespmem:s14+$0x20];
	[tilespmem:s10+$0xFFFFFFC0] =	vst v18;
	v16 =	vpop (erf)  }
0x5d9: {  	v2 =	vmul.f32 v11, v2;
	v6 =	vmin.f32 v6, $1.000000000e+01;
	v3 =	vmax.f32 v3, $0.0e+00;
	v18 =	vld [tilespmem:s14+$0x30];
	[tilespmem:s9+$0xFFFFFFD0] =	vst v9  }
0x5da: {  	v4 =	vmul.f32 v17, v4;
	v6 =	vsub.f32 $0.0e+00, v6;
	(erf) = vpow2.f32 v10;
	[tilespmem:s1+$0x10] =	vst v8  }
0x5db: {  	v7 =	vmul.f32 $1.442695020e+00, v7;
	v10 =	vsub.f32 $1.000000000e+00, v16;
	v8 =	vadd.f32 v23, v19;
	v9 =	vld [tilespmem:s18+$0x10];
	[tilespmem:s1+$0xFFFFFFE0] =	vst v2;
	s1 =	smov.u32 s9  }
0x5dc: {  	v3 =	vmin.f32 v3, $1.000000000e+01;
	v2 =	vmul.f32 $1.442695020e+00, v6;
	v6 =	vadd.f32 v24, v12;
	v11 =	vld [tilespmem:s14+$0x10];
	[tilespmem:s9+$0xFFFFFFC0] =	vst v4  }
0x5dd: {  	v10 =	vmul.f32 v10, v1;
	v17 =	vmax.f32 v8, $0.0e+00;
	v8 =	vadd.f32 v14, v15;
	v14 =	vpop (erf)  }
0x5de: {  	v12 =	vsub.f32 $0.0e+00, v3;
	v13 =	vadd.f32 v13, v18;
	(erf) = vpow2.f32 v7  }
0x5df: {  	v16 =	vsub.f32 $1.000000000e+00, v20;
	v7 =	vmin.f32 v17, $1.000000000e+01;
	(erf) = vpow2.f32 v2;
	v3 =	vld [tilespmem:s9+$0x0];
	[tilespmem:s10+$0x30] =	vst v10;
	v4 =	vpop (erf)  }
0x5e0: {  	v12 =	vmul.f32 $1.442695020e+00, v12;
	v8 =	vmax.f32 v8, $0.0e+00;
	v13 =	vmax.f32 v13, $0.0e+00;
	v2 =	vld [tilespmem:s9+$0xFFFFFFE0]  }
0x5e1: {  	v15 =	vmax.f32 v6, $0.0e+00;
	v9 =	vadd.f32 v9, v11;
	v6 =	vld [tilespmem:s9+$0xFFFFFFF0];
	v11 =	vsub.f32 $1.000000000e+00, v10  }
.Ltmp24:
0x5e2: {  	v8 =	vmin.f32 v8, $1.000000000e+01;
	v17 =	vmin.f32 v13, $1.000000000e+01;
	s9 =	sadd.s32 $0x80, s9;
	(erf) = vpow2.f32 v12;
	v13 =	vld [tilespmem:s1+$0x20];
	(pc) =	sbr.rel @p2 .LBB2_50-.Ltmp24, $4  }
0x5e3: {  	v12 =	vmin.f32 v15, $1.000000000e+01;
	v10 =	vmax.f32 v9, $0.0e+00;
	v9 =	vsub.f32 $0.0e+00, v8;
	v8 =	vld [tilespmem:s1+$0x10];
	v19 =	vpop (erf)  }
0x5e4: {  	v15 =	vsub.f32 $1.000000000e+00, v4;
	v18 =	vsub.f32 $0.0e+00, v12;
	v20 =	vmul.f32 v11, v1;
	v1 =	vld [tilespmem:s9+$0x30]  }
0x5e5: {  	v7 =	vsub.f32 $0.0e+00, v7;
	v4 =	vld [tilespmem:s9+$0xFFFFFFC0];
	v12 =	vmul.f32 $1.442695020e+00, v9;
	v11 =	vmul.f32 v16, v2  }
0x5e6: {  	s18 =	sadd.s32 $0x80, s18;
	s14 =	sadd.s32 $0x80, s14;
	v16 =	vmul.f32 $1.442695020e+00, v18;
	v18 =	vsub.f32 $0.0e+00, v17;
	v17 =	vsub.f32 $1.000000000e+00, v19;
	v9 =	vld [tilespmem:s9+$0xFFFFFFD0];
	[tilespmem:s1+$0x30] =	vst v20  }
0x5e7: {  	_ = 	snop  }
0x5e8: {  	v18 =	vmul.f32 $1.442695020e+00, v18  }
0x5e9: {  	v5 =	vmax.f32 v5, $0.0e+00;
	(erf) = vpow2.f32 v16  }
0x5ea: {  	v15 =	vmul.f32 v15, v13;
	v34 =	vpop (erf);
	v5 =	vmin.f32 v5, $1.000000000e+01;
	(erf) = vpow2.f32 v18  }
0x5eb: {  	v14 =	vsub.f32 $1.000000000e+00, v14;
	v10 =	vmin.f32 v10, $1.000000000e+01;
	v5 =	vsub.f32 $0.0e+00, v5  }
0x5ec: {  	v7 =	vmul.f32 $1.442695020e+00, v7;
	v46 =	vsub.f32 $1.000000000e+00, v11;
	v16 =	vsub.f32 $1.000000000e+00, v34  }
0x5ed: {  	[tilespmem:s11+$0xFFFFFFE0] =	vst v11;
	v17 =	vmul.f32 v17, v8;
	v10 =	vsub.f32 $0.0e+00, v10;
	v5 =	vmul.f32 $1.442695020e+00, v5  }
0x5ee: {  	v19 =	vpop (erf);
	v35 =	vsub.f32 $1.000000000e+00, v15;
	[tilespmem:s11+$0x20] =	vst v15;
	v14 =	vmul.f32 v14, v3;
	v2 =	vmul.f32 v46, v2  }
0x5ef: {  	v41 =	vsub.f32 $1.000000000e+00, v19;
	[tilespmem:s11+$0x10] =	vst v17;
	v10 =	vmul.f32 $1.442695020e+00, v10;
	(erf) = vpow2.f32 v5  }
0x5f0: {  	v16 =	vmul.f32 v16, v6;
	v36 =	vpop (erf);
	v39 =	vsub.f32 $1.000000000e+00, v14;
	[tilespmem:s11+$0x0] =	vst v14;
	(erf) = vpow2.f32 v12  }
0x5f1: {  	v37 =	vmul.f32 v35, v13;
	[tilespmem:s1+$0xFFFFFFE0] =	vst v2;
	v38 =	vsub.f32 $1.000000000e+00, v36;
	(erf) = vpow2.f32 v10  }
0x5f2: {  	v45 =	vsub.f32 $1.000000000e+00, v17;
	[tilespmem:s11+$0xFFFFFFF0] =	vst v16;
	v3 =	vmul.f32 v39, v3;
	v42 =	vpop (erf);
	(erf) = vpow2.f32 v7  }
0x5f3: {  	v40 =	vsub.f32 $1.000000000e+00, v16;
	[tilespmem:s1+$0x20] =	vst v37;
	v5 =	vmul.f32 v38, v9;
	v43 =	vpop (erf)  }
0x5f4: {  	s10 =	sadd.s32 $0x80, s10;
	v48 =	vmul.f32 v45, v8;
	v10 =	vmul.f32 v41, v4;
	[tilespmem:s1+$0x0] =	vst v3;
	v3 =	vsub.f32 $1.000000000e+00, v43  }
0x5f5: {  	v47 =	vld [tilespmem:s9+$0x0];
	v44 =	vmul.f32 v40, v6;
	[tilespmem:s10+$0xFFFFFFD0] =	vst v5;
	v5 =	vsub.f32 $1.000000000e+00, v5  }
0x5f6: {  	v52 =	vld [tilespmem:s9+$0xFFFFFFE0];
	[tilespmem:s1+$0x10] =	vst v48;
	v49 =	vsub.f32 $1.000000000e+00, v10;
	v3 =	vmul.f32 v3, v1  }
0x5f7: {  	v50 =	vld [tilespmem:s9+$0x20];
	[tilespmem:s1+$0xFFFFFFF0] =	vst v44;
	v5 =	vmul.f32 v5, v9  }
0x5f8: {  	v56 =	vld [tilespmem:s9+$0x10];
	[tilespmem:s10+$0xFFFFFFC0] =	vst v10;
	v53 =	vmul.f32 v49, v4;
	v51 =	vpop (erf);
	v55 =	vsub.f32 $1.000000000e+00, v3  }
0x5f9: {  	v2 =	vld [tilespmem:s9+$0xFFFFFFF0];
	v57 =	vsub.f32 $1.000000000e+00, v42;
	[tilespmem:s9+$0xFFFFFFD0] =	vst v5;
	v54 =	vpop (erf)  }
0x5fa: {  	[tilespmem:s9+$0xFFFFFFC0] =	vst v53;
	v5 =	vsub.f32 $1.000000000e+00, v51;
	v8 =	vsub.f32 $1.000000000e+00, v54;
	v58 =	vpop (erf);
	v1 =	vmul.f32 v55, v1  }
0x5fb: {  	v4 =	vmul.f32 v57, v52;
	[tilespmem:s10+$0x30] =	vst v3;
	v3 =	vsub.f32 $1.000000000e+00, v58;
	v59 =	vpop (erf)  }
0x5fc: {  	v5 =	vmul.f32 v5, v47;
	v8 =	vmul.f32 v8, v50;
	[tilespmem:s9+$0x30] =	vst v1;
	v1 =	vsub.f32 $1.000000000e+00, v59  }
0x5fd: {  	[tilespmem:s10+$0xFFFFFFE0] =	vst v4  }
0x5fe: {  	v3 =	vmul.f32 v3, v56;
	[tilespmem:s10+$0x0] =	vst v5;
	v60 =	vsub.f32 $1.000000000e+00, v8;
	v1 =	vmul.f32 v1, v2  }
0x5ff: {  	v62 =	vsub.f32 $1.000000000e+00, v5;
	[tilespmem:s10+$0x20] =	vst v8  }
0x600: {  	[tilespmem:s10+$0x10] =	vst v3;
	v61 =	vmul.f32 v60, v50;
	v63 =	vsub.f32 $1.000000000e+00, v1  }
0x601: {  	[tilespmem:s10+$0xFFFFFFF0] =	vst v1;
	v1 =	vsub.f32 $1.000000000e+00, v3;
	v3 =	vmul.f32 v62, v47  }
0x602: {  	v4 =	vsub.f32 $1.000000000e+00, v4;
	[tilespmem:s9+$0x20] =	vst v61;
	v2 =	vmul.f32 v63, v2  }
0x603: {  	v1 =	vmul.f32 v1, v56;
	[tilespmem:s9+$0x0] =	vst v3  }
0x604: {  	[tilespmem:s9+$0xFFFFFFF0] =	vst v2;
	v2 =	vmul.f32 v4, v52  }
0x605: {  	[tilespmem:s9+$0x10] =	vst v1  }
0x606: {  	s10 =	simm.s32 $0x12;
	[tilespmem:s9+$0xFFFFFFE0] =	vst v2;
	s9 =	simm.s32 $0xB100  }
0x607: {  	[spmem:s21] =	stream.linear.scatter [tilespmem:s9], [sflag:$0x12], $0x1880, $0x38;
	[tilespmem:$0x11400] =	vst v63  }
0x608: {  	_ =	swait.ge [sflag:s10], $0x1880  }
0x609: {  	[sflag:s10] =	ssyncset.done $0x0  }
0x60a: {  	[sflag:s10] =	ssyncadd.s32 $0xFFFFE780  }
0x60b: {  	[bflag:$0x0] =	sbarrier.arrive $0xFFFF  }
0x60c: {  	s1 =	simm.s32 $0x0;
	s10 =	simm.s32 $0x3100;
	s11 =	rddreg [dreg:$0x10]  }
0x60d: {  	[tilespmem:s10], [sflag:$0x1] =	stream.linear.gather [hbm4b:s11+s1], $0x7D0, $0x38;
	[tilespmem:$0x11400] =	vst v63  }
0x60e: {  	s14 =	simm.s32 $0x5100;
	s12 =	rddreg [dreg:$0x12]  }
0x60f: {  	[tilespmem:s14], [sflag:$0x1] =	stream.linear.gather [hbm4b:s12+s1], $0x7D0, $0x38;
	[tilespmem:$0x11400] =	vst v63  }
0x610: {  	s18 =	simm.s32 $0x7100;
	s16 =	rddreg [dreg:$0x15]  }
0x611: {  	[tilespmem:s18], [sflag:$0x1] =	stream.linear.gather [hbm4b:s16+s1], $0x7D0, $0x38;
	[tilespmem:$0x11400] =	vst v63  }
0x612: {  	s12 =	rddreg [dreg:$0x16];
	s14 =	simm.s32 $0x3900  }
0x613: {  	[tilespmem:s14], [sflag:$0x2] =	stream.linear.gather [hbm4b:s12+s1], $0x7D0, $0x38;
	[tilespmem:$0x11400] =	vst v63  }
0x614: {  	s16 =	rddreg [dreg:$0x17];
	s18 =	simm.s32 $0x5900  }
0x615: {  	[tilespmem:s18], [sflag:$0x2] =	stream.linear.gather [hbm4b:s16+s1], $0x7D0, $0x38;
	[tilespmem:$0x11400] =	vst v63  }
0x616: {  	s12 =	rddreg [dreg:$0x19];
	s14 =	simm.s32 $0x7900;
	s16 =	simm.s32 $0x1  }
0x617: {  	[tilespmem:s14], [sflag:$0x2] =	stream.linear.gather [hbm4b:s12+s1], $0x7D0, $0x38;
	[tilespmem:$0x11400] =	vst v63  }
0x618: {  	_ =	swait.ge [sflag:s16], $0x7D0  }
0x619: {  	[sflag:s16] =	ssyncset.done $0x0  }
0x61a: {  	[sflag:s16] =	ssyncadd.s32 $0xFFFFF830  }
0x61b: {  	_ =	swait.ge [sflag:s16], $0x7D0  }
0x61c: {  	[sflag:s16] =	ssyncset.done $0x0  }
0x61d: {  	[sflag:s16] =	ssyncadd.s32 $0xFFFFF830  }
0x61e: {  	_ =	swait.ge [sflag:s16], $0x7D0  }
0x61f: {  	[sflag:s16] =	ssyncset.done $0x0  }
0x620: {  	s18 =	simm.s32 $0x9100;
	[sflag:s16] =	ssyncadd.s32 $0xFFFFF830  }
0x621: {  	[tilespmem:s18], [sflag:$0xD] =	stream.indirect.gather [spmem:s3], $0x1, s10, s15, $0xb8;
	[tilespmem:$0x11400] =	vst v63  }
0x622: {  	s18 =	rddreg [dreg:$0x1c]  }
.LBB2_52:
0x623: {  	p2 =	seq.s32 s1, $0x0;
	s9 =	smul.u32 $0x1F40, s1  }
0x624: {  	s10 =	simm.s32 @!p2 $0x7  }
0x625: {  	_ =	swait.ge @!p2 [sflag:s10], $0x7D0;
	s11 =	sadd.s32 s9, s22  }
0x626: {  	[sflag:s10] =	ssyncset.done @!p2 $0x0;
	s11 =	sshrl.u32 s11, $0x3  }
0x627: {  	s12 =	simm.s32 $0x4100;
	[sflag:s10] =	ssyncadd.s32 @!p2 $0xFFFFF830;
	s16 =	sadd.s32 s6, s11  }
0x628: {  	[tilespmem:s12], [sflag:$0x3] =	stream.linear.gather [hbm4b:s16+s5], $0x7D0, $0x38;
	[tilespmem:$0x11400] =	vst v63  }
0x629: {  	s14 =	sadd.s32 s7, s11;
	s16 =	simm.s32 $0x6100  }
0x62a: {  	[tilespmem:s16], [sflag:$0x3] =	stream.linear.gather [hbm4b:s14+s5], $0x7D0, $0x38;
	[tilespmem:$0x11400] =	vst v63  }
0x62b: {  	s14 =	sadd.s32 s2, s11;
	s16 =	simm.s32 $0x8100  }
0x62c: {  	[tilespmem:s16], [sflag:$0x3] =	stream.linear.gather [hbm4b:s14+s5], $0x7D0, $0x38;
	[tilespmem:$0x11400] =	vst v63  }
0x62d: {  	_ =	swait.ge [sflag:s25], $0x7D0  }
0x62e: {  	[sflag:s25] =	ssyncset.done $0x0  }
0x62f: {  	[sflag:s25] =	ssyncadd.s32 $0xFFFFF830  }
0x630: {  	_ =	swait.ge [sflag:s26], $0x7D0  }
0x631: {  	[sflag:s26] =	ssyncset.done $0x0  }
0x632: {  	[sflag:s26] =	ssyncadd.s32 $0xFFFFF830  }
0x633: {  	_ =	swait.ge [sflag:s26], $0x7D0  }
0x634: {  	[sflag:s26] =	ssyncset.done $0x0  }
0x635: {  	[sflag:s26] =	ssyncadd.s32 $0xFFFFF830  }
0x636: {  	_ =	swait.ge [sflag:s26], $0x7D0  }
0x637: {  	s12 =	simm.s32 $0x3900;
	[sflag:s26] =	ssyncset.done $0x0  }
0x638: {  	s14 =	simm.s32 $0x9900;
	s16 =	simm.s32 $0x7140;
	[sflag:s26] =	ssyncadd.s32 $0xFFFFF830  }
0x639: {  	[tilespmem:s14], [sflag:$0xE] =	stream.indirect.gather [spmem:s3], $0x1, s12, s15, $0xb8;
	[tilespmem:$0x11400] =	vst v63  }
0x63a: {  	s10 =	simm.s32 $0x9140;
	v2 =	vld [tilespmem:s16+$0x30]  }
0x63b: {  	v3 =	vld [tilespmem:s10+$0x30]  }
0x63c: {  	v1 =	vld [tilespmem:s10+$0xFFFFFFC0]  }
0x63d: {  	v4 =	vld [tilespmem:s16+$0xFFFFFFD0]  }
0x63e: {  	v5 =	vld [tilespmem:s10+$0xFFFFFFD0]  }
0x63f: {  	v6 =	vld [tilespmem:s16+$0xFFFFFFE0]  }
0x640: {  	v7 =	vld [tilespmem:s10+$0xFFFFFFE0]  }
0x641: {  	v8 =	vld [tilespmem:s16+$0xFFFFFFF0]  }
0x642: {  	v9 =	vld [tilespmem:s10+$0xFFFFFFF0]  }
0x643: {  	v10 =	vld [tilespmem:s16+$0x0]  }
0x644: {  	v11 =	vld [tilespmem:s10+$0x0];
	v3 =	vmul.f32 v3, v2  }
0x645: {  	v5 =	vmul.f32 v5, v4;
	v2 =	vld [tilespmem:s16+$0x10]  }
0x646: {  	v6 =	vmul.f32 v7, v6;
	v4 =	vld [tilespmem:s10+$0x10];
	[tilespmem:s10+$0x30] =	vst v3  }
0x647: {  	v7 =	vmul.f32 v9, v8;
	[tilespmem:s10+$0xFFFFFFD0] =	vst v5;
	v3 =	vld [tilespmem:s16+$0x20]  }
0x648: {  	[tilespmem:s10+$0xFFFFFFE0] =	vst v6;
	v6 =	vld [tilespmem:s10+$0x20]  }
0x649: {  	s11 =	simm.s32 $0x9140;
	s12 =	simm.s32 $0x0;
	s14 =	simm.s32 $0x71C0;
	v5 =	vld [tilespmem:s16+$0xFFFFFFC0];
	[tilespmem:s10+$0xFFFFFFF0] =	vst v7;
	v7 =	vmul.f32 v11, v10  }
.LBB2_53:
0x64a: {  	v8 =	vld [tilespmem:s14+$0x30];
	s10 =	sadd.s32 $0x80, s10  }
0x64b: {  	s12 =	sadd.s32 $0x8, s12;
	v9 =	vld [tilespmem:s10+$0x30];
	[tilespmem:s11+$0x0] =	vst v7;
	v2 =	vmul.f32 v4, v2  }
0x64c: {  	p3 =	slt.u32 s12, $0x70;
	v4 =	vld [tilespmem:s10+$0xFFFFFFC0]  }
0x64d: {  	v7 =	vld [tilespmem:s14+$0xFFFFFFD0];
	[tilespmem:s11+$0x10] =	vst v2;
	v2 =	vmul.f32 v6, v3  }
0x64e: {  	v3 =	vld [tilespmem:s10+$0xFFFFFFD0];
	v10 =	vmul.f32 v1, v5  }
0x64f: {  	v5 =	vld [tilespmem:s14+$0xFFFFFFE0];
	[tilespmem:s11+$0x20] =	vst v2  }
0x650: {  	v2 =	vld [tilespmem:s10+$0xFFFFFFE0];
	v6 =	vmul.f32 v9, v8;
	[tilespmem:s11+$0xFFFFFFC0] =	vst v10;
	s11 =	smov.u32 s10  }
0x651: {  	v8 =	vld [tilespmem:s14+$0xFFFFFFF0];
	v1 =	vmov v4  }
0x652: {  	s16 =	simm.s32 $0x0;
	v9 =	vld [tilespmem:s10+$0xFFFFFFF0];
	[tilespmem:s10+$0x30] =	vst v6  }
0x653: {  	v3 =	vmul.f32 v3, v7;
	v7 =	vld [tilespmem:s14+$0x0]  }
0x654: {  	v10 =	vld [tilespmem:s10+$0x0]  }
.Ltmp25:
0x655: {  	[tilespmem:s10+$0xFFFFFFD0] =	vst v3;
	v3 =	vmul.f32 v2, v5;
	v2 =	vld [tilespmem:s14+$0x10];
	(pc) =	sbr.rel @p3 .LBB2_53-.Ltmp25, $4  }
0x656: {  	v4 =	vld [tilespmem:s10+$0x10]  }
0x657: {  	[tilespmem:s10+$0xFFFFFFE0] =	vst v3;
	v8 =	vmul.f32 v9, v8;
	v3 =	vld [tilespmem:s14+$0x20]  }
0x658: {  	v6 =	vld [tilespmem:s10+$0x20]  }
0x659: {  	v5 =	vld [tilespmem:s14+$0xFFFFFFC0];
	[tilespmem:s10+$0xFFFFFFF0] =	vst v8;
	v7 =	vmul.f32 v10, v7;
	s14 =	sadd.s32 $0x80, s14  }
0x65a: {  	_ =	sdelay $0x1  }
0x65b: {  	v2 =	vmul.f32 v4, v2  }
0x65c: {  	[tilespmem:s11+$0x0] =	vst v7;
	v3 =	vmul.f32 v6, v3  }
0x65d: {  	[tilespmem:s11+$0x10] =	vst v2;
	v1 =	vmul.f32 v1, v5  }
0x65e: {  	[tilespmem:s11+$0x20] =	vst v3  }
0x65f: {  	[tilespmem:s11+$0xFFFFFFC0] =	vst v1  }
.LBB2_55:
0x660: {  	s10 =	sshra.s32 s16, $0x2  }
0x661: {  	v1 =	vld [tilespmem:s10+$0x7880]  }
0x662: {  	v2 =	vld [tilespmem:s10+$0x9880];
	_ =	sdelay $0x1  }
0x663: {  	p3 =	sne.s32 s16, $0x100  }
.Ltmp26:
0x664: {  	_ = 	snop;
	(pc) =	sbr.rel @p3 .LBB2_55-.Ltmp26, $3  }
0x665: {  	_ = 	snop  }
0x666: {  	v1 =	vmul.f32 v2, v1;
	_ =	sdelay $0x1  }
0x667: {  	s16 =	sadd.s32 $0x40, s16;
	[tilespmem:s10+$0x9880] =	vst v1  }
0x668: {  	s10 =	simm.s32 $0x5100;
	s11 =	simm.s32 $0x9100  }
0x669: {  	[spmem:s4] =	stream.indirect.scatter.add.f32 [tilespmem:s11], [sflag:$0x5], $0x1, s10, s15, $0xb8;
	[tilespmem:$0x11400] =	vst v63  }
0x66a: {  	s10 =	simm.s32 @!p2 $0x8  }
0x66b: {  	s14 =	sadd.s32 s9, s18;
	_ =	swait.ge @!p2 [sflag:s10], $0x7D0  }
0x66c: {  	s11 =	sshrl.u32 s14, $0x3;
	[sflag:s10] =	ssyncset.done @!p2 $0x0  }
0x66d: {  	s12 =	simm.s32 $0x4900;
	s16 =	sadd.s32 s6, s11;
	[sflag:s10] =	ssyncadd.s32 @!p2 $0xFFFFF830  }
0x66e: {  	[tilespmem:s12], [sflag:$0x4] =	stream.linear.gather [hbm4b:s16+s5], $0x7D0, $0x38;
	[tilespmem:$0x11400] =	vst v63  }
0x66f: {  	s14 =	sadd.s32 s7, s11;
	s16 =	simm.s32 $0x6900  }
0x670: {  	[tilespmem:s16], [sflag:$0x4] =	stream.linear.gather [hbm4b:s14+s5], $0x7D0, $0x38;
	[tilespmem:$0x11400] =	vst v63  }
0x671: {  	s14 =	sadd.s32 s2, s11;
	s16 =	simm.s32 $0x8900  }
0x672: {  	[tilespmem:s16], [sflag:$0x4] =	stream.linear.gather [hbm4b:s14+s5], $0x7D0, $0x38;
	[tilespmem:$0x11400] =	vst v63  }
0x673: {  	_ =	swait.ge [sflag:s31], $0x7D0  }
0x674: {  	[sflag:s31] =	ssyncset.done $0x0  }
0x675: {  	[sflag:s31] =	ssyncadd.s32 $0xFFFFF830  }
0x676: {  	_ =	swait.ge [sflag:s8], $0x7D0  }
0x677: {  	[sflag:s8] =	ssyncset.done $0x0  }
0x678: {  	[sflag:s8] =	ssyncadd.s32 $0xFFFFF830  }
0x679: {  	_ =	swait.ge [sflag:s8], $0x7D0  }
0x67a: {  	[sflag:s8] =	ssyncset.done $0x0  }
0x67b: {  	[sflag:s8] =	ssyncadd.s32 $0xFFFFF830  }
0x67c: {  	_ =	swait.ge [sflag:s8], $0x7D0  }
0x67d: {  	s12 =	simm.s32 $0x4100;
	[sflag:s8] =	ssyncset.done $0x0  }
0x67e: {  	s14 =	simm.s32 $0xA100;
	s16 =	simm.s32 $0x7940;
	[sflag:s8] =	ssyncadd.s32 $0xFFFFF830  }
0x67f: {  	[tilespmem:s14], [sflag:$0xF] =	stream.indirect.gather [spmem:s3], $0x1, s12, s15, $0xb8;
	[tilespmem:$0x11400] =	vst v63  }
0x680: {  	s10 =	simm.s32 $0x9940;
	v2 =	vld [tilespmem:s16+$0x30]  }
0x681: {  	v3 =	vld [tilespmem:s10+$0x30]  }
0x682: {  	v1 =	vld [tilespmem:s10+$0xFFFFFFC0]  }
0x683: {  	v4 =	vld [tilespmem:s16+$0xFFFFFFD0]  }
0x684: {  	v5 =	vld [tilespmem:s10+$0xFFFFFFD0]  }
0x685: {  	v6 =	vld [tilespmem:s16+$0xFFFFFFE0]  }
0x686: {  	v7 =	vld [tilespmem:s10+$0xFFFFFFE0]  }
0x687: {  	v8 =	vld [tilespmem:s16+$0xFFFFFFF0]  }
0x688: {  	v9 =	vld [tilespmem:s10+$0xFFFFFFF0]  }
0x689: {  	v10 =	vld [tilespmem:s16+$0x0]  }
0x68a: {  	v11 =	vld [tilespmem:s10+$0x0];
	v3 =	vmul.f32 v3, v2  }
0x68b: {  	v5 =	vmul.f32 v5, v4;
	v2 =	vld [tilespmem:s16+$0x10]  }
0x68c: {  	v6 =	vmul.f32 v7, v6;
	v4 =	vld [tilespmem:s10+$0x10];
	[tilespmem:s10+$0x30] =	vst v3  }
0x68d: {  	v7 =	vmul.f32 v9, v8;
	[tilespmem:s10+$0xFFFFFFD0] =	vst v5;
	v3 =	vld [tilespmem:s16+$0x20]  }
0x68e: {  	[tilespmem:s10+$0xFFFFFFE0] =	vst v6;
	v6 =	vld [tilespmem:s10+$0x20]  }
0x68f: {  	s11 =	simm.s32 $0x9940;
	s12 =	simm.s32 $0x0;
	s14 =	simm.s32 $0x79C0;
	v5 =	vld [tilespmem:s16+$0xFFFFFFC0];
	[tilespmem:s10+$0xFFFFFFF0] =	vst v7;
	v7 =	vmul.f32 v11, v10  }
.LBB2_57:
0x690: {  	v8 =	vld [tilespmem:s14+$0x30];
	s10 =	sadd.s32 $0x80, s10  }
0x691: {  	s12 =	sadd.s32 $0x8, s12;
	v9 =	vld [tilespmem:s10+$0x30];
	[tilespmem:s11+$0x0] =	vst v7;
	v2 =	vmul.f32 v4, v2  }
0x692: {  	p2 =	slt.u32 s12, $0x70;
	v4 =	vld [tilespmem:s10+$0xFFFFFFC0]  }
0x693: {  	v7 =	vld [tilespmem:s14+$0xFFFFFFD0];
	[tilespmem:s11+$0x10] =	vst v2;
	v2 =	vmul.f32 v6, v3  }
0x694: {  	v3 =	vld [tilespmem:s10+$0xFFFFFFD0];
	v10 =	vmul.f32 v1, v5  }
0x695: {  	v5 =	vld [tilespmem:s14+$0xFFFFFFE0];
	[tilespmem:s11+$0x20] =	vst v2  }
0x696: {  	v2 =	vld [tilespmem:s10+$0xFFFFFFE0];
	v6 =	vmul.f32 v9, v8;
	[tilespmem:s11+$0xFFFFFFC0] =	vst v10;
	s11 =	smov.u32 s10  }
0x697: {  	v8 =	vld [tilespmem:s14+$0xFFFFFFF0];
	v1 =	vmov v4  }
0x698: {  	s16 =	simm.s32 $0x0;
	v9 =	vld [tilespmem:s10+$0xFFFFFFF0];
	[tilespmem:s10+$0x30] =	vst v6  }
0x699: {  	v3 =	vmul.f32 v3, v7;
	v7 =	vld [tilespmem:s14+$0x0]  }
0x69a: {  	v10 =	vld [tilespmem:s10+$0x0]  }
.Ltmp27:
0x69b: {  	[tilespmem:s10+$0xFFFFFFD0] =	vst v3;
	v3 =	vmul.f32 v2, v5;
	v2 =	vld [tilespmem:s14+$0x10];
	(pc) =	sbr.rel @p2 .LBB2_57-.Ltmp27, $4  }
0x69c: {  	v4 =	vld [tilespmem:s10+$0x10]  }
0x69d: {  	[tilespmem:s10+$0xFFFFFFE0] =	vst v3;
	v8 =	vmul.f32 v9, v8;
	v3 =	vld [tilespmem:s14+$0x20]  }
0x69e: {  	v6 =	vld [tilespmem:s10+$0x20]  }
0x69f: {  	v5 =	vld [tilespmem:s14+$0xFFFFFFC0];
	[tilespmem:s10+$0xFFFFFFF0] =	vst v8;
	v7 =	vmul.f32 v10, v7;
	s14 =	sadd.s32 $0x80, s14  }
0x6a0: {  	_ =	sdelay $0x1  }
0x6a1: {  	v2 =	vmul.f32 v4, v2  }
0x6a2: {  	[tilespmem:s11+$0x0] =	vst v7;
	v3 =	vmul.f32 v6, v3  }
0x6a3: {  	[tilespmem:s11+$0x10] =	vst v2;
	v1 =	vmul.f32 v1, v5  }
0x6a4: {  	[tilespmem:s11+$0x20] =	vst v3  }
0x6a5: {  	[tilespmem:s11+$0xFFFFFFC0] =	vst v1  }
.LBB2_59:
0x6a6: {  	s10 =	sshra.s32 s16, $0x2  }
0x6a7: {  	v1 =	vld [tilespmem:s10+$0x8080]  }
0x6a8: {  	v2 =	vld [tilespmem:s10+$0xA080];
	_ =	sdelay $0x1  }
0x6a9: {  	p2 =	sne.s32 s16, $0x100  }
.Ltmp28:
0x6aa: {  	_ = 	snop;
	(pc) =	sbr.rel @p2 .LBB2_59-.Ltmp28, $3  }
0x6ab: {  	_ = 	snop  }
0x6ac: {  	v1 =	vmul.f32 v2, v1;
	_ =	sdelay $0x1  }
0x6ad: {  	s16 =	sadd.s32 $0x40, s16;
	[tilespmem:s10+$0xA080] =	vst v1  }
0x6ae: {  	s10 =	simm.s32 $0x5900;
	s11 =	simm.s32 $0x9900  }
0x6af: {  	[spmem:s4] =	stream.indirect.scatter.add.f32 [tilespmem:s11], [sflag:$0x6], $0x1, s10, s15, $0xb8;
	[tilespmem:$0x11400] =	vst v63  }
0x6b0: {  	_ =	swait.ge [sflag:s13], $0x7D0  }
0x6b1: {  	p2 =	seq.s32 s1, $0x18;
	s10 =	rddreg [dreg:$0x1d]  }
0x6b2: {  	s10 =	sadd.s32 @!p2 s9, s10  }
0x6b3: {  	s12 =	simm.s32 @!p2 $0x0;
	[sflag:s13] =	ssyncset.done $0x0;
	s10 =	sshrl.u32 @!p2 s10, $0x3  }
0x6b4: {  	s14 =	simm.s32 @!p2 $0x3100;
	[sflag:s13] =	ssyncadd.s32 $0xFFFFF830;
	s11 =	sadd.s32 @!p2 s6, s10  }
0x6b5: {  	[tilespmem:s14], [sflag:$0x1] =	stream.linear.gather @!p2 [hbm4b:s11+s12], $0x7D0, $0x38;
	[tilespmem:$0x11400] =	vst v63  }
0x6b6: {  	s11 =	sadd.s32 @!p2 s7, s10;
	s14 =	simm.s32 @!p2 $0x5100  }
0x6b7: {  	[tilespmem:s14], [sflag:$0x1] =	stream.linear.gather @!p2 [hbm4b:s11+s12], $0x7D0, $0x38;
	[tilespmem:$0x11400] =	vst v63  }
0x6b8: {  	s10 =	sadd.s32 @!p2 s2, s10;
	s11 =	simm.s32 @!p2 $0x7100  }
0x6b9: {  	[tilespmem:s11], [sflag:$0x1] =	stream.linear.gather @!p2 [hbm4b:s10+s12], $0x7D0, $0x38;
	[tilespmem:$0x11400] =	vst v63  }
0x6ba: {  	_ =	swait.ge [sflag:s23], $0x7D0  }
0x6bb: {  	[sflag:s23] =	ssyncset.done $0x0  }
0x6bc: {  	[sflag:s23] =	ssyncadd.s32 $0xFFFFF830  }
0x6bd: {  	_ =	swait.ge [sflag:s28], $0x7D0  }
0x6be: {  	[sflag:s28] =	ssyncset.done $0x0  }
0x6bf: {  	[sflag:s28] =	ssyncadd.s32 $0xFFFFF830  }
0x6c0: {  	_ =	swait.ge [sflag:s28], $0x7D0  }
0x6c1: {  	[sflag:s28] =	ssyncset.done $0x0  }
0x6c2: {  	[sflag:s28] =	ssyncadd.s32 $0xFFFFF830  }
0x6c3: {  	_ =	swait.ge [sflag:s28], $0x7D0  }
0x6c4: {  	s16 =	simm.s32 $0x8140;
	[sflag:s28] =	ssyncset.done $0x0  }
0x6c5: {  	s14 =	simm.s32 $0xA900;
	s12 =	simm.s32 $0x4900;
	[sflag:s28] =	ssyncadd.s32 $0xFFFFF830  }
0x6c6: {  	[tilespmem:s14], [sflag:$0x10] =	stream.indirect.gather [spmem:s3], $0x1, s12, s15, $0xb8;
	[tilespmem:$0x11400] =	vst v63  }
0x6c7: {  	s10 =	simm.s32 $0xA140;
	v2 =	vld [tilespmem:s16+$0x30]  }
0x6c8: {  	v3 =	vld [tilespmem:s10+$0x30]  }
0x6c9: {  	v1 =	vld [tilespmem:s10+$0xFFFFFFC0]  }
0x6ca: {  	v4 =	vld [tilespmem:s16+$0xFFFFFFD0]  }
0x6cb: {  	v5 =	vld [tilespmem:s10+$0xFFFFFFD0]  }
0x6cc: {  	v6 =	vld [tilespmem:s16+$0xFFFFFFE0]  }
0x6cd: {  	v7 =	vld [tilespmem:s10+$0xFFFFFFE0]  }
0x6ce: {  	v8 =	vld [tilespmem:s16+$0xFFFFFFF0]  }
0x6cf: {  	v9 =	vld [tilespmem:s10+$0xFFFFFFF0]  }
0x6d0: {  	v10 =	vld [tilespmem:s16+$0x0]  }
0x6d1: {  	v11 =	vld [tilespmem:s10+$0x0];
	v3 =	vmul.f32 v3, v2  }
0x6d2: {  	v5 =	vmul.f32 v5, v4;
	v2 =	vld [tilespmem:s16+$0x10]  }
0x6d3: {  	v6 =	vmul.f32 v7, v6;
	v4 =	vld [tilespmem:s10+$0x10];
	[tilespmem:s10+$0x30] =	vst v3  }
0x6d4: {  	v7 =	vmul.f32 v9, v8;
	[tilespmem:s10+$0xFFFFFFD0] =	vst v5;
	v3 =	vld [tilespmem:s16+$0x20]  }
0x6d5: {  	[tilespmem:s10+$0xFFFFFFE0] =	vst v6;
	v6 =	vld [tilespmem:s10+$0x20]  }
0x6d6: {  	s11 =	simm.s32 $0xA140;
	s12 =	simm.s32 $0x0;
	s14 =	simm.s32 $0x81C0;
	v5 =	vld [tilespmem:s16+$0xFFFFFFC0];
	[tilespmem:s10+$0xFFFFFFF0] =	vst v7;
	v7 =	vmul.f32 v11, v10  }
.LBB2_61:
0x6d7: {  	v8 =	vld [tilespmem:s14+$0x30];
	s10 =	sadd.s32 $0x80, s10  }
0x6d8: {  	s12 =	sadd.s32 $0x8, s12;
	v9 =	vld [tilespmem:s10+$0x30];
	[tilespmem:s11+$0x0] =	vst v7;
	v2 =	vmul.f32 v4, v2  }
0x6d9: {  	p2 =	slt.u32 s12, $0x70;
	v4 =	vld [tilespmem:s10+$0xFFFFFFC0]  }
0x6da: {  	v7 =	vld [tilespmem:s14+$0xFFFFFFD0];
	[tilespmem:s11+$0x10] =	vst v2;
	v2 =	vmul.f32 v6, v3  }
0x6db: {  	v3 =	vld [tilespmem:s10+$0xFFFFFFD0];
	v10 =	vmul.f32 v1, v5  }
0x6dc: {  	v5 =	vld [tilespmem:s14+$0xFFFFFFE0];
	[tilespmem:s11+$0x20] =	vst v2  }
0x6dd: {  	v2 =	vld [tilespmem:s10+$0xFFFFFFE0];
	v6 =	vmul.f32 v9, v8;
	[tilespmem:s11+$0xFFFFFFC0] =	vst v10;
	s11 =	smov.u32 s10  }
0x6de: {  	v8 =	vld [tilespmem:s14+$0xFFFFFFF0];
	v1 =	vmov v4  }
0x6df: {  	s16 =	simm.s32 $0x0;
	v9 =	vld [tilespmem:s10+$0xFFFFFFF0];
	[tilespmem:s10+$0x30] =	vst v6  }
0x6e0: {  	v3 =	vmul.f32 v3, v7;
	v7 =	vld [tilespmem:s14+$0x0]  }
0x6e1: {  	v10 =	vld [tilespmem:s10+$0x0]  }
.Ltmp29:
0x6e2: {  	[tilespmem:s10+$0xFFFFFFD0] =	vst v3;
	v3 =	vmul.f32 v2, v5;
	v2 =	vld [tilespmem:s14+$0x10];
	(pc) =	sbr.rel @p2 .LBB2_61-.Ltmp29, $4  }
0x6e3: {  	v4 =	vld [tilespmem:s10+$0x10]  }
0x6e4: {  	[tilespmem:s10+$0xFFFFFFE0] =	vst v3;
	v8 =	vmul.f32 v9, v8;
	v3 =	vld [tilespmem:s14+$0x20]  }
0x6e5: {  	v6 =	vld [tilespmem:s10+$0x20]  }
0x6e6: {  	v5 =	vld [tilespmem:s14+$0xFFFFFFC0];
	[tilespmem:s10+$0xFFFFFFF0] =	vst v8;
	v7 =	vmul.f32 v10, v7;
	s14 =	sadd.s32 $0x80, s14  }
0x6e7: {  	_ =	sdelay $0x1  }
0x6e8: {  	v2 =	vmul.f32 v4, v2  }
0x6e9: {  	[tilespmem:s11+$0x0] =	vst v7;
	v3 =	vmul.f32 v6, v3  }
0x6ea: {  	[tilespmem:s11+$0x10] =	vst v2;
	v1 =	vmul.f32 v1, v5  }
0x6eb: {  	[tilespmem:s11+$0x20] =	vst v3  }
0x6ec: {  	[tilespmem:s11+$0xFFFFFFC0] =	vst v1  }
.LBB2_63:
0x6ed: {  	s10 =	sshra.s32 s16, $0x2  }
0x6ee: {  	v1 =	vld [tilespmem:s10+$0x8880]  }
0x6ef: {  	v2 =	vld [tilespmem:s10+$0xA880];
	_ =	sdelay $0x1  }
0x6f0: {  	p2 =	sne.s32 s16, $0x100  }
.Ltmp30:
0x6f1: {  	_ = 	snop;
	(pc) =	sbr.rel @p2 .LBB2_63-.Ltmp30, $3  }
0x6f2: {  	_ = 	snop  }
0x6f3: {  	v1 =	vmul.f32 v2, v1;
	_ =	sdelay $0x1  }
0x6f4: {  	s16 =	sadd.s32 $0x40, s16;
	[tilespmem:s10+$0xA880] =	vst v1  }
0x6f5: {  	s10 =	simm.s32 $0x6100;
	s11 =	simm.s32 $0xA100;
	p2 =	sne.s32 s1, $0x18  }
0x6f6: {  	[spmem:s4] =	stream.indirect.scatter.add.f32 [tilespmem:s11], [sflag:$0x7], $0x1, s10, s15, $0xb8;
	[tilespmem:$0x11400] =	vst v63  }
0x6f7: {  	s9 =	sadd.s32 @p2 s9, s20;
	_ =	swait.ge [sflag:s0], $0x7D0  }
0x6f8: {  	s11 =	simm.s32 @p2 $0x0;
	s9 =	sshrl.u32 @p2 s9, $0x3;
	[sflag:s0] =	ssyncset.done $0x0  }
0x6f9: {  	s12 =	simm.s32 @p2 $0x3900;
	s10 =	sadd.s32 @p2 s6, s9;
	[sflag:s0] =	ssyncadd.s32 $0xFFFFF830  }
0x6fa: {  	[tilespmem:s12], [sflag:$0x2] =	stream.linear.gather @p2 [hbm4b:s10+s11], $0x7D0, $0x38;
	[tilespmem:$0x11400] =	vst v63  }
0x6fb: {  	s10 =	sadd.s32 @p2 s7, s9;
	s12 =	simm.s32 @p2 $0x5900  }
0x6fc: {  	[tilespmem:s12], [sflag:$0x2] =	stream.linear.gather @p2 [hbm4b:s10+s11], $0x7D0, $0x38;
	[tilespmem:$0x11400] =	vst v63  }
0x6fd: {  	s9 =	sadd.s32 @p2 s2, s9;
	s10 =	simm.s32 @p2 $0x7900  }
0x6fe: {  	[tilespmem:s10], [sflag:$0x2] =	stream.linear.gather @p2 [hbm4b:s9+s11], $0x7D0, $0x38;
	[tilespmem:$0x11400] =	vst v63  }
0x6ff: {  	s9 =	simm.s32 @p2 $0x10  }
0x700: {  	_ =	swait.ge @p2 [sflag:s9], $0x7D0  }
0x701: {  	[sflag:s9] =	ssyncset.done @p2 $0x0  }
0x702: {  	[sflag:s9] =	ssyncadd.s32 @p2 $0xFFFFF830;
	s9 =	simm.s32 @p2 $0x1  }
0x703: {  	_ =	swait.ge @p2 [sflag:s9], $0x7D0  }
0x704: {  	[sflag:s9] =	ssyncset.done @p2 $0x0  }
0x705: {  	[sflag:s9] =	ssyncadd.s32 @p2 $0xFFFFF830  }
0x706: {  	_ =	swait.ge @p2 [sflag:s9], $0x7D0  }
0x707: {  	[sflag:s9] =	ssyncset.done @p2 $0x0  }
0x708: {  	[sflag:s9] =	ssyncadd.s32 @p2 $0xFFFFF830  }
0x709: {  	_ =	swait.ge @p2 [sflag:s9], $0x7D0  }
0x70a: {  	s10 =	simm.s32 @p2 $0x3100;
	[sflag:s9] =	ssyncset.done @p2 $0x0  }
0x70b: {  	s11 =	simm.s32 @p2 $0x9100;
	[sflag:s9] =	ssyncadd.s32 @p2 $0xFFFFF830;
	s9 =	simm.s32 @p2 $0x7D0  }
0x70c: {  	[tilespmem:s11], [sflag:$0xD] =	stream.indirect.gather @p2 [spmem:s3], $0x1, s10, s9, $0xb8;
	[tilespmem:$0x11400] =	vst v63  }
0x70d: {  	s9 =	simm.s32 @!p2 $0x10  }
0x70e: {  	_ =	swait.ge @!p2 [sflag:s9], $0x7D0  }
0x70f: {  	[sflag:s9] =	ssyncset.done @!p2 $0x0  }
0x710: {  	s16 =	simm.s32 $0x8940;
	[sflag:s9] =	ssyncadd.s32 @!p2 $0xFFFFF830  }
0x711: {  	s9 =	simm.s32 $0xA940;
	v2 =	vld [tilespmem:s16+$0x30]  }
0x712: {  	v3 =	vld [tilespmem:s9+$0x30]  }
0x713: {  	v1 =	vld [tilespmem:s9+$0xFFFFFFC0]  }
0x714: {  	v4 =	vld [tilespmem:s16+$0xFFFFFFD0]  }
0x715: {  	v5 =	vld [tilespmem:s9+$0xFFFFFFD0]  }
0x716: {  	v6 =	vld [tilespmem:s16+$0xFFFFFFE0]  }
0x717: {  	v7 =	vld [tilespmem:s9+$0xFFFFFFE0]  }
0x718: {  	v8 =	vld [tilespmem:s16+$0xFFFFFFF0]  }
0x719: {  	v9 =	vld [tilespmem:s9+$0xFFFFFFF0]  }
0x71a: {  	v10 =	vld [tilespmem:s16+$0x0]  }
0x71b: {  	v11 =	vld [tilespmem:s9+$0x0];
	v3 =	vmul.f32 v3, v2  }
0x71c: {  	v5 =	vmul.f32 v5, v4;
	v2 =	vld [tilespmem:s16+$0x10]  }
0x71d: {  	v6 =	vmul.f32 v7, v6;
	v4 =	vld [tilespmem:s9+$0x10];
	[tilespmem:s9+$0x30] =	vst v3  }
0x71e: {  	v7 =	vmul.f32 v9, v8;
	[tilespmem:s9+$0xFFFFFFD0] =	vst v5;
	v3 =	vld [tilespmem:s16+$0x20]  }
0x71f: {  	[tilespmem:s9+$0xFFFFFFE0] =	vst v6;
	v6 =	vld [tilespmem:s9+$0x20]  }
0x720: {  	s12 =	simm.s32 $0x89C0;
	s11 =	simm.s32 $0x0;
	s10 =	simm.s32 $0xA940;
	v5 =	vld [tilespmem:s16+$0xFFFFFFC0];
	[tilespmem:s9+$0xFFFFFFF0] =	vst v7;
	v7 =	vmul.f32 v11, v10  }
.LBB2_65:
0x721: {  	v8 =	vld [tilespmem:s12+$0x30];
	s9 =	sadd.s32 $0x80, s9  }
0x722: {  	s11 =	sadd.s32 $0x8, s11;
	v9 =	vld [tilespmem:s9+$0x30];
	[tilespmem:s10+$0x0] =	vst v7;
	v2 =	vmul.f32 v4, v2  }
0x723: {  	p2 =	slt.u32 s11, $0x70;
	v4 =	vld [tilespmem:s9+$0xFFFFFFC0]  }
0x724: {  	v7 =	vld [tilespmem:s12+$0xFFFFFFD0];
	[tilespmem:s10+$0x10] =	vst v2;
	v2 =	vmul.f32 v6, v3  }
0x725: {  	v3 =	vld [tilespmem:s9+$0xFFFFFFD0];
	v10 =	vmul.f32 v1, v5  }
0x726: {  	v5 =	vld [tilespmem:s12+$0xFFFFFFE0];
	[tilespmem:s10+$0x20] =	vst v2  }
0x727: {  	v2 =	vld [tilespmem:s9+$0xFFFFFFE0];
	v6 =	vmul.f32 v9, v8;
	[tilespmem:s10+$0xFFFFFFC0] =	vst v10;
	s10 =	smov.u32 s9  }
0x728: {  	v8 =	vld [tilespmem:s12+$0xFFFFFFF0];
	v1 =	vmov v4  }
0x729: {  	s14 =	simm.s32 $0x0;
	v9 =	vld [tilespmem:s9+$0xFFFFFFF0];
	[tilespmem:s9+$0x30] =	vst v6  }
0x72a: {  	v3 =	vmul.f32 v3, v7;
	v7 =	vld [tilespmem:s12+$0x0]  }
0x72b: {  	v10 =	vld [tilespmem:s9+$0x0]  }
.Ltmp31:
0x72c: {  	[tilespmem:s9+$0xFFFFFFD0] =	vst v3;
	v3 =	vmul.f32 v2, v5;
	v2 =	vld [tilespmem:s12+$0x10];
	(pc) =	sbr.rel @p2 .LBB2_65-.Ltmp31, $4  }
0x72d: {  	v4 =	vld [tilespmem:s9+$0x10]  }
0x72e: {  	[tilespmem:s9+$0xFFFFFFE0] =	vst v3;
	v8 =	vmul.f32 v9, v8;
	v3 =	vld [tilespmem:s12+$0x20]  }
0x72f: {  	v6 =	vld [tilespmem:s9+$0x20]  }
0x730: {  	v5 =	vld [tilespmem:s12+$0xFFFFFFC0];
	[tilespmem:s9+$0xFFFFFFF0] =	vst v8;
	v7 =	vmul.f32 v10, v7;
	s12 =	sadd.s32 $0x80, s12  }
0x731: {  	_ =	sdelay $0x1  }
0x732: {  	v2 =	vmul.f32 v4, v2  }
0x733: {  	[tilespmem:s10+$0x0] =	vst v7;
	v3 =	vmul.f32 v6, v3  }
0x734: {  	[tilespmem:s10+$0x10] =	vst v2;
	v1 =	vmul.f32 v1, v5  }
0x735: {  	[tilespmem:s10+$0x20] =	vst v3  }
0x736: {  	[tilespmem:s10+$0xFFFFFFC0] =	vst v1  }
.LBB2_67:
0x737: {  	s9 =	sshra.s32 s14, $0x2  }
0x738: {  	v1 =	vld [tilespmem:s9+$0x9080]  }
0x739: {  	v2 =	vld [tilespmem:s9+$0xB080];
	_ =	sdelay $0x1  }
0x73a: {  	p2 =	sne.s32 s14, $0x100  }
.Ltmp32:
0x73b: {  	_ = 	snop;
	(pc) =	sbr.rel @p2 .LBB2_67-.Ltmp32, $3  }
0x73c: {  	_ = 	snop  }
0x73d: {  	v1 =	vmul.f32 v2, v1;
	_ =	sdelay $0x1  }
0x73e: {  	s14 =	sadd.s32 $0x40, s14;
	[tilespmem:s9+$0xB080] =	vst v1  }
0x73f: {  	s1 =	sadd.s32 $0x1, s1  }
0x740: {  	p2 =	sne.s32 s1, $0x19  }
.Ltmp33:
0x741: {  	_ = 	snop;
	(pc) =	sbr.rel @p2 .LBB2_52-.Ltmp33, $3  }
0x742: {  	_ =	sdelay $0x1  }
0x743: {  	s9 =	simm.s32 $0x6900;
	s10 =	simm.s32 $0xA900  }
0x744: {  	[spmem:s4] =	stream.indirect.scatter.add.f32 [tilespmem:s10], [sflag:$0x8], $0x1, s9, s15, $0xb8;
	[tilespmem:$0x11400] =	vst v63  }
0x745: {  	s1 =	simm.s32 $0x7  }
0x746: {  	_ =	swait.ge [sflag:s1], $0x7D0  }
0x747: {  	[sflag:s1] =	ssyncset.done $0x0  }
0x748: {  	s20 =	simm.s32 $0x8;
	[sflag:s1] =	ssyncadd.s32 $0xFFFFF830  }
0x749: {  	_ =	swait.ge [sflag:s20], $0x7D0  }
0x74a: {  	[sflag:s20] =	ssyncset.done $0x0  }
0x74b: {  	[sflag:s20] =	ssyncadd.s32 $0xFFFFF830  }
0x74c: {  	s22 =	simm.s32 $0xE200;
	s12 =	simm.s32 $0x12;
	[bflag:$0x0] =	sbarrier.arrive $0xFFFF  }
0x74d: {  	[tilespmem:s22], [sflag:$0x12] =	stream.linear.gather [spmem:s24], $0x1880, $0x38;
	[tilespmem:$0x11400] =	vst v63  }
0x74e: {  	_ =	swait.ge [sflag:s12], $0x1880  }
0x74f: {  	[sflag:s12] =	ssyncset.done $0x0  }
0x750: {  	[sflag:s12] =	ssyncadd.s32 $0xFFFFE780  }
0x751: {  	[hbm4b:s19+s5] =	stream.linear.scatter [tilespmem:s22], [sflag:$0x12], $0x1880, $0x38;
	[tilespmem:$0x11400] =	vst v63  }
0x752: {  	_ =	swait.ge [sflag:s12], $0x1880  }
0x753: {  	[sflag:s12] =	ssyncset.done $0x0  }
0x754: {  	s1 =	simm.s32 $0xFAC0;
	[sflag:s12] =	ssyncadd.s32 $0xFFFFE780  }
0x755: {  	[tilespmem:s1+$0xFFFFFFC0] =	vst v0  }
0x756: {  	[tilespmem:s1+$0x30] =	vst v0  }
0x757: {  	[tilespmem:s1+$0x20] =	vst v0  }
0x758: {  	[tilespmem:s1+$0x10] =	vst v0  }
0x759: {  	[tilespmem:s1+$0x0] =	vst v0  }
0x75a: {  	[tilespmem:s1+$0xFFFFFFF0] =	vst v0  }
0x75b: {  	s16 =	simm.s32 $0xE200;
	s9 =	simm.s32 $0x0;
	[tilespmem:s1+$0xFFFFFFE0] =	vst v0  }
.LBB2_70:
0x75c: {  	s9 =	sadd.s32 $0x8, s9;
	[tilespmem:s1+$0xFFFFFFD0] =	vst v0;
	s1 =	sadd.s32 $0x80, s1  }
0x75d: {  	[tilespmem:s1+$0xFFFFFFC0] =	vst v0;
	p2 =	slt.u32 s9, $0x180  }
0x75e: {  	[tilespmem:s1+$0x30] =	vst v0  }
.Ltmp34:
0x75f: {  	[tilespmem:s1+$0x20] =	vst v0;
	(pc) =	sbr.rel @p2 .LBB2_70-.Ltmp34, $4  }
0x760: {  	[tilespmem:s1+$0x10] =	vst v0  }
0x761: {  	[tilespmem:s1+$0x0] =	vst v0  }
0x762: {  	[tilespmem:s1+$0xFFFFFFF0] =	vst v0  }
0x763: {  	[tilespmem:s1+$0xFFFFFFE0] =	vst v0  }
0x764: {  	[tilespmem:s1+$0xFFFFFFD0] =	vst v0;
	s20 =	simm.s32 $0xFA80  }
0x765: {  	[spmem:s24] =	stream.linear.scatter [tilespmem:s20], [sflag:$0x12], $0x1880, $0x38;
	[tilespmem:$0x11400] =	vst v63  }
0x766: {  	_ =	swait.ge [sflag:s12], $0x1880  }
0x767: {  	[sflag:s12] =	ssyncset.done $0x0  }
0x768: {  	[sflag:s12] =	ssyncadd.s32 $0xFFFFE780  }
0x769: {  	v1 =	vimm.s32 @!p0 $0x5CA1AB03;
	[bflag:$0x0] =	sbarrier.arrive $0xFFFF  }
0x76a: {  	s1 =	simm.s32 @!p0 $0x0;
	s9 =	simm.s32 @!p0 $0x11300;
	[tilespmem:$0x11300] =	vst @!p0 v1;
	s10 =	rddreg [dreg:$0xd]  }
0x76b: {  	[hbm4b:s10+s1] =	stream.linear.scatter @!p0 [tilespmem:s9], [sflag:$0x12], $0x10, $0x38;
	[tilespmem:$0x11400] =	vst v63  }
0x76c: {  	v1 =	vimm.s32 $0x0;
	s1 =	simm.s32 @!p0 $0x12  }
0x76d: {  	v2 =	vor.u32 $0x80000000, v1;
	_ =	swait.ge @!p0 [sflag:s1], $0x10  }
0x76e: {  	(xrf0) =	vmin.scan.msk.u32 $0xffff, v2;
	_ =	sdelay $0x5  }
0x76f: {  	v2, _, _ =	vpop (xrf0)  }
0x770: {  	(v2sf) =	vpush v2, $0xF;
	_ =	sdelay $0xe  }
0x771: {  	[sflag:s1] =	ssyncset.done @!p0 $0x0;
	s22 =	spop (v2sf)  }
0x772: {  	[sflag:s1] =	ssyncadd.s32 @!p0 $0xFFFFFFF0;
	p2 =	sne.s32 s22, $0x80000000  }
0x773: {  	[tilespmem:$0x11380] =	vst v1;
	s1 =	simm.s32 @!p2 $0x0;
	s9 =	simm.s32 @!p2 $0x11300;
	s10 =	simm.s32 @!p2 $0x11  }
0x774: {  	[tilespmem:s9], [sflag:$0x11] =	stream.linear.gather @!p2 [hbm4b:s30+s1], $0x10, $0x38;
	[tilespmem:$0x11400] =	vst v63  }
0x775: {  	_ =	swait.ge @!p2 [sflag:s10], $0x10  }
0x776: {  	[sflag:s10] =	ssyncset.done @!p2 $0x0  }
0x777: {  	[sflag:s10] =	ssyncadd.s32 @!p2 $0xFFFFFFF0  }
0x778: {  	[tilespmem:s9], [sflag:$0x11] =	stream.linear.gather @!p2 [hbm4b:s30+s1], $0x10, $0x38;
	[tilespmem:$0x11400] =	vst v63  }
0x779: {  	_ =	swait.ge @!p2 [sflag:s10], $0x10  }
0x77a: {  	[sflag:s10] =	ssyncset.done @!p2 $0x0  }
0x77b: {  	[sflag:s10] =	ssyncadd.s32 @!p2 $0xFFFFFFF0  }
0x77c: {  	[tilespmem:s9], [sflag:$0x11] =	stream.linear.gather @!p2 [hbm4b:s30+s1], $0x10, $0x38;
	[tilespmem:$0x11400] =	vst v63  }
0x77d: {  	_ =	swait.ge @!p2 [sflag:s10], $0x10  }
0x77e: {  	[sflag:s10] =	ssyncset.done @!p2 $0x0  }
0x77f: {  	[sflag:s10] =	ssyncadd.s32 @!p2 $0xFFFFFFF0  }
0x780: {  	[tilespmem:s9], [sflag:$0x11] =	stream.linear.gather @!p2 [hbm4b:s30+s1], $0x10, $0x38;
	[tilespmem:$0x11400] =	vst v63  }
0x781: {  	_ =	swait.ge @!p2 [sflag:s10], $0x10  }
0x782: {  	[sflag:s10] =	ssyncset.done @!p2 $0x0  }
0x783: {  	[sflag:s10] =	ssyncadd.s32 @!p2 $0xFFFFFFF0  }
0x784: {  	v2 =	vld @!p2 [tilespmem:$0x11300];
	_ =	sdelay $0x4  }
0x785: {  	vm0 =	veq.s32 @!p2 v2, $0x5CA1AB03;
	v2 =	vimm.s32 @!p2 $0x0  }
0x786: {  	s1 =	simm.s32 $0x63;
	v2 =	vsel @!p2 vm0, $0x1, v2  }
.LBB2_72:
0x787: {  	s1 =	sadd.s32 $0xFFFFFFFF, s1;
	[tilespmem:$0x11380] =	vst @!p2 v2;
	v1 =	vpsel p2, v1, v2  }
0x788: {  	v2 =	vor.u32 $0x80000000, v1;
	p3 =	sne.s32 s1, $0x0  }
0x789: {  	(xrf0) =	vmin.scan.msk.u32 $0xffff, v2;
	_ =	sdelay $0x5  }
0x78a: {  	v2, _, _ =	vpop (xrf0)  }
0x78b: {  	(v2sf) =	vpush v2, $0xF;
	_ =	sdelay $0xe  }
0x78c: {  	s9 =	spop (v2sf)  }
0x78d: {  	p2 =	sne.s32 s9, $0x80000000  }
0x78e: {  	s9 =	simm.s32 @!p2 $0x0;
	s10 =	simm.s32 @!p2 $0x11300;
	s11 =	simm.s32 @!p2 $0x11  }
0x78f: {  	[tilespmem:s10], [sflag:$0x11] =	stream.linear.gather @!p2 [hbm4b:s30+s9], $0x10, $0x38;
	[tilespmem:$0x11400] =	vst v63  }
0x790: {  	_ =	swait.ge @!p2 [sflag:s11], $0x10  }
0x791: {  	[sflag:s11] =	ssyncset.done @!p2 $0x0  }
0x792: {  	[sflag:s11] =	ssyncadd.s32 @!p2 $0xFFFFFFF0  }
0x793: {  	[tilespmem:s10], [sflag:$0x11] =	stream.linear.gather @!p2 [hbm4b:s30+s9], $0x10, $0x38;
	[tilespmem:$0x11400] =	vst v63  }
0x794: {  	_ =	swait.ge @!p2 [sflag:s11], $0x10  }
0x795: {  	[sflag:s11] =	ssyncset.done @!p2 $0x0  }
0x796: {  	[sflag:s11] =	ssyncadd.s32 @!p2 $0xFFFFFFF0  }
0x797: {  	[tilespmem:s10], [sflag:$0x11] =	stream.linear.gather @!p2 [hbm4b:s30+s9], $0x10, $0x38;
	[tilespmem:$0x11400] =	vst v63  }
0x798: {  	_ =	swait.ge @!p2 [sflag:s11], $0x10  }
0x799: {  	[sflag:s11] =	ssyncset.done @!p2 $0x0  }
0x79a: {  	[sflag:s11] =	ssyncadd.s32 @!p2 $0xFFFFFFF0  }
0x79b: {  	[tilespmem:s10], [sflag:$0x11] =	stream.linear.gather @!p2 [hbm4b:s30+s9], $0x10, $0x38;
	[tilespmem:$0x11400] =	vst v63  }
0x79c: {  	_ =	swait.ge @!p2 [sflag:s11], $0x10  }
0x79d: {  	[sflag:s11] =	ssyncset.done @!p2 $0x0  }
0x79e: {  	[sflag:s11] =	ssyncadd.s32 @!p2 $0xFFFFFFF0  }
0x79f: {  	v2 =	vld @!p2 [tilespmem:$0x11300];
	_ =	sdelay $0x1  }
.Ltmp35:
0x7a0: {  	(pc) =	sbr.rel @p3 .LBB2_72-.Ltmp35, $3  }
0x7a1: {  	_ =	sdelay $0x1  }
0x7a2: {  	vm0 =	veq.s32 @!p2 v2, $0x5CA1AB03;
	v2 =	vimm.s32 @!p2 $0x0  }
0x7a3: {  	v2 =	vsel @!p2 vm0, $0x1, v2  }
0x7a4: {  	[tilespmem:$0x11380] =	vst @!p2 v2;
	s1 =	rddreg [dreg:$0xf];
	s9 =	simm.s32 $0xFA80  }
0x7a5: {  	[tilespmem:s9], [sflag:$0x12] =	stream.linear.gather [hbm4b:s1+s5], $0x1880, $0x38;
	[tilespmem:$0x11400] =	vst v63  }
0x7a6: {  	_ =	swait.ge [sflag:s12], $0x1880  }
0x7a7: {  	[sflag:s12] =	ssyncset.done $0x0  }
0x7a8: {  	s19 =	simm.s32 $0xFAC0;
	[sflag:s12] =	ssyncadd.s32 $0xFFFFE780  }
0x7a9: {  	v1 =	vld [tilespmem:s19+$0xFFFFFFC0]  }
0x7aa: {  	s20 =	simm.s32 $0xE240;
	v2 =	vld [tilespmem:s19+$0xFFFFFFD0]  }
0x7ab: {  	v3 =	vld [tilespmem:s20+$0xFFFFFFC0]  }
0x7ac: {  	v4 =	vld [tilespmem:s20+$0xFFFFFFD0];
	_ =	sdelay $0x1  }
0x7ad: {  	v5 =	vld [tilespmem:s19+$0xFFFFFFF0]  }
0x7ae: {  	v6 =	vld [tilespmem:s19+$0xFFFFFFE0]  }
0x7af: {  	v7 =	vld [tilespmem:s19+$0x30];
	v1 =	vadd.f32 v1, v3  }
0x7b0: {  	v8 =	vld [tilespmem:s19+$0x20];
	v2 =	vadd.f32 v2, v4  }
0x7b1: {  	v9 =	vld [tilespmem:s20+$0xFFFFFFE0];
	v1 =	vmax.f32 v1, $0.0e+00  }
0x7b2: {  	v10 =	vld [tilespmem:s20+$0x30];
	v2 =	vmax.f32 v2, $0.0e+00;
	v1 =	vmin.f32 v1, $1.000000000e+01  }
0x7b3: {  	v11 =	vld [tilespmem:s20+$0xFFFFFFF0];
	v2 =	vmin.f32 v2, $1.000000000e+01;
	v1 =	vsub.f32 $0.0e+00, v1  }
0x7b4: {  	s1 =	simm.s32 $0xC9C0;
	v12 =	vld [tilespmem:s20+$0x20];
	v2 =	vsub.f32 $0.0e+00, v2  }
0x7b5: {  	s22 =	simm.s32 $0xFB40;
	v13 =	vld [tilespmem:s1+$0xFFFFFFD0];
	v1 =	vmul.f32 $1.442695020e+00, v1  }
0x7b6: {  	v14 =	vld [tilespmem:s22+$0xFFFFFFF0];
	v2 =	vmul.f32 $1.442695020e+00, v2  }
0x7b7: {  	v3 =	vld [tilespmem:s19+$0x0];
	(erf) = vpow2.f32 v1  }
0x7b8: {  	v4 =	vld [tilespmem:s20+$0x0];
	v7 =	vadd.f32 v7, v10;
	(erf) = vpow2.f32 v2;
	v2 =	vadd.f32 v6, v9  }
0x7b9: {  	v1 =	vld [tilespmem:s19+$0x10]  }
0x7ba: {  	s10 =	simm.s32 $0xE2C0;
	v5 =	vadd.f32 v5, v11;
	v7 =	vmax.f32 v7, $0.0e+00;
	v6 =	vld [tilespmem:s20+$0x10];
	v2 =	vmax.f32 v2, $0.0e+00  }
0x7bb: {  	v16 =	vld [tilespmem:s10+$0xFFFFFFD0];
	v8 =	vadd.f32 v8, v12;
	v7 =	vmin.f32 v7, $1.000000000e+01;
	v2 =	vmin.f32 v2, $1.000000000e+01  }
0x7bc: {  	v17 =	vld [tilespmem:s10+$0x0];
	v7 =	vsub.f32 $0.0e+00, v7;
	v2 =	vsub.f32 $0.0e+00, v2  }
0x7bd: {  	v18 =	vld [tilespmem:s22+$0x30];
	v3 =	vadd.f32 v3, v4;
	v4 =	vmax.f32 v5, $0.0e+00;
	v5 =	vmax.f32 v8, $0.0e+00  }
0x7be: {  	v19 =	vld [tilespmem:s22+$0x20];
	v5 =	vmin.f32 v5, $1.000000000e+01;
	v2 =	vmul.f32 $1.442695020e+00, v2  }
0x7bf: {  	v10 =	vld [tilespmem:s1+$0xFFFFFFC0];
	v4 =	vmin.f32 v4, $1.000000000e+01;
	v1 =	vadd.f32 v1, v6;
	v6 =	vmul.f32 $1.442695020e+00, v7  }
0x7c0: {  	v11 =	vld [tilespmem:s22+$0xFFFFFFC0];
	v3 =	vmax.f32 v3, $0.0e+00;
	v5 =	vsub.f32 $0.0e+00, v5;
	v7 =	vpop (erf);
	(erf) = vpow2.f32 v2  }
0x7c1: {  	v4 =	vsub.f32 $0.0e+00, v4;
	v3 =	vmin.f32 v3, $1.000000000e+01;
	v15 =	vpop (erf);
	(erf) = vpow2.f32 v6;
	v6 =	vld [tilespmem:s10+$0xFFFFFFC0]  }
0x7c2: {  	v12 =	vld [tilespmem:s22+$0xFFFFFFD0];
	v3 =	vsub.f32 $0.0e+00, v3;
	v15 =	vsub.f32 $1.000000000e+00, v15  }
0x7c3: {  	v8 =	vld [tilespmem:s22+$0xFFFFFFE0];
	v5 =	vmul.f32 $1.442695020e+00, v5;
	v1 =	vmax.f32 v1, $0.0e+00;
	v7 =	vsub.f32 $1.000000000e+00, v7  }
0x7c4: {  	v3 =	vmul.f32 $1.442695020e+00, v3;
	v2 =	vld [tilespmem:s22+$0x0];
	v1 =	vmin.f32 v1, $1.000000000e+01;
	v15 =	vmul.f32 v15, v13  }
0x7c5: {  	v9 =	vld [tilespmem:s1+$0x30];
	v4 =	vmul.f32 $1.442695020e+00, v4;
	v1 =	vsub.f32 $0.0e+00, v1;
	v7 =	vmul.f32 v7, v10  }
0x7c6: {  	(erf) = vpow2.f32 v3;
	v20 =	vsub.f32 $1.000000000e+00, v15;
	v3 =	vadd.f32 v11, v6;
	v6 =	vld [tilespmem:s10+$0xFFFFFFF0]  }
0x7c7: {  	v1 =	vmul.f32 $1.442695020e+00, v1;
	v11 =	vadd.f32 v12, v16;
	v12 =	vld [tilespmem:s10+$0xFFFFFFE0];
	v16 =	vsub.f32 $1.000000000e+00, v7  }
0x7c8: {  	(erf) = vpow2.f32 v5;
	v20 =	vmul.f32 v20, v13;
	v13 =	vld [tilespmem:s10+$0x20]  }
0x7c9: {  	v5 =	vadd.f32 v2, v17;
	v3 =	vmax.f32 v3, $0.0e+00;
	v16 =	vmul.f32 v16, v10;
	v10 =	vld [tilespmem:s10+$0x30]  }
0x7ca: {  	v11 =	vmax.f32 v11, $0.0e+00;
	v2 =	vpop (erf);
	v3 =	vmin.f32 v3, $1.000000000e+01;
	(erf) = vpow2.f32 v1  }
0x7cb: {  	v11 =	vmin.f32 v11, $1.000000000e+01;
	v1 =	vpop (erf);
	v3 =	vsub.f32 $0.0e+00, v3;
	v6 =	vadd.f32 v14, v6;
	v14 =	vld [tilespmem:s22+$0x10]  }
0x7cc: {  	(erf) = vpow2.f32 v4;
	v1 =	vsub.f32 $1.000000000e+00, v1;
	v8 =	vadd.f32 v8, v12;
	v12 =	vld [tilespmem:s10+$0x10]  }
0x7cd: {  	v3 =	vmul.f32 $1.442695020e+00, v3;
	v6 =	vmax.f32 v6, $0.0e+00;
	v13 =	vadd.f32 v19, v13  }
0x7ce: {  	v17 =	vmul.f32 v1, v9;
	v1 =	vsub.f32 $0.0e+00, v11;
	v10 =	vadd.f32 v18, v10  }
0x7cf: {  	v18 =	vsub.f32 $1.000000000e+00, v2;
	v2 =	vld [tilespmem:s1+$0xFFFFFFE0];
	v8 =	vmax.f32 v8, $0.0e+00;
	(erf) = vpow2.f32 v3  }
0x7d0: {  	s9 =	simm.s32 $0xB140;
	v11 =	vmin.f32 v6, $1.000000000e+01;
	v3 =	vld [tilespmem:s1+$0x0];
	v1 =	vmul.f32 $1.442695020e+00, v1;
	v4 =	vmax.f32 v13, $0.0e+00  }
0x7d1: {  	[tilespmem:s9+$0xFFFFFFC0] =	vst v7;
	v6 =	vld [tilespmem:s1+$0xFFFFFFF0];
	v10 =	vmax.f32 v10, $0.0e+00;
	v19 =	vsub.f32 $1.000000000e+00, v17;
	v12 =	vadd.f32 v14, v12  }
0x7d2: {  	[tilespmem:s9+$0xFFFFFFD0] =	vst v15;
	v13 =	vld [tilespmem:s1+$0x20];
	v14 =	vpop (erf);
	v4 =	vmin.f32 v4, $1.000000000e+01;
	v21 =	vmin.f32 v10, $1.000000000e+01;
	(erf) = vpow2.f32 v1  }
0x7d3: {  	s18 =	simm.s32 $0xCA40;
	[tilespmem:s1+$0xFFFFFFD0] =	vst v20;
	v7 =	vpop (erf);
	v1 =	vmin.f32 v8, $1.000000000e+01;
	v8 =	vld [tilespmem:s1+$0x10];
	v10 =	vmax.f32 v12, $0.0e+00;
	v12 =	vsub.f32 $0.0e+00, v4  }
0x7d4: {  	s14 =	simm.s32 $0x8;
	[tilespmem:s1+$0xFFFFFFC0] =	vst v16;
	v19 =	vmul.f32 v19, v9;
	v9 =	vld [tilespmem:s18+$0xFFFFFFD0];
	v16 =	vsub.f32 $0.0e+00, v1;
	v15 =	vsub.f32 $1.000000000e+00, v7  }
0x7d5: {  	s11 =	simm.s32 $0xC9C0;
	s12 =	simm.s32 $0xB140;
	s19 =	simm.s32 $0xB140;
	[tilespmem:s9+$0x30] =	vst v17;
	v1 =	vld [tilespmem:s18+$0x30];
	v17 =	vpop (erf);
	v7 =	vsub.f32 $0.0e+00, v11;
	v11 =	vmul.f32 v18, v2;
	v18 =	vsub.f32 $0.0e+00, v21  }
0x7d6: {  	s20 =	simm.s32 $0xE340;
	s10 =	simm.s32 $0x0;
	s22 =	simm.s32 $0xFBC0;
	v4 =	vld [tilespmem:s18+$0xFFFFFFC0];
	v17 =	vsub.f32 $1.000000000e+00, v17;
	[tilespmem:s1+$0x30] =	vst v19;
	v12 =	vmul.f32 $1.442695020e+00, v12;
	v16 =	vmul.f32 $1.442695020e+00, v16  }
.LBB2_74:
0x7d7: {  	v19 =	vld [tilespmem:s22+$0xFFFFFFC0];
	s14 =	sadd.s32 $0x8, s14;
	v5 =	vmax.f32 v5, $0.0e+00;
	v14 =	vsub.f32 $1.000000000e+00, v14;
	v15 =	vmul.f32 v15, v13;
	s12 =	sadd.s32 $0x80, s12;
	v20 =	vpop (erf)  }
0x7d8: {  	v21 =	vld [tilespmem:s22+$0xFFFFFFD0];
	p2 =	slt.u32 s14, $0x180;
	v18 =	vmul.f32 $1.442695020e+00, v18;
	v22 =	vpop (erf);
	v25 =	vsub.f32 $1.000000000e+00, v20;
	v17 =	vmul.f32 v17, v8  }
0x7d9: {  	v5 =	vmin.f32 v5, $1.000000000e+01;
	v23 =	vld [tilespmem:s22+$0xFFFFFFF0];
	(erf) = vpow2.f32 v16;
	v16 =	vsub.f32 $1.000000000e+00, v15  }
0x7da: {  	v5 =	vsub.f32 $0.0e+00, v5;
	v24 =	vld [tilespmem:s22+$0xFFFFFFE0];
	(erf) = vpow2.f32 v18;
	v18 =	vmul.f32 v25, v6;
	[tilespmem:s19+$0x20] =	vst v15  }
0x7db: {  	v14 =	vmul.f32 v14, v3;
	v25 =	vsub.f32 $1.000000000e+00, v17;
	v15 =	vld [tilespmem:s22+$0x0];
	v20 =	vpop (erf);
	[tilespmem:s19+$0xFFFFFFE0] =	vst v11;
	v13 =	vmul.f32 v16, v13  }
0x7dc: {  	v5 =	vmul.f32 $1.442695020e+00, v5;
	v16 =	vld [tilespmem:s20+$0xFFFFFFC0];
	v20 =	vsub.f32 $1.000000000e+00, v20;
	v26 =	vsub.f32 $1.000000000e+00, v18;
	[tilespmem:s19+$0x10] =	vst v17  }
0x7dd: {  	v22 =	vsub.f32 $1.000000000e+00, v22;
	v8 =	vmul.f32 v25, v8;
	v17 =	vld [tilespmem:s20+$0xFFFFFFD0];
	[tilespmem:s19+$0xFFFFFFF0] =	vst v18;
	v18 =	vsub.f32 $1.000000000e+00, v14  }
0x7de: {  	v11 =	vsub.f32 $1.000000000e+00, v11;
	v25 =	vld [tilespmem:s20+$0x0];
	v20 =	vmul.f32 v20, v9;
	v6 =	vmul.f32 v26, v6;
	[tilespmem:s11+$0x20] =	vst v13  }
0x7df: {  	v13 =	vld [tilespmem:s22+$0x30];
	(erf) = vpow2.f32 v5;
	[tilespmem:s19+$0x0] =	vst v14;
	v3 =	vmul.f32 v18, v3;
	s19 =	smov.u32 s12  }
0x7e0: {  	v10 =	vmin.f32 v10, $1.000000000e+01;
	v18 =	vmul.f32 v22, v4;
	v14 =	vld [tilespmem:s22+$0x20];
	[tilespmem:s12+$0xFFFFFFD0] =	vst v20;
	v5 =	vsub.f32 $1.000000000e+00, v20  }
0x7e1: {  	v10 =	vsub.f32 $0.0e+00, v10;
	v22 =	vadd.f32 v19, v16;
	v19 =	vld [tilespmem:s20+$0xFFFFFFF0];
	(erf) = vpow2.f32 v12;
	[tilespmem:s11+$0x0] =	vst v3  }
0x7e2: {  	v3 =	vadd.f32 v21, v17;
	v12 =	vld [tilespmem:s20+$0xFFFFFFE0];
	v17 =	vsub.f32 $1.000000000e+00, v18;
	v9 =	vmul.f32 v5, v9;
	v20 =	vpop (erf);
	[tilespmem:s11+$0xFFFFFFF0] =	vst v6  }
0x7e3: {  	v10 =	vmul.f32 $1.442695020e+00, v10;
	v6 =	vmax.f32 v22, $0.0e+00;
	v5 =	vadd.f32 v15, v25;
	v15 =	vld [tilespmem:s20+$0x20];
	[tilespmem:s12+$0xFFFFFFC0] =	vst v18;
	v16 =	vpop (erf)  }
0x7e4: {  	v2 =	vmul.f32 v11, v2;
	v6 =	vmin.f32 v6, $1.000000000e+01;
	v3 =	vmax.f32 v3, $0.0e+00;
	v18 =	vld [tilespmem:s20+$0x30];
	[tilespmem:s18+$0xFFFFFFD0] =	vst v9  }
0x7e5: {  	v4 =	vmul.f32 v17, v4;
	v6 =	vsub.f32 $0.0e+00, v6;
	(erf) = vpow2.f32 v10;
	[tilespmem:s11+$0x10] =	vst v8  }
0x7e6: {  	v7 =	vmul.f32 $1.442695020e+00, v7;
	v10 =	vsub.f32 $1.000000000e+00, v16;
	v8 =	vadd.f32 v23, v19;
	v9 =	vld [tilespmem:s22+$0x10];
	[tilespmem:s11+$0xFFFFFFE0] =	vst v2;
	s11 =	smov.u32 s18  }
0x7e7: {  	v3 =	vmin.f32 v3, $1.000000000e+01;
	v2 =	vmul.f32 $1.442695020e+00, v6;
	v6 =	vadd.f32 v24, v12;
	v11 =	vld [tilespmem:s20+$0x10];
	[tilespmem:s18+$0xFFFFFFC0] =	vst v4  }
0x7e8: {  	v10 =	vmul.f32 v10, v1;
	v17 =	vmax.f32 v8, $0.0e+00;
	v8 =	vadd.f32 v14, v15;
	v14 =	vpop (erf)  }
0x7e9: {  	v12 =	vsub.f32 $0.0e+00, v3;
	v13 =	vadd.f32 v13, v18;
	(erf) = vpow2.f32 v7  }
0x7ea: {  	v16 =	vsub.f32 $1.000000000e+00, v20;
	v7 =	vmin.f32 v17, $1.000000000e+01;
	(erf) = vpow2.f32 v2;
	v3 =	vld [tilespmem:s18+$0x0];
	[tilespmem:s12+$0x30] =	vst v10;
	v4 =	vpop (erf)  }
0x7eb: {  	v12 =	vmul.f32 $1.442695020e+00, v12;
	v8 =	vmax.f32 v8, $0.0e+00;
	v13 =	vmax.f32 v13, $0.0e+00;
	v2 =	vld [tilespmem:s18+$0xFFFFFFE0]  }
0x7ec: {  	v15 =	vmax.f32 v6, $0.0e+00;
	v9 =	vadd.f32 v9, v11;
	v6 =	vld [tilespmem:s18+$0xFFFFFFF0];
	v11 =	vsub.f32 $1.000000000e+00, v10  }
.Ltmp36:
0x7ed: {  	v8 =	vmin.f32 v8, $1.000000000e+01;
	v17 =	vmin.f32 v13, $1.000000000e+01;
	s18 =	sadd.s32 $0x80, s18;
	(erf) = vpow2.f32 v12;
	v13 =	vld [tilespmem:s11+$0x20];
	(pc) =	sbr.rel @p2 .LBB2_74-.Ltmp36, $4  }
0x7ee: {  	v12 =	vmin.f32 v15, $1.000000000e+01;
	v10 =	vmax.f32 v9, $0.0e+00;
	v9 =	vsub.f32 $0.0e+00, v8;
	v8 =	vld [tilespmem:s11+$0x10];
	v19 =	vpop (erf)  }
0x7ef: {  	v15 =	vsub.f32 $1.000000000e+00, v4;
	v18 =	vsub.f32 $0.0e+00, v12;
	v20 =	vmul.f32 v11, v1;
	v1 =	vld [tilespmem:s18+$0x30]  }
0x7f0: {  	v7 =	vsub.f32 $0.0e+00, v7;
	v4 =	vld [tilespmem:s18+$0xFFFFFFC0];
	v12 =	vmul.f32 $1.442695020e+00, v9;
	v11 =	vmul.f32 v16, v2  }
0x7f1: {  	s22 =	sadd.s32 $0x80, s22;
	s20 =	sadd.s32 $0x80, s20;
	v16 =	vmul.f32 $1.442695020e+00, v18;
	v18 =	vsub.f32 $0.0e+00, v17;
	v17 =	vsub.f32 $1.000000000e+00, v19;
	v9 =	vld [tilespmem:s18+$0xFFFFFFD0];
	[tilespmem:s11+$0x30] =	vst v20  }
0x7f2: {  	_ = 	snop  }
0x7f3: {  	v5 =	vmax.f32 v5, $0.0e+00;
	v18 =	vmul.f32 $1.442695020e+00, v18  }
0x7f4: {  	v5 =	vmin.f32 v5, $1.000000000e+01;
	(erf) = vpow2.f32 v16  }
0x7f5: {  	v15 =	vmul.f32 v15, v13;
	v46 =	vpop (erf);
	v5 =	vsub.f32 $0.0e+00, v5;
	(erf) = vpow2.f32 v18  }
0x7f6: {  	v14 =	vsub.f32 $1.000000000e+00, v14;
	v10 =	vmin.f32 v10, $1.000000000e+01;
	v7 =	vmul.f32 $1.442695020e+00, v7  }
0x7f7: {  	v16 =	vsub.f32 $1.000000000e+00, v46;
	v17 =	vmul.f32 v17, v8;
	v19 =	vpop (erf);
	v5 =	vmul.f32 $1.442695020e+00, v5  }
0x7f8: {  	[tilespmem:s19+$0xFFFFFFE0] =	vst v11;
	v10 =	vsub.f32 $0.0e+00, v10;
	v47 =	vsub.f32 $1.000000000e+00, v15;
	v14 =	vmul.f32 v14, v3;
	v48 =	vpop (erf)  }
0x7f9: {  	[tilespmem:s19+$0x20] =	vst v15;
	v52 =	vsub.f32 $1.000000000e+00, v19;
	(erf) = vpow2.f32 v5;
	v5 =	vsub.f32 $1.000000000e+00, v48  }
0x7fa: {  	v16 =	vmul.f32 v16, v6;
	[tilespmem:s19+$0x10] =	vst v17;
	v10 =	vmul.f32 $1.442695020e+00, v10;
	v54 =	vsub.f32 $1.000000000e+00, v17  }
0x7fb: {  	v50 =	vsub.f32 $1.000000000e+00, v14;
	[tilespmem:s19+$0x0] =	vst v14;
	(erf) = vpow2.f32 v12;
	v5 =	vmul.f32 v5, v9  }
0x7fc: {  	s12 =	sadd.s32 $0x80, s12;
	v49 =	vmul.f32 v47, v13;
	[tilespmem:s19+$0xFFFFFFF0] =	vst v16;
	v51 =	vsub.f32 $1.000000000e+00, v16;
	(erf) = vpow2.f32 v10  }
0x7fd: {  	v3 =	vmul.f32 v50, v3;
	v53 =	vpop (erf);
	(erf) = vpow2.f32 v7;
	[tilespmem:s12+$0xFFFFFFD0] =	vst v5;
	v5 =	vsub.f32 $1.000000000e+00, v5  }
0x7fe: {  	v8 =	vmul.f32 v54, v8;
	[tilespmem:s11+$0x20] =	vst v49;
	v6 =	vmul.f32 v51, v6;
	v7 =	vpop (erf)  }
0x7ff: {  	v10 =	vmul.f32 v52, v4;
	[tilespmem:s11+$0x0] =	vst v3;
	v5 =	vmul.f32 v5, v9;
	v3 =	vsub.f32 $1.000000000e+00, v7  }
0x800: {  	v56 =	vld [tilespmem:s18+$0x20];
	[tilespmem:s11+$0x10] =	vst v8;
	v7 =	vsub.f32 $1.000000000e+00, v11  }
0x801: {  	[tilespmem:s11+$0xFFFFFFF0] =	vst v6;
	v6 =	vld [tilespmem:s18+$0x0];
	v55 =	vsub.f32 $1.000000000e+00, v10;
	v3 =	vmul.f32 v3, v1  }
0x802: {  	v58 =	vld [tilespmem:s18+$0x10];
	[tilespmem:s12+$0xFFFFFFC0] =	vst v10;
	v2 =	vmul.f32 v7, v2  }
0x803: {  	v4 =	vmul.f32 v55, v4;
	[tilespmem:s18+$0xFFFFFFD0] =	vst v5;
	v7 =	vld [tilespmem:s18+$0xFFFFFFE0];
	v5 =	vpop (erf);
	v57 =	vsub.f32 $1.000000000e+00, v3  }
0x804: {  	v8 =	vpop (erf);
	[tilespmem:s11+$0xFFFFFFE0] =	vst v2;
	v2 =	vld [tilespmem:s18+$0xFFFFFFF0];
	v5 =	vsub.f32 $1.000000000e+00, v5  }
0x805: {  	[tilespmem:s18+$0xFFFFFFC0] =	vst v4;
	v8 =	vsub.f32 $1.000000000e+00, v8;
	v59 =	vpop (erf);
	v1 =	vmul.f32 v57, v1  }
0x806: {  	v4 =	vsub.f32 $1.000000000e+00, v53;
	[tilespmem:s12+$0x30] =	vst v3;
	v60 =	vpop (erf);
	v5 =	vmul.f32 v5, v6  }
0x807: {  	v3 =	vsub.f32 $1.000000000e+00, v59;
	v8 =	vmul.f32 v8, v56;
	[tilespmem:s18+$0x30] =	vst v1;
	v1 =	vsub.f32 $1.000000000e+00, v60  }
0x808: {  	v4 =	vmul.f32 v4, v7;
	[tilespmem:s12+$0x0] =	vst v5  }
0x809: {  	v3 =	vmul.f32 v3, v58;
	v61 =	vsub.f32 $1.000000000e+00, v8;
	[tilespmem:s12+$0x20] =	vst v8;
	v1 =	vmul.f32 v1, v2  }
0x80a: {  	v62 =	vsub.f32 $1.000000000e+00, v5;
	[tilespmem:s12+$0xFFFFFFE0] =	vst v4  }
0x80b: {  	[tilespmem:s12+$0x10] =	vst v3;
	v8 =	vmul.f32 v61, v56;
	v63 =	vsub.f32 $1.000000000e+00, v1  }
0x80c: {  	[tilespmem:s12+$0xFFFFFFF0] =	vst v1;
	v1 =	vsub.f32 $1.000000000e+00, v3;
	v3 =	vmul.f32 v62, v6  }
0x80d: {  	v4 =	vsub.f32 $1.000000000e+00, v4;
	[tilespmem:s18+$0x20] =	vst v8;
	v2 =	vmul.f32 v63, v2  }
0x80e: {  	v1 =	vmul.f32 v1, v58;
	[tilespmem:s18+$0x0] =	vst v3  }
0x80f: {  	[tilespmem:s18+$0xFFFFFFF0] =	vst v2;
	v2 =	vmul.f32 v4, v7  }
0x810: {  	[tilespmem:s18+$0x10] =	vst v1  }
0x811: {  	[tilespmem:s18+$0xFFFFFFE0] =	vst v2  }
0x812: {  	v3 =	vld [tilespmem:s1+$0x30]  }
0x813: {  	v5 =	vld [tilespmem:s1+$0xFFFFFFD0]  }
0x814: {  	v7 =	vld [tilespmem:s1+$0xFFFFFFE0]  }
0x815: {  	v4 =	vld [tilespmem:s1+$0xFFFFFFF0]  }
0x816: {  	v2 =	vld [tilespmem:s1+$0x0]  }
0x817: {  	v1 =	vld [tilespmem:s1+$0x10];
	v8 =	vsub.f32 $1.000000000e+00, v3  }
0x818: {  	v3 =	vld [tilespmem:s1+$0x20];
	v6 =	vsub.f32 $1.000000000e+00, v5  }
0x819: {  	v5 =	vld [tilespmem:s1+$0xFFFFFFC0];
	v7 =	vsub.f32 $1.000000000e+00, v7;
	s1 =	simm.s32 $0xCA40;
	[tilespmem:s9+$0x30] =	vst v8  }
.LBB2_76:
0x81a: {  	v8 =	vld [tilespmem:s1+$0x30];
	s10 =	sadd.s32 $0x8, s10;
	[tilespmem:s9+$0xFFFFFFD0] =	vst v6;
	v4 =	vsub.f32 $1.000000000e+00, v4  }
0x81b: {  	v6 =	vld [tilespmem:s1+$0xFFFFFFD0];
	p2 =	slt.u32 s10, $0x180;
	[tilespmem:s9+$0xFFFFFFE0] =	vst v7;
	v2 =	vsub.f32 $1.000000000e+00, v2  }
0x81c: {  	v7 =	vld [tilespmem:s1+$0xFFFFFFE0];
	[tilespmem:s9+$0xFFFFFFF0] =	vst v4;
	v1 =	vsub.f32 $1.000000000e+00, v1  }
.Ltmp37:
0x81d: {  	v4 =	vld [tilespmem:s1+$0xFFFFFFF0];
	[tilespmem:s9+$0x0] =	vst v2;
	v3 =	vsub.f32 $1.000000000e+00, v3;
	(pc) =	sbr.rel @p2 .LBB2_76-.Ltmp37, $4  }
0x81e: {  	v2 =	vld [tilespmem:s1+$0x0];
	v5 =	vsub.f32 $1.000000000e+00, v5;
	[tilespmem:s9+$0x10] =	vst v1  }
0x81f: {  	v1 =	vld [tilespmem:s1+$0x10];
	v8 =	vsub.f32 $1.000000000e+00, v8;
	[tilespmem:s9+$0x20] =	vst v3  }
0x820: {  	v6 =	vsub.f32 $1.000000000e+00, v6;
	v3 =	vld [tilespmem:s1+$0x20];
	[tilespmem:s9+$0xFFFFFFC0] =	vst v5;
	s9 =	sadd.s32 $0x80, s9  }
0x821: {  	v5 =	vld [tilespmem:s1+$0xFFFFFFC0];
	v7 =	vsub.f32 $1.000000000e+00, v7;
	[tilespmem:s9+$0x30] =	vst v8;
	s1 =	sadd.s32 $0x80, s1  }
0x822: {  	[tilespmem:s9+$0xFFFFFFD0] =	vst v6;
	v4 =	vsub.f32 $1.000000000e+00, v4  }
0x823: {  	[tilespmem:s9+$0xFFFFFFE0] =	vst v7;
	v2 =	vsub.f32 $1.000000000e+00, v2  }
0x824: {  	[tilespmem:s9+$0xFFFFFFF0] =	vst v4;
	v1 =	vsub.f32 $1.000000000e+00, v1  }
0x825: {  	[tilespmem:s9+$0x0] =	vst v2;
	v2 =	vsub.f32 $1.000000000e+00, v3  }
0x826: {  	v3 =	vsub.f32 $1.000000000e+00, v5;
	[tilespmem:s9+$0x10] =	vst v1  }
0x827: {  	[tilespmem:s9+$0x20] =	vst v2  }
0x828: {  	[tilespmem:s9+$0xFFFFFFC0] =	vst v3  }
0x829: {  	s1 =	simm.s32 @!p1 $0x0;
	s9 =	simm.s32 @!p1 $0xB100;
	s10 =	rddreg [dreg:$0x11]  }
0x82a: {  	[hbm4b:s10+s1] =	stream.linear.scatter @!p1 [tilespmem:s9], [sflag:$0x12], $0x1880, $0x38;
	[tilespmem:$0x11400] =	vst v63  }
0x82b: {  	s1 =	simm.s32 @!p1 $0x12  }
0x82c: {  	_ =	swait.ge @!p1 [sflag:s1], $0x1880  }
0x82d: {  	s20 =	rddreg [dreg:$0x1f]  }
0x82e: {  	s22 =	rddreg [dreg:$0x1a];
	s10 =	sadd.s32 $0x1, s20  }
0x82f: {  	p2 =	sne.s32 s10, s22  }
.Ltmp38:
0x830: {  	_ = 	snop;
	(pc) =	sbr.rel @p2 .LBB2_1-.Ltmp38, $3  }
0x831: {  	_ =	sdelay $0x1  }
0x832: {  	[sflag:s1] =	ssyncset.done @!p1 $0x0  }
0x833: {  	s12 =	simm.s32 $0x12;
	[sflag:s1] =	ssyncadd.s32 @!p1 $0xFFFFE780;
	s22 =	rddreg [dreg:$0x1b]  }
0x834: {  	_ =	sfence.sel $0x180000  }
0x835: {  	[bflag:$0x0] =	sbarrier.arrive $0xFFFF  }
0x836: {  	_ =	strace $0x90000047  }
0x837: {  	[bflag:$0x2] =	sbarrier.arrive $0xFFFF  }
0x838: {  	s0 =	rddreg [dreg:$0x6]  }
0x839: {  	s0 =	sadd.s32 @!p0 $0x100000, s0  }
0x83a: {  	[sflag:s0] =	ssyncadd.tile.s32 @!p0 $0x1;
	_ =	shalt  }
.Lfunc_end2:
_tile_overlayer_lowered:
.L_overlay_start_2:
0x83b: {  	(tag) =	ssettag $0x2  }
0x83c: {  	s0 =	rddreg [dreg:$0x0];
	s2 =	stileid.u32  }
0x83d: {  	s1 =	rddreg [dreg:$0x1];
	p0 =	sne.s32 s2, $0x0  }
0x83e: {  	s3 =	rddreg [dreg:$0x2];
	[bflag:$0x3] =	sbarrier.arrive $0xFFFF;
	s2 =	simm.s32 @!p0 $0x1C12  }
0x83f: {  	[timem:s3], [sflag:s2] =	dma.local @!p0 [hbm:s0], s1  }
0x840: {  	s0 =	simm.s32 @!p0 $0x12  }
0x841: {  	_ =	swait.ge @!p0 [sflag:s0], s1  }
0x842: {  	s1 =	ssub.s32 @!p0 $0x0, s1;
	[sflag:s0] =	ssyncset.done @!p0 $0x0  }
0x843: {  	[sflag:s0] =	ssyncadd.s32 @!p0 s1  }
0x844: {  	[bflag:$0x3] =	sbarrier.arrive $0xFFFF  }
0x845: {  	_ =	shalt  }

</sc_bundles>
